<compile_context>
chip_gen: v7x
topology: tpu7x:2x2x1
jax: 0.10.2.dev20260603
libtpu: 0.0.44.dev20260713+nightly
codegen_flags: <defaults>
</compile_context>

<pallas_src>
import functools

import jax
import jax.numpy as jnp
from jax import lax
from jax.experimental import pallas as pl
from jax.experimental.pallas import tpu as pltpu
from jax.experimental.pallas import tpu_sc as plsc

VOCAB = 1000000
S = 200
D = 64
B = 4096
NC = 2
NS = 16
NW = NC * NS
BPW = B // NW
LB = D // 16

CTOK = 128
NCHA = VOCAB // CTOK
TAIL = VOCAB - NCHA * CTOK
APW = 246
CG = CTOK // 16

_mesh = plsc.VectorSubcoreMesh(core_axis_name="c", subcore_axis_name="s")
_params = pltpu.CompilerParams(needs_layout_passes=False)


@functools.partial(
    pl.kernel,
    mesh=_mesh,
    compiler_params=_params,
    out_type=jax.ShapeDtypeStruct((VOCAB, 2 * D), jnp.float32),
    scratch_types=[
        pltpu.VMEM((2, D, CTOK), jnp.float32),
        pltpu.VMEM((2, CTOK, 2 * D), jnp.float32),
        pltpu.SemaphoreType.DMA,
        pltpu.SemaphoreType.DMA,
        pltpu.SemaphoreType.DMA,
        pltpu.SemaphoreType.DMA,
    ],
)
def _transpose_table(tokt_hbm, tail_hbm, tokr_hbm, in_v, out_v, isem0, isem1,
                     osem0, osem1):
    wid = lax.axis_index("s") * NC + lax.axis_index("c")
    isems = (isem0, isem1)
    osems = (osem0, osem1)
    iota = lax.broadcasted_iota(jnp.int32, (16,), 0)

    def chunk_id(slot):
        return wid + slot * NW

    def fire_in(slot, bufi, sem):
        pltpu.async_copy(
            tokt_hbm.at[:, pl.ds(chunk_id(slot) * CTOK, CTOK)],
            in_v.at[bufi], sem,
        )

    def wait_in(bufi, sem):
        pltpu.make_async_copy(
            tokt_hbm.at[:, pl.ds(0, CTOK)], in_v.at[bufi], sem,
        ).wait()

    def wait_out(bufi, sem):
        pltpu.make_async_copy(
            out_v.at[bufi], tokr_hbm.at[pl.ds(0, CTOK)], sem,
        ).wait()

    @pl.when(wid == 0)
    def _():
        pltpu.sync_copy(tail_hbm, tokr_hbm.at[pl.ds(NCHA * CTOK, TAIL)])

    fire_in(0, 0, isem0)

    def pair(i, carry):
        for bufi in range(2):
            slot = 2 * i + bufi

            @pl.when(chunk_id(slot) < NCHA)
            def _():
                wait_in(bufi, isems[bufi])

                @pl.when(chunk_id(slot + 1) < NCHA)
                def _():
                    fire_in(slot + 1, 1 - bufi, isems[1 - bufi])

                @pl.when(slot >= 2)
                def _():
                    wait_out(bufi, osems[bufi])

                def tr(g, inner):
                    rowi = g * 16 + iota
                    for dl in range(D):
                        plsc.store_scatter(
                            out_v.at[bufi],
                            [rowi, jnp.full((16,), dl, jnp.int32)],
                            in_v[bufi, dl, pl.ds(g * 16, 16)],
                        )
                    return inner

                lax.fori_loop(0, CG, tr, 0)
                pltpu.async_copy(
                    out_v.at[bufi],
                    tokr_hbm.at[pl.ds(chunk_id(slot) * CTOK, CTOK)],
                    osems[bufi],
                )
        return carry

    lax.fori_loop(0, APW // 2, pair, 0)
    wait_out(0, osem0)
    wait_out(1, osem1)


@functools.partial(
    pl.kernel,
    mesh=_mesh,
    compiler_params=_params,
    out_type=jax.ShapeDtypeStruct((S, D, B), jnp.float32),
    scratch_types=[
        pltpu.VMEM((S, BPW), jnp.int32),
        pltpu.VMEM((2, BPW, 2 * D), jnp.float32),
        pltpu.VMEM((2, D, BPW), jnp.float32),
        pltpu.VMEM((S * D,), jnp.float32),
        pltpu.SemaphoreType.DMA,
        pltpu.SemaphoreType.DMA,
        pltpu.SemaphoreType.DMA,
        pltpu.SemaphoreType.DMA,
        pltpu.SemaphoreType.DMA,
    ],
)
def _lookup(xt_hbm, tokr_hbm, pos_hbm, out_hbm, idx_all, rows_v, stage_v,
            pos_v, ssem, gsem0, gsem1, osem0, osem1):
    wid = lax.axis_index("s") * NC + lax.axis_index("c")
    b0 = wid * BPW
    gsems = (gsem0, gsem1)
    osems = (osem0, osem1)
    iota = lax.broadcasted_iota(jnp.int32, (16,), 0)

    cp_pos = pltpu.async_copy(pos_hbm, pos_v, ssem)
    cp_idx = pltpu.async_copy(xt_hbm.at[:, pl.ds(b0, BPW)], idx_all, ssem)
    cp_pos.wait()
    cp_idx.wait()

    def fire_gather(s, bufi, sem):
        pltpu.async_copy(tokr_hbm.at[idx_all.at[s]], rows_v.at[bufi], sem)

    def wait_gather(bufi, sem):
        pltpu.make_async_copy(
            tokr_hbm.at[pl.ds(0, BPW)], rows_v.at[bufi], sem,
        ).wait()

    def wait_out(bufi, sem):
        pltpu.make_async_copy(
            stage_v.at[bufi], out_hbm.at[0, pl.ds(0, D), pl.ds(0, BPW)], sem,
        ).wait()

    rowis = [lb * 16 + iota for lb in range(LB)]

    fire_gather(0, 0, gsem0)

    def pair(i, carry):
        for bufi in range(2):
            s = 2 * i + bufi
            wait_gather(bufi, gsems[bufi])

            @pl.when(s + 1 <= S - 1)
            def _():
                fire_gather(s + 1, 1 - bufi, gsems[1 - bufi])

            @pl.when(s >= 2)
            def _():
                wait_out(bufi, osems[bufi])

            pvs = [pos_v[pl.ds(s * D + lb * 16, 16)] for lb in range(LB)]

            def tok4(j4, inner):
                j = j4 * 4
                vals = []
                for k in range(4):
                    for lb in range(LB):
                        vals.append(
                            rows_v[bufi, j + k, pl.ds(lb * 16, 16)] + pvs[lb]
                        )
                for k in range(4):
                    colj = jnp.full((16,), 0, jnp.int32) + (j + k)
                    for lb in range(LB):
                        plsc.store_scatter(
                            stage_v.at[bufi], [rowis[lb], colj],
                            vals[k * LB + lb],
                        )
                return inner

            lax.fori_loop(0, BPW // 4, tok4, 0)
            pltpu.async_copy(
                stage_v.at[bufi],
                out_hbm.at[s, pl.ds(0, D), pl.ds(b0, BPW)],
                osems[bufi],
            )
        return carry

    lax.fori_loop(0, S // 2, pair, 0)
    wait_out(0, osem0)
    wait_out(1, osem1)


def kernel(x, token_table, position_table):
    xt = x.astype(jnp.int32).T
    tokt = token_table.T
    posf = position_table.reshape(-1)
    tail = jnp.pad(token_table[VOCAB - TAIL:, :], ((0, 0), (0, D)))
    tokr = _transpose_table(tokt, tail)
    out = _lookup(xt, tokr, posf)
    return jnp.transpose(out, (2, 0, 1))

# --- scband reference (transcript-rebuilt; emitter-appended) ---
"""Pipeline reference for scband-positional-embedding-21474836480139 (READ-ONLY COPY).

The authoritative reference and input builder live on the scoring server;
editing this copy changes nothing except your own understanding.
"""

import jax, jax.numpy as jnp
import numpy as np

VOCAB_SIZE = 1000000
MAX_LEN = 200
EMBED_DIM = 64
BATCH = 4096
SEQ_LEN = 200

def setup_inputs(seed: int = 0) -> dict:
    key = jax.random.key(seed)
    k1, k2, k3 = jax.random.split(key, 3)
    x = jax.random.randint(k1, (BATCH, SEQ_LEN), 0, VOCAB_SIZE, dtype=jnp.int64 if jax.config.jax_enable_x64 else jnp.int32)
    token_table = jax.random.normal(k2, (VOCAB_SIZE, EMBED_DIM), dtype=jnp.float32)
    position_table = jax.random.normal(k3, (MAX_LEN, EMBED_DIM), dtype=jnp.float32)
    return {"x": x, "token_table": token_table, "position_table": position_table}

def reference(x, token_table, position_table):
    # positions = arange(0, x.size(1)).unsqueeze(0)
    positions = jnp.arange(0, x.shape[1])[None, :]  # [1, S]
    pos_embed = jnp.take(position_table, positions, axis=0)  # [1, S, D]
    tok_embed = jnp.take(token_table, x, axis=0)  # [B, S, D]
    return tok_embed + pos_embed

if __name__ == "__main__":
    import jax
    _d = setup_inputs()
    print(jax.jit(kernel)(*tuple(_d.values())))

</pallas_src>

<mosaic_0001>
#map = affine_map<(d0, d1) -> (0, 0)>
module attributes {stable_mosaic.version = 14 : i64} {
  func.func @_transpose_table(%arg0: i32, %arg1: i32, %arg2: memref<64x1000000xf32, #tpu.memory_space<hbm>>, %arg3: memref<64x128xf32, #tpu.memory_space<hbm>>, %arg4: memref<1000000x128xf32, #tpu.memory_space<hbm>>, %arg5: memref<2x64x128xf32, #tpu.memory_space<vmem>>, %arg6: memref<2x128x128xf32, #tpu.memory_space<vmem>>, %arg7: memref<!tpu.dma_semaphore, #tpu.memory_space<semaphore_mem>>, %arg8: memref<!tpu.dma_semaphore, #tpu.memory_space<semaphore_mem>>, %arg9: memref<!tpu.dma_semaphore, #tpu.memory_space<semaphore_mem>>, %arg10: memref<!tpu.dma_semaphore, #tpu.memory_space<semaphore_mem>>) attributes {dimension_semantics = [#tpu.dimension_semantics<core_parallel>, #tpu.dimension_semantics<subcore_parallel>], iteration_bounds = array<i64: 2, 16>, scalar_prefetch = 0 : i64, scratch_operands = 6 : i64, tpu.core_type = #tpu.core_type<sc_vector_subcore>, window_params = [{transform_indices = #map}, {transform_indices = #map}, {transform_indices = #map}]} {
    %mul3A = arith.constant 2 : i32
    %mul3A_0 = arith.muli %arg1, %mul3A : i32
    %add3A = arith.addi %mul3A_0, %arg0 : i32
    %iota3A = tpu.iota {dimensions = array<i32: 0>} : vector<16xi32>
    %eq3A = arith.constant 0 : i32
    %eq3A_1 = arith.cmpi eq, %add3A, %eq3A : i32
    %convert_element_type3A = arith.extui %eq3A_1 : i1 to i32
    %cond3A = arith.constant 0 : i32
    %cond3A_2 = arith.cmpi ne, %convert_element_type3A, %cond3A : i32
    scf.if %cond3A_2 {
      "tpu.region"() ({
        %run_scoped3A = tpu.sem_alloc : memref<!tpu.dma_semaphore, #tpu.memory_space<semaphore_mem>>
        %dma_start3A_53 = arith.constant 999936 : i32
        %dma_start3A_54 = arith.constant 0 : i32
        %dma_start3A_55 = tpu.memref_slice %arg4[%dma_start3A_53, %dma_start3A_54] : memref<1000000x128xf32, #tpu.memory_space<hbm>> -> memref<64x128xf32, #tpu.memory_space<hbm>>
        tpu.enqueue_dma source(%arg3 : memref<64x128xf32, #tpu.memory_space<hbm>>) target(%dma_start3A_55 : memref<64x128xf32, #tpu.memory_space<hbm>>) target_semaphore(%run_scoped3A : memref<!tpu.dma_semaphore, #tpu.memory_space<semaphore_mem>>)
        %dma_wait3A_56 = arith.constant 999936 : i32
        %dma_wait3A_57 = arith.constant 0 : i32
        %dma_wait3A_58 = tpu.memref_slice %arg4[%dma_wait3A_56, %dma_wait3A_57] : memref<1000000x128xf32, #tpu.memory_space<hbm>> -> memref<64x128xf32, #tpu.memory_space<hbm>>
        tpu.wait_dma2 semaphore(%run_scoped3A : memref<!tpu.dma_semaphore, #tpu.memory_space<semaphore_mem>>) src(%arg3 : memref<64x128xf32, #tpu.memory_space<hbm>>) dst(%dma_wait3A_58 : memref<64x128xf32, #tpu.memory_space<hbm>>)
        tpu.yield
      }) : () -> ()
    } else {
    }
    %add3A_3 = arith.constant 0 : i32
    %add3A_4 = arith.addi %add3A, %add3A_3 : i32
    %mul3A_5 = arith.constant 128 : i32
    %mul3A_6 = arith.muli %add3A_4, %mul3A_5 : i32
    %dma_start3A = arith.constant 0 : i32
    %dma_start3A_7 = arith.constant 0 : i32
    %dma_start3A_8 = arith.constant 0 : i32
    %dma_start3A_9 = tpu.memref_slice %arg5[%dma_start3A, %dma_start3A_7, %dma_start3A_8] : memref<2x64x128xf32, #tpu.memory_space<vmem>> -> memref<1x64x128xf32, #tpu.memory_space<vmem>>
    %dma_start3A_10 = tpu.memref_squeeze %dma_start3A_9 : memref<1x64x128xf32, #tpu.memory_space<vmem>> -> memref<64x128xf32, #tpu.memory_space<vmem>>
    %dma_start3A_11 = arith.constant 0 : i32
    %dma_start3A_12 = tpu.memref_slice %arg2[%dma_start3A_11, %mul3A_6] : memref<64x1000000xf32, #tpu.memory_space<hbm>> -> memref<64x128xf32, #tpu.memory_space<hbm>>
    %dma_start3A_13 = arith.constant 0 : i32
    %dma_start3A_14 = arith.constant 0 : i32
    %dma_start3A_15 = tpu.memref_slice %arg5[%dma_start3A, %dma_start3A_13, %dma_start3A_14] : memref<2x64x128xf32, #tpu.memory_space<vmem>> -> memref<1x64x128xf32, #tpu.memory_space<vmem>>
    %dma_start3A_16 = tpu.memref_squeeze %dma_start3A_15 : memref<1x64x128xf32, #tpu.memory_space<vmem>> -> memref<64x128xf32, #tpu.memory_space<vmem>>
    %dma_start3A_17 = arith.constant 0 : i32
    %dma_start3A_18 = tpu.memref_slice %arg2[%dma_start3A_17, %mul3A_6] : memref<64x1000000xf32, #tpu.memory_space<hbm>> -> memref<64x128xf32, #tpu.memory_space<hbm>>
    tpu.enqueue_dma source(%dma_start3A_18 : memref<64x128xf32, #tpu.memory_space<hbm>>) target(%dma_start3A_16 : memref<64x128xf32, #tpu.memory_space<vmem>>) target_semaphore(%arg7 : memref<!tpu.dma_semaphore, #tpu.memory_space<semaphore_mem>>)
    %scan3A = arith.constant 0 : i32
    %scan3A_19 = arith.constant 0 : i32
    %scan3A_20 = arith.constant 123 : i32
    %scan3A_21 = arith.addi %scan3A_19, %scan3A_20 : i32
    %scan3A_22 = arith.constant 1 : i32
    scf.for %scan3A_53 = %scan3A_19 to %scan3A_21 step %scan3A_22  : i32 {
      %mul3A_54 = arith.constant 2 : i32
      %mul3A_55 = arith.muli %mul3A_54, %scan3A_53 : i32
      %add3A_56 = arith.constant 0 : i32
      %add3A_57 = arith.addi %mul3A_55, %add3A_56 : i32
      %mul3A_58 = arith.constant 32 : i32
      %mul3A_59 = arith.muli %add3A_57, %mul3A_58 : i32
      %add3A_60 = arith.addi %add3A, %mul3A_59 : i32
      %lt3A = arith.constant 7812 : i32
      %lt3A_61 = arith.cmpi slt, %add3A_60, %lt3A : i32
      %convert_element_type3A_62 = arith.extui %lt3A_61 : i1 to i32
      %cond3A_63 = arith.constant 0 : i32
      %cond3A_64 = arith.cmpi ne, %convert_element_type3A_62, %cond3A_63 : i32
      scf.if %cond3A_64 {
        %dma_wait3A_77 = arith.constant 0 : i32
        %dma_wait3A_78 = arith.constant 0 : i32
        %dma_wait3A_79 = arith.constant 0 : i32
        %dma_wait3A_80 = tpu.memref_slice %arg5[%dma_wait3A_77, %dma_wait3A_78, %dma_wait3A_79] : memref<2x64x128xf32, #tpu.memory_space<vmem>> -> memref<1x64x128xf32, #tpu.memory_space<vmem>>
        %dma_wait3A_81 = tpu.memref_squeeze %dma_wait3A_80 : memref<1x64x128xf32, #tpu.memory_space<vmem>> -> memref<64x128xf32, #tpu.memory_space<vmem>>
        %dma_wait3A_82 = arith.constant 0 : i32
        %dma_wait3A_83 = arith.constant 0 : i32
        %dma_wait3A_84 = tpu.memref_slice %arg2[%dma_wait3A_82, %dma_wait3A_83] : memref<64x1000000xf32, #tpu.memory_space<hbm>> -> memref<64x128xf32, #tpu.memory_space<hbm>>
        %dma_wait3A_85 = arith.constant 0 : i32
        %dma_wait3A_86 = arith.constant 0 : i32
        %dma_wait3A_87 = tpu.memref_slice %arg5[%dma_wait3A_77, %dma_wait3A_85, %dma_wait3A_86] : memref<2x64x128xf32, #tpu.memory_space<vmem>> -> memref<1x64x128xf32, #tpu.memory_space<vmem>>
        %dma_wait3A_88 = tpu.memref_squeeze %dma_wait3A_87 : memref<1x64x128xf32, #tpu.memory_space<vmem>> -> memref<64x128xf32, #tpu.memory_space<vmem>>
        %dma_wait3A_89 = arith.constant 0 : i32
        %dma_wait3A_90 = arith.constant 0 : i32
        %dma_wait3A_91 = tpu.memref_slice %arg2[%dma_wait3A_89, %dma_wait3A_90] : memref<64x1000000xf32, #tpu.memory_space<hbm>> -> memref<64x128xf32, #tpu.memory_space<hbm>>
        tpu.wait_dma2 semaphore(%arg7 : memref<!tpu.dma_semaphore, #tpu.memory_space<semaphore_mem>>) src(%dma_wait3A_91 : memref<64x128xf32, #tpu.memory_space<hbm>>) dst(%dma_wait3A_88 : memref<64x128xf32, #tpu.memory_space<vmem>>)
        %add3A_92 = arith.constant 1 : i32
        %add3A_93 = arith.addi %add3A_57, %add3A_92 : i32
        %mul3A_94 = arith.constant 32 : i32
        %mul3A_95 = arith.muli %add3A_93, %mul3A_94 : i32
        %add3A_96 = arith.addi %add3A, %mul3A_95 : i32
        %lt3A_97 = arith.constant 7812 : i32
        %lt3A_98 = arith.cmpi slt, %add3A_96, %lt3A_97 : i32
        %convert_element_type3A_99 = arith.extui %lt3A_98 : i1 to i32
        %cond3A_100 = arith.constant 0 : i32
        %cond3A_101 = arith.cmpi ne, %convert_element_type3A_99, %cond3A_100 : i32
        scf.if %cond3A_101 {
          %add3A_130 = arith.constant 1 : i32
          %add3A_131 = arith.addi %add3A_57, %add3A_130 : i32
          %mul3A_132 = arith.constant 32 : i32
          %mul3A_133 = arith.muli %add3A_131, %mul3A_132 : i32
          %add3A_134 = arith.addi %add3A, %mul3A_133 : i32
          %mul3A_135 = arith.constant 128 : i32
          %mul3A_136 = arith.muli %add3A_134, %mul3A_135 : i32
          %dma_start3A_137 = arith.constant 1 : i32
          %dma_start3A_138 = arith.constant 0 : i32
          %dma_start3A_139 = arith.constant 0 : i32
          %dma_start3A_140 = tpu.memref_slice %arg5[%dma_start3A_137, %dma_start3A_138, %dma_start3A_139] : memref<2x64x128xf32, #tpu.memory_space<vmem>> -> memref<1x64x128xf32, #tpu.memory_space<vmem>>
          %dma_start3A_141 = tpu.memref_squeeze %dma_start3A_140 : memref<1x64x128xf32, #tpu.memory_space<vmem>> -> memref<64x128xf32, #tpu.memory_space<vmem>>
          %dma_start3A_142 = arith.constant 0 : i32
          %dma_start3A_143 = tpu.memref_slice %arg2[%dma_start3A_142, %mul3A_136] : memref<64x1000000xf32, #tpu.memory_space<hbm>> -> memref<64x128xf32, #tpu.memory_space<hbm>>
          %dma_start3A_144 = arith.constant 0 : i32
          %dma_start3A_145 = arith.constant 0 : i32
          %dma_start3A_146 = tpu.memref_slice %arg5[%dma_start3A_137, %dma_start3A_144, %dma_start3A_145] : memref<2x64x128xf32, #tpu.memory_space<vmem>> -> memref<1x64x128xf32, #tpu.memory_space<vmem>>
          %dma_start3A_147 = tpu.memref_squeeze %dma_start3A_146 : memref<1x64x128xf32, #tpu.memory_space<vmem>> -> memref<64x128xf32, #tpu.memory_space<vmem>>
          %dma_start3A_148 = arith.constant 0 : i32
          %dma_start3A_149 = tpu.memref_slice %arg2[%dma_start3A_148, %mul3A_136] : memref<64x1000000xf32, #tpu.memory_space<hbm>> -> memref<64x128xf32, #tpu.memory_space<hbm>>
          tpu.enqueue_dma source(%dma_start3A_149 : memref<64x128xf32, #tpu.memory_space<hbm>>) target(%dma_start3A_147 : memref<64x128xf32, #tpu.memory_space<vmem>>) target_semaphore(%arg8 : memref<!tpu.dma_semaphore, #tpu.memory_space<semaphore_mem>>)
        } else {
        }
        %ge3A = arith.constant 2 : i32
        %ge3A_102 = arith.cmpi sge, %add3A_57, %ge3A : i32
        %convert_element_type3A_103 = arith.extui %ge3A_102 : i1 to i32
        %cond3A_104 = arith.constant 0 : i32
        %cond3A_105 = arith.cmpi ne, %convert_element_type3A_103, %cond3A_104 : i32
        scf.if %cond3A_105 {
          %dma_wait3A_130 = arith.constant 0 : i32
          %dma_wait3A_131 = arith.constant 0 : i32
          %dma_wait3A_132 = arith.constant 0 : i32
          %dma_wait3A_133 = tpu.memref_slice %arg6[%dma_wait3A_130, %dma_wait3A_131, %dma_wait3A_132] : memref<2x128x128xf32, #tpu.memory_space<vmem>> -> memref<1x128x128xf32, #tpu.memory_space<vmem>>
          %dma_wait3A_134 = tpu.memref_squeeze %dma_wait3A_133 : memref<1x128x128xf32, #tpu.memory_space<vmem>> -> memref<128x128xf32, #tpu.memory_space<vmem>>
          %dma_wait3A_135 = arith.constant 0 : i32
          %dma_wait3A_136 = arith.constant 0 : i32
          %dma_wait3A_137 = tpu.memref_slice %arg4[%dma_wait3A_135, %dma_wait3A_136] : memref<1000000x128xf32, #tpu.memory_space<hbm>> -> memref<128x128xf32, #tpu.memory_space<hbm>>
          %dma_wait3A_138 = arith.constant 0 : i32
          %dma_wait3A_139 = arith.constant 0 : i32
          %dma_wait3A_140 = tpu.memref_slice %arg4[%dma_wait3A_138, %dma_wait3A_139] : memref<1000000x128xf32, #tpu.memory_space<hbm>> -> memref<128x128xf32, #tpu.memory_space<hbm>>
          %dma_wait3A_141 = arith.constant 0 : i32
          %dma_wait3A_142 = arith.constant 0 : i32
          %dma_wait3A_143 = tpu.memref_slice %arg6[%dma_wait3A_130, %dma_wait3A_141, %dma_wait3A_142] : memref<2x128x128xf32, #tpu.memory_space<vmem>> -> memref<1x128x128xf32, #tpu.memory_space<vmem>>
          %dma_wait3A_144 = tpu.memref_squeeze %dma_wait3A_143 : memref<1x128x128xf32, #tpu.memory_space<vmem>> -> memref<128x128xf32, #tpu.memory_space<vmem>>
          tpu.wait_dma2 semaphore(%arg9 : memref<!tpu.dma_semaphore, #tpu.memory_space<semaphore_mem>>) src(%dma_wait3A_144 : memref<128x128xf32, #tpu.memory_space<vmem>>) dst(%dma_wait3A_140 : memref<128x128xf32, #tpu.memory_space<hbm>>)
        } else {
        }
        %scan3A_106 = arith.constant 0 : i32
        %scan3A_107 = arith.constant 0 : i32
        %scan3A_108 = arith.constant 8 : i32
        %scan3A_109 = arith.addi %scan3A_107, %scan3A_108 : i32
        %scan3A_110 = arith.constant 1 : i32
        scf.for %scan3A_130 = %scan3A_107 to %scan3A_109 step %scan3A_110  : i32 {
          %mul3A_131 = arith.constant 16 : i32
          %mul3A_132 = arith.muli %scan3A_130, %mul3A_131 : i32
          %add3A_133 = vector.broadcast %mul3A_132 : i32 to vector<16xi32>
          %add3A_134 = arith.addi %add3A_133, %iota3A : vector<16xi32>
          %broadcast_in_dim3A = arith.constant 0 : i32
          %broadcast_in_dim3A_135 = vector.broadcast %broadcast_in_dim3A : i32 to vector<16xi32>
          %mul3A_136 = arith.constant 16 : i32
          %mul3A_137 = arith.muli %scan3A_130, %mul3A_136 : i32
          %get3A = arith.constant 0 : i32
          %get3A_138 = arith.constant 0 : i32
          %get3A_139 = arith.index_cast %get3A : i32 to index
          %get3A_140 = arith.index_cast %get3A_138 : i32 to index
          %get3A_141 = arith.index_cast %mul3A_137 : i32 to index
          %get3A_142 = tpu.vector_load %arg5[%get3A_139, %get3A_140, %get3A_141] {strides = array<i32>} : memref<2x64x128xf32, #tpu.memory_space<vmem>>, vector<16xf32>,
          %scatter3A = arith.constant 0 : i32
          %scatter3A_143 = arith.constant 0 : i32
          %scatter3A_144 = arith.constant 0 : i32
          %scatter3A_145 = tpu.memref_slice %arg6[%scatter3A, %scatter3A_143, %scatter3A_144] : memref<2x128x128xf32, #tpu.memory_space<vmem>> -> memref<1x128x128xf32, #tpu.memory_space<vmem>>
          %scatter3A_146 = tpu.memref_squeeze %scatter3A_145 : memref<1x128x128xf32, #tpu.memory_space<vmem>> -> memref<128x128xf32, #tpu.memory_space<vmem>>
          tpu.vector_store_idx %scatter3A_146[%add3A_134, %broadcast_in_dim3A_135], %get3A_142 : memref<128x128xf32, #tpu.memory_space<vmem>>[vector<16xi32>, vector<16xi32>], vector<16xf32>,
          %broadcast_in_dim3A_147 = arith.constant 1 : i32
          %broadcast_in_dim3A_148 = vector.broadcast %broadcast_in_dim3A_147 : i32 to vector<16xi32>
          %mul3A_149 = arith.constant 16 : i32
          %mul3A_150 = arith.muli %scan3A_130, %mul3A_149 : i32
          %get3A_151 = arith.constant 0 : i32
          %get3A_152 = arith.constant 1 : i32
          %get3A_153 = arith.index_cast %get3A_151 : i32 to index
          %get3A_154 = arith.index_cast %get3A_152 : i32 to index
          %get3A_155 = arith.index_cast %mul3A_150 : i32 to index
          %get3A_156 = tpu.vector_load %arg5[%get3A_153, %get3A_154, %get3A_155] {strides = array<i32>} : memref<2x64x128xf32, #tpu.memory_space<vmem>>, vector<16xf32>,
          %scatter3A_157 = arith.constant 0 : i32
          %scatter3A_158 = arith.constant 0 : i32
          %scatter3A_159 = arith.constant 0 : i32
          %scatter3A_160 = tpu.memref_slice %arg6[%scatter3A_157, %scatter3A_158, %scatter3A_159] : memref<2x128x128xf32, #tpu.memory_space<vmem>> -> memref<1x128x128xf32, #tpu.memory_space<vmem>>
          %scatter3A_161 = tpu.memref_squeeze %scatter3A_160 : memref<1x128x128xf32, #tpu.memory_space<vmem>> -> memref<128x128xf32, #tpu.memory_space<vmem>>
          tpu.vector_store_idx %scatter3A_161[%add3A_134, %broadcast_in_dim3A_148], %get3A_156 : memref<128x128xf32, #tpu.memory_space<vmem>>[vector<16xi32>, vector<16xi32>], vector<16xf32>,
          %broadcast_in_dim3A_162 = arith.constant 2 : i32
          %broadcast_in_dim3A_163 = vector.broadcast %broadcast_in_dim3A_162 : i32 to vector<16xi32>
          %mul3A_164 = arith.constant 16 : i32
          %mul3A_165 = arith.muli %scan3A_130, %mul3A_164 : i32
          %get3A_166 = arith.constant 0 : i32
          %get3A_167 = arith.constant 2 : i32
          %get3A_168 = arith.index_cast %get3A_166 : i32 to index
          %get3A_169 = arith.index_cast %get3A_167 : i32 to index
          %get3A_170 = arith.index_cast %mul3A_165 : i32 to index
          %get3A_171 = tpu.vector_load %arg5[%get3A_168, %get3A_169, %get3A_170] {strides = array<i32>} : memref<2x64x128xf32, #tpu.memory_space<vmem>>, vector<16xf32>,
          %scatter3A_172 = arith.constant 0 : i32
          %scatter3A_173 = arith.constant 0 : i32
          %scatter3A_174 = arith.constant 0 : i32
          %scatter3A_175 = tpu.memref_slice %arg6[%scatter3A_172, %scatter3A_173, %scatter3A_174] : memref<2x128x128xf32, #tpu.memory_space<vmem>> -> memref<1x128x128xf32, #tpu.memory_space<vmem>>
          %scatter3A_176 = tpu.memref_squeeze %scatter3A_175 : memref<1x128x128xf32, #tpu.memory_space<vmem>> -> memref<128x128xf32, #tpu.memory_space<vmem>>
          tpu.vector_store_idx %scatter3A_176[%add3A_134, %broadcast_in_dim3A_163], %get3A_171 : memref<128x128xf32, #tpu.memory_space<vmem>>[vector<16xi32>, vector<16xi32>], vector<16xf32>,
          %broadcast_in_dim3A_177 = arith.constant 3 : i32
          %broadcast_in_dim3A_178 = vector.broadcast %broadcast_in_dim3A_177 : i32 to vector<16xi32>
          %mul3A_179 = arith.constant 16 : i32
          %mul3A_180 = arith.muli %scan3A_130, %mul3A_179 : i32
          %get3A_181 = arith.constant 0 : i32
          %get3A_182 = arith.constant 3 : i32
          %get3A_183 = arith.index_cast %get3A_181 : i32 to index
          %get3A_184 = arith.index_cast %get3A_182 : i32 to index
          %get3A_185 = arith.index_cast %mul3A_180 : i32 to index
          %get3A_186 = tpu.vector_load %arg5[%get3A_183, %get3A_184, %get3A_185] {strides = array<i32>} : memref<2x64x128xf32, #tpu.memory_space<vmem>>, vector<16xf32>,
          %scatter3A_187 = arith.constant 0 : i32
          %scatter3A_188 = arith.constant 0 : i32
          %scatter3A_189 = arith.constant 0 : i32
          %scatter3A_190 = tpu.memref_slice %arg6[%scatter3A_187, %scatter3A_188, %scatter3A_189] : memref<2x128x128xf32, #tpu.memory_space<vmem>> -> memref<1x128x128xf32, #tpu.memory_space<vmem>>
          %scatter3A_191 = tpu.memref_squeeze %scatter3A_190 : memref<1x128x128xf32, #tpu.memory_space<vmem>> -> memref<128x128xf32, #tpu.memory_space<vmem>>
          tpu.vector_store_idx %scatter3A_191[%add3A_134, %broadcast_in_dim3A_178], %get3A_186 : memref<128x128xf32, #tpu.memory_space<vmem>>[vector<16xi32>, vector<16xi32>], vector<16xf32>,
          %broadcast_in_dim3A_192 = arith.constant 4 : i32
          %broadcast_in_dim3A_193 = vector.broadcast %broadcast_in_dim3A_192 : i32 to vector<16xi32>
          %mul3A_194 = arith.constant 16 : i32
          %mul3A_195 = arith.muli %scan3A_130, %mul3A_194 : i32
          %get3A_196 = arith.constant 0 : i32
          %get3A_197 = arith.constant 4 : i32
          %get3A_198 = arith.index_cast %get3A_196 : i32 to index
          %get3A_199 = arith.index_cast %get3A_197 : i32 to index
          %get3A_200 = arith.index_cast %mul3A_195 : i32 to index
          %get3A_201 = tpu.vector_load %arg5[%get3A_198, %get3A_199, %get3A_200] {strides = array<i32>} : memref<2x64x128xf32, #tpu.memory_space<vmem>>, vector<16xf32>,
          %scatter3A_202 = arith.constant 0 : i32
          %scatter3A_203 = arith.constant 0 : i32
          %scatter3A_204 = arith.constant 0 : i32
          %scatter3A_205 = tpu.memref_slice %arg6[%scatter3A_202, %scatter3A_203, %scatter3A_204] : memref<2x128x128xf32, #tpu.memory_space<vmem>> -> memref<1x128x128xf32, #tpu.memory_space<vmem>>
          %scatter3A_206 = tpu.memref_squeeze %scatter3A_205 : memref<1x128x128xf32, #tpu.memory_space<vmem>> -> memref<128x128xf32, #tpu.memory_space<vmem>>
          tpu.vector_store_idx %scatter3A_206[%add3A_134, %broadcast_in_dim3A_193], %get3A_201 : memref<128x128xf32, #tpu.memory_space<vmem>>[vector<16xi32>, vector<16xi32>], vector<16xf32>,
          %broadcast_in_dim3A_207 = arith.constant 5 : i32
          %broadcast_in_dim3A_208 = vector.broadcast %broadcast_in_dim3A_207 : i32 to vector<16xi32>
          %mul3A_209 = arith.constant 16 : i32
          %mul3A_210 = arith.muli %scan3A_130, %mul3A_209 : i32
          %get3A_211 = arith.constant 0 : i32
          %get3A_212 = arith.constant 5 : i32
          %get3A_213 = arith.index_cast %get3A_211 : i32 to index
          %get3A_214 = arith.index_cast %get3A_212 : i32 to index
          %get3A_215 = arith.index_cast %mul3A_210 : i32 to index
          %get3A_216 = tpu.vector_load %arg5[%get3A_213, %get3A_214, %get3A_215] {strides = array<i32>} : memref<2x64x128xf32, #tpu.memory_space<vmem>>, vector<16xf32>,
          %scatter3A_217 = arith.constant 0 : i32
          %scatter3A_218 = arith.constant 0 : i32
          %scatter3A_219 = arith.constant 0 : i32
          %scatter3A_220 = tpu.memref_slice %arg6[%scatter3A_217, %scatter3A_218, %scatter3A_219] : memref<2x128x128xf32, #tpu.memory_space<vmem>> -> memref<1x128x128xf32, #tpu.memory_space<vmem>>
          %scatter3A_221 = tpu.memref_squeeze %scatter3A_220 : memref<1x128x128xf32, #tpu.memory_space<vmem>> -> memref<128x128xf32, #tpu.memory_space<vmem>>
          tpu.vector_store_idx %scatter3A_221[%add3A_134, %broadcast_in_dim3A_208], %get3A_216 : memref<128x128xf32, #tpu.memory_space<vmem>>[vector<16xi32>, vector<16xi32>], vector<16xf32>,
          %broadcast_in_dim3A_222 = arith.constant 6 : i32
          %broadcast_in_dim3A_223 = vector.broadcast %broadcast_in_dim3A_222 : i32 to vector<16xi32>
          %mul3A_224 = arith.constant 16 : i32
          %mul3A_225 = arith.muli %scan3A_130, %mul3A_224 : i32
          %get3A_226 = arith.constant 0 : i32
          %get3A_227 = arith.constant 6 : i32
          %get3A_228 = arith.index_cast %get3A_226 : i32 to index
          %get3A_229 = arith.index_cast %get3A_227 : i32 to index
          %get3A_230 = arith.index_cast %mul3A_225 : i32 to index
          %get3A_231 = tpu.vector_load %arg5[%get3A_228, %get3A_229, %get3A_230] {strides = array<i32>} : memref<2x64x128xf32, #tpu.memory_space<vmem>>, vector<16xf32>,
          %scatter3A_232 = arith.constant 0 : i32
          %scatter3A_233 = arith.constant 0 : i32
          %scatter3A_234 = arith.constant 0 : i32
          %scatter3A_235 = tpu.memref_slice %arg6[%scatter3A_232, %scatter3A_233, %scatter3A_234] : memref<2x128x128xf32, #tpu.memory_space<vmem>> -> memref<1x128x128xf32, #tpu.memory_space<vmem>>
          %scatter3A_236 = tpu.memref_squeeze %scatter3A_235 : memref<1x128x128xf32, #tpu.memory_space<vmem>> -> memref<128x128xf32, #tpu.memory_space<vmem>>
          tpu.vector_store_idx %scatter3A_236[%add3A_134, %broadcast_in_dim3A_223], %get3A_231 : memref<128x128xf32, #tpu.memory_space<vmem>>[vector<16xi32>, vector<16xi32>], vector<16xf32>,
          %broadcast_in_dim3A_237 = arith.constant 7 : i32
          %broadcast_in_dim3A_238 = vector.broadcast %broadcast_in_dim3A_237 : i32 to vector<16xi32>
          %mul3A_239 = arith.constant 16 : i32
          %mul3A_240 = arith.muli %scan3A_130, %mul3A_239 : i32
          %get3A_241 = arith.constant 0 : i32
          %get3A_242 = arith.constant 7 : i32
          %get3A_243 = arith.index_cast %get3A_241 : i32 to index
          %get3A_244 = arith.index_cast %get3A_242 : i32 to index
          %get3A_245 = arith.index_cast %mul3A_240 : i32 to index
          %get3A_246 = tpu.vector_load %arg5[%get3A_243, %get3A_244, %get3A_245] {strides = array<i32>} : memref<2x64x128xf32, #tpu.memory_space<vmem>>, vector<16xf32>,
          %scatter3A_247 = arith.constant 0 : i32
          %scatter3A_248 = arith.constant 0 : i32
          %scatter3A_249 = arith.constant 0 : i32
          %scatter3A_250 = tpu.memref_slice %arg6[%scatter3A_247, %scatter3A_248, %scatter3A_249] : memref<2x128x128xf32, #tpu.memory_space<vmem>> -> memref<1x128x128xf32, #tpu.memory_space<vmem>>
          %scatter3A_251 = tpu.memref_squeeze %scatter3A_250 : memref<1x128x128xf32, #tpu.memory_space<vmem>> -> memref<128x128xf32, #tpu.memory_space<vmem>>
          tpu.vector_store_idx %scatter3A_251[%add3A_134, %broadcast_in_dim3A_238], %get3A_246 : memref<128x128xf32, #tpu.memory_space<vmem>>[vector<16xi32>, vector<16xi32>], vector<16xf32>,
          %broadcast_in_dim3A_252 = arith.constant 8 : i32
          %broadcast_in_dim3A_253 = vector.broadcast %broadcast_in_dim3A_252 : i32 to vector<16xi32>
          %mul3A_254 = arith.constant 16 : i32
          %mul3A_255 = arith.muli %scan3A_130, %mul3A_254 : i32
          %get3A_256 = arith.constant 0 : i32
          %get3A_257 = arith.constant 8 : i32
          %get3A_258 = arith.index_cast %get3A_256 : i32 to index
          %get3A_259 = arith.index_cast %get3A_257 : i32 to index
          %get3A_260 = arith.index_cast %mul3A_255 : i32 to index
          %get3A_261 = tpu.vector_load %arg5[%get3A_258, %get3A_259, %get3A_260] {strides = array<i32>} : memref<2x64x128xf32, #tpu.memory_space<vmem>>, vector<16xf32>,
          %scatter3A_262 = arith.constant 0 : i32
          %scatter3A_263 = arith.constant 0 : i32
          %scatter3A_264 = arith.constant 0 : i32
          %scatter3A_265 = tpu.memref_slice %arg6[%scatter3A_262, %scatter3A_263, %scatter3A_264] : memref<2x128x128xf32, #tpu.memory_space<vmem>> -> memref<1x128x128xf32, #tpu.memory_space<vmem>>
          %scatter3A_266 = tpu.memref_squeeze %scatter3A_265 : memref<1x128x128xf32, #tpu.memory_space<vmem>> -> memref<128x128xf32, #tpu.memory_space<vmem>>
          tpu.vector_store_idx %scatter3A_266[%add3A_134, %broadcast_in_dim3A_253], %get3A_261 : memref<128x128xf32, #tpu.memory_space<vmem>>[vector<16xi32>, vector<16xi32>], vector<16xf32>,
          %broadcast_in_dim3A_267 = arith.constant 9 : i32
          %broadcast_in_dim3A_268 = vector.broadcast %broadcast_in_dim3A_267 : i32 to vector<16xi32>
          %mul3A_269 = arith.constant 16 : i32
          %mul3A_270 = arith.muli %scan3A_130, %mul3A_269 : i32
          %get3A_271 = arith.constant 0 : i32
          %get3A_272 = arith.constant 9 : i32
          %get3A_273 = arith.index_cast %get3A_271 : i32 to index
          %get3A_274 = arith.index_cast %get3A_272 : i32 to index
          %get3A_275 = arith.index_cast %mul3A_270 : i32 to index
          %get3A_276 = tpu.vector_load %arg5[%get3A_273, %get3A_274, %get3A_275] {strides = array<i32>} : memref<2x64x128xf32, #tpu.memory_space<vmem>>, vector<16xf32>,
          %scatter3A_277 = arith.constant 0 : i32
          %scatter3A_278 = arith.constant 0 : i32
          %scatter3A_279 = arith.constant 0 : i32
          %scatter3A_280 = tpu.memref_slice %arg6[%scatter3A_277, %scatter3A_278, %scatter3A_279] : memref<2x128x128xf32, #tpu.memory_space<vmem>> -> memref<1x128x128xf32, #tpu.memory_space<vmem>>
          %scatter3A_281 = tpu.memref_squeeze %scatter3A_280 : memref<1x128x128xf32, #tpu.memory_space<vmem>> -> memref<128x128xf32, #tpu.memory_space<vmem>>
          tpu.vector_store_idx %scatter3A_281[%add3A_134, %broadcast_in_dim3A_268], %get3A_276 : memref<128x128xf32, #tpu.memory_space<vmem>>[vector<16xi32>, vector<16xi32>], vector<16xf32>,
          %broadcast_in_dim3A_282 = arith.constant 10 : i32
          %broadcast_in_dim3A_283 = vector.broadcast %broadcast_in_dim3A_282 : i32 to vector<16xi32>
          %mul3A_284 = arith.constant 16 : i32
          %mul3A_285 = arith.muli %scan3A_130, %mul3A_284 : i32
          %get3A_286 = arith.constant 0 : i32
          %get3A_287 = arith.constant 10 : i32
          %get3A_288 = arith.index_cast %get3A_286 : i32 to index
          %get3A_289 = arith.index_cast %get3A_287 : i32 to index
          %get3A_290 = arith.index_cast %mul3A_285 : i32 to index
          %get3A_291 = tpu.vector_load %arg5[%get3A_288, %get3A_289, %get3A_290] {strides = array<i32>} : memref<2x64x128xf32, #tpu.memory_space<vmem>>, vector<16xf32>,
          %scatter3A_292 = arith.constant 0 : i32
          %scatter3A_293 = arith.constant 0 : i32
          %scatter3A_294 = arith.constant 0 : i32
          %scatter3A_295 = tpu.memref_slice %arg6[%scatter3A_292, %scatter3A_293, %scatter3A_294] : memref<2x128x128xf32, #tpu.memory_space<vmem>> -> memref<1x128x128xf32, #tpu.memory_space<vmem>>
          %scatter3A_296 = tpu.memref_squeeze %scatter3A_295 : memref<1x128x128xf32, #tpu.memory_space<vmem>> -> memref<128x128xf32, #tpu.memory_space<vmem>>
          tpu.vector_store_idx %scatter3A_296[%add3A_134, %broadcast_in_dim3A_283], %get3A_291 : memref<128x128xf32, #tpu.memory_space<vmem>>[vector<16xi32>, vector<16xi32>], vector<16xf32>,
          %broadcast_in_dim3A_297 = arith.constant 11 : i32
          %broadcast_in_dim3A_298 = vector.broadcast %broadcast_in_dim3A_297 : i32 to vector<16xi32>
          %mul3A_299 = arith.constant 16 : i32
          %mul3A_300 = arith.muli %scan3A_130, %mul3A_299 : i32
          %get3A_301 = arith.constant 0 : i32
          %get3A_302 = arith.constant 11 : i32
          %get3A_303 = arith.index_cast %get3A_301 : i32 to index
          %get3A_304 = arith.index_cast %get3A_302 : i32 to index
          %get3A_305 = arith.index_cast %mul3A_300 : i32 to index
          %get3A_306 = tpu.vector_load %arg5[%get3A_303, %get3A_304, %get3A_305] {strides = array<i32>} : memref<2x64x128xf32, #tpu.memory_space<vmem>>, vector<16xf32>,
          %scatter3A_307 = arith.constant 0 : i32
          %scatter3A_308 = arith.constant 0 : i32
          %scatter3A_309 = arith.constant 0 : i32
          %scatter3A_310 = tpu.memref_slice %arg6[%scatter3A_307, %scatter3A_308, %scatter3A_309] : memref<2x128x128xf32, #tpu.memory_space<vmem>> -> memref<1x128x128xf32, #tpu.memory_space<vmem>>
          %scatter3A_311 = tpu.memref_squeeze %scatter3A_310 : memref<1x128x128xf32, #tpu.memory_space<vmem>> -> memref<128x128xf32, #tpu.memory_space<vmem>>
          tpu.vector_store_idx %scatter3A_311[%add3A_134, %broadcast_in_dim3A_298], %get3A_306 : memref<128x128xf32, #tpu.memory_space<vmem>>[vector<16xi32>, vector<16xi32>], vector<16xf32>,
          %broadcast_in_dim3A_312 = arith.constant 12 : i32
          %broadcast_in_dim3A_313 = vector.broadcast %broadcast_in_dim3A_312 : i32 to vector<16xi32>
          %mul3A_314 = arith.constant 16 : i32
          %mul3A_315 = arith.muli %scan3A_130, %mul3A_314 : i32
          %get3A_316 = arith.constant 0 : i32
          %get3A_317 = arith.constant 12 : i32
          %get3A_318 = arith.index_cast %get3A_316 : i32 to index
          %get3A_319 = arith.index_cast %get3A_317 : i32 to index
          %get3A_320 = arith.index_cast %mul3A_315 : i32 to index
          %get3A_321 = tpu.vector_load %arg5[%get3A_318, %get3A_319, %get3A_320] {strides = array<i32>} : memref<2x64x128xf32, #tpu.memory_space<vmem>>, vector<16xf32>,
          %scatter3A_322 = arith.constant 0 : i32
          %scatter3A_323 = arith.constant 0 : i32
          %scatter3A_324 = arith.constant 0 : i32
          %scatter3A_325 = tpu.memref_slice %arg6[%scatter3A_322, %scatter3A_323, %scatter3A_324] : memref<2x128x128xf32, #tpu.memory_space<vmem>> -> memref<1x128x128xf32, #tpu.memory_space<vmem>>
          %scatter3A_326 = tpu.memref_squeeze %scatter3A_325 : memref<1x128x128xf32, #tpu.memory_space<vmem>> -> memref<128x128xf32, #tpu.memory_space<vmem>>
          tpu.vector_store_idx %scatter3A_326[%add3A_134, %broadcast_in_dim3A_313], %get3A_321 : memref<128x128xf32, #tpu.memory_space<vmem>>[vector<16xi32>, vector<16xi32>], vector<16xf32>,
          %broadcast_in_dim3A_327 = arith.constant 13 : i32
          %broadcast_in_dim3A_328 = vector.broadcast %broadcast_in_dim3A_327 : i32 to vector<16xi32>
          %mul3A_329 = arith.constant 16 : i32
          %mul3A_330 = arith.muli %scan3A_130, %mul3A_329 : i32
          %get3A_331 = arith.constant 0 : i32
          %get3A_332 = arith.constant 13 : i32
          %get3A_333 = arith.index_cast %get3A_331 : i32 to index
          %get3A_334 = arith.index_cast %get3A_332 : i32 to index
          %get3A_335 = arith.index_cast %mul3A_330 : i32 to index
          %get3A_336 = tpu.vector_load %arg5[%get3A_333, %get3A_334, %get3A_335] {strides = array<i32>} : memref<2x64x128xf32, #tpu.memory_space<vmem>>, vector<16xf32>,
          %scatter3A_337 = arith.constant 0 : i32
          %scatter3A_338 = arith.constant 0 : i32
          %scatter3A_339 = arith.constant 0 : i32
          %scatter3A_340 = tpu.memref_slice %arg6[%scatter3A_337, %scatter3A_338, %scatter3A_339] : memref<2x128x128xf32, #tpu.memory_space<vmem>> -> memref<1x128x128xf32, #tpu.memory_space<vmem>>
          %scatter3A_341 = tpu.memref_squeeze %scatter3A_340 : memref<1x128x128xf32, #tpu.memory_space<vmem>> -> memref<128x128xf32, #tpu.memory_space<vmem>>
          tpu.vector_store_idx %scatter3A_341[%add3A_134, %broadcast_in_dim3A_328], %get3A_336 : memref<128x128xf32, #tpu.memory_space<vmem>>[vector<16xi32>, vector<16xi32>], vector<16xf32>,
          %broadcast_in_dim3A_342 = arith.constant 14 : i32
          %broadcast_in_dim3A_343 = vector.broadcast %broadcast_in_dim3A_342 : i32 to vector<16xi32>
          %mul3A_344 = arith.constant 16 : i32
          %mul3A_345 = arith.muli %scan3A_130, %mul3A_344 : i32
          %get3A_346 = arith.constant 0 : i32
          %get3A_347 = arith.constant 14 : i32
          %get3A_348 = arith.index_cast %get3A_346 : i32 to index
          %get3A_349 = arith.index_cast %get3A_347 : i32 to index
          %get3A_350 = arith.index_cast %mul3A_345 : i32 to index
          %get3A_351 = tpu.vector_load %arg5[%get3A_348, %get3A_349, %get3A_350] {strides = array<i32>} : memref<2x64x128xf32, #tpu.memory_space<vmem>>, vector<16xf32>,
          %scatter3A_352 = arith.constant 0 : i32
          %scatter3A_353 = arith.constant 0 : i32
          %scatter3A_354 = arith.constant 0 : i32
          %scatter3A_355 = tpu.memref_slice %arg6[%scatter3A_352, %scatter3A_353, %scatter3A_354] : memref<2x128x128xf32, #tpu.memory_space<vmem>> -> memref<1x128x128xf32, #tpu.memory_space<vmem>>
          %scatter3A_356 = tpu.memref_squeeze %scatter3A_355 : memref<1x128x128xf32, #tpu.memory_space<vmem>> -> memref<128x128xf32, #tpu.memory_space<vmem>>
          tpu.vector_store_idx %scatter3A_356[%add3A_134, %broadcast_in_dim3A_343], %get3A_351 : memref<128x128xf32, #tpu.memory_space<vmem>>[vector<16xi32>, vector<16xi32>], vector<16xf32>,
          %broadcast_in_dim3A_357 = arith.constant 15 : i32
          %broadcast_in_dim3A_358 = vector.broadcast %broadcast_in_dim3A_357 : i32 to vector<16xi32>
          %mul3A_359 = arith.constant 16 : i32
          %mul3A_360 = arith.muli %scan3A_130, %mul3A_359 : i32
          %get3A_361 = arith.constant 0 : i32
          %get3A_362 = arith.constant 15 : i32
          %get3A_363 = arith.index_cast %get3A_361 : i32 to index
          %get3A_364 = arith.index_cast %get3A_362 : i32 to index
          %get3A_365 = arith.index_cast %mul3A_360 : i32 to index
          %get3A_366 = tpu.vector_load %arg5[%get3A_363, %get3A_364, %get3A_365] {strides = array<i32>} : memref<2x64x128xf32, #tpu.memory_space<vmem>>, vector<16xf32>,
          %scatter3A_367 = arith.constant 0 : i32
          %scatter3A_368 = arith.constant 0 : i32
          %scatter3A_369 = arith.constant 0 : i32
          %scatter3A_370 = tpu.memref_slice %arg6[%scatter3A_367, %scatter3A_368, %scatter3A_369] : memref<2x128x128xf32, #tpu.memory_space<vmem>> -> memref<1x128x128xf32, #tpu.memory_space<vmem>>
          %scatter3A_371 = tpu.memref_squeeze %scatter3A_370 : memref<1x128x128xf32, #tpu.memory_space<vmem>> -> memref<128x128xf32, #tpu.memory_space<vmem>>
          tpu.vector_store_idx %scatter3A_371[%add3A_134, %broadcast_in_dim3A_358], %get3A_366 : memref<128x128xf32, #tpu.memory_space<vmem>>[vector<16xi32>, vector<16xi32>], vector<16xf32>,
          %broadcast_in_dim3A_372 = arith.constant 16 : i32
          %broadcast_in_dim3A_373 = vector.broadcast %broadcast_in_dim3A_372 : i32 to vector<16xi32>
          %mul3A_374 = arith.constant 16 : i32
          %mul3A_375 = arith.muli %scan3A_130, %mul3A_374 : i32
          %get3A_376 = arith.constant 0 : i32
          %get3A_377 = arith.constant 16 : i32
          %get3A_378 = arith.index_cast %get3A_376 : i32 to index
          %get3A_379 = arith.index_cast %get3A_377 : i32 to index
          %get3A_380 = arith.index_cast %mul3A_375 : i32 to index
          %get3A_381 = tpu.vector_load %arg5[%get3A_378, %get3A_379, %get3A_380] {strides = array<i32>} : memref<2x64x128xf32, #tpu.memory_space<vmem>>, vector<16xf32>,
          %scatter3A_382 = arith.constant 0 : i32
          %scatter3A_383 = arith.constant 0 : i32
          %scatter3A_384 = arith.constant 0 : i32
          %scatter3A_385 = tpu.memref_slice %arg6[%scatter3A_382, %scatter3A_383, %scatter3A_384] : memref<2x128x128xf32, #tpu.memory_space<vmem>> -> memref<1x128x128xf32, #tpu.memory_space<vmem>>
          %scatter3A_386 = tpu.memref_squeeze %scatter3A_385 : memref<1x128x128xf32, #tpu.memory_space<vmem>> -> memref<128x128xf32, #tpu.memory_space<vmem>>
          tpu.vector_store_idx %scatter3A_386[%add3A_134, %broadcast_in_dim3A_373], %get3A_381 : memref<128x128xf32, #tpu.memory_space<vmem>>[vector<16xi32>, vector<16xi32>], vector<16xf32>,
          %broadcast_in_dim3A_387 = arith.constant 17 : i32
          %broadcast_in_dim3A_388 = vector.broadcast %broadcast_in_dim3A_387 : i32 to vector<16xi32>
          %mul3A_389 = arith.constant 16 : i32
          %mul3A_390 = arith.muli %scan3A_130, %mul3A_389 : i32
          %get3A_391 = arith.constant 0 : i32
          %get3A_392 = arith.constant 17 : i32
          %get3A_393 = arith.index_cast %get3A_391 : i32 to index
          %get3A_394 = arith.index_cast %get3A_392 : i32 to index
          %get3A_395 = arith.index_cast %mul3A_390 : i32 to index
          %get3A_396 = tpu.vector_load %arg5[%get3A_393, %get3A_394, %get3A_395] {strides = array<i32>} : memref<2x64x128xf32, #tpu.memory_space<vmem>>, vector<16xf32>,
          %scatter3A_397 = arith.constant 0 : i32
          %scatter3A_398 = arith.constant 0 : i32
          %scatter3A_399 = arith.constant 0 : i32
          %scatter3A_400 = tpu.memref_slice %arg6[%scatter3A_397, %scatter3A_398, %scatter3A_399] : memref<2x128x128xf32, #tpu.memory_space<vmem>> -> memref<1x128x128xf32, #tpu.memory_space<vmem>>
          %scatter3A_401 = tpu.memref_squeeze %scatter3A_400 : memref<1x128x128xf32, #tpu.memory_space<vmem>> -> memref<128x128xf32, #tpu.memory_space<vmem>>
          tpu.vector_store_idx %scatter3A_401[%add3A_134, %broadcast_in_dim3A_388], %get3A_396 : memref<128x128xf32, #tpu.memory_space<vmem>>[vector<16xi32>, vector<16xi32>], vector<16xf32>,
          %broadcast_in_dim3A_402 = arith.constant 18 : i32
          %broadcast_in_dim3A_403 = vector.broadcast %broadcast_in_dim3A_402 : i32 to vector<16xi32>
          %mul3A_404 = arith.constant 16 : i32
          %mul3A_405 = arith.muli %scan3A_130, %mul3A_404 : i32
          %get3A_406 = arith.constant 0 : i32
          %get3A_407 = arith.constant 18 : i32
          %get3A_408 = arith.index_cast %get3A_406 : i32 to index
          %get3A_409 = arith.index_cast %get3A_407 : i32 to index
          %get3A_410 = arith.index_cast %mul3A_405 : i32 to index
          %get3A_411 = tpu.vector_load %arg5[%get3A_408, %get3A_409, %get3A_410] {strides = array<i32>} : memref<2x64x128xf32, #tpu.memory_space<vmem>>, vector<16xf32>,
          %scatter3A_412 = arith.constant 0 : i32
          %scatter3A_413 = arith.constant 0 : i32
          %scatter3A_414 = arith.constant 0 : i32
          %scatter3A_415 = tpu.memref_slice %arg6[%scatter3A_412, %scatter3A_413, %scatter3A_414] : memref<2x128x128xf32, #tpu.memory_space<vmem>> -> memref<1x128x128xf32, #tpu.memory_space<vmem>>
          %scatter3A_416 = tpu.memref_squeeze %scatter3A_415 : memref<1x128x128xf32, #tpu.memory_space<vmem>> -> memref<128x128xf32, #tpu.memory_space<vmem>>
          tpu.vector_store_idx %scatter3A_416[%add3A_134, %broadcast_in_dim3A_403], %get3A_411 : memref<128x128xf32, #tpu.memory_space<vmem>>[vector<16xi32>, vector<16xi32>], vector<16xf32>,
          %broadcast_in_dim3A_417 = arith.constant 19 : i32
          %broadcast_in_dim3A_418 = vector.broadcast %broadcast_in_dim3A_417 : i32 to vector<16xi32>
          %mul3A_419 = arith.constant 16 : i32
          %mul3A_420 = arith.muli %scan3A_130, %mul3A_419 : i32
          %get3A_421 = arith.constant 0 : i32
          %get3A_422 = arith.constant 19 : i32
          %get3A_423 = arith.index_cast %get3A_421 : i32 to index
          %get3A_424 = arith.index_cast %get3A_422 : i32 to index
          %get3A_425 = arith.index_cast %mul3A_420 : i32 to index
          %get3A_426 = tpu.vector_load %arg5[%get3A_423, %get3A_424, %get3A_425] {strides = array<i32>} : memref<2x64x128xf32, #tpu.memory_space<vmem>>, vector<16xf32>,
          %scatter3A_427 = arith.constant 0 : i32
          %scatter3A_428 = arith.constant 0 : i32
          %scatter3A_429 = arith.constant 0 : i32
          %scatter3A_430 = tpu.memref_slice %arg6[%scatter3A_427, %scatter3A_428, %scatter3A_429] : memref<2x128x128xf32, #tpu.memory_space<vmem>> -> memref<1x128x128xf32, #tpu.memory_space<vmem>>
          %scatter3A_431 = tpu.memref_squeeze %scatter3A_430 : memref<1x128x128xf32, #tpu.memory_space<vmem>> -> memref<128x128xf32, #tpu.memory_space<vmem>>
          tpu.vector_store_idx %scatter3A_431[%add3A_134, %broadcast_in_dim3A_418], %get3A_426 : memref<128x128xf32, #tpu.memory_space<vmem>>[vector<16xi32>, vector<16xi32>], vector<16xf32>,
          %broadcast_in_dim3A_432 = arith.constant 20 : i32
          %broadcast_in_dim3A_433 = vector.broadcast %broadcast_in_dim3A_432 : i32 to vector<16xi32>
          %mul3A_434 = arith.constant 16 : i32
          %mul3A_435 = arith.muli %scan3A_130, %mul3A_434 : i32
          %get3A_436 = arith.constant 0 : i32
          %get3A_437 = arith.constant 20 : i32
          %get3A_438 = arith.index_cast %get3A_436 : i32 to index
          %get3A_439 = arith.index_cast %get3A_437 : i32 to index
          %get3A_440 = arith.index_cast %mul3A_435 : i32 to index
          %get3A_441 = tpu.vector_load %arg5[%get3A_438, %get3A_439, %get3A_440] {strides = array<i32>} : memref<2x64x128xf32, #tpu.memory_space<vmem>>, vector<16xf32>,
          %scatter3A_442 = arith.constant 0 : i32
          %scatter3A_443 = arith.constant 0 : i32
          %scatter3A_444 = arith.constant 0 : i32
          %scatter3A_445 = tpu.memref_slice %arg6[%scatter3A_442, %scatter3A_443, %scatter3A_444] : memref<2x128x128xf32, #tpu.memory_space<vmem>> -> memref<1x128x128xf32, #tpu.memory_space<vmem>>
          %scatter3A_446 = tpu.memref_squeeze %scatter3A_445 : memref<1x128x128xf32, #tpu.memory_space<vmem>> -> memref<128x128xf32, #tpu.memory_space<vmem>>
          tpu.vector_store_idx %scatter3A_446[%add3A_134, %broadcast_in_dim3A_433], %get3A_441 : memref<128x128xf32, #tpu.memory_space<vmem>>[vector<16xi32>, vector<16xi32>], vector<16xf32>,
          %broadcast_in_dim3A_447 = arith.constant 21 : i32
          %broadcast_in_dim3A_448 = vector.broadcast %broadcast_in_dim3A_447 : i32 to vector<16xi32>
          %mul3A_449 = arith.constant 16 : i32
          %mul3A_450 = arith.muli %scan3A_130, %mul3A_449 : i32
          %get3A_451 = arith.constant 0 : i32
          %get3A_452 = arith.constant 21 : i32
          %get3A_453 = arith.index_cast %get3A_451 : i32 to index
          %get3A_454 = arith.index_cast %get3A_452 : i32 to index
          %get3A_455 = arith.index_cast %mul3A_450 : i32 to index
          %get3A_456 = tpu.vector_load %arg5[%get3A_453, %get3A_454, %get3A_455] {strides = array<i32>} : memref<2x64x128xf32, #tpu.memory_space<vmem>>, vector<16xf32>,
          %scatter3A_457 = arith.constant 0 : i32
          %scatter3A_458 = arith.constant 0 : i32
          %scatter3A_459 = arith.constant 0 : i32
          %scatter3A_460 = tpu.memref_slice %arg6[%scatter3A_457, %scatter3A_458, %scatter3A_459] : memref<2x128x128xf32, #tpu.memory_space<vmem>> -> memref<1x128x128xf32, #tpu.memory_space<vmem>>
          %scatter3A_461 = tpu.memref_squeeze %scatter3A_460 : memref<1x128x128xf32, #tpu.memory_space<vmem>> -> memref<128x128xf32, #tpu.memory_space<vmem>>
          tpu.vector_store_idx %scatter3A_461[%add3A_134, %broadcast_in_dim3A_448], %get3A_456 : memref<128x128xf32, #tpu.memory_space<vmem>>[vector<16xi32>, vector<16xi32>], vector<16xf32>,
          %broadcast_in_dim3A_462 = arith.constant 22 : i32
          %broadcast_in_dim3A_463 = vector.broadcast %broadcast_in_dim3A_462 : i32 to vector<16xi32>
          %mul3A_464 = arith.constant 16 : i32
          %mul3A_465 = arith.muli %scan3A_130, %mul3A_464 : i32
          %get3A_466 = arith.constant 0 : i32
          %get3A_467 = arith.constant 22 : i32
          %get3A_468 = arith.index_cast %get3A_466 : i32 to index
          %get3A_469 = arith.index_cast %get3A_467 : i32 to index
          %get3A_470 = arith.index_cast %mul3A_465 : i32 to index
          %get3A_471 = tpu.vector_load %arg5[%get3A_468, %get3A_469, %get3A_470] {strides = array<i32>} : memref<2x64x128xf32, #tpu.memory_space<vmem>>, vector<16xf32>,
          %scatter3A_472 = arith.constant 0 : i32
          %scatter3A_473 = arith.constant 0 : i32
          %scatter3A_474 = arith.constant 0 : i32
          %scatter3A_475 = tpu.memref_slice %arg6[%scatter3A_472, %scatter3A_473, %scatter3A_474] : memref<2x128x128xf32, #tpu.memory_space<vmem>> -> memref<1x128x128xf32, #tpu.memory_space<vmem>>
          %scatter3A_476 = tpu.memref_squeeze %scatter3A_475 : memref<1x128x128xf32, #tpu.memory_space<vmem>> -> memref<128x128xf32, #tpu.memory_space<vmem>>
          tpu.vector_store_idx %scatter3A_476[%add3A_134, %broadcast_in_dim3A_463], %get3A_471 : memref<128x128xf32, #tpu.memory_space<vmem>>[vector<16xi32>, vector<16xi32>], vector<16xf32>,
          %broadcast_in_dim3A_477 = arith.constant 23 : i32
          %broadcast_in_dim3A_478 = vector.broadcast %broadcast_in_dim3A_477 : i32 to vector<16xi32>
          %mul3A_479 = arith.constant 16 : i32
          %mul3A_480 = arith.muli %scan3A_130, %mul3A_479 : i32
          %get3A_481 = arith.constant 0 : i32
          %get3A_482 = arith.constant 23 : i32
          %get3A_483 = arith.index_cast %get3A_481 : i32 to index
          %get3A_484 = arith.index_cast %get3A_482 : i32 to index
          %get3A_485 = arith.index_cast %mul3A_480 : i32 to index
          %get3A_486 = tpu.vector_load %arg5[%get3A_483, %get3A_484, %get3A_485] {strides = array<i32>} : memref<2x64x128xf32, #tpu.memory_space<vmem>>, vector<16xf32>,
          %scatter3A_487 = arith.constant 0 : i32
          %scatter3A_488 = arith.constant 0 : i32
          %scatter3A_489 = arith.constant 0 : i32
          %scatter3A_490 = tpu.memref_slice %arg6[%scatter3A_487, %scatter3A_488, %scatter3A_489] : memref<2x128x128xf32, #tpu.memory_space<vmem>> -> memref<1x128x128xf32, #tpu.memory_space<vmem>>
          %scatter3A_491 = tpu.memref_squeeze %scatter3A_490 : memref<1x128x128xf32, #tpu.memory_space<vmem>> -> memref<128x128xf32, #tpu.memory_space<vmem>>
          tpu.vector_store_idx %scatter3A_491[%add3A_134, %broadcast_in_dim3A_478], %get3A_486 : memref<128x128xf32, #tpu.memory_space<vmem>>[vector<16xi32>, vector<16xi32>], vector<16xf32>,
          %broadcast_in_dim3A_492 = arith.constant 24 : i32
          %broadcast_in_dim3A_493 = vector.broadcast %broadcast_in_dim3A_492 : i32 to vector<16xi32>
          %mul3A_494 = arith.constant 16 : i32
          %mul3A_495 = arith.muli %scan3A_130, %mul3A_494 : i32
          %get3A_496 = arith.constant 0 : i32
          %get3A_497 = arith.constant 24 : i32
          %get3A_498 = arith.index_cast %get3A_496 : i32 to index
          %get3A_499 = arith.index_cast %get3A_497 : i32 to index
          %get3A_500 = arith.index_cast %mul3A_495 : i32 to index
          %get3A_501 = tpu.vector_load %arg5[%get3A_498, %get3A_499, %get3A_500] {strides = array<i32>} : memref<2x64x128xf32, #tpu.memory_space<vmem>>, vector<16xf32>,
          %scatter3A_502 = arith.constant 0 : i32
          %scatter3A_503 = arith.constant 0 : i32
          %scatter3A_504 = arith.constant 0 : i32
          %scatter3A_505 = tpu.memref_slice %arg6[%scatter3A_502, %scatter3A_503, %scatter3A_504] : memref<2x128x128xf32, #tpu.memory_space<vmem>> -> memref<1x128x128xf32, #tpu.memory_space<vmem>>
          %scatter3A_506 = tpu.memref_squeeze %scatter3A_505 : memref<1x128x128xf32, #tpu.memory_space<vmem>> -> memref<128x128xf32, #tpu.memory_space<vmem>>
          tpu.vector_store_idx %scatter3A_506[%add3A_134, %broadcast_in_dim3A_493], %get3A_501 : memref<128x128xf32, #tpu.memory_space<vmem>>[vector<16xi32>, vector<16xi32>], vector<16xf32>,
          %broadcast_in_dim3A_507 = arith.constant 25 : i32
          %broadcast_in_dim3A_508 = vector.broadcast %broadcast_in_dim3A_507 : i32 to vector<16xi32>
          %mul3A_509 = arith.constant 16 : i32
          %mul3A_510 = arith.muli %scan3A_130, %mul3A_509 : i32
          %get3A_511 = arith.constant 0 : i32
          %get3A_512 = arith.constant 25 : i32
          %get3A_513 = arith.index_cast %get3A_511 : i32 to index
          %get3A_514 = arith.index_cast %get3A_512 : i32 to index
          %get3A_515 = arith.index_cast %mul3A_510 : i32 to index
          %get3A_516 = tpu.vector_load %arg5[%get3A_513, %get3A_514, %get3A_515] {strides = array<i32>} : memref<2x64x128xf32, #tpu.memory_space<vmem>>, vector<16xf32>,
          %scatter3A_517 = arith.constant 0 : i32
          %scatter3A_518 = arith.constant 0 : i32
          %scatter3A_519 = arith.constant 0 : i32
          %scatter3A_520 = tpu.memref_slice %arg6[%scatter3A_517, %scatter3A_518, %scatter3A_519] : memref<2x128x128xf32, #tpu.memory_space<vmem>> -> memref<1x128x128xf32, #tpu.memory_space<vmem>>
          %scatter3A_521 = tpu.memref_squeeze %scatter3A_520 : memref<1x128x128xf32, #tpu.memory_space<vmem>> -> memref<128x128xf32, #tpu.memory_space<vmem>>
          tpu.vector_store_idx %scatter3A_521[%add3A_134, %broadcast_in_dim3A_508], %get3A_516 : memref<128x128xf32, #tpu.memory_space<vmem>>[vector<16xi32>, vector<16xi32>], vector<16xf32>,
          %broadcast_in_dim3A_522 = arith.constant 26 : i32
          %broadcast_in_dim3A_523 = vector.broadcast %broadcast_in_dim3A_522 : i32 to vector<16xi32>
          %mul3A_524 = arith.constant 16 : i32
          %mul3A_525 = arith.muli %scan3A_130, %mul3A_524 : i32
          %get3A_526 = arith.constant 0 : i32
          %get3A_527 = arith.constant 26 : i32
          %get3A_528 = arith.index_cast %get3A_526 : i32 to index
          %get3A_529 = arith.index_cast %get3A_527 : i32 to index
          %get3A_530 = arith.index_cast %mul3A_525 : i32 to index
          %get3A_531 = tpu.vector_load %arg5[%get3A_528, %get3A_529, %get3A_530] {strides = array<i32>} : memref<2x64x128xf32, #tpu.memory_space<vmem>>, vector<16xf32>,
          %scatter3A_532 = arith.constant 0 : i32
          %scatter3A_533 = arith.constant 0 : i32
          %scatter3A_534 = arith.constant 0 : i32
          %scatter3A_535 = tpu.memref_slice %arg6[%scatter3A_532, %scatter3A_533, %scatter3A_534] : memref<2x128x128xf32, #tpu.memory_space<vmem>> -> memref<1x128x128xf32, #tpu.memory_space<vmem>>
          %scatter3A_536 = tpu.memref_squeeze %scatter3A_535 : memref<1x128x128xf32, #tpu.memory_space<vmem>> -> memref<128x128xf32, #tpu.memory_space<vmem>>
          tpu.vector_store_idx %scatter3A_536[%add3A_134, %broadcast_in_dim3A_523], %get3A_531 : memref<128x128xf32, #tpu.memory_space<vmem>>[vector<16xi32>, vector<16xi32>], vector<16xf32>,
          %broadcast_in_dim3A_537 = arith.constant 27 : i32
          %broadcast_in_dim3A_538 = vector.broadcast %broadcast_in_dim3A_537 : i32 to vector<16xi32>
          %mul3A_539 = arith.constant 16 : i32
          %mul3A_540 = arith.muli %scan3A_130, %mul3A_539 : i32
          %get3A_541 = arith.constant 0 : i32
          %get3A_542 = arith.constant 27 : i32
          %get3A_543 = arith.index_cast %get3A_541 : i32 to index
          %get3A_544 = arith.index_cast %get3A_542 : i32 to index
          %get3A_545 = arith.index_cast %mul3A_540 : i32 to index
          %get3A_546 = tpu.vector_load %arg5[%get3A_543, %get3A_544, %get3A_545] {strides = array<i32>} : memref<2x64x128xf32, #tpu.memory_space<vmem>>, vector<16xf32>,
          %scatter3A_547 = arith.constant 0 : i32
          %scatter3A_548 = arith.constant 0 : i32
          %scatter3A_549 = arith.constant 0 : i32
          %scatter3A_550 = tpu.memref_slice %arg6[%scatter3A_547, %scatter3A_548, %scatter3A_549] : memref<2x128x128xf32, #tpu.memory_space<vmem>> -> memref<1x128x128xf32, #tpu.memory_space<vmem>>
          %scatter3A_551 = tpu.memref_squeeze %scatter3A_550 : memref<1x128x128xf32, #tpu.memory_space<vmem>> -> memref<128x128xf32, #tpu.memory_space<vmem>>
          tpu.vector_store_idx %scatter3A_551[%add3A_134, %broadcast_in_dim3A_538], %get3A_546 : memref<128x128xf32, #tpu.memory_space<vmem>>[vector<16xi32>, vector<16xi32>], vector<16xf32>,
          %broadcast_in_dim3A_552 = arith.constant 28 : i32
          %broadcast_in_dim3A_553 = vector.broadcast %broadcast_in_dim3A_552 : i32 to vector<16xi32>
          %mul3A_554 = arith.constant 16 : i32
          %mul3A_555 = arith.muli %scan3A_130, %mul3A_554 : i32
          %get3A_556 = arith.constant 0 : i32
          %get3A_557 = arith.constant 28 : i32
          %get3A_558 = arith.index_cast %get3A_556 : i32 to index
          %get3A_559 = arith.index_cast %get3A_557 : i32 to index
          %get3A_560 = arith.index_cast %mul3A_555 : i32 to index
          %get3A_561 = tpu.vector_load %arg5[%get3A_558, %get3A_559, %get3A_560] {strides = array<i32>} : memref<2x64x128xf32, #tpu.memory_space<vmem>>, vector<16xf32>,
          %scatter3A_562 = arith.constant 0 : i32
          %scatter3A_563 = arith.constant 0 : i32
          %scatter3A_564 = arith.constant 0 : i32
          %scatter3A_565 = tpu.memref_slice %arg6[%scatter3A_562, %scatter3A_563, %scatter3A_564] : memref<2x128x128xf32, #tpu.memory_space<vmem>> -> memref<1x128x128xf32, #tpu.memory_space<vmem>>
          %scatter3A_566 = tpu.memref_squeeze %scatter3A_565 : memref<1x128x128xf32, #tpu.memory_space<vmem>> -> memref<128x128xf32, #tpu.memory_space<vmem>>
          tpu.vector_store_idx %scatter3A_566[%add3A_134, %broadcast_in_dim3A_553], %get3A_561 : memref<128x128xf32, #tpu.memory_space<vmem>>[vector<16xi32>, vector<16xi32>], vector<16xf32>,
          %broadcast_in_dim3A_567 = arith.constant 29 : i32
          %broadcast_in_dim3A_568 = vector.broadcast %broadcast_in_dim3A_567 : i32 to vector<16xi32>
          %mul3A_569 = arith.constant 16 : i32
          %mul3A_570 = arith.muli %scan3A_130, %mul3A_569 : i32
          %get3A_571 = arith.constant 0 : i32
          %get3A_572 = arith.constant 29 : i32
          %get3A_573 = arith.index_cast %get3A_571 : i32 to index
          %get3A_574 = arith.index_cast %get3A_572 : i32 to index
          %get3A_575 = arith.index_cast %mul3A_570 : i32 to index
          %get3A_576 = tpu.vector_load %arg5[%get3A_573, %get3A_574, %get3A_575] {strides = array<i32>} : memref<2x64x128xf32, #tpu.memory_space<vmem>>, vector<16xf32>,
          %scatter3A_577 = arith.constant 0 : i32
          %scatter3A_578 = arith.constant 0 : i32
          %scatter3A_579 = arith.constant 0 : i32
          %scatter3A_580 = tpu.memref_slice %arg6[%scatter3A_577, %scatter3A_578, %scatter3A_579] : memref<2x128x128xf32, #tpu.memory_space<vmem>> -> memref<1x128x128xf32, #tpu.memory_space<vmem>>
          %scatter3A_581 = tpu.memref_squeeze %scatter3A_580 : memref<1x128x128xf32, #tpu.memory_space<vmem>> -> memref<128x128xf32, #tpu.memory_space<vmem>>
          tpu.vector_store_idx %scatter3A_581[%add3A_134, %broadcast_in_dim3A_568], %get3A_576 : memref<128x128xf32, #tpu.memory_space<vmem>>[vector<16xi32>, vector<16xi32>], vector<16xf32>,
          %broadcast_in_dim3A_582 = arith.constant 30 : i32
          %broadcast_in_dim3A_583 = vector.broadcast %broadcast_in_dim3A_582 : i32 to vector<16xi32>
          %mul3A_584 = arith.constant 16 : i32
          %mul3A_585 = arith.muli %scan3A_130, %mul3A_584 : i32
          %get3A_586 = arith.constant 0 : i32
          %get3A_587 = arith.constant 30 : i32
          %get3A_588 = arith.index_cast %get3A_586 : i32 to index
          %get3A_589 = arith.index_cast %get3A_587 : i32 to index
          %get3A_590 = arith.index_cast %mul3A_585 : i32 to index
          %get3A_591 = tpu.vector_load %arg5[%get3A_588, %get3A_589, %get3A_590] {strides = array<i32>} : memref<2x64x128xf32, #tpu.memory_space<vmem>>, vector<16xf32>,
          %scatter3A_592 = arith.constant 0 : i32
          %scatter3A_593 = arith.constant 0 : i32
          %scatter3A_594 = arith.constant 0 : i32
          %scatter3A_595 = tpu.memref_slice %arg6[%scatter3A_592, %scatter3A_593, %scatter3A_594] : memref<2x128x128xf32, #tpu.memory_space<vmem>> -> memref<1x128x128xf32, #tpu.memory_space<vmem>>
          %scatter3A_596 = tpu.memref_squeeze %scatter3A_595 : memref<1x128x128xf32, #tpu.memory_space<vmem>> -> memref<128x128xf32, #tpu.memory_space<vmem>>
          tpu.vector_store_idx %scatter3A_596[%add3A_134, %broadcast_in_dim3A_583], %get3A_591 : memref<128x128xf32, #tpu.memory_space<vmem>>[vector<16xi32>, vector<16xi32>], vector<16xf32>,
          %broadcast_in_dim3A_597 = arith.constant 31 : i32
          %broadcast_in_dim3A_598 = vector.broadcast %broadcast_in_dim3A_597 : i32 to vector<16xi32>
          %mul3A_599 = arith.constant 16 : i32
          %mul3A_600 = arith.muli %scan3A_130, %mul3A_599 : i32
          %get3A_601 = arith.constant 0 : i32
          %get3A_602 = arith.constant 31 : i32
          %get3A_603 = arith.index_cast %get3A_601 : i32 to index
          %get3A_604 = arith.index_cast %get3A_602 : i32 to index
          %get3A_605 = arith.index_cast %mul3A_600 : i32 to index
          %get3A_606 = tpu.vector_load %arg5[%get3A_603, %get3A_604, %get3A_605] {strides = array<i32>} : memref<2x64x128xf32, #tpu.memory_space<vmem>>, vector<16xf32>,
          %scatter3A_607 = arith.constant 0 : i32
          %scatter3A_608 = arith.constant 0 : i32
          %scatter3A_609 = arith.constant 0 : i32
          %scatter3A_610 = tpu.memref_slice %arg6[%scatter3A_607, %scatter3A_608, %scatter3A_609] : memref<2x128x128xf32, #tpu.memory_space<vmem>> -> memref<1x128x128xf32, #tpu.memory_space<vmem>>
          %scatter3A_611 = tpu.memref_squeeze %scatter3A_610 : memref<1x128x128xf32, #tpu.memory_space<vmem>> -> memref<128x128xf32, #tpu.memory_space<vmem>>
          tpu.vector_store_idx %scatter3A_611[%add3A_134, %broadcast_in_dim3A_598], %get3A_606 : memref<128x128xf32, #tpu.memory_space<vmem>>[vector<16xi32>, vector<16xi32>], vector<16xf32>,
          %broadcast_in_dim3A_612 = arith.constant 32 : i32
          %broadcast_in_dim3A_613 = vector.broadcast %broadcast_in_dim3A_612 : i32 to vector<16xi32>
          %mul3A_614 = arith.constant 16 : i32
          %mul3A_615 = arith.muli %scan3A_130, %mul3A_614 : i32
          %get3A_616 = arith.constant 0 : i32
          %get3A_617 = arith.constant 32 : i32
          %get3A_618 = arith.index_cast %get3A_616 : i32 to index
          %get3A_619 = arith.index_cast %get3A_617 : i32 to index
          %get3A_620 = arith.index_cast %mul3A_615 : i32 to index
          %get3A_621 = tpu.vector_load %arg5[%get3A_618, %get3A_619, %get3A_620] {strides = array<i32>} : memref<2x64x128xf32, #tpu.memory_space<vmem>>, vector<16xf32>,
          %scatter3A_622 = arith.constant 0 : i32
          %scatter3A_623 = arith.constant 0 : i32
          %scatter3A_624 = arith.constant 0 : i32
          %scatter3A_625 = tpu.memref_slice %arg6[%scatter3A_622, %scatter3A_623, %scatter3A_624] : memref<2x128x128xf32, #tpu.memory_space<vmem>> -> memref<1x128x128xf32, #tpu.memory_space<vmem>>
          %scatter3A_626 = tpu.memref_squeeze %scatter3A_625 : memref<1x128x128xf32, #tpu.memory_space<vmem>> -> memref<128x128xf32, #tpu.memory_space<vmem>>
          tpu.vector_store_idx %scatter3A_626[%add3A_134, %broadcast_in_dim3A_613], %get3A_621 : memref<128x128xf32, #tpu.memory_space<vmem>>[vector<16xi32>, vector<16xi32>], vector<16xf32>,
          %broadcast_in_dim3A_627 = arith.constant 33 : i32
          %broadcast_in_dim3A_628 = vector.broadcast %broadcast_in_dim3A_627 : i32 to vector<16xi32>
          %mul3A_629 = arith.constant 16 : i32
          %mul3A_630 = arith.muli %scan3A_130, %mul3A_629 : i32
          %get3A_631 = arith.constant 0 : i32
          %get3A_632 = arith.constant 33 : i32
          %get3A_633 = arith.index_cast %get3A_631 : i32 to index
          %get3A_634 = arith.index_cast %get3A_632 : i32 to index
          %get3A_635 = arith.index_cast %mul3A_630 : i32 to index
          %get3A_636 = tpu.vector_load %arg5[%get3A_633, %get3A_634, %get3A_635] {strides = array<i32>} : memref<2x64x128xf32, #tpu.memory_space<vmem>>, vector<16xf32>,
          %scatter3A_637 = arith.constant 0 : i32
          %scatter3A_638 = arith.constant 0 : i32
          %scatter3A_639 = arith.constant 0 : i32
          %scatter3A_640 = tpu.memref_slice %arg6[%scatter3A_637, %scatter3A_638, %scatter3A_639] : memref<2x128x128xf32, #tpu.memory_space<vmem>> -> memref<1x128x128xf32, #tpu.memory_space<vmem>>
          %scatter3A_641 = tpu.memref_squeeze %scatter3A_640 : memref<1x128x128xf32, #tpu.memory_space<vmem>> -> memref<128x128xf32, #tpu.memory_space<vmem>>
          tpu.vector_store_idx %scatter3A_641[%add3A_134, %broadcast_in_dim3A_628], %get3A_636 : memref<128x128xf32, #tpu.memory_space<vmem>>[vector<16xi32>, vector<16xi32>], vector<16xf32>,
          %broadcast_in_dim3A_642 = arith.constant 34 : i32
          %broadcast_in_dim3A_643 = vector.broadcast %broadcast_in_dim3A_642 : i32 to vector<16xi32>
          %mul3A_644 = arith.constant 16 : i32
          %mul3A_645 = arith.muli %scan3A_130, %mul3A_644 : i32
          %get3A_646 = arith.constant 0 : i32
          %get3A_647 = arith.constant 34 : i32
          %get3A_648 = arith.index_cast %get3A_646 : i32 to index
          %get3A_649 = arith.index_cast %get3A_647 : i32 to index
          %get3A_650 = arith.index_cast %mul3A_645 : i32 to index
          %get3A_651 = tpu.vector_load %arg5[%get3A_648, %get3A_649, %get3A_650] {strides = array<i32>} : memref<2x64x128xf32, #tpu.memory_space<vmem>>, vector<16xf32>,
          %scatter3A_652 = arith.constant 0 : i32
          %scatter3A_653 = arith.constant 0 : i32
          %scatter3A_654 = arith.constant 0 : i32
          %scatter3A_655 = tpu.memref_slice %arg6[%scatter3A_652, %scatter3A_653, %scatter3A_654] : memref<2x128x128xf32, #tpu.memory_space<vmem>> -> memref<1x128x128xf32, #tpu.memory_space<vmem>>
          %scatter3A_656 = tpu.memref_squeeze %scatter3A_655 : memref<1x128x128xf32, #tpu.memory_space<vmem>> -> memref<128x128xf32, #tpu.memory_space<vmem>>
          tpu.vector_store_idx %scatter3A_656[%add3A_134, %broadcast_in_dim3A_643], %get3A_651 : memref<128x128xf32, #tpu.memory_space<vmem>>[vector<16xi32>, vector<16xi32>], vector<16xf32>,
          %broadcast_in_dim3A_657 = arith.constant 35 : i32
          %broadcast_in_dim3A_658 = vector.broadcast %broadcast_in_dim3A_657 : i32 to vector<16xi32>
          %mul3A_659 = arith.constant 16 : i32
          %mul3A_660 = arith.muli %scan3A_130, %mul3A_659 : i32
          %get3A_661 = arith.constant 0 : i32
          %get3A_662 = arith.constant 35 : i32
          %get3A_663 = arith.index_cast %get3A_661 : i32 to index
          %get3A_664 = arith.index_cast %get3A_662 : i32 to index
          %get3A_665 = arith.index_cast %mul3A_660 : i32 to index
          %get3A_666 = tpu.vector_load %arg5[%get3A_663, %get3A_664, %get3A_665] {strides = array<i32>} : memref<2x64x128xf32, #tpu.memory_space<vmem>>, vector<16xf32>,
          %scatter3A_667 = arith.constant 0 : i32
          %scatter3A_668 = arith.constant 0 : i32
          %scatter3A_669 = arith.constant 0 : i32
          %scatter3A_670 = tpu.memref_slice %arg6[%scatter3A_667, %scatter3A_668, %scatter3A_669] : memref<2x128x128xf32, #tpu.memory_space<vmem>> -> memref<1x128x128xf32, #tpu.memory_space<vmem>>
          %scatter3A_671 = tpu.memref_squeeze %scatter3A_670 : memref<1x128x128xf32, #tpu.memory_space<vmem>> -> memref<128x128xf32, #tpu.memory_space<vmem>>
          tpu.vector_store_idx %scatter3A_671[%add3A_134, %broadcast_in_dim3A_658], %get3A_666 : memref<128x128xf32, #tpu.memory_space<vmem>>[vector<16xi32>, vector<16xi32>], vector<16xf32>,
          %broadcast_in_dim3A_672 = arith.constant 36 : i32
          %broadcast_in_dim3A_673 = vector.broadcast %broadcast_in_dim3A_672 : i32 to vector<16xi32>
          %mul3A_674 = arith.constant 16 : i32
          %mul3A_675 = arith.muli %scan3A_130, %mul3A_674 : i32
          %get3A_676 = arith.constant 0 : i32
          %get3A_677 = arith.constant 36 : i32
          %get3A_678 = arith.index_cast %get3A_676 : i32 to index
          %get3A_679 = arith.index_cast %get3A_677 : i32 to index
          %get3A_680 = arith.index_cast %mul3A_675 : i32 to index
          %get3A_681 = tpu.vector_load %arg5[%get3A_678, %get3A_679, %get3A_680] {strides = array<i32>} : memref<2x64x128xf32, #tpu.memory_space<vmem>>, vector<16xf32>,
          %scatter3A_682 = arith.constant 0 : i32
          %scatter3A_683 = arith.constant 0 : i32
          %scatter3A_684 = arith.constant 0 : i32
          %scatter3A_685 = tpu.memref_slice %arg6[%scatter3A_682, %scatter3A_683, %scatter3A_684] : memref<2x128x128xf32, #tpu.memory_space<vmem>> -> memref<1x128x128xf32, #tpu.memory_space<vmem>>
          %scatter3A_686 = tpu.memref_squeeze %scatter3A_685 : memref<1x128x128xf32, #tpu.memory_space<vmem>> -> memref<128x128xf32, #tpu.memory_space<vmem>>
          tpu.vector_store_idx %scatter3A_686[%add3A_134, %broadcast_in_dim3A_673], %get3A_681 : memref<128x128xf32, #tpu.memory_space<vmem>>[vector<16xi32>, vector<16xi32>], vector<16xf32>,
          %broadcast_in_dim3A_687 = arith.constant 37 : i32
          %broadcast_in_dim3A_688 = vector.broadcast %broadcast_in_dim3A_687 : i32 to vector<16xi32>
          %mul3A_689 = arith.constant 16 : i32
          %mul3A_690 = arith.muli %scan3A_130, %mul3A_689 : i32
          %get3A_691 = arith.constant 0 : i32
          %get3A_692 = arith.constant 37 : i32
          %get3A_693 = arith.index_cast %get3A_691 : i32 to index
          %get3A_694 = arith.index_cast %get3A_692 : i32 to index
          %get3A_695 = arith.index_cast %mul3A_690 : i32 to index
          %get3A_696 = tpu.vector_load %arg5[%get3A_693, %get3A_694, %get3A_695] {strides = array<i32>} : memref<2x64x128xf32, #tpu.memory_space<vmem>>, vector<16xf32>,
          %scatter3A_697 = arith.constant 0 : i32
          %scatter3A_698 = arith.constant 0 : i32
          %scatter3A_699 = arith.constant 0 : i32
          %scatter3A_700 = tpu.memref_slice %arg6[%scatter3A_697, %scatter3A_698, %scatter3A_699] : memref<2x128x128xf32, #tpu.memory_space<vmem>> -> memref<1x128x128xf32, #tpu.memory_space<vmem>>
          %scatter3A_701 = tpu.memref_squeeze %scatter3A_700 : memref<1x128x128xf32, #tpu.memory_space<vmem>> -> memref<128x128xf32, #tpu.memory_space<vmem>>
          tpu.vector_store_idx %scatter3A_701[%add3A_134, %broadcast_in_dim3A_688], %get3A_696 : memref<128x128xf32, #tpu.memory_space<vmem>>[vector<16xi32>, vector<16xi32>], vector<16xf32>,
          %broadcast_in_dim3A_702 = arith.constant 38 : i32
          %broadcast_in_dim3A_703 = vector.broadcast %broadcast_in_dim3A_702 : i32 to vector<16xi32>
          %mul3A_704 = arith.constant 16 : i32
          %mul3A_705 = arith.muli %scan3A_130, %mul3A_704 : i32
          %get3A_706 = arith.constant 0 : i32
          %get3A_707 = arith.constant 38 : i32
          %get3A_708 = arith.index_cast %get3A_706 : i32 to index
          %get3A_709 = arith.index_cast %get3A_707 : i32 to index
          %get3A_710 = arith.index_cast %mul3A_705 : i32 to index
          %get3A_711 = tpu.vector_load %arg5[%get3A_708, %get3A_709, %get3A_710] {strides = array<i32>} : memref<2x64x128xf32, #tpu.memory_space<vmem>>, vector<16xf32>,
          %scatter3A_712 = arith.constant 0 : i32
          %scatter3A_713 = arith.constant 0 : i32
          %scatter3A_714 = arith.constant 0 : i32
          %scatter3A_715 = tpu.memref_slice %arg6[%scatter3A_712, %scatter3A_713, %scatter3A_714] : memref<2x128x128xf32, #tpu.memory_space<vmem>> -> memref<1x128x128xf32, #tpu.memory_space<vmem>>
          %scatter3A_716 = tpu.memref_squeeze %scatter3A_715 : memref<1x128x128xf32, #tpu.memory_space<vmem>> -> memref<128x128xf32, #tpu.memory_space<vmem>>
          tpu.vector_store_idx %scatter3A_716[%add3A_134, %broadcast_in_dim3A_703], %get3A_711 : memref<128x128xf32, #tpu.memory_space<vmem>>[vector<16xi32>, vector<16xi32>], vector<16xf32>,
          %broadcast_in_dim3A_717 = arith.constant 39 : i32
          %broadcast_in_dim3A_718 = vector.broadcast %broadcast_in_dim3A_717 : i32 to vector<16xi32>
          %mul3A_719 = arith.constant 16 : i32
          %mul3A_720 = arith.muli %scan3A_130, %mul3A_719 : i32
          %get3A_721 = arith.constant 0 : i32
          %get3A_722 = arith.constant 39 : i32
          %get3A_723 = arith.index_cast %get3A_721 : i32 to index
          %get3A_724 = arith.index_cast %get3A_722 : i32 to index
          %get3A_725 = arith.index_cast %mul3A_720 : i32 to index
          %get3A_726 = tpu.vector_load %arg5[%get3A_723, %get3A_724, %get3A_725] {strides = array<i32>} : memref<2x64x128xf32, #tpu.memory_space<vmem>>, vector<16xf32>,
          %scatter3A_727 = arith.constant 0 : i32
          %scatter3A_728 = arith.constant 0 : i32
          %scatter3A_729 = arith.constant 0 : i32
          %scatter3A_730 = tpu.memref_slice %arg6[%scatter3A_727, %scatter3A_728, %scatter3A_729] : memref<2x128x128xf32, #tpu.memory_space<vmem>> -> memref<1x128x128xf32, #tpu.memory_space<vmem>>
          %scatter3A_731 = tpu.memref_squeeze %scatter3A_730 : memref<1x128x128xf32, #tpu.memory_space<vmem>> -> memref<128x128xf32, #tpu.memory_space<vmem>>
          tpu.vector_store_idx %scatter3A_731[%add3A_134, %broadcast_in_dim3A_718], %get3A_726 : memref<128x128xf32, #tpu.memory_space<vmem>>[vector<16xi32>, vector<16xi32>], vector<16xf32>,
          %broadcast_in_dim3A_732 = arith.constant 40 : i32
          %broadcast_in_dim3A_733 = vector.broadcast %broadcast_in_dim3A_732 : i32 to vector<16xi32>
          %mul3A_734 = arith.constant 16 : i32
          %mul3A_735 = arith.muli %scan3A_130, %mul3A_734 : i32
          %get3A_736 = arith.constant 0 : i32
          %get3A_737 = arith.constant 40 : i32
          %get3A_738 = arith.index_cast %get3A_736 : i32 to index
          %get3A_739 = arith.index_cast %get3A_737 : i32 to index
          %get3A_740 = arith.index_cast %mul3A_735 : i32 to index
          %get3A_741 = tpu.vector_load %arg5[%get3A_738, %get3A_739, %get3A_740] {strides = array<i32>} : memref<2x64x128xf32, #tpu.memory_space<vmem>>, vector<16xf32>,
          %scatter3A_742 = arith.constant 0 : i32
          %scatter3A_743 = arith.constant 0 : i32
          %scatter3A_744 = arith.constant 0 : i32
          %scatter3A_745 = tpu.memref_slice %arg6[%scatter3A_742, %scatter3A_743, %scatter3A_744] : memref<2x128x128xf32, #tpu.memory_space<vmem>> -> memref<1x128x128xf32, #tpu.memory_space<vmem>>
          %scatter3A_746 = tpu.memref_squeeze %scatter3A_745 : memref<1x128x128xf32, #tpu.memory_space<vmem>> -> memref<128x128xf32, #tpu.memory_space<vmem>>
          tpu.vector_store_idx %scatter3A_746[%add3A_134, %broadcast_in_dim3A_733], %get3A_741 : memref<128x128xf32, #tpu.memory_space<vmem>>[vector<16xi32>, vector<16xi32>], vector<16xf32>,
          %broadcast_in_dim3A_747 = arith.constant 41 : i32
          %broadcast_in_dim3A_748 = vector.broadcast %broadcast_in_dim3A_747 : i32 to vector<16xi32>
          %mul3A_749 = arith.constant 16 : i32
          %mul3A_750 = arith.muli %scan3A_130, %mul3A_749 : i32
          %get3A_751 = arith.constant 0 : i32
          %get3A_752 = arith.constant 41 : i32
          %get3A_753 = arith.index_cast %get3A_751 : i32 to index
          %get3A_754 = arith.index_cast %get3A_752 : i32 to index
          %get3A_755 = arith.index_cast %mul3A_750 : i32 to index
          %get3A_756 = tpu.vector_load %arg5[%get3A_753, %get3A_754, %get3A_755] {strides = array<i32>} : memref<2x64x128xf32, #tpu.memory_space<vmem>>, vector<16xf32>,
          %scatter3A_757 = arith.constant 0 : i32
          %scatter3A_758 = arith.constant 0 : i32
          %scatter3A_759 = arith.constant 0 : i32
          %scatter3A_760 = tpu.memref_slice %arg6[%scatter3A_757, %scatter3A_758, %scatter3A_759] : memref<2x128x128xf32, #tpu.memory_space<vmem>> -> memref<1x128x128xf32, #tpu.memory_space<vmem>>
          %scatter3A_761 = tpu.memref_squeeze %scatter3A_760 : memref<1x128x128xf32, #tpu.memory_space<vmem>> -> memref<128x128xf32, #tpu.memory_space<vmem>>
          tpu.vector_store_idx %scatter3A_761[%add3A_134, %broadcast_in_dim3A_748], %get3A_756 : memref<128x128xf32, #tpu.memory_space<vmem>>[vector<16xi32>, vector<16xi32>], vector<16xf32>,
          %broadcast_in_dim3A_762 = arith.constant 42 : i32
          %broadcast_in_dim3A_763 = vector.broadcast %broadcast_in_dim3A_762 : i32 to vector<16xi32>
          %mul3A_764 = arith.constant 16 : i32
          %mul3A_765 = arith.muli %scan3A_130, %mul3A_764 : i32
          %get3A_766 = arith.constant 0 : i32
          %get3A_767 = arith.constant 42 : i32
          %get3A_768 = arith.index_cast %get3A_766 : i32 to index
          %get3A_769 = arith.index_cast %get3A_767 : i32 to index
          %get3A_770 = arith.index_cast %mul3A_765 : i32 to index
          %get3A_771 = tpu.vector_load %arg5[%get3A_768, %get3A_769, %get3A_770] {strides = array<i32>} : memref<2x64x128xf32, #tpu.memory_space<vmem>>, vector<16xf32>,
          %scatter3A_772 = arith.constant 0 : i32
          %scatter3A_773 = arith.constant 0 : i32
          %scatter3A_774 = arith.constant 0 : i32
          %scatter3A_775 = tpu.memref_slice %arg6[%scatter3A_772, %scatter3A_773, %scatter3A_774] : memref<2x128x128xf32, #tpu.memory_space<vmem>> -> memref<1x128x128xf32, #tpu.memory_space<vmem>>
          %scatter3A_776 = tpu.memref_squeeze %scatter3A_775 : memref<1x128x128xf32, #tpu.memory_space<vmem>> -> memref<128x128xf32, #tpu.memory_space<vmem>>
          tpu.vector_store_idx %scatter3A_776[%add3A_134, %broadcast_in_dim3A_763], %get3A_771 : memref<128x128xf32, #tpu.memory_space<vmem>>[vector<16xi32>, vector<16xi32>], vector<16xf32>,
          %broadcast_in_dim3A_777 = arith.constant 43 : i32
          %broadcast_in_dim3A_778 = vector.broadcast %broadcast_in_dim3A_777 : i32 to vector<16xi32>
          %mul3A_779 = arith.constant 16 : i32
          %mul3A_780 = arith.muli %scan3A_130, %mul3A_779 : i32
          %get3A_781 = arith.constant 0 : i32
          %get3A_782 = arith.constant 43 : i32
          %get3A_783 = arith.index_cast %get3A_781 : i32 to index
          %get3A_784 = arith.index_cast %get3A_782 : i32 to index
          %get3A_785 = arith.index_cast %mul3A_780 : i32 to index
          %get3A_786 = tpu.vector_load %arg5[%get3A_783, %get3A_784, %get3A_785] {strides = array<i32>} : memref<2x64x128xf32, #tpu.memory_space<vmem>>, vector<16xf32>,
          %scatter3A_787 = arith.constant 0 : i32
          %scatter3A_788 = arith.constant 0 : i32
          %scatter3A_789 = arith.constant 0 : i32
          %scatter3A_790 = tpu.memref_slice %arg6[%scatter3A_787, %scatter3A_788, %scatter3A_789] : memref<2x128x128xf32, #tpu.memory_space<vmem>> -> memref<1x128x128xf32, #tpu.memory_space<vmem>>
          %scatter3A_791 = tpu.memref_squeeze %scatter3A_790 : memref<1x128x128xf32, #tpu.memory_space<vmem>> -> memref<128x128xf32, #tpu.memory_space<vmem>>
          tpu.vector_store_idx %scatter3A_791[%add3A_134, %broadcast_in_dim3A_778], %get3A_786 : memref<128x128xf32, #tpu.memory_space<vmem>>[vector<16xi32>, vector<16xi32>], vector<16xf32>,
          %broadcast_in_dim3A_792 = arith.constant 44 : i32
          %broadcast_in_dim3A_793 = vector.broadcast %broadcast_in_dim3A_792 : i32 to vector<16xi32>
          %mul3A_794 = arith.constant 16 : i32
          %mul3A_795 = arith.muli %scan3A_130, %mul3A_794 : i32
          %get3A_796 = arith.constant 0 : i32
          %get3A_797 = arith.constant 44 : i32
          %get3A_798 = arith.index_cast %get3A_796 : i32 to index
          %get3A_799 = arith.index_cast %get3A_797 : i32 to index
          %get3A_800 = arith.index_cast %mul3A_795 : i32 to index
          %get3A_801 = tpu.vector_load %arg5[%get3A_798, %get3A_799, %get3A_800] {strides = array<i32>} : memref<2x64x128xf32, #tpu.memory_space<vmem>>, vector<16xf32>,
          %scatter3A_802 = arith.constant 0 : i32
          %scatter3A_803 = arith.constant 0 : i32
          %scatter3A_804 = arith.constant 0 : i32
          %scatter3A_805 = tpu.memref_slice %arg6[%scatter3A_802, %scatter3A_803, %scatter3A_804] : memref<2x128x128xf32, #tpu.memory_space<vmem>> -> memref<1x128x128xf32, #tpu.memory_space<vmem>>
          %scatter3A_806 = tpu.memref_squeeze %scatter3A_805 : memref<1x128x128xf32, #tpu.memory_space<vmem>> -> memref<128x128xf32, #tpu.memory_space<vmem>>
          tpu.vector_store_idx %scatter3A_806[%add3A_134, %broadcast_in_dim3A_793], %get3A_801 : memref<128x128xf32, #tpu.memory_space<vmem>>[vector<16xi32>, vector<16xi32>], vector<16xf32>,
          %broadcast_in_dim3A_807 = arith.constant 45 : i32
          %broadcast_in_dim3A_808 = vector.broadcast %broadcast_in_dim3A_807 : i32 to vector<16xi32>
          %mul3A_809 = arith.constant 16 : i32
          %mul3A_810 = arith.muli %scan3A_130, %mul3A_809 : i32
          %get3A_811 = arith.constant 0 : i32
          %get3A_812 = arith.constant 45 : i32
          %get3A_813 = arith.index_cast %get3A_811 : i32 to index
          %get3A_814 = arith.index_cast %get3A_812 : i32 to index
          %get3A_815 = arith.index_cast %mul3A_810 : i32 to index
          %get3A_816 = tpu.vector_load %arg5[%get3A_813, %get3A_814, %get3A_815] {strides = array<i32>} : memref<2x64x128xf32, #tpu.memory_space<vmem>>, vector<16xf32>,
          %scatter3A_817 = arith.constant 0 : i32
          %scatter3A_818 = arith.constant 0 : i32
          %scatter3A_819 = arith.constant 0 : i32
          %scatter3A_820 = tpu.memref_slice %arg6[%scatter3A_817, %scatter3A_818, %scatter3A_819] : memref<2x128x128xf32, #tpu.memory_space<vmem>> -> memref<1x128x128xf32, #tpu.memory_space<vmem>>
          %scatter3A_821 = tpu.memref_squeeze %scatter3A_820 : memref<1x128x128xf32, #tpu.memory_space<vmem>> -> memref<128x128xf32, #tpu.memory_space<vmem>>
          tpu.vector_store_idx %scatter3A_821[%add3A_134, %broadcast_in_dim3A_808], %get3A_816 : memref<128x128xf32, #tpu.memory_space<vmem>>[vector<16xi32>, vector<16xi32>], vector<16xf32>,
          %broadcast_in_dim3A_822 = arith.constant 46 : i32
          %broadcast_in_dim3A_823 = vector.broadcast %broadcast_in_dim3A_822 : i32 to vector<16xi32>
          %mul3A_824 = arith.constant 16 : i32
          %mul3A_825 = arith.muli %scan3A_130, %mul3A_824 : i32
          %get3A_826 = arith.constant 0 : i32
          %get3A_827 = arith.constant 46 : i32
          %get3A_828 = arith.index_cast %get3A_826 : i32 to index
          %get3A_829 = arith.index_cast %get3A_827 : i32 to index
          %get3A_830 = arith.index_cast %mul3A_825 : i32 to index
          %get3A_831 = tpu.vector_load %arg5[%get3A_828, %get3A_829, %get3A_830] {strides = array<i32>} : memref<2x64x128xf32, #tpu.memory_space<vmem>>, vector<16xf32>,
          %scatter3A_832 = arith.constant 0 : i32
          %scatter3A_833 = arith.constant 0 : i32
          %scatter3A_834 = arith.constant 0 : i32
          %scatter3A_835 = tpu.memref_slice %arg6[%scatter3A_832, %scatter3A_833, %scatter3A_834] : memref<2x128x128xf32, #tpu.memory_space<vmem>> -> memref<1x128x128xf32, #tpu.memory_space<vmem>>
          %scatter3A_836 = tpu.memref_squeeze %scatter3A_835 : memref<1x128x128xf32, #tpu.memory_space<vmem>> -> memref<128x128xf32, #tpu.memory_space<vmem>>
          tpu.vector_store_idx %scatter3A_836[%add3A_134, %broadcast_in_dim3A_823], %get3A_831 : memref<128x128xf32, #tpu.memory_space<vmem>>[vector<16xi32>, vector<16xi32>], vector<16xf32>,
          %broadcast_in_dim3A_837 = arith.constant 47 : i32
          %broadcast_in_dim3A_838 = vector.broadcast %broadcast_in_dim3A_837 : i32 to vector<16xi32>
          %mul3A_839 = arith.constant 16 : i32
          %mul3A_840 = arith.muli %scan3A_130, %mul3A_839 : i32
          %get3A_841 = arith.constant 0 : i32
          %get3A_842 = arith.constant 47 : i32
          %get3A_843 = arith.index_cast %get3A_841 : i32 to index
          %get3A_844 = arith.index_cast %get3A_842 : i32 to index
          %get3A_845 = arith.index_cast %mul3A_840 : i32 to index
          %get3A_846 = tpu.vector_load %arg5[%get3A_843, %get3A_844, %get3A_845] {strides = array<i32>} : memref<2x64x128xf32, #tpu.memory_space<vmem>>, vector<16xf32>,
          %scatter3A_847 = arith.constant 0 : i32
          %scatter3A_848 = arith.constant 0 : i32
          %scatter3A_849 = arith.constant 0 : i32
          %scatter3A_850 = tpu.memref_slice %arg6[%scatter3A_847, %scatter3A_848, %scatter3A_849] : memref<2x128x128xf32, #tpu.memory_space<vmem>> -> memref<1x128x128xf32, #tpu.memory_space<vmem>>
          %scatter3A_851 = tpu.memref_squeeze %scatter3A_850 : memref<1x128x128xf32, #tpu.memory_space<vmem>> -> memref<128x128xf32, #tpu.memory_space<vmem>>
          tpu.vector_store_idx %scatter3A_851[%add3A_134, %broadcast_in_dim3A_838], %get3A_846 : memref<128x128xf32, #tpu.memory_space<vmem>>[vector<16xi32>, vector<16xi32>], vector<16xf32>,
          %broadcast_in_dim3A_852 = arith.constant 48 : i32
          %broadcast_in_dim3A_853 = vector.broadcast %broadcast_in_dim3A_852 : i32 to vector<16xi32>
          %mul3A_854 = arith.constant 16 : i32
          %mul3A_855 = arith.muli %scan3A_130, %mul3A_854 : i32
          %get3A_856 = arith.constant 0 : i32
          %get3A_857 = arith.constant 48 : i32
          %get3A_858 = arith.index_cast %get3A_856 : i32 to index
          %get3A_859 = arith.index_cast %get3A_857 : i32 to index
          %get3A_860 = arith.index_cast %mul3A_855 : i32 to index
          %get3A_861 = tpu.vector_load %arg5[%get3A_858, %get3A_859, %get3A_860] {strides = array<i32>} : memref<2x64x128xf32, #tpu.memory_space<vmem>>, vector<16xf32>,
          %scatter3A_862 = arith.constant 0 : i32
          %scatter3A_863 = arith.constant 0 : i32
          %scatter3A_864 = arith.constant 0 : i32
          %scatter3A_865 = tpu.memref_slice %arg6[%scatter3A_862, %scatter3A_863, %scatter3A_864] : memref<2x128x128xf32, #tpu.memory_space<vmem>> -> memref<1x128x128xf32, #tpu.memory_space<vmem>>
          %scatter3A_866 = tpu.memref_squeeze %scatter3A_865 : memref<1x128x128xf32, #tpu.memory_space<vmem>> -> memref<128x128xf32, #tpu.memory_space<vmem>>
          tpu.vector_store_idx %scatter3A_866[%add3A_134, %broadcast_in_dim3A_853], %get3A_861 : memref<128x128xf32, #tpu.memory_space<vmem>>[vector<16xi32>, vector<16xi32>], vector<16xf32>,
          %broadcast_in_dim3A_867 = arith.constant 49 : i32
          %broadcast_in_dim3A_868 = vector.broadcast %broadcast_in_dim3A_867 : i32 to vector<16xi32>
          %mul3A_869 = arith.constant 16 : i32
          %mul3A_870 = arith.muli %scan3A_130, %mul3A_869 : i32
          %get3A_871 = arith.constant 0 : i32
          %get3A_872 = arith.constant 49 : i32
          %get3A_873 = arith.index_cast %get3A_871 : i32 to index
          %get3A_874 = arith.index_cast %get3A_872 : i32 to index
          %get3A_875 = arith.index_cast %mul3A_870 : i32 to index
          %get3A_876 = tpu.vector_load %arg5[%get3A_873, %get3A_874, %get3A_875] {strides = array<i32>} : memref<2x64x128xf32, #tpu.memory_space<vmem>>, vector<16xf32>,
          %scatter3A_877 = arith.constant 0 : i32
          %scatter3A_878 = arith.constant 0 : i32
          %scatter3A_879 = arith.constant 0 : i32
          %scatter3A_880 = tpu.memref_slice %arg6[%scatter3A_877, %scatter3A_878, %scatter3A_879] : memref<2x128x128xf32, #tpu.memory_space<vmem>> -> memref<1x128x128xf32, #tpu.memory_space<vmem>>
          %scatter3A_881 = tpu.memref_squeeze %scatter3A_880 : memref<1x128x128xf32, #tpu.memory_space<vmem>> -> memref<128x128xf32, #tpu.memory_space<vmem>>
          tpu.vector_store_idx %scatter3A_881[%add3A_134, %broadcast_in_dim3A_868], %get3A_876 : memref<128x128xf32, #tpu.memory_space<vmem>>[vector<16xi32>, vector<16xi32>], vector<16xf32>,
          %broadcast_in_dim3A_882 = arith.constant 50 : i32
          %broadcast_in_dim3A_883 = vector.broadcast %broadcast_in_dim3A_882 : i32 to vector<16xi32>
          %mul3A_884 = arith.constant 16 : i32
          %mul3A_885 = arith.muli %scan3A_130, %mul3A_884 : i32
          %get3A_886 = arith.constant 0 : i32
          %get3A_887 = arith.constant 50 : i32
          %get3A_888 = arith.index_cast %get3A_886 : i32 to index
          %get3A_889 = arith.index_cast %get3A_887 : i32 to index
          %get3A_890 = arith.index_cast %mul3A_885 : i32 to index
          %get3A_891 = tpu.vector_load %arg5[%get3A_888, %get3A_889, %get3A_890] {strides = array<i32>} : memref<2x64x128xf32, #tpu.memory_space<vmem>>, vector<16xf32>,
          %scatter3A_892 = arith.constant 0 : i32
          %scatter3A_893 = arith.constant 0 : i32
          %scatter3A_894 = arith.constant 0 : i32
          %scatter3A_895 = tpu.memref_slice %arg6[%scatter3A_892, %scatter3A_893, %scatter3A_894] : memref<2x128x128xf32, #tpu.memory_space<vmem>> -> memref<1x128x128xf32, #tpu.memory_space<vmem>>
          %scatter3A_896 = tpu.memref_squeeze %scatter3A_895 : memref<1x128x128xf32, #tpu.memory_space<vmem>> -> memref<128x128xf32, #tpu.memory_space<vmem>>
          tpu.vector_store_idx %scatter3A_896[%add3A_134, %broadcast_in_dim3A_883], %get3A_891 : memref<128x128xf32, #tpu.memory_space<vmem>>[vector<16xi32>, vector<16xi32>], vector<16xf32>,
          %broadcast_in_dim3A_897 = arith.constant 51 : i32
          %broadcast_in_dim3A_898 = vector.broadcast %broadcast_in_dim3A_897 : i32 to vector<16xi32>
          %mul3A_899 = arith.constant 16 : i32
          %mul3A_900 = arith.muli %scan3A_130, %mul3A_899 : i32
          %get3A_901 = arith.constant 0 : i32
          %get3A_902 = arith.constant 51 : i32
          %get3A_903 = arith.index_cast %get3A_901 : i32 to index
          %get3A_904 = arith.index_cast %get3A_902 : i32 to index
          %get3A_905 = arith.index_cast %mul3A_900 : i32 to index
          %get3A_906 = tpu.vector_load %arg5[%get3A_903, %get3A_904, %get3A_905] {strides = array<i32>} : memref<2x64x128xf32, #tpu.memory_space<vmem>>, vector<16xf32>,
          %scatter3A_907 = arith.constant 0 : i32
          %scatter3A_908 = arith.constant 0 : i32
          %scatter3A_909 = arith.constant 0 : i32
          %scatter3A_910 = tpu.memref_slice %arg6[%scatter3A_907, %scatter3A_908, %scatter3A_909] : memref<2x128x128xf32, #tpu.memory_space<vmem>> -> memref<1x128x128xf32, #tpu.memory_space<vmem>>
          %scatter3A_911 = tpu.memref_squeeze %scatter3A_910 : memref<1x128x128xf32, #tpu.memory_space<vmem>> -> memref<128x128xf32, #tpu.memory_space<vmem>>
          tpu.vector_store_idx %scatter3A_911[%add3A_134, %broadcast_in_dim3A_898], %get3A_906 : memref<128x128xf32, #tpu.memory_space<vmem>>[vector<16xi32>, vector<16xi32>], vector<16xf32>,
          %broadcast_in_dim3A_912 = arith.constant 52 : i32
          %broadcast_in_dim3A_913 = vector.broadcast %broadcast_in_dim3A_912 : i32 to vector<16xi32>
          %mul3A_914 = arith.constant 16 : i32
          %mul3A_915 = arith.muli %scan3A_130, %mul3A_914 : i32
          %get3A_916 = arith.constant 0 : i32
          %get3A_917 = arith.constant 52 : i32
          %get3A_918 = arith.index_cast %get3A_916 : i32 to index
          %get3A_919 = arith.index_cast %get3A_917 : i32 to index
          %get3A_920 = arith.index_cast %mul3A_915 : i32 to index
          %get3A_921 = tpu.vector_load %arg5[%get3A_918, %get3A_919, %get3A_920] {strides = array<i32>} : memref<2x64x128xf32, #tpu.memory_space<vmem>>, vector<16xf32>,
          %scatter3A_922 = arith.constant 0 : i32
          %scatter3A_923 = arith.constant 0 : i32
          %scatter3A_924 = arith.constant 0 : i32
          %scatter3A_925 = tpu.memref_slice %arg6[%scatter3A_922, %scatter3A_923, %scatter3A_924] : memref<2x128x128xf32, #tpu.memory_space<vmem>> -> memref<1x128x128xf32, #tpu.memory_space<vmem>>
          %scatter3A_926 = tpu.memref_squeeze %scatter3A_925 : memref<1x128x128xf32, #tpu.memory_space<vmem>> -> memref<128x128xf32, #tpu.memory_space<vmem>>
          tpu.vector_store_idx %scatter3A_926[%add3A_134, %broadcast_in_dim3A_913], %get3A_921 : memref<128x128xf32, #tpu.memory_space<vmem>>[vector<16xi32>, vector<16xi32>], vector<16xf32>,
          %broadcast_in_dim3A_927 = arith.constant 53 : i32
          %broadcast_in_dim3A_928 = vector.broadcast %broadcast_in_dim3A_927 : i32 to vector<16xi32>
          %mul3A_929 = arith.constant 16 : i32
          %mul3A_930 = arith.muli %scan3A_130, %mul3A_929 : i32
          %get3A_931 = arith.constant 0 : i32
          %get3A_932 = arith.constant 53 : i32
          %get3A_933 = arith.index_cast %get3A_931 : i32 to index
          %get3A_934 = arith.index_cast %get3A_932 : i32 to index
          %get3A_935 = arith.index_cast %mul3A_930 : i32 to index
          %get3A_936 = tpu.vector_load %arg5[%get3A_933, %get3A_934, %get3A_935] {strides = array<i32>} : memref<2x64x128xf32, #tpu.memory_space<vmem>>, vector<16xf32>,
          %scatter3A_937 = arith.constant 0 : i32
          %scatter3A_938 = arith.constant 0 : i32
          %scatter3A_939 = arith.constant 0 : i32
          %scatter3A_940 = tpu.memref_slice %arg6[%scatter3A_937, %scatter3A_938, %scatter3A_939] : memref<2x128x128xf32, #tpu.memory_space<vmem>> -> memref<1x128x128xf32, #tpu.memory_space<vmem>>
          %scatter3A_941 = tpu.memref_squeeze %scatter3A_940 : memref<1x128x128xf32, #tpu.memory_space<vmem>> -> memref<128x128xf32, #tpu.memory_space<vmem>>
          tpu.vector_store_idx %scatter3A_941[%add3A_134, %broadcast_in_dim3A_928], %get3A_936 : memref<128x128xf32, #tpu.memory_space<vmem>>[vector<16xi32>, vector<16xi32>], vector<16xf32>,
          %broadcast_in_dim3A_942 = arith.constant 54 : i32
          %broadcast_in_dim3A_943 = vector.broadcast %broadcast_in_dim3A_942 : i32 to vector<16xi32>
          %mul3A_944 = arith.constant 16 : i32
          %mul3A_945 = arith.muli %scan3A_130, %mul3A_944 : i32
          %get3A_946 = arith.constant 0 : i32
          %get3A_947 = arith.constant 54 : i32
          %get3A_948 = arith.index_cast %get3A_946 : i32 to index
          %get3A_949 = arith.index_cast %get3A_947 : i32 to index
          %get3A_950 = arith.index_cast %mul3A_945 : i32 to index
          %get3A_951 = tpu.vector_load %arg5[%get3A_948, %get3A_949, %get3A_950] {strides = array<i32>} : memref<2x64x128xf32, #tpu.memory_space<vmem>>, vector<16xf32>,
          %scatter3A_952 = arith.constant 0 : i32
          %scatter3A_953 = arith.constant 0 : i32
          %scatter3A_954 = arith.constant 0 : i32
          %scatter3A_955 = tpu.memref_slice %arg6[%scatter3A_952, %scatter3A_953, %scatter3A_954] : memref<2x128x128xf32, #tpu.memory_space<vmem>> -> memref<1x128x128xf32, #tpu.memory_space<vmem>>
          %scatter3A_956 = tpu.memref_squeeze %scatter3A_955 : memref<1x128x128xf32, #tpu.memory_space<vmem>> -> memref<128x128xf32, #tpu.memory_space<vmem>>
          tpu.vector_store_idx %scatter3A_956[%add3A_134, %broadcast_in_dim3A_943], %get3A_951 : memref<128x128xf32, #tpu.memory_space<vmem>>[vector<16xi32>, vector<16xi32>], vector<16xf32>,
          %broadcast_in_dim3A_957 = arith.constant 55 : i32
          %broadcast_in_dim3A_958 = vector.broadcast %broadcast_in_dim3A_957 : i32 to vector<16xi32>
          %mul3A_959 = arith.constant 16 : i32
          %mul3A_960 = arith.muli %scan3A_130, %mul3A_959 : i32
          %get3A_961 = arith.constant 0 : i32
          %get3A_962 = arith.constant 55 : i32
          %get3A_963 = arith.index_cast %get3A_961 : i32 to index
          %get3A_964 = arith.index_cast %get3A_962 : i32 to index
          %get3A_965 = arith.index_cast %mul3A_960 : i32 to index
          %get3A_966 = tpu.vector_load %arg5[%get3A_963, %get3A_964, %get3A_965] {strides = array<i32>} : memref<2x64x128xf32, #tpu.memory_space<vmem>>, vector<16xf32>,
          %scatter3A_967 = arith.constant 0 : i32
          %scatter3A_968 = arith.constant 0 : i32
          %scatter3A_969 = arith.constant 0 : i32
          %scatter3A_970 = tpu.memref_slice %arg6[%scatter3A_967, %scatter3A_968, %scatter3A_969] : memref<2x128x128xf32, #tpu.memory_space<vmem>> -> memref<1x128x128xf32, #tpu.memory_space<vmem>>
          %scatter3A_971 = tpu.memref_squeeze %scatter3A_970 : memref<1x128x128xf32, #tpu.memory_space<vmem>> -> memref<128x128xf32, #tpu.memory_space<vmem>>
          tpu.vector_store_idx %scatter3A_971[%add3A_134, %broadcast_in_dim3A_958], %get3A_966 : memref<128x128xf32, #tpu.memory_space<vmem>>[vector<16xi32>, vector<16xi32>], vector<16xf32>,
          %broadcast_in_dim3A_972 = arith.constant 56 : i32
          %broadcast_in_dim3A_973 = vector.broadcast %broadcast_in_dim3A_972 : i32 to vector<16xi32>
          %mul3A_974 = arith.constant 16 : i32
          %mul3A_975 = arith.muli %scan3A_130, %mul3A_974 : i32
          %get3A_976 = arith.constant 0 : i32
          %get3A_977 = arith.constant 56 : i32
          %get3A_978 = arith.index_cast %get3A_976 : i32 to index
          %get3A_979 = arith.index_cast %get3A_977 : i32 to index
          %get3A_980 = arith.index_cast %mul3A_975 : i32 to index
          %get3A_981 = tpu.vector_load %arg5[%get3A_978, %get3A_979, %get3A_980] {strides = array<i32>} : memref<2x64x128xf32, #tpu.memory_space<vmem>>, vector<16xf32>,
          %scatter3A_982 = arith.constant 0 : i32
          %scatter3A_983 = arith.constant 0 : i32
          %scatter3A_984 = arith.constant 0 : i32
          %scatter3A_985 = tpu.memref_slice %arg6[%scatter3A_982, %scatter3A_983, %scatter3A_984] : memref<2x128x128xf32, #tpu.memory_space<vmem>> -> memref<1x128x128xf32, #tpu.memory_space<vmem>>
          %scatter3A_986 = tpu.memref_squeeze %scatter3A_985 : memref<1x128x128xf32, #tpu.memory_space<vmem>> -> memref<128x128xf32, #tpu.memory_space<vmem>>
          tpu.vector_store_idx %scatter3A_986[%add3A_134, %broadcast_in_dim3A_973], %get3A_981 : memref<128x128xf32, #tpu.memory_space<vmem>>[vector<16xi32>, vector<16xi32>], vector<16xf32>,
          %broadcast_in_dim3A_987 = arith.constant 57 : i32
          %broadcast_in_dim3A_988 = vector.broadcast %broadcast_in_dim3A_987 : i32 to vector<16xi32>
          %mul3A_989 = arith.constant 16 : i32
          %mul3A_990 = arith.muli %scan3A_130, %mul3A_989 : i32
          %get3A_991 = arith.constant 0 : i32
          %get3A_992 = arith.constant 57 : i32
          %get3A_993 = arith.index_cast %get3A_991 : i32 to index
          %get3A_994 = arith.index_cast %get3A_992 : i32 to index
          %get3A_995 = arith.index_cast %mul3A_990 : i32 to index
          %get3A_996 = tpu.vector_load %arg5[%get3A_993, %get3A_994, %get3A_995] {strides = array<i32>} : memref<2x64x128xf32, #tpu.memory_space<vmem>>, vector<16xf32>,
          %scatter3A_997 = arith.constant 0 : i32
          %scatter3A_998 = arith.constant 0 : i32
          %scatter3A_999 = arith.constant 0 : i32
          %scatter3A_1000 = tpu.memref_slice %arg6[%scatter3A_997, %scatter3A_998, %scatter3A_999] : memref<2x128x128xf32, #tpu.memory_space<vmem>> -> memref<1x128x128xf32, #tpu.memory_space<vmem>>
          %scatter3A_1001 = tpu.memref_squeeze %scatter3A_1000 : memref<1x128x128xf32, #tpu.memory_space<vmem>> -> memref<128x128xf32, #tpu.memory_space<vmem>>
          tpu.vector_store_idx %scatter3A_1001[%add3A_134, %broadcast_in_dim3A_988], %get3A_996 : memref<128x128xf32, #tpu.memory_space<vmem>>[vector<16xi32>, vector<16xi32>], vector<16xf32>,
          %broadcast_in_dim3A_1002 = arith.constant 58 : i32
          %broadcast_in_dim3A_1003 = vector.broadcast %broadcast_in_dim3A_1002 : i32 to vector<16xi32>
          %mul3A_1004 = arith.constant 16 : i32
          %mul3A_1005 = arith.muli %scan3A_130, %mul3A_1004 : i32
          %get3A_1006 = arith.constant 0 : i32
          %get3A_1007 = arith.constant 58 : i32
          %get3A_1008 = arith.index_cast %get3A_1006 : i32 to index
          %get3A_1009 = arith.index_cast %get3A_1007 : i32 to index
          %get3A_1010 = arith.index_cast %mul3A_1005 : i32 to index
          %get3A_1011 = tpu.vector_load %arg5[%get3A_1008, %get3A_1009, %get3A_1010] {strides = array<i32>} : memref<2x64x128xf32, #tpu.memory_space<vmem>>, vector<16xf32>,
          %scatter3A_1012 = arith.constant 0 : i32
          %scatter3A_1013 = arith.constant 0 : i32
          %scatter3A_1014 = arith.constant 0 : i32
          %scatter3A_1015 = tpu.memref_slice %arg6[%scatter3A_1012, %scatter3A_1013, %scatter3A_1014] : memref<2x128x128xf32, #tpu.memory_space<vmem>> -> memref<1x128x128xf32, #tpu.memory_space<vmem>>
          %scatter3A_1016 = tpu.memref_squeeze %scatter3A_1015 : memref<1x128x128xf32, #tpu.memory_space<vmem>> -> memref<128x128xf32, #tpu.memory_space<vmem>>
          tpu.vector_store_idx %scatter3A_1016[%add3A_134, %broadcast_in_dim3A_1003], %get3A_1011 : memref<128x128xf32, #tpu.memory_space<vmem>>[vector<16xi32>, vector<16xi32>], vector<16xf32>,
          %broadcast_in_dim3A_1017 = arith.constant 59 : i32
          %broadcast_in_dim3A_1018 = vector.broadcast %broadcast_in_dim3A_1017 : i32 to vector<16xi32>
          %mul3A_1019 = arith.constant 16 : i32
          %mul3A_1020 = arith.muli %scan3A_130, %mul3A_1019 : i32
          %get3A_1021 = arith.constant 0 : i32
          %get3A_1022 = arith.constant 59 : i32
          %get3A_1023 = arith.index_cast %get3A_1021 : i32 to index
          %get3A_1024 = arith.index_cast %get3A_1022 : i32 to index
          %get3A_1025 = arith.index_cast %mul3A_1020 : i32 to index
          %get3A_1026 = tpu.vector_load %arg5[%get3A_1023, %get3A_1024, %get3A_1025] {strides = array<i32>} : memref<2x64x128xf32, #tpu.memory_space<vmem>>, vector<16xf32>,
          %scatter3A_1027 = arith.constant 0 : i32
          %scatter3A_1028 = arith.constant 0 : i32
          %scatter3A_1029 = arith.constant 0 : i32
          %scatter3A_1030 = tpu.memref_slice %arg6[%scatter3A_1027, %scatter3A_1028, %scatter3A_1029] : memref<2x128x128xf32, #tpu.memory_space<vmem>> -> memref<1x128x128xf32, #tpu.memory_space<vmem>>
          %scatter3A_1031 = tpu.memref_squeeze %scatter3A_1030 : memref<1x128x128xf32, #tpu.memory_space<vmem>> -> memref<128x128xf32, #tpu.memory_space<vmem>>
          tpu.vector_store_idx %scatter3A_1031[%add3A_134, %broadcast_in_dim3A_1018], %get3A_1026 : memref<128x128xf32, #tpu.memory_space<vmem>>[vector<16xi32>, vector<16xi32>], vector<16xf32>,
          %broadcast_in_dim3A_1032 = arith.constant 60 : i32
          %broadcast_in_dim3A_1033 = vector.broadcast %broadcast_in_dim3A_1032 : i32 to vector<16xi32>
          %mul3A_1034 = arith.constant 16 : i32
          %mul3A_1035 = arith.muli %scan3A_130, %mul3A_1034 : i32
          %get3A_1036 = arith.constant 0 : i32
          %get3A_1037 = arith.constant 60 : i32
          %get3A_1038 = arith.index_cast %get3A_1036 : i32 to index
          %get3A_1039 = arith.index_cast %get3A_1037 : i32 to index
          %get3A_1040 = arith.index_cast %mul3A_1035 : i32 to index
          %get3A_1041 = tpu.vector_load %arg5[%get3A_1038, %get3A_1039, %get3A_1040] {strides = array<i32>} : memref<2x64x128xf32, #tpu.memory_space<vmem>>, vector<16xf32>,
          %scatter3A_1042 = arith.constant 0 : i32
          %scatter3A_1043 = arith.constant 0 : i32
          %scatter3A_1044 = arith.constant 0 : i32
          %scatter3A_1045 = tpu.memref_slice %arg6[%scatter3A_1042, %scatter3A_1043, %scatter3A_1044] : memref<2x128x128xf32, #tpu.memory_space<vmem>> -> memref<1x128x128xf32, #tpu.memory_space<vmem>>
          %scatter3A_1046 = tpu.memref_squeeze %scatter3A_1045 : memref<1x128x128xf32, #tpu.memory_space<vmem>> -> memref<128x128xf32, #tpu.memory_space<vmem>>
          tpu.vector_store_idx %scatter3A_1046[%add3A_134, %broadcast_in_dim3A_1033], %get3A_1041 : memref<128x128xf32, #tpu.memory_space<vmem>>[vector<16xi32>, vector<16xi32>], vector<16xf32>,
          %broadcast_in_dim3A_1047 = arith.constant 61 : i32
          %broadcast_in_dim3A_1048 = vector.broadcast %broadcast_in_dim3A_1047 : i32 to vector<16xi32>
          %mul3A_1049 = arith.constant 16 : i32
          %mul3A_1050 = arith.muli %scan3A_130, %mul3A_1049 : i32
          %get3A_1051 = arith.constant 0 : i32
          %get3A_1052 = arith.constant 61 : i32
          %get3A_1053 = arith.index_cast %get3A_1051 : i32 to index
          %get3A_1054 = arith.index_cast %get3A_1052 : i32 to index
          %get3A_1055 = arith.index_cast %mul3A_1050 : i32 to index
          %get3A_1056 = tpu.vector_load %arg5[%get3A_1053, %get3A_1054, %get3A_1055] {strides = array<i32>} : memref<2x64x128xf32, #tpu.memory_space<vmem>>, vector<16xf32>,
          %scatter3A_1057 = arith.constant 0 : i32
          %scatter3A_1058 = arith.constant 0 : i32
          %scatter3A_1059 = arith.constant 0 : i32
          %scatter3A_1060 = tpu.memref_slice %arg6[%scatter3A_1057, %scatter3A_1058, %scatter3A_1059] : memref<2x128x128xf32, #tpu.memory_space<vmem>> -> memref<1x128x128xf32, #tpu.memory_space<vmem>>
          %scatter3A_1061 = tpu.memref_squeeze %scatter3A_1060 : memref<1x128x128xf32, #tpu.memory_space<vmem>> -> memref<128x128xf32, #tpu.memory_space<vmem>>
          tpu.vector_store_idx %scatter3A_1061[%add3A_134, %broadcast_in_dim3A_1048], %get3A_1056 : memref<128x128xf32, #tpu.memory_space<vmem>>[vector<16xi32>, vector<16xi32>], vector<16xf32>,
          %broadcast_in_dim3A_1062 = arith.constant 62 : i32
          %broadcast_in_dim3A_1063 = vector.broadcast %broadcast_in_dim3A_1062 : i32 to vector<16xi32>
          %mul3A_1064 = arith.constant 16 : i32
          %mul3A_1065 = arith.muli %scan3A_130, %mul3A_1064 : i32
          %get3A_1066 = arith.constant 0 : i32
          %get3A_1067 = arith.constant 62 : i32
          %get3A_1068 = arith.index_cast %get3A_1066 : i32 to index
          %get3A_1069 = arith.index_cast %get3A_1067 : i32 to index
          %get3A_1070 = arith.index_cast %mul3A_1065 : i32 to index
          %get3A_1071 = tpu.vector_load %arg5[%get3A_1068, %get3A_1069, %get3A_1070] {strides = array<i32>} : memref<2x64x128xf32, #tpu.memory_space<vmem>>, vector<16xf32>,
          %scatter3A_1072 = arith.constant 0 : i32
          %scatter3A_1073 = arith.constant 0 : i32
          %scatter3A_1074 = arith.constant 0 : i32
          %scatter3A_1075 = tpu.memref_slice %arg6[%scatter3A_1072, %scatter3A_1073, %scatter3A_1074] : memref<2x128x128xf32, #tpu.memory_space<vmem>> -> memref<1x128x128xf32, #tpu.memory_space<vmem>>
          %scatter3A_1076 = tpu.memref_squeeze %scatter3A_1075 : memref<1x128x128xf32, #tpu.memory_space<vmem>> -> memref<128x128xf32, #tpu.memory_space<vmem>>
          tpu.vector_store_idx %scatter3A_1076[%add3A_134, %broadcast_in_dim3A_1063], %get3A_1071 : memref<128x128xf32, #tpu.memory_space<vmem>>[vector<16xi32>, vector<16xi32>], vector<16xf32>,
          %broadcast_in_dim3A_1077 = arith.constant 63 : i32
          %broadcast_in_dim3A_1078 = vector.broadcast %broadcast_in_dim3A_1077 : i32 to vector<16xi32>
          %mul3A_1079 = arith.constant 16 : i32
          %mul3A_1080 = arith.muli %scan3A_130, %mul3A_1079 : i32
          %get3A_1081 = arith.constant 0 : i32
          %get3A_1082 = arith.constant 63 : i32
          %get3A_1083 = arith.index_cast %get3A_1081 : i32 to index
          %get3A_1084 = arith.index_cast %get3A_1082 : i32 to index
          %get3A_1085 = arith.index_cast %mul3A_1080 : i32 to index
          %get3A_1086 = tpu.vector_load %arg5[%get3A_1083, %get3A_1084, %get3A_1085] {strides = array<i32>} : memref<2x64x128xf32, #tpu.memory_space<vmem>>, vector<16xf32>,
          %scatter3A_1087 = arith.constant 0 : i32
          %scatter3A_1088 = arith.constant 0 : i32
          %scatter3A_1089 = arith.constant 0 : i32
          %scatter3A_1090 = tpu.memref_slice %arg6[%scatter3A_1087, %scatter3A_1088, %scatter3A_1089] : memref<2x128x128xf32, #tpu.memory_space<vmem>> -> memref<1x128x128xf32, #tpu.memory_space<vmem>>
          %scatter3A_1091 = tpu.memref_squeeze %scatter3A_1090 : memref<1x128x128xf32, #tpu.memory_space<vmem>> -> memref<128x128xf32, #tpu.memory_space<vmem>>
          tpu.vector_store_idx %scatter3A_1091[%add3A_134, %broadcast_in_dim3A_1078], %get3A_1086 : memref<128x128xf32, #tpu.memory_space<vmem>>[vector<16xi32>, vector<16xi32>], vector<16xf32>,
        }
        %scan3A_111 = arith.constant 8 : i32
        %mul3A_112 = arith.constant 32 : i32
        %mul3A_113 = arith.muli %add3A_57, %mul3A_112 : i32
        %add3A_114 = arith.addi %add3A, %mul3A_113 : i32
        %mul3A_115 = arith.constant 128 : i32
        %mul3A_116 = arith.muli %add3A_114, %mul3A_115 : i32
        %dma_start3A_117 = arith.constant 0 : i32
        %dma_start3A_118 = arith.constant 0 : i32
        %dma_start3A_119 = arith.constant 0 : i32
        %dma_start3A_120 = tpu.memref_slice %arg6[%dma_start3A_117, %dma_start3A_118, %dma_start3A_119] : memref<2x128x128xf32, #tpu.memory_space<vmem>> -> memref<1x128x128xf32, #tpu.memory_space<vmem>>
        %dma_start3A_121 = tpu.memref_squeeze %dma_start3A_120 : memref<1x128x128xf32, #tpu.memory_space<vmem>> -> memref<128x128xf32, #tpu.memory_space<vmem>>
        %dma_start3A_122 = arith.constant 0 : i32
        %dma_start3A_123 = tpu.memref_slice %arg4[%mul3A_116, %dma_start3A_122] : memref<1000000x128xf32, #tpu.memory_space<hbm>> -> memref<128x128xf32, #tpu.memory_space<hbm>>
        %dma_start3A_124 = arith.constant 0 : i32
        %dma_start3A_125 = tpu.memref_slice %arg4[%mul3A_116, %dma_start3A_124] : memref<1000000x128xf32, #tpu.memory_space<hbm>> -> memref<128x128xf32, #tpu.memory_space<hbm>>
        %dma_start3A_126 = arith.constant 0 : i32
        %dma_start3A_127 = arith.constant 0 : i32
        %dma_start3A_128 = tpu.memref_slice %arg6[%dma_start3A_117, %dma_start3A_126, %dma_start3A_127] : memref<2x128x128xf32, #tpu.memory_space<vmem>> -> memref<1x128x128xf32, #tpu.memory_space<vmem>>
        %dma_start3A_129 = tpu.memref_squeeze %dma_start3A_128 : memref<1x128x128xf32, #tpu.memory_space<vmem>> -> memref<128x128xf32, #tpu.memory_space<vmem>>
        tpu.enqueue_dma source(%dma_start3A_129 : memref<128x128xf32, #tpu.memory_space<vmem>>) target(%dma_start3A_125 : memref<128x128xf32, #tpu.memory_space<hbm>>) target_semaphore(%arg9 : memref<!tpu.dma_semaphore, #tpu.memory_space<semaphore_mem>>)
      } else {
      }
      %mul3A_65 = arith.constant 2 : i32
      %mul3A_66 = arith.muli %mul3A_65, %scan3A_53 : i32
      %add3A_67 = arith.constant 1 : i32
      %add3A_68 = arith.addi %mul3A_66, %add3A_67 : i32
      %mul3A_69 = arith.constant 32 : i32
      %mul3A_70 = arith.muli %add3A_68, %mul3A_69 : i32
      %add3A_71 = arith.addi %add3A, %mul3A_70 : i32
      %lt3A_72 = arith.constant 7812 : i32
      %lt3A_73 = arith.cmpi slt, %add3A_71, %lt3A_72 : i32
      %convert_element_type3A_74 = arith.extui %lt3A_73 : i1 to i32
      %cond3A_75 = arith.constant 0 : i32
      %cond3A_76 = arith.cmpi ne, %convert_element_type3A_74, %cond3A_75 : i32
      scf.if %cond3A_76 {
        %dma_wait3A_77 = arith.constant 1 : i32
        %dma_wait3A_78 = arith.constant 0 : i32
        %dma_wait3A_79 = arith.constant 0 : i32
        %dma_wait3A_80 = tpu.memref_slice %arg5[%dma_wait3A_77, %dma_wait3A_78, %dma_wait3A_79] : memref<2x64x128xf32, #tpu.memory_space<vmem>> -> memref<1x64x128xf32, #tpu.memory_space<vmem>>
        %dma_wait3A_81 = tpu.memref_squeeze %dma_wait3A_80 : memref<1x64x128xf32, #tpu.memory_space<vmem>> -> memref<64x128xf32, #tpu.memory_space<vmem>>
        %dma_wait3A_82 = arith.constant 0 : i32
        %dma_wait3A_83 = arith.constant 0 : i32
        %dma_wait3A_84 = tpu.memref_slice %arg2[%dma_wait3A_82, %dma_wait3A_83] : memref<64x1000000xf32, #tpu.memory_space<hbm>> -> memref<64x128xf32, #tpu.memory_space<hbm>>
        %dma_wait3A_85 = arith.constant 0 : i32
        %dma_wait3A_86 = arith.constant 0 : i32
        %dma_wait3A_87 = tpu.memref_slice %arg5[%dma_wait3A_77, %dma_wait3A_85, %dma_wait3A_86] : memref<2x64x128xf32, #tpu.memory_space<vmem>> -> memref<1x64x128xf32, #tpu.memory_space<vmem>>
        %dma_wait3A_88 = tpu.memref_squeeze %dma_wait3A_87 : memref<1x64x128xf32, #tpu.memory_space<vmem>> -> memref<64x128xf32, #tpu.memory_space<vmem>>
        %dma_wait3A_89 = arith.constant 0 : i32
        %dma_wait3A_90 = arith.constant 0 : i32
        %dma_wait3A_91 = tpu.memref_slice %arg2[%dma_wait3A_89, %dma_wait3A_90] : memref<64x1000000xf32, #tpu.memory_space<hbm>> -> memref<64x128xf32, #tpu.memory_space<hbm>>
        tpu.wait_dma2 semaphore(%arg8 : memref<!tpu.dma_semaphore, #tpu.memory_space<semaphore_mem>>) src(%dma_wait3A_91 : memref<64x128xf32, #tpu.memory_space<hbm>>) dst(%dma_wait3A_88 : memref<64x128xf32, #tpu.memory_space<vmem>>)
        %add3A_92 = arith.constant 1 : i32
        %add3A_93 = arith.addi %add3A_68, %add3A_92 : i32
        %mul3A_94 = arith.constant 32 : i32
        %mul3A_95 = arith.muli %add3A_93, %mul3A_94 : i32
        %add3A_96 = arith.addi %add3A, %mul3A_95 : i32
        %lt3A_97 = arith.constant 7812 : i32
        %lt3A_98 = arith.cmpi slt, %add3A_96, %lt3A_97 : i32
        %convert_element_type3A_99 = arith.extui %lt3A_98 : i1 to i32
        %cond3A_100 = arith.constant 0 : i32
        %cond3A_101 = arith.cmpi ne, %convert_element_type3A_99, %cond3A_100 : i32
        scf.if %cond3A_101 {
          %add3A_130 = arith.constant 1 : i32
          %add3A_131 = arith.addi %add3A_68, %add3A_130 : i32
          %mul3A_132 = arith.constant 32 : i32
          %mul3A_133 = arith.muli %add3A_131, %mul3A_132 : i32
          %add3A_134 = arith.addi %add3A, %mul3A_133 : i32
          %mul3A_135 = arith.constant 128 : i32
          %mul3A_136 = arith.muli %add3A_134, %mul3A_135 : i32
          %dma_start3A_137 = arith.constant 0 : i32
          %dma_start3A_138 = arith.constant 0 : i32
          %dma_start3A_139 = arith.constant 0 : i32
          %dma_start3A_140 = tpu.memref_slice %arg5[%dma_start3A_137, %dma_start3A_138, %dma_start3A_139] : memref<2x64x128xf32, #tpu.memory_space<vmem>> -> memref<1x64x128xf32, #tpu.memory_space<vmem>>
          %dma_start3A_141 = tpu.memref_squeeze %dma_start3A_140 : memref<1x64x128xf32, #tpu.memory_space<vmem>> -> memref<64x128xf32, #tpu.memory_space<vmem>>
          %dma_start3A_142 = arith.constant 0 : i32
          %dma_start3A_143 = tpu.memref_slice %arg2[%dma_start3A_142, %mul3A_136] : memref<64x1000000xf32, #tpu.memory_space<hbm>> -> memref<64x128xf32, #tpu.memory_space<hbm>>
          %dma_start3A_144 = arith.constant 0 : i32
          %dma_start3A_145 = arith.constant 0 : i32
          %dma_start3A_146 = tpu.memref_slice %arg5[%dma_start3A_137, %dma_start3A_144, %dma_start3A_145] : memref<2x64x128xf32, #tpu.memory_space<vmem>> -> memref<1x64x128xf32, #tpu.memory_space<vmem>>
          %dma_start3A_147 = tpu.memref_squeeze %dma_start3A_146 : memref<1x64x128xf32, #tpu.memory_space<vmem>> -> memref<64x128xf32, #tpu.memory_space<vmem>>
          %dma_start3A_148 = arith.constant 0 : i32
          %dma_start3A_149 = tpu.memref_slice %arg2[%dma_start3A_148, %mul3A_136] : memref<64x1000000xf32, #tpu.memory_space<hbm>> -> memref<64x128xf32, #tpu.memory_space<hbm>>
          tpu.enqueue_dma source(%dma_start3A_149 : memref<64x128xf32, #tpu.memory_space<hbm>>) target(%dma_start3A_147 : memref<64x128xf32, #tpu.memory_space<vmem>>) target_semaphore(%arg7 : memref<!tpu.dma_semaphore, #tpu.memory_space<semaphore_mem>>)
        } else {
        }
        %ge3A = arith.constant 2 : i32
        %ge3A_102 = arith.cmpi sge, %add3A_68, %ge3A : i32
        %convert_element_type3A_103 = arith.extui %ge3A_102 : i1 to i32
        %cond3A_104 = arith.constant 0 : i32
        %cond3A_105 = arith.cmpi ne, %convert_element_type3A_103, %cond3A_104 : i32
        scf.if %cond3A_105 {
          %dma_wait3A_130 = arith.constant 1 : i32
          %dma_wait3A_131 = arith.constant 0 : i32
          %dma_wait3A_132 = arith.constant 0 : i32
          %dma_wait3A_133 = tpu.memref_slice %arg6[%dma_wait3A_130, %dma_wait3A_131, %dma_wait3A_132] : memref<2x128x128xf32, #tpu.memory_space<vmem>> -> memref<1x128x128xf32, #tpu.memory_space<vmem>>
          %dma_wait3A_134 = tpu.memref_squeeze %dma_wait3A_133 : memref<1x128x128xf32, #tpu.memory_space<vmem>> -> memref<128x128xf32, #tpu.memory_space<vmem>>
          %dma_wait3A_135 = arith.constant 0 : i32
          %dma_wait3A_136 = arith.constant 0 : i32
          %dma_wait3A_137 = tpu.memref_slice %arg4[%dma_wait3A_135, %dma_wait3A_136] : memref<1000000x128xf32, #tpu.memory_space<hbm>> -> memref<128x128xf32, #tpu.memory_space<hbm>>
          %dma_wait3A_138 = arith.constant 0 : i32
          %dma_wait3A_139 = arith.constant 0 : i32
          %dma_wait3A_140 = tpu.memref_slice %arg4[%dma_wait3A_138, %dma_wait3A_139] : memref<1000000x128xf32, #tpu.memory_space<hbm>> -> memref<128x128xf32, #tpu.memory_space<hbm>>
          %dma_wait3A_141 = arith.constant 0 : i32
          %dma_wait3A_142 = arith.constant 0 : i32
          %dma_wait3A_143 = tpu.memref_slice %arg6[%dma_wait3A_130, %dma_wait3A_141, %dma_wait3A_142] : memref<2x128x128xf32, #tpu.memory_space<vmem>> -> memref<1x128x128xf32, #tpu.memory_space<vmem>>
          %dma_wait3A_144 = tpu.memref_squeeze %dma_wait3A_143 : memref<1x128x128xf32, #tpu.memory_space<vmem>> -> memref<128x128xf32, #tpu.memory_space<vmem>>
          tpu.wait_dma2 semaphore(%arg10 : memref<!tpu.dma_semaphore, #tpu.memory_space<semaphore_mem>>) src(%dma_wait3A_144 : memref<128x128xf32, #tpu.memory_space<vmem>>) dst(%dma_wait3A_140 : memref<128x128xf32, #tpu.memory_space<hbm>>)
        } else {
        }
        %scan3A_106 = arith.constant 0 : i32
        %scan3A_107 = arith.constant 0 : i32
        %scan3A_108 = arith.constant 8 : i32
        %scan3A_109 = arith.addi %scan3A_107, %scan3A_108 : i32
        %scan3A_110 = arith.constant 1 : i32
        scf.for %scan3A_130 = %scan3A_107 to %scan3A_109 step %scan3A_110  : i32 {
          %mul3A_131 = arith.constant 16 : i32
          %mul3A_132 = arith.muli %scan3A_130, %mul3A_131 : i32
          %add3A_133 = vector.broadcast %mul3A_132 : i32 to vector<16xi32>
          %add3A_134 = arith.addi %add3A_133, %iota3A : vector<16xi32>
          %broadcast_in_dim3A = arith.constant 0 : i32
          %broadcast_in_dim3A_135 = vector.broadcast %broadcast_in_dim3A : i32 to vector<16xi32>
          %mul3A_136 = arith.constant 16 : i32
          %mul3A_137 = arith.muli %scan3A_130, %mul3A_136 : i32
          %get3A = arith.constant 1 : i32
          %get3A_138 = arith.constant 0 : i32
          %get3A_139 = arith.index_cast %get3A : i32 to index
          %get3A_140 = arith.index_cast %get3A_138 : i32 to index
          %get3A_141 = arith.index_cast %mul3A_137 : i32 to index
          %get3A_142 = tpu.vector_load %arg5[%get3A_139, %get3A_140, %get3A_141] {strides = array<i32>} : memref<2x64x128xf32, #tpu.memory_space<vmem>>, vector<16xf32>,
          %scatter3A = arith.constant 1 : i32
          %scatter3A_143 = arith.constant 0 : i32
          %scatter3A_144 = arith.constant 0 : i32
          %scatter3A_145 = tpu.memref_slice %arg6[%scatter3A, %scatter3A_143, %scatter3A_144] : memref<2x128x128xf32, #tpu.memory_space<vmem>> -> memref<1x128x128xf32, #tpu.memory_space<vmem>>
          %scatter3A_146 = tpu.memref_squeeze %scatter3A_145 : memref<1x128x128xf32, #tpu.memory_space<vmem>> -> memref<128x128xf32, #tpu.memory_space<vmem>>
          tpu.vector_store_idx %scatter3A_146[%add3A_134, %broadcast_in_dim3A_135], %get3A_142 : memref<128x128xf32, #tpu.memory_space<vmem>>[vector<16xi32>, vector<16xi32>], vector<16xf32>,
          %broadcast_in_dim3A_147 = arith.constant 1 : i32
          %broadcast_in_dim3A_148 = vector.broadcast %broadcast_in_dim3A_147 : i32 to vector<16xi32>
          %mul3A_149 = arith.constant 16 : i32
          %mul3A_150 = arith.muli %scan3A_130, %mul3A_149 : i32
          %get3A_151 = arith.constant 1 : i32
          %get3A_152 = arith.constant 1 : i32
          %get3A_153 = arith.index_cast %get3A_151 : i32 to index
          %get3A_154 = arith.index_cast %get3A_152 : i32 to index
          %get3A_155 = arith.index_cast %mul3A_150 : i32 to index
          %get3A_156 = tpu.vector_load %arg5[%get3A_153, %get3A_154, %get3A_155] {strides = array<i32>} : memref<2x64x128xf32, #tpu.memory_space<vmem>>, vector<16xf32>,
          %scatter3A_157 = arith.constant 1 : i32
          %scatter3A_158 = arith.constant 0 : i32
          %scatter3A_159 = arith.constant 0 : i32
          %scatter3A_160 = tpu.memref_slice %arg6[%scatter3A_157, %scatter3A_158, %scatter3A_159] : memref<2x128x128xf32, #tpu.memory_space<vmem>> -> memref<1x128x128xf32, #tpu.memory_space<vmem>>
          %scatter3A_161 = tpu.memref_squeeze %scatter3A_160 : memref<1x128x128xf32, #tpu.memory_space<vmem>> -> memref<128x128xf32, #tpu.memory_space<vmem>>
          tpu.vector_store_idx %scatter3A_161[%add3A_134, %broadcast_in_dim3A_148], %get3A_156 : memref<128x128xf32, #tpu.memory_space<vmem>>[vector<16xi32>, vector<16xi32>], vector<16xf32>,
          %broadcast_in_dim3A_162 = arith.constant 2 : i32
          %broadcast_in_dim3A_163 = vector.broadcast %broadcast_in_dim3A_162 : i32 to vector<16xi32>
          %mul3A_164 = arith.constant 16 : i32
          %mul3A_165 = arith.muli %scan3A_130, %mul3A_164 : i32
          %get3A_166 = arith.constant 1 : i32
          %get3A_167 = arith.constant 2 : i32
          %get3A_168 = arith.index_cast %get3A_166 : i32 to index
          %get3A_169 = arith.index_cast %get3A_167 : i32 to index
          %get3A_170 = arith.index_cast %mul3A_165 : i32 to index
          %get3A_171 = tpu.vector_load %arg5[%get3A_168, %get3A_169, %get3A_170] {strides = array<i32>} : memref<2x64x128xf32, #tpu.memory_space<vmem>>, vector<16xf32>,
          %scatter3A_172 = arith.constant 1 : i32
          %scatter3A_173 = arith.constant 0 : i32
          %scatter3A_174 = arith.constant 0 : i32
          %scatter3A_175 = tpu.memref_slice %arg6[%scatter3A_172, %scatter3A_173, %scatter3A_174] : memref<2x128x128xf32, #tpu.memory_space<vmem>> -> memref<1x128x128xf32, #tpu.memory_space<vmem>>
          %scatter3A_176 = tpu.memref_squeeze %scatter3A_175 : memref<1x128x128xf32, #tpu.memory_space<vmem>> -> memref<128x128xf32, #tpu.memory_space<vmem>>
          tpu.vector_store_idx %scatter3A_176[%add3A_134, %broadcast_in_dim3A_163], %get3A_171 : memref<128x128xf32, #tpu.memory_space<vmem>>[vector<16xi32>, vector<16xi32>], vector<16xf32>,
          %broadcast_in_dim3A_177 = arith.constant 3 : i32
          %broadcast_in_dim3A_178 = vector.broadcast %broadcast_in_dim3A_177 : i32 to vector<16xi32>
          %mul3A_179 = arith.constant 16 : i32
          %mul3A_180 = arith.muli %scan3A_130, %mul3A_179 : i32
          %get3A_181 = arith.constant 1 : i32
          %get3A_182 = arith.constant 3 : i32
          %get3A_183 = arith.index_cast %get3A_181 : i32 to index
          %get3A_184 = arith.index_cast %get3A_182 : i32 to index
          %get3A_185 = arith.index_cast %mul3A_180 : i32 to index
          %get3A_186 = tpu.vector_load %arg5[%get3A_183, %get3A_184, %get3A_185] {strides = array<i32>} : memref<2x64x128xf32, #tpu.memory_space<vmem>>, vector<16xf32>,
          %scatter3A_187 = arith.constant 1 : i32
          %scatter3A_188 = arith.constant 0 : i32
          %scatter3A_189 = arith.constant 0 : i32
          %scatter3A_190 = tpu.memref_slice %arg6[%scatter3A_187, %scatter3A_188, %scatter3A_189] : memref<2x128x128xf32, #tpu.memory_space<vmem>> -> memref<1x128x128xf32, #tpu.memory_space<vmem>>
          %scatter3A_191 = tpu.memref_squeeze %scatter3A_190 : memref<1x128x128xf32, #tpu.memory_space<vmem>> -> memref<128x128xf32, #tpu.memory_space<vmem>>
          tpu.vector_store_idx %scatter3A_191[%add3A_134, %broadcast_in_dim3A_178], %get3A_186 : memref<128x128xf32, #tpu.memory_space<vmem>>[vector<16xi32>, vector<16xi32>], vector<16xf32>,
          %broadcast_in_dim3A_192 = arith.constant 4 : i32
          %broadcast_in_dim3A_193 = vector.broadcast %broadcast_in_dim3A_192 : i32 to vector<16xi32>
          %mul3A_194 = arith.constant 16 : i32
          %mul3A_195 = arith.muli %scan3A_130, %mul3A_194 : i32
          %get3A_196 = arith.constant 1 : i32
          %get3A_197 = arith.constant 4 : i32
          %get3A_198 = arith.index_cast %get3A_196 : i32 to index
          %get3A_199 = arith.index_cast %get3A_197 : i32 to index
          %get3A_200 = arith.index_cast %mul3A_195 : i32 to index
          %get3A_201 = tpu.vector_load %arg5[%get3A_198, %get3A_199, %get3A_200] {strides = array<i32>} : memref<2x64x128xf32, #tpu.memory_space<vmem>>, vector<16xf32>,
          %scatter3A_202 = arith.constant 1 : i32
          %scatter3A_203 = arith.constant 0 : i32
          %scatter3A_204 = arith.constant 0 : i32
          %scatter3A_205 = tpu.memref_slice %arg6[%scatter3A_202, %scatter3A_203, %scatter3A_204] : memref<2x128x128xf32, #tpu.memory_space<vmem>> -> memref<1x128x128xf32, #tpu.memory_space<vmem>>
          %scatter3A_206 = tpu.memref_squeeze %scatter3A_205 : memref<1x128x128xf32, #tpu.memory_space<vmem>> -> memref<128x128xf32, #tpu.memory_space<vmem>>
          tpu.vector_store_idx %scatter3A_206[%add3A_134, %broadcast_in_dim3A_193], %get3A_201 : memref<128x128xf32, #tpu.memory_space<vmem>>[vector<16xi32>, vector<16xi32>], vector<16xf32>,
          %broadcast_in_dim3A_207 = arith.constant 5 : i32
          %broadcast_in_dim3A_208 = vector.broadcast %broadcast_in_dim3A_207 : i32 to vector<16xi32>
          %mul3A_209 = arith.constant 16 : i32
          %mul3A_210 = arith.muli %scan3A_130, %mul3A_209 : i32
          %get3A_211 = arith.constant 1 : i32
          %get3A_212 = arith.constant 5 : i32
          %get3A_213 = arith.index_cast %get3A_211 : i32 to index
          %get3A_214 = arith.index_cast %get3A_212 : i32 to index
          %get3A_215 = arith.index_cast %mul3A_210 : i32 to index
          %get3A_216 = tpu.vector_load %arg5[%get3A_213, %get3A_214, %get3A_215] {strides = array<i32>} : memref<2x64x128xf32, #tpu.memory_space<vmem>>, vector<16xf32>,
          %scatter3A_217 = arith.constant 1 : i32
          %scatter3A_218 = arith.constant 0 : i32
          %scatter3A_219 = arith.constant 0 : i32
          %scatter3A_220 = tpu.memref_slice %arg6[%scatter3A_217, %scatter3A_218, %scatter3A_219] : memref<2x128x128xf32, #tpu.memory_space<vmem>> -> memref<1x128x128xf32, #tpu.memory_space<vmem>>
          %scatter3A_221 = tpu.memref_squeeze %scatter3A_220 : memref<1x128x128xf32, #tpu.memory_space<vmem>> -> memref<128x128xf32, #tpu.memory_space<vmem>>
          tpu.vector_store_idx %scatter3A_221[%add3A_134, %broadcast_in_dim3A_208], %get3A_216 : memref<128x128xf32, #tpu.memory_space<vmem>>[vector<16xi32>, vector<16xi32>], vector<16xf32>,
          %broadcast_in_dim3A_222 = arith.constant 6 : i32
          %broadcast_in_dim3A_223 = vector.broadcast %broadcast_in_dim3A_222 : i32 to vector<16xi32>
          %mul3A_224 = arith.constant 16 : i32
          %mul3A_225 = arith.muli %scan3A_130, %mul3A_224 : i32
          %get3A_226 = arith.constant 1 : i32
          %get3A_227 = arith.constant 6 : i32
          %get3A_228 = arith.index_cast %get3A_226 : i32 to index
          %get3A_229 = arith.index_cast %get3A_227 : i32 to index
          %get3A_230 = arith.index_cast %mul3A_225 : i32 to index
          %get3A_231 = tpu.vector_load %arg5[%get3A_228, %get3A_229, %get3A_230] {strides = array<i32>} : memref<2x64x128xf32, #tpu.memory_space<vmem>>, vector<16xf32>,
          %scatter3A_232 = arith.constant 1 : i32
          %scatter3A_233 = arith.constant 0 : i32
          %scatter3A_234 = arith.constant 0 : i32
          %scatter3A_235 = tpu.memref_slice %arg6[%scatter3A_232, %scatter3A_233, %scatter3A_234] : memref<2x128x128xf32, #tpu.memory_space<vmem>> -> memref<1x128x128xf32, #tpu.memory_space<vmem>>
          %scatter3A_236 = tpu.memref_squeeze %scatter3A_235 : memref<1x128x128xf32, #tpu.memory_space<vmem>> -> memref<128x128xf32, #tpu.memory_space<vmem>>
          tpu.vector_store_idx %scatter3A_236[%add3A_134, %broadcast_in_dim3A_223], %get3A_231 : memref<128x128xf32, #tpu.memory_space<vmem>>[vector<16xi32>, vector<16xi32>], vector<16xf32>,
          %broadcast_in_dim3A_237 = arith.constant 7 : i32
          %broadcast_in_dim3A_238 = vector.broadcast %broadcast_in_dim3A_237 : i32 to vector<16xi32>
          %mul3A_239 = arith.constant 16 : i32
          %mul3A_240 = arith.muli %scan3A_130, %mul3A_239 : i32
          %get3A_241 = arith.constant 1 : i32
          %get3A_242 = arith.constant 7 : i32
          %get3A_243 = arith.index_cast %get3A_241 : i32 to index
          %get3A_244 = arith.index_cast %get3A_242 : i32 to index
          %get3A_245 = arith.index_cast %mul3A_240 : i32 to index
          %get3A_246 = tpu.vector_load %arg5[%get3A_243, %get3A_244, %get3A_245] {strides = array<i32>} : memref<2x64x128xf32, #tpu.memory_space<vmem>>, vector<16xf32>,
          %scatter3A_247 = arith.constant 1 : i32
          %scatter3A_248 = arith.constant 0 : i32
          %scatter3A_249 = arith.constant 0 : i32
          %scatter3A_250 = tpu.memref_slice %arg6[%scatter3A_247, %scatter3A_248, %scatter3A_249] : memref<2x128x128xf32, #tpu.memory_space<vmem>> -> memref<1x128x128xf32, #tpu.memory_space<vmem>>
          %scatter3A_251 = tpu.memref_squeeze %scatter3A_250 : memref<1x128x128xf32, #tpu.memory_space<vmem>> -> memref<128x128xf32, #tpu.memory_space<vmem>>
          tpu.vector_store_idx %scatter3A_251[%add3A_134, %broadcast_in_dim3A_238], %get3A_246 : memref<128x128xf32, #tpu.memory_space<vmem>>[vector<16xi32>, vector<16xi32>], vector<16xf32>,
          %broadcast_in_dim3A_252 = arith.constant 8 : i32
          %broadcast_in_dim3A_253 = vector.broadcast %broadcast_in_dim3A_252 : i32 to vector<16xi32>
          %mul3A_254 = arith.constant 16 : i32
          %mul3A_255 = arith.muli %scan3A_130, %mul3A_254 : i32
          %get3A_256 = arith.constant 1 : i32
          %get3A_257 = arith.constant 8 : i32
          %get3A_258 = arith.index_cast %get3A_256 : i32 to index
          %get3A_259 = arith.index_cast %get3A_257 : i32 to index
          %get3A_260 = arith.index_cast %mul3A_255 : i32 to index
          %get3A_261 = tpu.vector_load %arg5[%get3A_258, %get3A_259, %get3A_260] {strides = array<i32>} : memref<2x64x128xf32, #tpu.memory_space<vmem>>, vector<16xf32>,
          %scatter3A_262 = arith.constant 1 : i32
          %scatter3A_263 = arith.constant 0 : i32
          %scatter3A_264 = arith.constant 0 : i32
          %scatter3A_265 = tpu.memref_slice %arg6[%scatter3A_262, %scatter3A_263, %scatter3A_264] : memref<2x128x128xf32, #tpu.memory_space<vmem>> -> memref<1x128x128xf32, #tpu.memory_space<vmem>>
          %scatter3A_266 = tpu.memref_squeeze %scatter3A_265 : memref<1x128x128xf32, #tpu.memory_space<vmem>> -> memref<128x128xf32, #tpu.memory_space<vmem>>
          tpu.vector_store_idx %scatter3A_266[%add3A_134, %broadcast_in_dim3A_253], %get3A_261 : memref<128x128xf32, #tpu.memory_space<vmem>>[vector<16xi32>, vector<16xi32>], vector<16xf32>,
          %broadcast_in_dim3A_267 = arith.constant 9 : i32
          %broadcast_in_dim3A_268 = vector.broadcast %broadcast_in_dim3A_267 : i32 to vector<16xi32>
          %mul3A_269 = arith.constant 16 : i32
          %mul3A_270 = arith.muli %scan3A_130, %mul3A_269 : i32
          %get3A_271 = arith.constant 1 : i32
          %get3A_272 = arith.constant 9 : i32
          %get3A_273 = arith.index_cast %get3A_271 : i32 to index
          %get3A_274 = arith.index_cast %get3A_272 : i32 to index
          %get3A_275 = arith.index_cast %mul3A_270 : i32 to index
          %get3A_276 = tpu.vector_load %arg5[%get3A_273, %get3A_274, %get3A_275] {strides = array<i32>} : memref<2x64x128xf32, #tpu.memory_space<vmem>>, vector<16xf32>,
          %scatter3A_277 = arith.constant 1 : i32
          %scatter3A_278 = arith.constant 0 : i32
          %scatter3A_279 = arith.constant 0 : i32
          %scatter3A_280 = tpu.memref_slice %arg6[%scatter3A_277, %scatter3A_278, %scatter3A_279] : memref<2x128x128xf32, #tpu.memory_space<vmem>> -> memref<1x128x128xf32, #tpu.memory_space<vmem>>
          %scatter3A_281 = tpu.memref_squeeze %scatter3A_280 : memref<1x128x128xf32, #tpu.memory_space<vmem>> -> memref<128x128xf32, #tpu.memory_space<vmem>>
          tpu.vector_store_idx %scatter3A_281[%add3A_134, %broadcast_in_dim3A_268], %get3A_276 : memref<128x128xf32, #tpu.memory_space<vmem>>[vector<16xi32>, vector<16xi32>], vector<16xf32>,
          %broadcast_in_dim3A_282 = arith.constant 10 : i32
          %broadcast_in_dim3A_283 = vector.broadcast %broadcast_in_dim3A_282 : i32 to vector<16xi32>
          %mul3A_284 = arith.constant 16 : i32
          %mul3A_285 = arith.muli %scan3A_130, %mul3A_284 : i32
          %get3A_286 = arith.constant 1 : i32
          %get3A_287 = arith.constant 10 : i32
          %get3A_288 = arith.index_cast %get3A_286 : i32 to index
          %get3A_289 = arith.index_cast %get3A_287 : i32 to index
          %get3A_290 = arith.index_cast %mul3A_285 : i32 to index
          %get3A_291 = tpu.vector_load %arg5[%get3A_288, %get3A_289, %get3A_290] {strides = array<i32>} : memref<2x64x128xf32, #tpu.memory_space<vmem>>, vector<16xf32>,
          %scatter3A_292 = arith.constant 1 : i32
          %scatter3A_293 = arith.constant 0 : i32
          %scatter3A_294 = arith.constant 0 : i32
          %scatter3A_295 = tpu.memref_slice %arg6[%scatter3A_292, %scatter3A_293, %scatter3A_294] : memref<2x128x128xf32, #tpu.memory_space<vmem>> -> memref<1x128x128xf32, #tpu.memory_space<vmem>>
          %scatter3A_296 = tpu.memref_squeeze %scatter3A_295 : memref<1x128x128xf32, #tpu.memory_space<vmem>> -> memref<128x128xf32, #tpu.memory_space<vmem>>
          tpu.vector_store_idx %scatter3A_296[%add3A_134, %broadcast_in_dim3A_283], %get3A_291 : memref<128x128xf32, #tpu.memory_space<vmem>>[vector<16xi32>, vector<16xi32>], vector<16xf32>,
          %broadcast_in_dim3A_297 = arith.constant 11 : i32
          %broadcast_in_dim3A_298 = vector.broadcast %broadcast_in_dim3A_297 : i32 to vector<16xi32>
          %mul3A_299 = arith.constant 16 : i32
          %mul3A_300 = arith.muli %scan3A_130, %mul3A_299 : i32
          %get3A_301 = arith.constant 1 : i32
          %get3A_302 = arith.constant 11 : i32
          %get3A_303 = arith.index_cast %get3A_301 : i32 to index
          %get3A_304 = arith.index_cast %get3A_302 : i32 to index
          %get3A_305 = arith.index_cast %mul3A_300 : i32 to index
          %get3A_306 = tpu.vector_load %arg5[%get3A_303, %get3A_304, %get3A_305] {strides = array<i32>} : memref<2x64x128xf32, #tpu.memory_space<vmem>>, vector<16xf32>,
          %scatter3A_307 = arith.constant 1 : i32
          %scatter3A_308 = arith.constant 0 : i32
          %scatter3A_309 = arith.constant 0 : i32
          %scatter3A_310 = tpu.memref_slice %arg6[%scatter3A_307, %scatter3A_308, %scatter3A_309] : memref<2x128x128xf32, #tpu.memory_space<vmem>> -> memref<1x128x128xf32, #tpu.memory_space<vmem>>
          %scatter3A_311 = tpu.memref_squeeze %scatter3A_310 : memref<1x128x128xf32, #tpu.memory_space<vmem>> -> memref<128x128xf32, #tpu.memory_space<vmem>>
          tpu.vector_store_idx %scatter3A_311[%add3A_134, %broadcast_in_dim3A_298], %get3A_306 : memref<128x128xf32, #tpu.memory_space<vmem>>[vector<16xi32>, vector<16xi32>], vector<16xf32>,
          %broadcast_in_dim3A_312 = arith.constant 12 : i32
          %broadcast_in_dim3A_313 = vector.broadcast %broadcast_in_dim3A_312 : i32 to vector<16xi32>
          %mul3A_314 = arith.constant 16 : i32
          %mul3A_315 = arith.muli %scan3A_130, %mul3A_314 : i32
          %get3A_316 = arith.constant 1 : i32
          %get3A_317 = arith.constant 12 : i32
          %get3A_318 = arith.index_cast %get3A_316 : i32 to index
          %get3A_319 = arith.index_cast %get3A_317 : i32 to index
          %get3A_320 = arith.index_cast %mul3A_315 : i32 to index
          %get3A_321 = tpu.vector_load %arg5[%get3A_318, %get3A_319, %get3A_320] {strides = array<i32>} : memref<2x64x128xf32, #tpu.memory_space<vmem>>, vector<16xf32>,
          %scatter3A_322 = arith.constant 1 : i32
          %scatter3A_323 = arith.constant 0 : i32
          %scatter3A_324 = arith.constant 0 : i32
          %scatter3A_325 = tpu.memref_slice %arg6[%scatter3A_322, %scatter3A_323, %scatter3A_324] : memref<2x128x128xf32, #tpu.memory_space<vmem>> -> memref<1x128x128xf32, #tpu.memory_space<vmem>>
          %scatter3A_326 = tpu.memref_squeeze %scatter3A_325 : memref<1x128x128xf32, #tpu.memory_space<vmem>> -> memref<128x128xf32, #tpu.memory_space<vmem>>
          tpu.vector_store_idx %scatter3A_326[%add3A_134, %broadcast_in_dim3A_313], %get3A_321 : memref<128x128xf32, #tpu.memory_space<vmem>>[vector<16xi32>, vector<16xi32>], vector<16xf32>,
          %broadcast_in_dim3A_327 = arith.constant 13 : i32
          %broadcast_in_dim3A_328 = vector.broadcast %broadcast_in_dim3A_327 : i32 to vector<16xi32>
          %mul3A_329 = arith.constant 16 : i32
          %mul3A_330 = arith.muli %scan3A_130, %mul3A_329 : i32
          %get3A_331 = arith.constant 1 : i32
          %get3A_332 = arith.constant 13 : i32
          %get3A_333 = arith.index_cast %get3A_331 : i32 to index
          %get3A_334 = arith.index_cast %get3A_332 : i32 to index
          %get3A_335 = arith.index_cast %mul3A_330 : i32 to index
          %get3A_336 = tpu.vector_load %arg5[%get3A_333, %get3A_334, %get3A_335] {strides = array<i32>} : memref<2x64x128xf32, #tpu.memory_space<vmem>>, vector<16xf32>,
          %scatter3A_337 = arith.constant 1 : i32
          %scatter3A_338 = arith.constant 0 : i32
          %scatter3A_339 = arith.constant 0 : i32
          %scatter3A_340 = tpu.memref_slice %arg6[%scatter3A_337, %scatter3A_338, %scatter3A_339] : memref<2x128x128xf32, #tpu.memory_space<vmem>> -> memref<1x128x128xf32, #tpu.memory_space<vmem>>
          %scatter3A_341 = tpu.memref_squeeze %scatter3A_340 : memref<1x128x128xf32, #tpu.memory_space<vmem>> -> memref<128x128xf32, #tpu.memory_space<vmem>>
          tpu.vector_store_idx %scatter3A_341[%add3A_134, %broadcast_in_dim3A_328], %get3A_336 : memref<128x128xf32, #tpu.memory_space<vmem>>[vector<16xi32>, vector<16xi32>], vector<16xf32>,
          %broadcast_in_dim3A_342 = arith.constant 14 : i32
          %broadcast_in_dim3A_343 = vector.broadcast %broadcast_in_dim3A_342 : i32 to vector<16xi32>
          %mul3A_344 = arith.constant 16 : i32
          %mul3A_345 = arith.muli %scan3A_130, %mul3A_344 : i32
          %get3A_346 = arith.constant 1 : i32
          %get3A_347 = arith.constant 14 : i32
          %get3A_348 = arith.index_cast %get3A_346 : i32 to index
          %get3A_349 = arith.index_cast %get3A_347 : i32 to index
          %get3A_350 = arith.index_cast %mul3A_345 : i32 to index
          %get3A_351 = tpu.vector_load %arg5[%get3A_348, %get3A_349, %get3A_350] {strides = array<i32>} : memref<2x64x128xf32, #tpu.memory_space<vmem>>, vector<16xf32>,
          %scatter3A_352 = arith.constant 1 : i32
          %scatter3A_353 = arith.constant 0 : i32
          %scatter3A_354 = arith.constant 0 : i32
          %scatter3A_355 = tpu.memref_slice %arg6[%scatter3A_352, %scatter3A_353, %scatter3A_354] : memref<2x128x128xf32, #tpu.memory_space<vmem>> -> memref<1x128x128xf32, #tpu.memory_space<vmem>>
          %scatter3A_356 = tpu.memref_squeeze %scatter3A_355 : memref<1x128x128xf32, #tpu.memory_space<vmem>> -> memref<128x128xf32, #tpu.memory_space<vmem>>
          tpu.vector_store_idx %scatter3A_356[%add3A_134, %broadcast_in_dim3A_343], %get3A_351 : memref<128x128xf32, #tpu.memory_space<vmem>>[vector<16xi32>, vector<16xi32>], vector<16xf32>,
          %broadcast_in_dim3A_357 = arith.constant 15 : i32
          %broadcast_in_dim3A_358 = vector.broadcast %broadcast_in_dim3A_357 : i32 to vector<16xi32>
          %mul3A_359 = arith.constant 16 : i32
          %mul3A_360 = arith.muli %scan3A_130, %mul3A_359 : i32
          %get3A_361 = arith.constant 1 : i32
          %get3A_362 = arith.constant 15 : i32
          %get3A_363 = arith.index_cast %get3A_361 : i32 to index
          %get3A_364 = arith.index_cast %get3A_362 : i32 to index
          %get3A_365 = arith.index_cast %mul3A_360 : i32 to index
          %get3A_366 = tpu.vector_load %arg5[%get3A_363, %get3A_364, %get3A_365] {strides = array<i32>} : memref<2x64x128xf32, #tpu.memory_space<vmem>>, vector<16xf32>,
          %scatter3A_367 = arith.constant 1 : i32
          %scatter3A_368 = arith.constant 0 : i32
          %scatter3A_369 = arith.constant 0 : i32
          %scatter3A_370 = tpu.memref_slice %arg6[%scatter3A_367, %scatter3A_368, %scatter3A_369] : memref<2x128x128xf32, #tpu.memory_space<vmem>> -> memref<1x128x128xf32, #tpu.memory_space<vmem>>
          %scatter3A_371 = tpu.memref_squeeze %scatter3A_370 : memref<1x128x128xf32, #tpu.memory_space<vmem>> -> memref<128x128xf32, #tpu.memory_space<vmem>>
          tpu.vector_store_idx %scatter3A_371[%add3A_134, %broadcast_in_dim3A_358], %get3A_366 : memref<128x128xf32, #tpu.memory_space<vmem>>[vector<16xi32>, vector<16xi32>], vector<16xf32>,
          %broadcast_in_dim3A_372 = arith.constant 16 : i32
          %broadcast_in_dim3A_373 = vector.broadcast %broadcast_in_dim3A_372 : i32 to vector<16xi32>
          %mul3A_374 = arith.constant 16 : i32
          %mul3A_375 = arith.muli %scan3A_130, %mul3A_374 : i32
          %get3A_376 = arith.constant 1 : i32
          %get3A_377 = arith.constant 16 : i32
          %get3A_378 = arith.index_cast %get3A_376 : i32 to index
          %get3A_379 = arith.index_cast %get3A_377 : i32 to index
          %get3A_380 = arith.index_cast %mul3A_375 : i32 to index
          %get3A_381 = tpu.vector_load %arg5[%get3A_378, %get3A_379, %get3A_380] {strides = array<i32>} : memref<2x64x128xf32, #tpu.memory_space<vmem>>, vector<16xf32>,
          %scatter3A_382 = arith.constant 1 : i32
          %scatter3A_383 = arith.constant 0 : i32
          %scatter3A_384 = arith.constant 0 : i32
          %scatter3A_385 = tpu.memref_slice %arg6[%scatter3A_382, %scatter3A_383, %scatter3A_384] : memref<2x128x128xf32, #tpu.memory_space<vmem>> -> memref<1x128x128xf32, #tpu.memory_space<vmem>>
          %scatter3A_386 = tpu.memref_squeeze %scatter3A_385 : memref<1x128x128xf32, #tpu.memory_space<vmem>> -> memref<128x128xf32, #tpu.memory_space<vmem>>
          tpu.vector_store_idx %scatter3A_386[%add3A_134, %broadcast_in_dim3A_373], %get3A_381 : memref<128x128xf32, #tpu.memory_space<vmem>>[vector<16xi32>, vector<16xi32>], vector<16xf32>,
          %broadcast_in_dim3A_387 = arith.constant 17 : i32
          %broadcast_in_dim3A_388 = vector.broadcast %broadcast_in_dim3A_387 : i32 to vector<16xi32>
          %mul3A_389 = arith.constant 16 : i32
          %mul3A_390 = arith.muli %scan3A_130, %mul3A_389 : i32
          %get3A_391 = arith.constant 1 : i32
          %get3A_392 = arith.constant 17 : i32
          %get3A_393 = arith.index_cast %get3A_391 : i32 to index
          %get3A_394 = arith.index_cast %get3A_392 : i32 to index
          %get3A_395 = arith.index_cast %mul3A_390 : i32 to index
          %get3A_396 = tpu.vector_load %arg5[%get3A_393, %get3A_394, %get3A_395] {strides = array<i32>} : memref<2x64x128xf32, #tpu.memory_space<vmem>>, vector<16xf32>,
          %scatter3A_397 = arith.constant 1 : i32
          %scatter3A_398 = arith.constant 0 : i32
          %scatter3A_399 = arith.constant 0 : i32
          %scatter3A_400 = tpu.memref_slice %arg6[%scatter3A_397, %scatter3A_398, %scatter3A_399] : memref<2x128x128xf32, #tpu.memory_space<vmem>> -> memref<1x128x128xf32, #tpu.memory_space<vmem>>
          %scatter3A_401 = tpu.memref_squeeze %scatter3A_400 : memref<1x128x128xf32, #tpu.memory_space<vmem>> -> memref<128x128xf32, #tpu.memory_space<vmem>>
          tpu.vector_store_idx %scatter3A_401[%add3A_134, %broadcast_in_dim3A_388], %get3A_396 : memref<128x128xf32, #tpu.memory_space<vmem>>[vector<16xi32>, vector<16xi32>], vector<16xf32>,
          %broadcast_in_dim3A_402 = arith.constant 18 : i32
          %broadcast_in_dim3A_403 = vector.broadcast %broadcast_in_dim3A_402 : i32 to vector<16xi32>
          %mul3A_404 = arith.constant 16 : i32
          %mul3A_405 = arith.muli %scan3A_130, %mul3A_404 : i32
          %get3A_406 = arith.constant 1 : i32
          %get3A_407 = arith.constant 18 : i32
          %get3A_408 = arith.index_cast %get3A_406 : i32 to index
          %get3A_409 = arith.index_cast %get3A_407 : i32 to index
          %get3A_410 = arith.index_cast %mul3A_405 : i32 to index
          %get3A_411 = tpu.vector_load %arg5[%get3A_408, %get3A_409, %get3A_410] {strides = array<i32>} : memref<2x64x128xf32, #tpu.memory_space<vmem>>, vector<16xf32>,
          %scatter3A_412 = arith.constant 1 : i32
          %scatter3A_413 = arith.constant 0 : i32
          %scatter3A_414 = arith.constant 0 : i32
          %scatter3A_415 = tpu.memref_slice %arg6[%scatter3A_412, %scatter3A_413, %scatter3A_414] : memref<2x128x128xf32, #tpu.memory_space<vmem>> -> memref<1x128x128xf32, #tpu.memory_space<vmem>>
          %scatter3A_416 = tpu.memref_squeeze %scatter3A_415 : memref<1x128x128xf32, #tpu.memory_space<vmem>> -> memref<128x128xf32, #tpu.memory_space<vmem>>
          tpu.vector_store_idx %scatter3A_416[%add3A_134, %broadcast_in_dim3A_403], %get3A_411 : memref<128x128xf32, #tpu.memory_space<vmem>>[vector<16xi32>, vector<16xi32>], vector<16xf32>,
          %broadcast_in_dim3A_417 = arith.constant 19 : i32
          %broadcast_in_dim3A_418 = vector.broadcast %broadcast_in_dim3A_417 : i32 to vector<16xi32>
          %mul3A_419 = arith.constant 16 : i32
          %mul3A_420 = arith.muli %scan3A_130, %mul3A_419 : i32
          %get3A_421 = arith.constant 1 : i32
          %get3A_422 = arith.constant 19 : i32
          %get3A_423 = arith.index_cast %get3A_421 : i32 to index
          %get3A_424 = arith.index_cast %get3A_422 : i32 to index
          %get3A_425 = arith.index_cast %mul3A_420 : i32 to index
          %get3A_426 = tpu.vector_load %arg5[%get3A_423, %get3A_424, %get3A_425] {strides = array<i32>} : memref<2x64x128xf32, #tpu.memory_space<vmem>>, vector<16xf32>,
          %scatter3A_427 = arith.constant 1 : i32
          %scatter3A_428 = arith.constant 0 : i32
          %scatter3A_429 = arith.constant 0 : i32
          %scatter3A_430 = tpu.memref_slice %arg6[%scatter3A_427, %scatter3A_428, %scatter3A_429] : memref<2x128x128xf32, #tpu.memory_space<vmem>> -> memref<1x128x128xf32, #tpu.memory_space<vmem>>
          %scatter3A_431 = tpu.memref_squeeze %scatter3A_430 : memref<1x128x128xf32, #tpu.memory_space<vmem>> -> memref<128x128xf32, #tpu.memory_space<vmem>>
          tpu.vector_store_idx %scatter3A_431[%add3A_134, %broadcast_in_dim3A_418], %get3A_426 : memref<128x128xf32, #tpu.memory_space<vmem>>[vector<16xi32>, vector<16xi32>], vector<16xf32>,
          %broadcast_in_dim3A_432 = arith.constant 20 : i32
          %broadcast_in_dim3A_433 = vector.broadcast %broadcast_in_dim3A_432 : i32 to vector<16xi32>
          %mul3A_434 = arith.constant 16 : i32
          %mul3A_435 = arith.muli %scan3A_130, %mul3A_434 : i32
          %get3A_436 = arith.constant 1 : i32
          %get3A_437 = arith.constant 20 : i32
          %get3A_438 = arith.index_cast %get3A_436 : i32 to index
          %get3A_439 = arith.index_cast %get3A_437 : i32 to index
          %get3A_440 = arith.index_cast %mul3A_435 : i32 to index
          %get3A_441 = tpu.vector_load %arg5[%get3A_438, %get3A_439, %get3A_440] {strides = array<i32>} : memref<2x64x128xf32, #tpu.memory_space<vmem>>, vector<16xf32>,
          %scatter3A_442 = arith.constant 1 : i32
          %scatter3A_443 = arith.constant 0 : i32
          %scatter3A_444 = arith.constant 0 : i32
          %scatter3A_445 = tpu.memref_slice %arg6[%scatter3A_442, %scatter3A_443, %scatter3A_444] : memref<2x128x128xf32, #tpu.memory_space<vmem>> -> memref<1x128x128xf32, #tpu.memory_space<vmem>>
          %scatter3A_446 = tpu.memref_squeeze %scatter3A_445 : memref<1x128x128xf32, #tpu.memory_space<vmem>> -> memref<128x128xf32, #tpu.memory_space<vmem>>
          tpu.vector_store_idx %scatter3A_446[%add3A_134, %broadcast_in_dim3A_433], %get3A_441 : memref<128x128xf32, #tpu.memory_space<vmem>>[vector<16xi32>, vector<16xi32>], vector<16xf32>,
          %broadcast_in_dim3A_447 = arith.constant 21 : i32
          %broadcast_in_dim3A_448 = vector.broadcast %broadcast_in_dim3A_447 : i32 to vector<16xi32>
          %mul3A_449 = arith.constant 16 : i32
          %mul3A_450 = arith.muli %scan3A_130, %mul3A_449 : i32
          %get3A_451 = arith.constant 1 : i32
          %get3A_452 = arith.constant 21 : i32
          %get3A_453 = arith.index_cast %get3A_451 : i32 to index
          %get3A_454 = arith.index_cast %get3A_452 : i32 to index
          %get3A_455 = arith.index_cast %mul3A_450 : i32 to index
          %get3A_456 = tpu.vector_load %arg5[%get3A_453, %get3A_454, %get3A_455] {strides = array<i32>} : memref<2x64x128xf32, #tpu.memory_space<vmem>>, vector<16xf32>,
          %scatter3A_457 = arith.constant 1 : i32
          %scatter3A_458 = arith.constant 0 : i32
          %scatter3A_459 = arith.constant 0 : i32
          %scatter3A_460 = tpu.memref_slice %arg6[%scatter3A_457, %scatter3A_458, %scatter3A_459] : memref<2x128x128xf32, #tpu.memory_space<vmem>> -> memref<1x128x128xf32, #tpu.memory_space<vmem>>
          %scatter3A_461 = tpu.memref_squeeze %scatter3A_460 : memref<1x128x128xf32, #tpu.memory_space<vmem>> -> memref<128x128xf32, #tpu.memory_space<vmem>>
          tpu.vector_store_idx %scatter3A_461[%add3A_134, %broadcast_in_dim3A_448], %get3A_456 : memref<128x128xf32, #tpu.memory_space<vmem>>[vector<16xi32>, vector<16xi32>], vector<16xf32>,
          %broadcast_in_dim3A_462 = arith.constant 22 : i32
          %broadcast_in_dim3A_463 = vector.broadcast %broadcast_in_dim3A_462 : i32 to vector<16xi32>
          %mul3A_464 = arith.constant 16 : i32
          %mul3A_465 = arith.muli %scan3A_130, %mul3A_464 : i32
          %get3A_466 = arith.constant 1 : i32
          %get3A_467 = arith.constant 22 : i32
          %get3A_468 = arith.index_cast %get3A_466 : i32 to index
          %get3A_469 = arith.index_cast %get3A_467 : i32 to index
          %get3A_470 = arith.index_cast %mul3A_465 : i32 to index
          %get3A_471 = tpu.vector_load %arg5[%get3A_468, %get3A_469, %get3A_470] {strides = array<i32>} : memref<2x64x128xf32, #tpu.memory_space<vmem>>, vector<16xf32>,
          %scatter3A_472 = arith.constant 1 : i32
          %scatter3A_473 = arith.constant 0 : i32
          %scatter3A_474 = arith.constant 0 : i32
          %scatter3A_475 = tpu.memref_slice %arg6[%scatter3A_472, %scatter3A_473, %scatter3A_474] : memref<2x128x128xf32, #tpu.memory_space<vmem>> -> memref<1x128x128xf32, #tpu.memory_space<vmem>>
          %scatter3A_476 = tpu.memref_squeeze %scatter3A_475 : memref<1x128x128xf32, #tpu.memory_space<vmem>> -> memref<128x128xf32, #tpu.memory_space<vmem>>
          tpu.vector_store_idx %scatter3A_476[%add3A_134, %broadcast_in_dim3A_463], %get3A_471 : memref<128x128xf32, #tpu.memory_space<vmem>>[vector<16xi32>, vector<16xi32>], vector<16xf32>,
          %broadcast_in_dim3A_477 = arith.constant 23 : i32
          %broadcast_in_dim3A_478 = vector.broadcast %broadcast_in_dim3A_477 : i32 to vector<16xi32>
          %mul3A_479 = arith.constant 16 : i32
          %mul3A_480 = arith.muli %scan3A_130, %mul3A_479 : i32
          %get3A_481 = arith.constant 1 : i32
          %get3A_482 = arith.constant 23 : i32
          %get3A_483 = arith.index_cast %get3A_481 : i32 to index
          %get3A_484 = arith.index_cast %get3A_482 : i32 to index
          %get3A_485 = arith.index_cast %mul3A_480 : i32 to index
          %get3A_486 = tpu.vector_load %arg5[%get3A_483, %get3A_484, %get3A_485] {strides = array<i32>} : memref<2x64x128xf32, #tpu.memory_space<vmem>>, vector<16xf32>,
          %scatter3A_487 = arith.constant 1 : i32
          %scatter3A_488 = arith.constant 0 : i32
          %scatter3A_489 = arith.constant 0 : i32
          %scatter3A_490 = tpu.memref_slice %arg6[%scatter3A_487, %scatter3A_488, %scatter3A_489] : memref<2x128x128xf32, #tpu.memory_space<vmem>> -> memref<1x128x128xf32, #tpu.memory_space<vmem>>
          %scatter3A_491 = tpu.memref_squeeze %scatter3A_490 : memref<1x128x128xf32, #tpu.memory_space<vmem>> -> memref<128x128xf32, #tpu.memory_space<vmem>>
          tpu.vector_store_idx %scatter3A_491[%add3A_134, %broadcast_in_dim3A_478], %get3A_486 : memref<128x128xf32, #tpu.memory_space<vmem>>[vector<16xi32>, vector<16xi32>], vector<16xf32>,
          %broadcast_in_dim3A_492 = arith.constant 24 : i32
          %broadcast_in_dim3A_493 = vector.broadcast %broadcast_in_dim3A_492 : i32 to vector<16xi32>
          %mul3A_494 = arith.constant 16 : i32
          %mul3A_495 = arith.muli %scan3A_130, %mul3A_494 : i32
          %get3A_496 = arith.constant 1 : i32
          %get3A_497 = arith.constant 24 : i32
          %get3A_498 = arith.index_cast %get3A_496 : i32 to index
          %get3A_499 = arith.index_cast %get3A_497 : i32 to index
          %get3A_500 = arith.index_cast %mul3A_495 : i32 to index
          %get3A_501 = tpu.vector_load %arg5[%get3A_498, %get3A_499, %get3A_500] {strides = array<i32>} : memref<2x64x128xf32, #tpu.memory_space<vmem>>, vector<16xf32>,
          %scatter3A_502 = arith.constant 1 : i32
          %scatter3A_503 = arith.constant 0 : i32
          %scatter3A_504 = arith.constant 0 : i32
          %scatter3A_505 = tpu.memref_slice %arg6[%scatter3A_502, %scatter3A_503, %scatter3A_504] : memref<2x128x128xf32, #tpu.memory_space<vmem>> -> memref<1x128x128xf32, #tpu.memory_space<vmem>>
          %scatter3A_506 = tpu.memref_squeeze %scatter3A_505 : memref<1x128x128xf32, #tpu.memory_space<vmem>> -> memref<128x128xf32, #tpu.memory_space<vmem>>
          tpu.vector_store_idx %scatter3A_506[%add3A_134, %broadcast_in_dim3A_493], %get3A_501 : memref<128x128xf32, #tpu.memory_space<vmem>>[vector<16xi32>, vector<16xi32>], vector<16xf32>,
          %broadcast_in_dim3A_507 = arith.constant 25 : i32
          %broadcast_in_dim3A_508 = vector.broadcast %broadcast_in_dim3A_507 : i32 to vector<16xi32>
          %mul3A_509 = arith.constant 16 : i32
          %mul3A_510 = arith.muli %scan3A_130, %mul3A_509 : i32
          %get3A_511 = arith.constant 1 : i32
          %get3A_512 = arith.constant 25 : i32
          %get3A_513 = arith.index_cast %get3A_511 : i32 to index
          %get3A_514 = arith.index_cast %get3A_512 : i32 to index
          %get3A_515 = arith.index_cast %mul3A_510 : i32 to index
          %get3A_516 = tpu.vector_load %arg5[%get3A_513, %get3A_514, %get3A_515] {strides = array<i32>} : memref<2x64x128xf32, #tpu.memory_space<vmem>>, vector<16xf32>,
          %scatter3A_517 = arith.constant 1 : i32
          %scatter3A_518 = arith.constant 0 : i32
          %scatter3A_519 = arith.constant 0 : i32
          %scatter3A_520 = tpu.memref_slice %arg6[%scatter3A_517, %scatter3A_518, %scatter3A_519] : memref<2x128x128xf32, #tpu.memory_space<vmem>> -> memref<1x128x128xf32, #tpu.memory_space<vmem>>
          %scatter3A_521 = tpu.memref_squeeze %scatter3A_520 : memref<1x128x128xf32, #tpu.memory_space<vmem>> -> memref<128x128xf32, #tpu.memory_space<vmem>>
          tpu.vector_store_idx %scatter3A_521[%add3A_134, %broadcast_in_dim3A_508], %get3A_516 : memref<128x128xf32, #tpu.memory_space<vmem>>[vector<16xi32>, vector<16xi32>], vector<16xf32>,
          %broadcast_in_dim3A_522 = arith.constant 26 : i32
          %broadcast_in_dim3A_523 = vector.broadcast %broadcast_in_dim3A_522 : i32 to vector<16xi32>
          %mul3A_524 = arith.constant 16 : i32
          %mul3A_525 = arith.muli %scan3A_130, %mul3A_524 : i32
          %get3A_526 = arith.constant 1 : i32
          %get3A_527 = arith.constant 26 : i32
          %get3A_528 = arith.index_cast %get3A_526 : i32 to index
          %get3A_529 = arith.index_cast %get3A_527 : i32 to index
          %get3A_530 = arith.index_cast %mul3A_525 : i32 to index
          %get3A_531 = tpu.vector_load %arg5[%get3A_528, %get3A_529, %get3A_530] {strides = array<i32>} : memref<2x64x128xf32, #tpu.memory_space<vmem>>, vector<16xf32>,
          %scatter3A_532 = arith.constant 1 : i32
          %scatter3A_533 = arith.constant 0 : i32
          %scatter3A_534 = arith.constant 0 : i32
          %scatter3A_535 = tpu.memref_slice %arg6[%scatter3A_532, %scatter3A_533, %scatter3A_534] : memref<2x128x128xf32, #tpu.memory_space<vmem>> -> memref<1x128x128xf32, #tpu.memory_space<vmem>>
          %scatter3A_536 = tpu.memref_squeeze %scatter3A_535 : memref<1x128x128xf32, #tpu.memory_space<vmem>> -> memref<128x128xf32, #tpu.memory_space<vmem>>
          tpu.vector_store_idx %scatter3A_536[%add3A_134, %broadcast_in_dim3A_523], %get3A_531 : memref<128x128xf32, #tpu.memory_space<vmem>>[vector<16xi32>, vector<16xi32>], vector<16xf32>,
          %broadcast_in_dim3A_537 = arith.constant 27 : i32
          %broadcast_in_dim3A_538 = vector.broadcast %broadcast_in_dim3A_537 : i32 to vector<16xi32>
          %mul3A_539 = arith.constant 16 : i32
          %mul3A_540 = arith.muli %scan3A_130, %mul3A_539 : i32
          %get3A_541 = arith.constant 1 : i32
          %get3A_542 = arith.constant 27 : i32
          %get3A_543 = arith.index_cast %get3A_541 : i32 to index
          %get3A_544 = arith.index_cast %get3A_542 : i32 to index
          %get3A_545 = arith.index_cast %mul3A_540 : i32 to index
          %get3A_546 = tpu.vector_load %arg5[%get3A_543, %get3A_544, %get3A_545] {strides = array<i32>} : memref<2x64x128xf32, #tpu.memory_space<vmem>>, vector<16xf32>,
          %scatter3A_547 = arith.constant 1 : i32
          %scatter3A_548 = arith.constant 0 : i32
          %scatter3A_549 = arith.constant 0 : i32
          %scatter3A_550 = tpu.memref_slice %arg6[%scatter3A_547, %scatter3A_548, %scatter3A_549] : memref<2x128x128xf32, #tpu.memory_space<vmem>> -> memref<1x128x128xf32, #tpu.memory_space<vmem>>
          %scatter3A_551 = tpu.memref_squeeze %scatter3A_550 : memref<1x128x128xf32, #tpu.memory_space<vmem>> -> memref<128x128xf32, #tpu.memory_space<vmem>>
          tpu.vector_store_idx %scatter3A_551[%add3A_134, %broadcast_in_dim3A_538], %get3A_546 : memref<128x128xf32, #tpu.memory_space<vmem>>[vector<16xi32>, vector<16xi32>], vector<16xf32>,
          %broadcast_in_dim3A_552 = arith.constant 28 : i32
          %broadcast_in_dim3A_553 = vector.broadcast %broadcast_in_dim3A_552 : i32 to vector<16xi32>
          %mul3A_554 = arith.constant 16 : i32
          %mul3A_555 = arith.muli %scan3A_130, %mul3A_554 : i32
          %get3A_556 = arith.constant 1 : i32
          %get3A_557 = arith.constant 28 : i32
          %get3A_558 = arith.index_cast %get3A_556 : i32 to index
          %get3A_559 = arith.index_cast %get3A_557 : i32 to index
          %get3A_560 = arith.index_cast %mul3A_555 : i32 to index
          %get3A_561 = tpu.vector_load %arg5[%get3A_558, %get3A_559, %get3A_560] {strides = array<i32>} : memref<2x64x128xf32, #tpu.memory_space<vmem>>, vector<16xf32>,
          %scatter3A_562 = arith.constant 1 : i32
          %scatter3A_563 = arith.constant 0 : i32
          %scatter3A_564 = arith.constant 0 : i32
          %scatter3A_565 = tpu.memref_slice %arg6[%scatter3A_562, %scatter3A_563, %scatter3A_564] : memref<2x128x128xf32, #tpu.memory_space<vmem>> -> memref<1x128x128xf32, #tpu.memory_space<vmem>>
          %scatter3A_566 = tpu.memref_squeeze %scatter3A_565 : memref<1x128x128xf32, #tpu.memory_space<vmem>> -> memref<128x128xf32, #tpu.memory_space<vmem>>
          tpu.vector_store_idx %scatter3A_566[%add3A_134, %broadcast_in_dim3A_553], %get3A_561 : memref<128x128xf32, #tpu.memory_space<vmem>>[vector<16xi32>, vector<16xi32>], vector<16xf32>,
          %broadcast_in_dim3A_567 = arith.constant 29 : i32
          %broadcast_in_dim3A_568 = vector.broadcast %broadcast_in_dim3A_567 : i32 to vector<16xi32>
          %mul3A_569 = arith.constant 16 : i32
          %mul3A_570 = arith.muli %scan3A_130, %mul3A_569 : i32
          %get3A_571 = arith.constant 1 : i32
          %get3A_572 = arith.constant 29 : i32
          %get3A_573 = arith.index_cast %get3A_571 : i32 to index
          %get3A_574 = arith.index_cast %get3A_572 : i32 to index
          %get3A_575 = arith.index_cast %mul3A_570 : i32 to index
          %get3A_576 = tpu.vector_load %arg5[%get3A_573, %get3A_574, %get3A_575] {strides = array<i32>} : memref<2x64x128xf32, #tpu.memory_space<vmem>>, vector<16xf32>,
          %scatter3A_577 = arith.constant 1 : i32
          %scatter3A_578 = arith.constant 0 : i32
          %scatter3A_579 = arith.constant 0 : i32
          %scatter3A_580 = tpu.memref_slice %arg6[%scatter3A_577, %scatter3A_578, %scatter3A_579] : memref<2x128x128xf32, #tpu.memory_space<vmem>> -> memref<1x128x128xf32, #tpu.memory_space<vmem>>
          %scatter3A_581 = tpu.memref_squeeze %scatter3A_580 : memref<1x128x128xf32, #tpu.memory_space<vmem>> -> memref<128x128xf32, #tpu.memory_space<vmem>>
          tpu.vector_store_idx %scatter3A_581[%add3A_134, %broadcast_in_dim3A_568], %get3A_576 : memref<128x128xf32, #tpu.memory_space<vmem>>[vector<16xi32>, vector<16xi32>], vector<16xf32>,
          %broadcast_in_dim3A_582 = arith.constant 30 : i32
          %broadcast_in_dim3A_583 = vector.broadcast %broadcast_in_dim3A_582 : i32 to vector<16xi32>
          %mul3A_584 = arith.constant 16 : i32
          %mul3A_585 = arith.muli %scan3A_130, %mul3A_584 : i32
          %get3A_586 = arith.constant 1 : i32
          %get3A_587 = arith.constant 30 : i32
          %get3A_588 = arith.index_cast %get3A_586 : i32 to index
          %get3A_589 = arith.index_cast %get3A_587 : i32 to index
          %get3A_590 = arith.index_cast %mul3A_585 : i32 to index
          %get3A_591 = tpu.vector_load %arg5[%get3A_588, %get3A_589, %get3A_590] {strides = array<i32>} : memref<2x64x128xf32, #tpu.memory_space<vmem>>, vector<16xf32>,
          %scatter3A_592 = arith.constant 1 : i32
          %scatter3A_593 = arith.constant 0 : i32
          %scatter3A_594 = arith.constant 0 : i32
          %scatter3A_595 = tpu.memref_slice %arg6[%scatter3A_592, %scatter3A_593, %scatter3A_594] : memref<2x128x128xf32, #tpu.memory_space<vmem>> -> memref<1x128x128xf32, #tpu.memory_space<vmem>>
          %scatter3A_596 = tpu.memref_squeeze %scatter3A_595 : memref<1x128x128xf32, #tpu.memory_space<vmem>> -> memref<128x128xf32, #tpu.memory_space<vmem>>
          tpu.vector_store_idx %scatter3A_596[%add3A_134, %broadcast_in_dim3A_583], %get3A_591 : memref<128x128xf32, #tpu.memory_space<vmem>>[vector<16xi32>, vector<16xi32>], vector<16xf32>,
          %broadcast_in_dim3A_597 = arith.constant 31 : i32
          %broadcast_in_dim3A_598 = vector.broadcast %broadcast_in_dim3A_597 : i32 to vector<16xi32>
          %mul3A_599 = arith.constant 16 : i32
          %mul3A_600 = arith.muli %scan3A_130, %mul3A_599 : i32
          %get3A_601 = arith.constant 1 : i32
          %get3A_602 = arith.constant 31 : i32
          %get3A_603 = arith.index_cast %get3A_601 : i32 to index
          %get3A_604 = arith.index_cast %get3A_602 : i32 to index
          %get3A_605 = arith.index_cast %mul3A_600 : i32 to index
          %get3A_606 = tpu.vector_load %arg5[%get3A_603, %get3A_604, %get3A_605] {strides = array<i32>} : memref<2x64x128xf32, #tpu.memory_space<vmem>>, vector<16xf32>,
          %scatter3A_607 = arith.constant 1 : i32
          %scatter3A_608 = arith.constant 0 : i32
          %scatter3A_609 = arith.constant 0 : i32
          %scatter3A_610 = tpu.memref_slice %arg6[%scatter3A_607, %scatter3A_608, %scatter3A_609] : memref<2x128x128xf32, #tpu.memory_space<vmem>> -> memref<1x128x128xf32, #tpu.memory_space<vmem>>
          %scatter3A_611 = tpu.memref_squeeze %scatter3A_610 : memref<1x128x128xf32, #tpu.memory_space<vmem>> -> memref<128x128xf32, #tpu.memory_space<vmem>>
          tpu.vector_store_idx %scatter3A_611[%add3A_134, %broadcast_in_dim3A_598], %get3A_606 : memref<128x128xf32, #tpu.memory_space<vmem>>[vector<16xi32>, vector<16xi32>], vector<16xf32>,
          %broadcast_in_dim3A_612 = arith.constant 32 : i32
          %broadcast_in_dim3A_613 = vector.broadcast %broadcast_in_dim3A_612 : i32 to vector<16xi32>
          %mul3A_614 = arith.constant 16 : i32
          %mul3A_615 = arith.muli %scan3A_130, %mul3A_614 : i32
          %get3A_616 = arith.constant 1 : i32
          %get3A_617 = arith.constant 32 : i32
          %get3A_618 = arith.index_cast %get3A_616 : i32 to index
          %get3A_619 = arith.index_cast %get3A_617 : i32 to index
          %get3A_620 = arith.index_cast %mul3A_615 : i32 to index
          %get3A_621 = tpu.vector_load %arg5[%get3A_618, %get3A_619, %get3A_620] {strides = array<i32>} : memref<2x64x128xf32, #tpu.memory_space<vmem>>, vector<16xf32>,
          %scatter3A_622 = arith.constant 1 : i32
          %scatter3A_623 = arith.constant 0 : i32
          %scatter3A_624 = arith.constant 0 : i32
          %scatter3A_625 = tpu.memref_slice %arg6[%scatter3A_622, %scatter3A_623, %scatter3A_624] : memref<2x128x128xf32, #tpu.memory_space<vmem>> -> memref<1x128x128xf32, #tpu.memory_space<vmem>>
          %scatter3A_626 = tpu.memref_squeeze %scatter3A_625 : memref<1x128x128xf32, #tpu.memory_space<vmem>> -> memref<128x128xf32, #tpu.memory_space<vmem>>
          tpu.vector_store_idx %scatter3A_626[%add3A_134, %broadcast_in_dim3A_613], %get3A_621 : memref<128x128xf32, #tpu.memory_space<vmem>>[vector<16xi32>, vector<16xi32>], vector<16xf32>,
          %broadcast_in_dim3A_627 = arith.constant 33 : i32
          %broadcast_in_dim3A_628 = vector.broadcast %broadcast_in_dim3A_627 : i32 to vector<16xi32>
          %mul3A_629 = arith.constant 16 : i32
          %mul3A_630 = arith.muli %scan3A_130, %mul3A_629 : i32
          %get3A_631 = arith.constant 1 : i32
          %get3A_632 = arith.constant 33 : i32
          %get3A_633 = arith.index_cast %get3A_631 : i32 to index
          %get3A_634 = arith.index_cast %get3A_632 : i32 to index
          %get3A_635 = arith.index_cast %mul3A_630 : i32 to index
          %get3A_636 = tpu.vector_load %arg5[%get3A_633, %get3A_634, %get3A_635] {strides = array<i32>} : memref<2x64x128xf32, #tpu.memory_space<vmem>>, vector<16xf32>,
          %scatter3A_637 = arith.constant 1 : i32
          %scatter3A_638 = arith.constant 0 : i32
          %scatter3A_639 = arith.constant 0 : i32
          %scatter3A_640 = tpu.memref_slice %arg6[%scatter3A_637, %scatter3A_638, %scatter3A_639] : memref<2x128x128xf32, #tpu.memory_space<vmem>> -> memref<1x128x128xf32, #tpu.memory_space<vmem>>
          %scatter3A_641 = tpu.memref_squeeze %scatter3A_640 : memref<1x128x128xf32, #tpu.memory_space<vmem>> -> memref<128x128xf32, #tpu.memory_space<vmem>>
          tpu.vector_store_idx %scatter3A_641[%add3A_134, %broadcast_in_dim3A_628], %get3A_636 : memref<128x128xf32, #tpu.memory_space<vmem>>[vector<16xi32>, vector<16xi32>], vector<16xf32>,
          %broadcast_in_dim3A_642 = arith.constant 34 : i32
          %broadcast_in_dim3A_643 = vector.broadcast %broadcast_in_dim3A_642 : i32 to vector<16xi32>
          %mul3A_644 = arith.constant 16 : i32
          %mul3A_645 = arith.muli %scan3A_130, %mul3A_644 : i32
          %get3A_646 = arith.constant 1 : i32
          %get3A_647 = arith.constant 34 : i32
          %get3A_648 = arith.index_cast %get3A_646 : i32 to index
          %get3A_649 = arith.index_cast %get3A_647 : i32 to index
          %get3A_650 = arith.index_cast %mul3A_645 : i32 to index
          %get3A_651 = tpu.vector_load %arg5[%get3A_648, %get3A_649, %get3A_650] {strides = array<i32>} : memref<2x64x128xf32, #tpu.memory_space<vmem>>, vector<16xf32>,
          %scatter3A_652 = arith.constant 1 : i32
          %scatter3A_653 = arith.constant 0 : i32
          %scatter3A_654 = arith.constant 0 : i32
          %scatter3A_655 = tpu.memref_slice %arg6[%scatter3A_652, %scatter3A_653, %scatter3A_654] : memref<2x128x128xf32, #tpu.memory_space<vmem>> -> memref<1x128x128xf32, #tpu.memory_space<vmem>>
          %scatter3A_656 = tpu.memref_squeeze %scatter3A_655 : memref<1x128x128xf32, #tpu.memory_space<vmem>> -> memref<128x128xf32, #tpu.memory_space<vmem>>
          tpu.vector_store_idx %scatter3A_656[%add3A_134, %broadcast_in_dim3A_643], %get3A_651 : memref<128x128xf32, #tpu.memory_space<vmem>>[vector<16xi32>, vector<16xi32>], vector<16xf32>,
          %broadcast_in_dim3A_657 = arith.constant 35 : i32
          %broadcast_in_dim3A_658 = vector.broadcast %broadcast_in_dim3A_657 : i32 to vector<16xi32>
          %mul3A_659 = arith.constant 16 : i32
          %mul3A_660 = arith.muli %scan3A_130, %mul3A_659 : i32
          %get3A_661 = arith.constant 1 : i32
          %get3A_662 = arith.constant 35 : i32
          %get3A_663 = arith.index_cast %get3A_661 : i32 to index
          %get3A_664 = arith.index_cast %get3A_662 : i32 to index
          %get3A_665 = arith.index_cast %mul3A_660 : i32 to index
          %get3A_666 = tpu.vector_load %arg5[%get3A_663, %get3A_664, %get3A_665] {strides = array<i32>} : memref<2x64x128xf32, #tpu.memory_space<vmem>>, vector<16xf32>,
          %scatter3A_667 = arith.constant 1 : i32
          %scatter3A_668 = arith.constant 0 : i32
          %scatter3A_669 = arith.constant 0 : i32
          %scatter3A_670 = tpu.memref_slice %arg6[%scatter3A_667, %scatter3A_668, %scatter3A_669] : memref<2x128x128xf32, #tpu.memory_space<vmem>> -> memref<1x128x128xf32, #tpu.memory_space<vmem>>
          %scatter3A_671 = tpu.memref_squeeze %scatter3A_670 : memref<1x128x128xf32, #tpu.memory_space<vmem>> -> memref<128x128xf32, #tpu.memory_space<vmem>>
          tpu.vector_store_idx %scatter3A_671[%add3A_134, %broadcast_in_dim3A_658], %get3A_666 : memref<128x128xf32, #tpu.memory_space<vmem>>[vector<16xi32>, vector<16xi32>], vector<16xf32>,
          %broadcast_in_dim3A_672 = arith.constant 36 : i32
          %broadcast_in_dim3A_673 = vector.broadcast %broadcast_in_dim3A_672 : i32 to vector<16xi32>
          %mul3A_674 = arith.constant 16 : i32
          %mul3A_675 = arith.muli %scan3A_130, %mul3A_674 : i32
          %get3A_676 = arith.constant 1 : i32
          %get3A_677 = arith.constant 36 : i32
          %get3A_678 = arith.index_cast %get3A_676 : i32 to index
          %get3A_679 = arith.index_cast %get3A_677 : i32 to index
          %get3A_680 = arith.index_cast %mul3A_675 : i32 to index
          %get3A_681 = tpu.vector_load %arg5[%get3A_678, %get3A_679, %get3A_680] {strides = array<i32>} : memref<2x64x128xf32, #tpu.memory_space<vmem>>, vector<16xf32>,
          %scatter3A_682 = arith.constant 1 : i32
          %scatter3A_683 = arith.constant 0 : i32
          %scatter3A_684 = arith.constant 0 : i32
          %scatter3A_685 = tpu.memref_slice %arg6[%scatter3A_682, %scatter3A_683, %scatter3A_684] : memref<2x128x128xf32, #tpu.memory_space<vmem>> -> memref<1x128x128xf32, #tpu.memory_space<vmem>>
          %scatter3A_686 = tpu.memref_squeeze %scatter3A_685 : memref<1x128x128xf32, #tpu.memory_space<vmem>> -> memref<128x128xf32, #tpu.memory_space<vmem>>
          tpu.vector_store_idx %scatter3A_686[%add3A_134, %broadcast_in_dim3A_673], %get3A_681 : memref<128x128xf32, #tpu.memory_space<vmem>>[vector<16xi32>, vector<16xi32>], vector<16xf32>,
          %broadcast_in_dim3A_687 = arith.constant 37 : i32
          %broadcast_in_dim3A_688 = vector.broadcast %broadcast_in_dim3A_687 : i32 to vector<16xi32>
          %mul3A_689 = arith.constant 16 : i32
          %mul3A_690 = arith.muli %scan3A_130, %mul3A_689 : i32
          %get3A_691 = arith.constant 1 : i32
          %get3A_692 = arith.constant 37 : i32
          %get3A_693 = arith.index_cast %get3A_691 : i32 to index
          %get3A_694 = arith.index_cast %get3A_692 : i32 to index
          %get3A_695 = arith.index_cast %mul3A_690 : i32 to index
          %get3A_696 = tpu.vector_load %arg5[%get3A_693, %get3A_694, %get3A_695] {strides = array<i32>} : memref<2x64x128xf32, #tpu.memory_space<vmem>>, vector<16xf32>,
          %scatter3A_697 = arith.constant 1 : i32
          %scatter3A_698 = arith.constant 0 : i32
          %scatter3A_699 = arith.constant 0 : i32
          %scatter3A_700 = tpu.memref_slice %arg6[%scatter3A_697, %scatter3A_698, %scatter3A_699] : memref<2x128x128xf32, #tpu.memory_space<vmem>> -> memref<1x128x128xf32, #tpu.memory_space<vmem>>
          %scatter3A_701 = tpu.memref_squeeze %scatter3A_700 : memref<1x128x128xf32, #tpu.memory_space<vmem>> -> memref<128x128xf32, #tpu.memory_space<vmem>>
          tpu.vector_store_idx %scatter3A_701[%add3A_134, %broadcast_in_dim3A_688], %get3A_696 : memref<128x128xf32, #tpu.memory_space<vmem>>[vector<16xi32>, vector<16xi32>], vector<16xf32>,
          %broadcast_in_dim3A_702 = arith.constant 38 : i32
          %broadcast_in_dim3A_703 = vector.broadcast %broadcast_in_dim3A_702 : i32 to vector<16xi32>
          %mul3A_704 = arith.constant 16 : i32
          %mul3A_705 = arith.muli %scan3A_130, %mul3A_704 : i32
          %get3A_706 = arith.constant 1 : i32
          %get3A_707 = arith.constant 38 : i32
          %get3A_708 = arith.index_cast %get3A_706 : i32 to index
          %get3A_709 = arith.index_cast %get3A_707 : i32 to index
          %get3A_710 = arith.index_cast %mul3A_705 : i32 to index
          %get3A_711 = tpu.vector_load %arg5[%get3A_708, %get3A_709, %get3A_710] {strides = array<i32>} : memref<2x64x128xf32, #tpu.memory_space<vmem>>, vector<16xf32>,
          %scatter3A_712 = arith.constant 1 : i32
          %scatter3A_713 = arith.constant 0 : i32
          %scatter3A_714 = arith.constant 0 : i32
          %scatter3A_715 = tpu.memref_slice %arg6[%scatter3A_712, %scatter3A_713, %scatter3A_714] : memref<2x128x128xf32, #tpu.memory_space<vmem>> -> memref<1x128x128xf32, #tpu.memory_space<vmem>>
          %scatter3A_716 = tpu.memref_squeeze %scatter3A_715 : memref<1x128x128xf32, #tpu.memory_space<vmem>> -> memref<128x128xf32, #tpu.memory_space<vmem>>
          tpu.vector_store_idx %scatter3A_716[%add3A_134, %broadcast_in_dim3A_703], %get3A_711 : memref<128x128xf32, #tpu.memory_space<vmem>>[vector<16xi32>, vector<16xi32>], vector<16xf32>,
          %broadcast_in_dim3A_717 = arith.constant 39 : i32
          %broadcast_in_dim3A_718 = vector.broadcast %broadcast_in_dim3A_717 : i32 to vector<16xi32>
          %mul3A_719 = arith.constant 16 : i32
          %mul3A_720 = arith.muli %scan3A_130, %mul3A_719 : i32
          %get3A_721 = arith.constant 1 : i32
          %get3A_722 = arith.constant 39 : i32
          %get3A_723 = arith.index_cast %get3A_721 : i32 to index
          %get3A_724 = arith.index_cast %get3A_722 : i32 to index
          %get3A_725 = arith.index_cast %mul3A_720 : i32 to index
          %get3A_726 = tpu.vector_load %arg5[%get3A_723, %get3A_724, %get3A_725] {strides = array<i32>} : memref<2x64x128xf32, #tpu.memory_space<vmem>>, vector<16xf32>,
          %scatter3A_727 = arith.constant 1 : i32
          %scatter3A_728 = arith.constant 0 : i32
          %scatter3A_729 = arith.constant 0 : i32
          %scatter3A_730 = tpu.memref_slice %arg6[%scatter3A_727, %scatter3A_728, %scatter3A_729] : memref<2x128x128xf32, #tpu.memory_space<vmem>> -> memref<1x128x128xf32, #tpu.memory_space<vmem>>
          %scatter3A_731 = tpu.memref_squeeze %scatter3A_730 : memref<1x128x128xf32, #tpu.memory_space<vmem>> -> memref<128x128xf32, #tpu.memory_space<vmem>>
          tpu.vector_store_idx %scatter3A_731[%add3A_134, %broadcast_in_dim3A_718], %get3A_726 : memref<128x128xf32, #tpu.memory_space<vmem>>[vector<16xi32>, vector<16xi32>], vector<16xf32>,
          %broadcast_in_dim3A_732 = arith.constant 40 : i32
          %broadcast_in_dim3A_733 = vector.broadcast %broadcast_in_dim3A_732 : i32 to vector<16xi32>
          %mul3A_734 = arith.constant 16 : i32
          %mul3A_735 = arith.muli %scan3A_130, %mul3A_734 : i32
          %get3A_736 = arith.constant 1 : i32
          %get3A_737 = arith.constant 40 : i32
          %get3A_738 = arith.index_cast %get3A_736 : i32 to index
          %get3A_739 = arith.index_cast %get3A_737 : i32 to index
          %get3A_740 = arith.index_cast %mul3A_735 : i32 to index
          %get3A_741 = tpu.vector_load %arg5[%get3A_738, %get3A_739, %get3A_740] {strides = array<i32>} : memref<2x64x128xf32, #tpu.memory_space<vmem>>, vector<16xf32>,
          %scatter3A_742 = arith.constant 1 : i32
          %scatter3A_743 = arith.constant 0 : i32
          %scatter3A_744 = arith.constant 0 : i32
          %scatter3A_745 = tpu.memref_slice %arg6[%scatter3A_742, %scatter3A_743, %scatter3A_744] : memref<2x128x128xf32, #tpu.memory_space<vmem>> -> memref<1x128x128xf32, #tpu.memory_space<vmem>>
          %scatter3A_746 = tpu.memref_squeeze %scatter3A_745 : memref<1x128x128xf32, #tpu.memory_space<vmem>> -> memref<128x128xf32, #tpu.memory_space<vmem>>
          tpu.vector_store_idx %scatter3A_746[%add3A_134, %broadcast_in_dim3A_733], %get3A_741 : memref<128x128xf32, #tpu.memory_space<vmem>>[vector<16xi32>, vector<16xi32>], vector<16xf32>,
          %broadcast_in_dim3A_747 = arith.constant 41 : i32
          %broadcast_in_dim3A_748 = vector.broadcast %broadcast_in_dim3A_747 : i32 to vector<16xi32>
          %mul3A_749 = arith.constant 16 : i32
          %mul3A_750 = arith.muli %scan3A_130, %mul3A_749 : i32
          %get3A_751 = arith.constant 1 : i32
          %get3A_752 = arith.constant 41 : i32
          %get3A_753 = arith.index_cast %get3A_751 : i32 to index
          %get3A_754 = arith.index_cast %get3A_752 : i32 to index
          %get3A_755 = arith.index_cast %mul3A_750 : i32 to index
          %get3A_756 = tpu.vector_load %arg5[%get3A_753, %get3A_754, %get3A_755] {strides = array<i32>} : memref<2x64x128xf32, #tpu.memory_space<vmem>>, vector<16xf32>,
          %scatter3A_757 = arith.constant 1 : i32
          %scatter3A_758 = arith.constant 0 : i32
          %scatter3A_759 = arith.constant 0 : i32
          %scatter3A_760 = tpu.memref_slice %arg6[%scatter3A_757, %scatter3A_758, %scatter3A_759] : memref<2x128x128xf32, #tpu.memory_space<vmem>> -> memref<1x128x128xf32, #tpu.memory_space<vmem>>
          %scatter3A_761 = tpu.memref_squeeze %scatter3A_760 : memref<1x128x128xf32, #tpu.memory_space<vmem>> -> memref<128x128xf32, #tpu.memory_space<vmem>>
          tpu.vector_store_idx %scatter3A_761[%add3A_134, %broadcast_in_dim3A_748], %get3A_756 : memref<128x128xf32, #tpu.memory_space<vmem>>[vector<16xi32>, vector<16xi32>], vector<16xf32>,
          %broadcast_in_dim3A_762 = arith.constant 42 : i32
          %broadcast_in_dim3A_763 = vector.broadcast %broadcast_in_dim3A_762 : i32 to vector<16xi32>
          %mul3A_764 = arith.constant 16 : i32
          %mul3A_765 = arith.muli %scan3A_130, %mul3A_764 : i32
          %get3A_766 = arith.constant 1 : i32
          %get3A_767 = arith.constant 42 : i32
          %get3A_768 = arith.index_cast %get3A_766 : i32 to index
          %get3A_769 = arith.index_cast %get3A_767 : i32 to index
          %get3A_770 = arith.index_cast %mul3A_765 : i32 to index
          %get3A_771 = tpu.vector_load %arg5[%get3A_768, %get3A_769, %get3A_770] {strides = array<i32>} : memref<2x64x128xf32, #tpu.memory_space<vmem>>, vector<16xf32>,
          %scatter3A_772 = arith.constant 1 : i32
          %scatter3A_773 = arith.constant 0 : i32
          %scatter3A_774 = arith.constant 0 : i32
          %scatter3A_775 = tpu.memref_slice %arg6[%scatter3A_772, %scatter3A_773, %scatter3A_774] : memref<2x128x128xf32, #tpu.memory_space<vmem>> -> memref<1x128x128xf32, #tpu.memory_space<vmem>>
          %scatter3A_776 = tpu.memref_squeeze %scatter3A_775 : memref<1x128x128xf32, #tpu.memory_space<vmem>> -> memref<128x128xf32, #tpu.memory_space<vmem>>
          tpu.vector_store_idx %scatter3A_776[%add3A_134, %broadcast_in_dim3A_763], %get3A_771 : memref<128x128xf32, #tpu.memory_space<vmem>>[vector<16xi32>, vector<16xi32>], vector<16xf32>,
          %broadcast_in_dim3A_777 = arith.constant 43 : i32
          %broadcast_in_dim3A_778 = vector.broadcast %broadcast_in_dim3A_777 : i32 to vector<16xi32>
          %mul3A_779 = arith.constant 16 : i32
          %mul3A_780 = arith.muli %scan3A_130, %mul3A_779 : i32
          %get3A_781 = arith.constant 1 : i32
          %get3A_782 = arith.constant 43 : i32
          %get3A_783 = arith.index_cast %get3A_781 : i32 to index
          %get3A_784 = arith.index_cast %get3A_782 : i32 to index
          %get3A_785 = arith.index_cast %mul3A_780 : i32 to index
          %get3A_786 = tpu.vector_load %arg5[%get3A_783, %get3A_784, %get3A_785] {strides = array<i32>} : memref<2x64x128xf32, #tpu.memory_space<vmem>>, vector<16xf32>,
          %scatter3A_787 = arith.constant 1 : i32
          %scatter3A_788 = arith.constant 0 : i32
          %scatter3A_789 = arith.constant 0 : i32
          %scatter3A_790 = tpu.memref_slice %arg6[%scatter3A_787, %scatter3A_788, %scatter3A_789] : memref<2x128x128xf32, #tpu.memory_space<vmem>> -> memref<1x128x128xf32, #tpu.memory_space<vmem>>
          %scatter3A_791 = tpu.memref_squeeze %scatter3A_790 : memref<1x128x128xf32, #tpu.memory_space<vmem>> -> memref<128x128xf32, #tpu.memory_space<vmem>>
          tpu.vector_store_idx %scatter3A_791[%add3A_134, %broadcast_in_dim3A_778], %get3A_786 : memref<128x128xf32, #tpu.memory_space<vmem>>[vector<16xi32>, vector<16xi32>], vector<16xf32>,
          %broadcast_in_dim3A_792 = arith.constant 44 : i32
          %broadcast_in_dim3A_793 = vector.broadcast %broadcast_in_dim3A_792 : i32 to vector<16xi32>
          %mul3A_794 = arith.constant 16 : i32
          %mul3A_795 = arith.muli %scan3A_130, %mul3A_794 : i32
          %get3A_796 = arith.constant 1 : i32
          %get3A_797 = arith.constant 44 : i32
          %get3A_798 = arith.index_cast %get3A_796 : i32 to index
          %get3A_799 = arith.index_cast %get3A_797 : i32 to index
          %get3A_800 = arith.index_cast %mul3A_795 : i32 to index
          %get3A_801 = tpu.vector_load %arg5[%get3A_798, %get3A_799, %get3A_800] {strides = array<i32>} : memref<2x64x128xf32, #tpu.memory_space<vmem>>, vector<16xf32>,
          %scatter3A_802 = arith.constant 1 : i32
          %scatter3A_803 = arith.constant 0 : i32
          %scatter3A_804 = arith.constant 0 : i32
          %scatter3A_805 = tpu.memref_slice %arg6[%scatter3A_802, %scatter3A_803, %scatter3A_804] : memref<2x128x128xf32, #tpu.memory_space<vmem>> -> memref<1x128x128xf32, #tpu.memory_space<vmem>>
          %scatter3A_806 = tpu.memref_squeeze %scatter3A_805 : memref<1x128x128xf32, #tpu.memory_space<vmem>> -> memref<128x128xf32, #tpu.memory_space<vmem>>
          tpu.vector_store_idx %scatter3A_806[%add3A_134, %broadcast_in_dim3A_793], %get3A_801 : memref<128x128xf32, #tpu.memory_space<vmem>>[vector<16xi32>, vector<16xi32>], vector<16xf32>,
          %broadcast_in_dim3A_807 = arith.constant 45 : i32
          %broadcast_in_dim3A_808 = vector.broadcast %broadcast_in_dim3A_807 : i32 to vector<16xi32>
          %mul3A_809 = arith.constant 16 : i32
          %mul3A_810 = arith.muli %scan3A_130, %mul3A_809 : i32
          %get3A_811 = arith.constant 1 : i32
          %get3A_812 = arith.constant 45 : i32
          %get3A_813 = arith.index_cast %get3A_811 : i32 to index
          %get3A_814 = arith.index_cast %get3A_812 : i32 to index
          %get3A_815 = arith.index_cast %mul3A_810 : i32 to index
          %get3A_816 = tpu.vector_load %arg5[%get3A_813, %get3A_814, %get3A_815] {strides = array<i32>} : memref<2x64x128xf32, #tpu.memory_space<vmem>>, vector<16xf32>,
          %scatter3A_817 = arith.constant 1 : i32
          %scatter3A_818 = arith.constant 0 : i32
          %scatter3A_819 = arith.constant 0 : i32
          %scatter3A_820 = tpu.memref_slice %arg6[%scatter3A_817, %scatter3A_818, %scatter3A_819] : memref<2x128x128xf32, #tpu.memory_space<vmem>> -> memref<1x128x128xf32, #tpu.memory_space<vmem>>
          %scatter3A_821 = tpu.memref_squeeze %scatter3A_820 : memref<1x128x128xf32, #tpu.memory_space<vmem>> -> memref<128x128xf32, #tpu.memory_space<vmem>>
          tpu.vector_store_idx %scatter3A_821[%add3A_134, %broadcast_in_dim3A_808], %get3A_816 : memref<128x128xf32, #tpu.memory_space<vmem>>[vector<16xi32>, vector<16xi32>], vector<16xf32>,
          %broadcast_in_dim3A_822 = arith.constant 46 : i32
          %broadcast_in_dim3A_823 = vector.broadcast %broadcast_in_dim3A_822 : i32 to vector<16xi32>
          %mul3A_824 = arith.constant 16 : i32
          %mul3A_825 = arith.muli %scan3A_130, %mul3A_824 : i32
          %get3A_826 = arith.constant 1 : i32
          %get3A_827 = arith.constant 46 : i32
          %get3A_828 = arith.index_cast %get3A_826 : i32 to index
          %get3A_829 = arith.index_cast %get3A_827 : i32 to index
          %get3A_830 = arith.index_cast %mul3A_825 : i32 to index
          %get3A_831 = tpu.vector_load %arg5[%get3A_828, %get3A_829, %get3A_830] {strides = array<i32>} : memref<2x64x128xf32, #tpu.memory_space<vmem>>, vector<16xf32>,
          %scatter3A_832 = arith.constant 1 : i32
          %scatter3A_833 = arith.constant 0 : i32
          %scatter3A_834 = arith.constant 0 : i32
          %scatter3A_835 = tpu.memref_slice %arg6[%scatter3A_832, %scatter3A_833, %scatter3A_834] : memref<2x128x128xf32, #tpu.memory_space<vmem>> -> memref<1x128x128xf32, #tpu.memory_space<vmem>>
          %scatter3A_836 = tpu.memref_squeeze %scatter3A_835 : memref<1x128x128xf32, #tpu.memory_space<vmem>> -> memref<128x128xf32, #tpu.memory_space<vmem>>
          tpu.vector_store_idx %scatter3A_836[%add3A_134, %broadcast_in_dim3A_823], %get3A_831 : memref<128x128xf32, #tpu.memory_space<vmem>>[vector<16xi32>, vector<16xi32>], vector<16xf32>,
          %broadcast_in_dim3A_837 = arith.constant 47 : i32
          %broadcast_in_dim3A_838 = vector.broadcast %broadcast_in_dim3A_837 : i32 to vector<16xi32>
          %mul3A_839 = arith.constant 16 : i32
          %mul3A_840 = arith.muli %scan3A_130, %mul3A_839 : i32
          %get3A_841 = arith.constant 1 : i32
          %get3A_842 = arith.constant 47 : i32
          %get3A_843 = arith.index_cast %get3A_841 : i32 to index
          %get3A_844 = arith.index_cast %get3A_842 : i32 to index
          %get3A_845 = arith.index_cast %mul3A_840 : i32 to index
          %get3A_846 = tpu.vector_load %arg5[%get3A_843, %get3A_844, %get3A_845] {strides = array<i32>} : memref<2x64x128xf32, #tpu.memory_space<vmem>>, vector<16xf32>,
          %scatter3A_847 = arith.constant 1 : i32
          %scatter3A_848 = arith.constant 0 : i32
          %scatter3A_849 = arith.constant 0 : i32
          %scatter3A_850 = tpu.memref_slice %arg6[%scatter3A_847, %scatter3A_848, %scatter3A_849] : memref<2x128x128xf32, #tpu.memory_space<vmem>> -> memref<1x128x128xf32, #tpu.memory_space<vmem>>
          %scatter3A_851 = tpu.memref_squeeze %scatter3A_850 : memref<1x128x128xf32, #tpu.memory_space<vmem>> -> memref<128x128xf32, #tpu.memory_space<vmem>>
          tpu.vector_store_idx %scatter3A_851[%add3A_134, %broadcast_in_dim3A_838], %get3A_846 : memref<128x128xf32, #tpu.memory_space<vmem>>[vector<16xi32>, vector<16xi32>], vector<16xf32>,
          %broadcast_in_dim3A_852 = arith.constant 48 : i32
          %broadcast_in_dim3A_853 = vector.broadcast %broadcast_in_dim3A_852 : i32 to vector<16xi32>
          %mul3A_854 = arith.constant 16 : i32
          %mul3A_855 = arith.muli %scan3A_130, %mul3A_854 : i32
          %get3A_856 = arith.constant 1 : i32
          %get3A_857 = arith.constant 48 : i32
          %get3A_858 = arith.index_cast %get3A_856 : i32 to index
          %get3A_859 = arith.index_cast %get3A_857 : i32 to index
          %get3A_860 = arith.index_cast %mul3A_855 : i32 to index
          %get3A_861 = tpu.vector_load %arg5[%get3A_858, %get3A_859, %get3A_860] {strides = array<i32>} : memref<2x64x128xf32, #tpu.memory_space<vmem>>, vector<16xf32>,
          %scatter3A_862 = arith.constant 1 : i32
          %scatter3A_863 = arith.constant 0 : i32
          %scatter3A_864 = arith.constant 0 : i32
          %scatter3A_865 = tpu.memref_slice %arg6[%scatter3A_862, %scatter3A_863, %scatter3A_864] : memref<2x128x128xf32, #tpu.memory_space<vmem>> -> memref<1x128x128xf32, #tpu.memory_space<vmem>>
          %scatter3A_866 = tpu.memref_squeeze %scatter3A_865 : memref<1x128x128xf32, #tpu.memory_space<vmem>> -> memref<128x128xf32, #tpu.memory_space<vmem>>
          tpu.vector_store_idx %scatter3A_866[%add3A_134, %broadcast_in_dim3A_853], %get3A_861 : memref<128x128xf32, #tpu.memory_space<vmem>>[vector<16xi32>, vector<16xi32>], vector<16xf32>,
          %broadcast_in_dim3A_867 = arith.constant 49 : i32
          %broadcast_in_dim3A_868 = vector.broadcast %broadcast_in_dim3A_867 : i32 to vector<16xi32>
          %mul3A_869 = arith.constant 16 : i32
          %mul3A_870 = arith.muli %scan3A_130, %mul3A_869 : i32
          %get3A_871 = arith.constant 1 : i32
          %get3A_872 = arith.constant 49 : i32
          %get3A_873 = arith.index_cast %get3A_871 : i32 to index
          %get3A_874 = arith.index_cast %get3A_872 : i32 to index
          %get3A_875 = arith.index_cast %mul3A_870 : i32 to index
          %get3A_876 = tpu.vector_load %arg5[%get3A_873, %get3A_874, %get3A_875] {strides = array<i32>} : memref<2x64x128xf32, #tpu.memory_space<vmem>>, vector<16xf32>,
          %scatter3A_877 = arith.constant 1 : i32
          %scatter3A_878 = arith.constant 0 : i32
          %scatter3A_879 = arith.constant 0 : i32
          %scatter3A_880 = tpu.memref_slice %arg6[%scatter3A_877, %scatter3A_878, %scatter3A_879] : memref<2x128x128xf32, #tpu.memory_space<vmem>> -> memref<1x128x128xf32, #tpu.memory_space<vmem>>
          %scatter3A_881 = tpu.memref_squeeze %scatter3A_880 : memref<1x128x128xf32, #tpu.memory_space<vmem>> -> memref<128x128xf32, #tpu.memory_space<vmem>>
          tpu.vector_store_idx %scatter3A_881[%add3A_134, %broadcast_in_dim3A_868], %get3A_876 : memref<128x128xf32, #tpu.memory_space<vmem>>[vector<16xi32>, vector<16xi32>], vector<16xf32>,
          %broadcast_in_dim3A_882 = arith.constant 50 : i32
          %broadcast_in_dim3A_883 = vector.broadcast %broadcast_in_dim3A_882 : i32 to vector<16xi32>
          %mul3A_884 = arith.constant 16 : i32
          %mul3A_885 = arith.muli %scan3A_130, %mul3A_884 : i32
          %get3A_886 = arith.constant 1 : i32
          %get3A_887 = arith.constant 50 : i32
          %get3A_888 = arith.index_cast %get3A_886 : i32 to index
          %get3A_889 = arith.index_cast %get3A_887 : i32 to index
          %get3A_890 = arith.index_cast %mul3A_885 : i32 to index
          %get3A_891 = tpu.vector_load %arg5[%get3A_888, %get3A_889, %get3A_890] {strides = array<i32>} : memref<2x64x128xf32, #tpu.memory_space<vmem>>, vector<16xf32>,
          %scatter3A_892 = arith.constant 1 : i32
          %scatter3A_893 = arith.constant 0 : i32
          %scatter3A_894 = arith.constant 0 : i32
          %scatter3A_895 = tpu.memref_slice %arg6[%scatter3A_892, %scatter3A_893, %scatter3A_894] : memref<2x128x128xf32, #tpu.memory_space<vmem>> -> memref<1x128x128xf32, #tpu.memory_space<vmem>>
          %scatter3A_896 = tpu.memref_squeeze %scatter3A_895 : memref<1x128x128xf32, #tpu.memory_space<vmem>> -> memref<128x128xf32, #tpu.memory_space<vmem>>
          tpu.vector_store_idx %scatter3A_896[%add3A_134, %broadcast_in_dim3A_883], %get3A_891 : memref<128x128xf32, #tpu.memory_space<vmem>>[vector<16xi32>, vector<16xi32>], vector<16xf32>,
          %broadcast_in_dim3A_897 = arith.constant 51 : i32
          %broadcast_in_dim3A_898 = vector.broadcast %broadcast_in_dim3A_897 : i32 to vector<16xi32>
          %mul3A_899 = arith.constant 16 : i32
          %mul3A_900 = arith.muli %scan3A_130, %mul3A_899 : i32
          %get3A_901 = arith.constant 1 : i32
          %get3A_902 = arith.constant 51 : i32
          %get3A_903 = arith.index_cast %get3A_901 : i32 to index
          %get3A_904 = arith.index_cast %get3A_902 : i32 to index
          %get3A_905 = arith.index_cast %mul3A_900 : i32 to index
          %get3A_906 = tpu.vector_load %arg5[%get3A_903, %get3A_904, %get3A_905] {strides = array<i32>} : memref<2x64x128xf32, #tpu.memory_space<vmem>>, vector<16xf32>,
          %scatter3A_907 = arith.constant 1 : i32
          %scatter3A_908 = arith.constant 0 : i32
          %scatter3A_909 = arith.constant 0 : i32
          %scatter3A_910 = tpu.memref_slice %arg6[%scatter3A_907, %scatter3A_908, %scatter3A_909] : memref<2x128x128xf32, #tpu.memory_space<vmem>> -> memref<1x128x128xf32, #tpu.memory_space<vmem>>
          %scatter3A_911 = tpu.memref_squeeze %scatter3A_910 : memref<1x128x128xf32, #tpu.memory_space<vmem>> -> memref<128x128xf32, #tpu.memory_space<vmem>>
          tpu.vector_store_idx %scatter3A_911[%add3A_134, %broadcast_in_dim3A_898], %get3A_906 : memref<128x128xf32, #tpu.memory_space<vmem>>[vector<16xi32>, vector<16xi32>], vector<16xf32>,
          %broadcast_in_dim3A_912 = arith.constant 52 : i32
          %broadcast_in_dim3A_913 = vector.broadcast %broadcast_in_dim3A_912 : i32 to vector<16xi32>
          %mul3A_914 = arith.constant 16 : i32
          %mul3A_915 = arith.muli %scan3A_130, %mul3A_914 : i32
          %get3A_916 = arith.constant 1 : i32
          %get3A_917 = arith.constant 52 : i32
          %get3A_918 = arith.index_cast %get3A_916 : i32 to index
          %get3A_919 = arith.index_cast %get3A_917 : i32 to index
          %get3A_920 = arith.index_cast %mul3A_915 : i32 to index
          %get3A_921 = tpu.vector_load %arg5[%get3A_918, %get3A_919, %get3A_920] {strides = array<i32>} : memref<2x64x128xf32, #tpu.memory_space<vmem>>, vector<16xf32>,
          %scatter3A_922 = arith.constant 1 : i32
          %scatter3A_923 = arith.constant 0 : i32
          %scatter3A_924 = arith.constant 0 : i32
          %scatter3A_925 = tpu.memref_slice %arg6[%scatter3A_922, %scatter3A_923, %scatter3A_924] : memref<2x128x128xf32, #tpu.memory_space<vmem>> -> memref<1x128x128xf32, #tpu.memory_space<vmem>>
          %scatter3A_926 = tpu.memref_squeeze %scatter3A_925 : memref<1x128x128xf32, #tpu.memory_space<vmem>> -> memref<128x128xf32, #tpu.memory_space<vmem>>
          tpu.vector_store_idx %scatter3A_926[%add3A_134, %broadcast_in_dim3A_913], %get3A_921 : memref<128x128xf32, #tpu.memory_space<vmem>>[vector<16xi32>, vector<16xi32>], vector<16xf32>,
          %broadcast_in_dim3A_927 = arith.constant 53 : i32
          %broadcast_in_dim3A_928 = vector.broadcast %broadcast_in_dim3A_927 : i32 to vector<16xi32>
          %mul3A_929 = arith.constant 16 : i32
          %mul3A_930 = arith.muli %scan3A_130, %mul3A_929 : i32
          %get3A_931 = arith.constant 1 : i32
          %get3A_932 = arith.constant 53 : i32
          %get3A_933 = arith.index_cast %get3A_931 : i32 to index
          %get3A_934 = arith.index_cast %get3A_932 : i32 to index
          %get3A_935 = arith.index_cast %mul3A_930 : i32 to index
          %get3A_936 = tpu.vector_load %arg5[%get3A_933, %get3A_934, %get3A_935] {strides = array<i32>} : memref<2x64x128xf32, #tpu.memory_space<vmem>>, vector<16xf32>,
          %scatter3A_937 = arith.constant 1 : i32
          %scatter3A_938 = arith.constant 0 : i32
          %scatter3A_939 = arith.constant 0 : i32
          %scatter3A_940 = tpu.memref_slice %arg6[%scatter3A_937, %scatter3A_938, %scatter3A_939] : memref<2x128x128xf32, #tpu.memory_space<vmem>> -> memref<1x128x128xf32, #tpu.memory_space<vmem>>
          %scatter3A_941 = tpu.memref_squeeze %scatter3A_940 : memref<1x128x128xf32, #tpu.memory_space<vmem>> -> memref<128x128xf32, #tpu.memory_space<vmem>>
          tpu.vector_store_idx %scatter3A_941[%add3A_134, %broadcast_in_dim3A_928], %get3A_936 : memref<128x128xf32, #tpu.memory_space<vmem>>[vector<16xi32>, vector<16xi32>], vector<16xf32>,
          %broadcast_in_dim3A_942 = arith.constant 54 : i32
          %broadcast_in_dim3A_943 = vector.broadcast %broadcast_in_dim3A_942 : i32 to vector<16xi32>
          %mul3A_944 = arith.constant 16 : i32
          %mul3A_945 = arith.muli %scan3A_130, %mul3A_944 : i32
          %get3A_946 = arith.constant 1 : i32
          %get3A_947 = arith.constant 54 : i32
          %get3A_948 = arith.index_cast %get3A_946 : i32 to index
          %get3A_949 = arith.index_cast %get3A_947 : i32 to index
          %get3A_950 = arith.index_cast %mul3A_945 : i32 to index
          %get3A_951 = tpu.vector_load %arg5[%get3A_948, %get3A_949, %get3A_950] {strides = array<i32>} : memref<2x64x128xf32, #tpu.memory_space<vmem>>, vector<16xf32>,
          %scatter3A_952 = arith.constant 1 : i32
          %scatter3A_953 = arith.constant 0 : i32
          %scatter3A_954 = arith.constant 0 : i32
          %scatter3A_955 = tpu.memref_slice %arg6[%scatter3A_952, %scatter3A_953, %scatter3A_954] : memref<2x128x128xf32, #tpu.memory_space<vmem>> -> memref<1x128x128xf32, #tpu.memory_space<vmem>>
          %scatter3A_956 = tpu.memref_squeeze %scatter3A_955 : memref<1x128x128xf32, #tpu.memory_space<vmem>> -> memref<128x128xf32, #tpu.memory_space<vmem>>
          tpu.vector_store_idx %scatter3A_956[%add3A_134, %broadcast_in_dim3A_943], %get3A_951 : memref<128x128xf32, #tpu.memory_space<vmem>>[vector<16xi32>, vector<16xi32>], vector<16xf32>,
          %broadcast_in_dim3A_957 = arith.constant 55 : i32
          %broadcast_in_dim3A_958 = vector.broadcast %broadcast_in_dim3A_957 : i32 to vector<16xi32>
          %mul3A_959 = arith.constant 16 : i32
          %mul3A_960 = arith.muli %scan3A_130, %mul3A_959 : i32
          %get3A_961 = arith.constant 1 : i32
          %get3A_962 = arith.constant 55 : i32
          %get3A_963 = arith.index_cast %get3A_961 : i32 to index
          %get3A_964 = arith.index_cast %get3A_962 : i32 to index
          %get3A_965 = arith.index_cast %mul3A_960 : i32 to index
          %get3A_966 = tpu.vector_load %arg5[%get3A_963, %get3A_964, %get3A_965] {strides = array<i32>} : memref<2x64x128xf32, #tpu.memory_space<vmem>>, vector<16xf32>,
          %scatter3A_967 = arith.constant 1 : i32
          %scatter3A_968 = arith.constant 0 : i32
          %scatter3A_969 = arith.constant 0 : i32
          %scatter3A_970 = tpu.memref_slice %arg6[%scatter3A_967, %scatter3A_968, %scatter3A_969] : memref<2x128x128xf32, #tpu.memory_space<vmem>> -> memref<1x128x128xf32, #tpu.memory_space<vmem>>
          %scatter3A_971 = tpu.memref_squeeze %scatter3A_970 : memref<1x128x128xf32, #tpu.memory_space<vmem>> -> memref<128x128xf32, #tpu.memory_space<vmem>>
          tpu.vector_store_idx %scatter3A_971[%add3A_134, %broadcast_in_dim3A_958], %get3A_966 : memref<128x128xf32, #tpu.memory_space<vmem>>[vector<16xi32>, vector<16xi32>], vector<16xf32>,
          %broadcast_in_dim3A_972 = arith.constant 56 : i32
          %broadcast_in_dim3A_973 = vector.broadcast %broadcast_in_dim3A_972 : i32 to vector<16xi32>
          %mul3A_974 = arith.constant 16 : i32
          %mul3A_975 = arith.muli %scan3A_130, %mul3A_974 : i32
          %get3A_976 = arith.constant 1 : i32
          %get3A_977 = arith.constant 56 : i32
          %get3A_978 = arith.index_cast %get3A_976 : i32 to index
          %get3A_979 = arith.index_cast %get3A_977 : i32 to index
          %get3A_980 = arith.index_cast %mul3A_975 : i32 to index
          %get3A_981 = tpu.vector_load %arg5[%get3A_978, %get3A_979, %get3A_980] {strides = array<i32>} : memref<2x64x128xf32, #tpu.memory_space<vmem>>, vector<16xf32>,
          %scatter3A_982 = arith.constant 1 : i32
          %scatter3A_983 = arith.constant 0 : i32
          %scatter3A_984 = arith.constant 0 : i32
          %scatter3A_985 = tpu.memref_slice %arg6[%scatter3A_982, %scatter3A_983, %scatter3A_984] : memref<2x128x128xf32, #tpu.memory_space<vmem>> -> memref<1x128x128xf32, #tpu.memory_space<vmem>>
          %scatter3A_986 = tpu.memref_squeeze %scatter3A_985 : memref<1x128x128xf32, #tpu.memory_space<vmem>> -> memref<128x128xf32, #tpu.memory_space<vmem>>
          tpu.vector_store_idx %scatter3A_986[%add3A_134, %broadcast_in_dim3A_973], %get3A_981 : memref<128x128xf32, #tpu.memory_space<vmem>>[vector<16xi32>, vector<16xi32>], vector<16xf32>,
          %broadcast_in_dim3A_987 = arith.constant 57 : i32
          %broadcast_in_dim3A_988 = vector.broadcast %broadcast_in_dim3A_987 : i32 to vector<16xi32>
          %mul3A_989 = arith.constant 16 : i32
          %mul3A_990 = arith.muli %scan3A_130, %mul3A_989 : i32
          %get3A_991 = arith.constant 1 : i32
          %get3A_992 = arith.constant 57 : i32
          %get3A_993 = arith.index_cast %get3A_991 : i32 to index
          %get3A_994 = arith.index_cast %get3A_992 : i32 to index
          %get3A_995 = arith.index_cast %mul3A_990 : i32 to index
          %get3A_996 = tpu.vector_load %arg5[%get3A_993, %get3A_994, %get3A_995] {strides = array<i32>} : memref<2x64x128xf32, #tpu.memory_space<vmem>>, vector<16xf32>,
          %scatter3A_997 = arith.constant 1 : i32
          %scatter3A_998 = arith.constant 0 : i32
          %scatter3A_999 = arith.constant 0 : i32
          %scatter3A_1000 = tpu.memref_slice %arg6[%scatter3A_997, %scatter3A_998, %scatter3A_999] : memref<2x128x128xf32, #tpu.memory_space<vmem>> -> memref<1x128x128xf32, #tpu.memory_space<vmem>>
          %scatter3A_1001 = tpu.memref_squeeze %scatter3A_1000 : memref<1x128x128xf32, #tpu.memory_space<vmem>> -> memref<128x128xf32, #tpu.memory_space<vmem>>
          tpu.vector_store_idx %scatter3A_1001[%add3A_134, %broadcast_in_dim3A_988], %get3A_996 : memref<128x128xf32, #tpu.memory_space<vmem>>[vector<16xi32>, vector<16xi32>], vector<16xf32>,
          %broadcast_in_dim3A_1002 = arith.constant 58 : i32
          %broadcast_in_dim3A_1003 = vector.broadcast %broadcast_in_dim3A_1002 : i32 to vector<16xi32>
          %mul3A_1004 = arith.constant 16 : i32
          %mul3A_1005 = arith.muli %scan3A_130, %mul3A_1004 : i32
          %get3A_1006 = arith.constant 1 : i32
          %get3A_1007 = arith.constant 58 : i32
          %get3A_1008 = arith.index_cast %get3A_1006 : i32 to index
          %get3A_1009 = arith.index_cast %get3A_1007 : i32 to index
          %get3A_1010 = arith.index_cast %mul3A_1005 : i32 to index
          %get3A_1011 = tpu.vector_load %arg5[%get3A_1008, %get3A_1009, %get3A_1010] {strides = array<i32>} : memref<2x64x128xf32, #tpu.memory_space<vmem>>, vector<16xf32>,
          %scatter3A_1012 = arith.constant 1 : i32
          %scatter3A_1013 = arith.constant 0 : i32
          %scatter3A_1014 = arith.constant 0 : i32
          %scatter3A_1015 = tpu.memref_slice %arg6[%scatter3A_1012, %scatter3A_1013, %scatter3A_1014] : memref<2x128x128xf32, #tpu.memory_space<vmem>> -> memref<1x128x128xf32, #tpu.memory_space<vmem>>
          %scatter3A_1016 = tpu.memref_squeeze %scatter3A_1015 : memref<1x128x128xf32, #tpu.memory_space<vmem>> -> memref<128x128xf32, #tpu.memory_space<vmem>>
          tpu.vector_store_idx %scatter3A_1016[%add3A_134, %broadcast_in_dim3A_1003], %get3A_1011 : memref<128x128xf32, #tpu.memory_space<vmem>>[vector<16xi32>, vector<16xi32>], vector<16xf32>,
          %broadcast_in_dim3A_1017 = arith.constant 59 : i32
          %broadcast_in_dim3A_1018 = vector.broadcast %broadcast_in_dim3A_1017 : i32 to vector<16xi32>
          %mul3A_1019 = arith.constant 16 : i32
          %mul3A_1020 = arith.muli %scan3A_130, %mul3A_1019 : i32
          %get3A_1021 = arith.constant 1 : i32
          %get3A_1022 = arith.constant 59 : i32
          %get3A_1023 = arith.index_cast %get3A_1021 : i32 to index
          %get3A_1024 = arith.index_cast %get3A_1022 : i32 to index
          %get3A_1025 = arith.index_cast %mul3A_1020 : i32 to index
          %get3A_1026 = tpu.vector_load %arg5[%get3A_1023, %get3A_1024, %get3A_1025] {strides = array<i32>} : memref<2x64x128xf32, #tpu.memory_space<vmem>>, vector<16xf32>,
          %scatter3A_1027 = arith.constant 1 : i32
          %scatter3A_1028 = arith.constant 0 : i32
          %scatter3A_1029 = arith.constant 0 : i32
          %scatter3A_1030 = tpu.memref_slice %arg6[%scatter3A_1027, %scatter3A_1028, %scatter3A_1029] : memref<2x128x128xf32, #tpu.memory_space<vmem>> -> memref<1x128x128xf32, #tpu.memory_space<vmem>>
          %scatter3A_1031 = tpu.memref_squeeze %scatter3A_1030 : memref<1x128x128xf32, #tpu.memory_space<vmem>> -> memref<128x128xf32, #tpu.memory_space<vmem>>
          tpu.vector_store_idx %scatter3A_1031[%add3A_134, %broadcast_in_dim3A_1018], %get3A_1026 : memref<128x128xf32, #tpu.memory_space<vmem>>[vector<16xi32>, vector<16xi32>], vector<16xf32>,
          %broadcast_in_dim3A_1032 = arith.constant 60 : i32
          %broadcast_in_dim3A_1033 = vector.broadcast %broadcast_in_dim3A_1032 : i32 to vector<16xi32>
          %mul3A_1034 = arith.constant 16 : i32
          %mul3A_1035 = arith.muli %scan3A_130, %mul3A_1034 : i32
          %get3A_1036 = arith.constant 1 : i32
          %get3A_1037 = arith.constant 60 : i32
          %get3A_1038 = arith.index_cast %get3A_1036 : i32 to index
          %get3A_1039 = arith.index_cast %get3A_1037 : i32 to index
          %get3A_1040 = arith.index_cast %mul3A_1035 : i32 to index
          %get3A_1041 = tpu.vector_load %arg5[%get3A_1038, %get3A_1039, %get3A_1040] {strides = array<i32>} : memref<2x64x128xf32, #tpu.memory_space<vmem>>, vector<16xf32>,
          %scatter3A_1042 = arith.constant 1 : i32
          %scatter3A_1043 = arith.constant 0 : i32
          %scatter3A_1044 = arith.constant 0 : i32
          %scatter3A_1045 = tpu.memref_slice %arg6[%scatter3A_1042, %scatter3A_1043, %scatter3A_1044] : memref<2x128x128xf32, #tpu.memory_space<vmem>> -> memref<1x128x128xf32, #tpu.memory_space<vmem>>
          %scatter3A_1046 = tpu.memref_squeeze %scatter3A_1045 : memref<1x128x128xf32, #tpu.memory_space<vmem>> -> memref<128x128xf32, #tpu.memory_space<vmem>>
          tpu.vector_store_idx %scatter3A_1046[%add3A_134, %broadcast_in_dim3A_1033], %get3A_1041 : memref<128x128xf32, #tpu.memory_space<vmem>>[vector<16xi32>, vector<16xi32>], vector<16xf32>,
          %broadcast_in_dim3A_1047 = arith.constant 61 : i32
          %broadcast_in_dim3A_1048 = vector.broadcast %broadcast_in_dim3A_1047 : i32 to vector<16xi32>
          %mul3A_1049 = arith.constant 16 : i32
          %mul3A_1050 = arith.muli %scan3A_130, %mul3A_1049 : i32
          %get3A_1051 = arith.constant 1 : i32
          %get3A_1052 = arith.constant 61 : i32
          %get3A_1053 = arith.index_cast %get3A_1051 : i32 to index
          %get3A_1054 = arith.index_cast %get3A_1052 : i32 to index
          %get3A_1055 = arith.index_cast %mul3A_1050 : i32 to index
          %get3A_1056 = tpu.vector_load %arg5[%get3A_1053, %get3A_1054, %get3A_1055] {strides = array<i32>} : memref<2x64x128xf32, #tpu.memory_space<vmem>>, vector<16xf32>,
          %scatter3A_1057 = arith.constant 1 : i32
          %scatter3A_1058 = arith.constant 0 : i32
          %scatter3A_1059 = arith.constant 0 : i32
          %scatter3A_1060 = tpu.memref_slice %arg6[%scatter3A_1057, %scatter3A_1058, %scatter3A_1059] : memref<2x128x128xf32, #tpu.memory_space<vmem>> -> memref<1x128x128xf32, #tpu.memory_space<vmem>>
          %scatter3A_1061 = tpu.memref_squeeze %scatter3A_1060 : memref<1x128x128xf32, #tpu.memory_space<vmem>> -> memref<128x128xf32, #tpu.memory_space<vmem>>
          tpu.vector_store_idx %scatter3A_1061[%add3A_134, %broadcast_in_dim3A_1048], %get3A_1056 : memref<128x128xf32, #tpu.memory_space<vmem>>[vector<16xi32>, vector<16xi32>], vector<16xf32>,
          %broadcast_in_dim3A_1062 = arith.constant 62 : i32
          %broadcast_in_dim3A_1063 = vector.broadcast %broadcast_in_dim3A_1062 : i32 to vector<16xi32>
          %mul3A_1064 = arith.constant 16 : i32
          %mul3A_1065 = arith.muli %scan3A_130, %mul3A_1064 : i32
          %get3A_1066 = arith.constant 1 : i32
          %get3A_1067 = arith.constant 62 : i32
          %get3A_1068 = arith.index_cast %get3A_1066 : i32 to index
          %get3A_1069 = arith.index_cast %get3A_1067 : i32 to index
          %get3A_1070 = arith.index_cast %mul3A_1065 : i32 to index
          %get3A_1071 = tpu.vector_load %arg5[%get3A_1068, %get3A_1069, %get3A_1070] {strides = array<i32>} : memref<2x64x128xf32, #tpu.memory_space<vmem>>, vector<16xf32>,
          %scatter3A_1072 = arith.constant 1 : i32
          %scatter3A_1073 = arith.constant 0 : i32
          %scatter3A_1074 = arith.constant 0 : i32
          %scatter3A_1075 = tpu.memref_slice %arg6[%scatter3A_1072, %scatter3A_1073, %scatter3A_1074] : memref<2x128x128xf32, #tpu.memory_space<vmem>> -> memref<1x128x128xf32, #tpu.memory_space<vmem>>
          %scatter3A_1076 = tpu.memref_squeeze %scatter3A_1075 : memref<1x128x128xf32, #tpu.memory_space<vmem>> -> memref<128x128xf32, #tpu.memory_space<vmem>>
          tpu.vector_store_idx %scatter3A_1076[%add3A_134, %broadcast_in_dim3A_1063], %get3A_1071 : memref<128x128xf32, #tpu.memory_space<vmem>>[vector<16xi32>, vector<16xi32>], vector<16xf32>,
          %broadcast_in_dim3A_1077 = arith.constant 63 : i32
          %broadcast_in_dim3A_1078 = vector.broadcast %broadcast_in_dim3A_1077 : i32 to vector<16xi32>
          %mul3A_1079 = arith.constant 16 : i32
          %mul3A_1080 = arith.muli %scan3A_130, %mul3A_1079 : i32
          %get3A_1081 = arith.constant 1 : i32
          %get3A_1082 = arith.constant 63 : i32
          %get3A_1083 = arith.index_cast %get3A_1081 : i32 to index
          %get3A_1084 = arith.index_cast %get3A_1082 : i32 to index
          %get3A_1085 = arith.index_cast %mul3A_1080 : i32 to index
          %get3A_1086 = tpu.vector_load %arg5[%get3A_1083, %get3A_1084, %get3A_1085] {strides = array<i32>} : memref<2x64x128xf32, #tpu.memory_space<vmem>>, vector<16xf32>,
          %scatter3A_1087 = arith.constant 1 : i32
          %scatter3A_1088 = arith.constant 0 : i32
          %scatter3A_1089 = arith.constant 0 : i32
          %scatter3A_1090 = tpu.memref_slice %arg6[%scatter3A_1087, %scatter3A_1088, %scatter3A_1089] : memref<2x128x128xf32, #tpu.memory_space<vmem>> -> memref<1x128x128xf32, #tpu.memory_space<vmem>>
          %scatter3A_1091 = tpu.memref_squeeze %scatter3A_1090 : memref<1x128x128xf32, #tpu.memory_space<vmem>> -> memref<128x128xf32, #tpu.memory_space<vmem>>
          tpu.vector_store_idx %scatter3A_1091[%add3A_134, %broadcast_in_dim3A_1078], %get3A_1086 : memref<128x128xf32, #tpu.memory_space<vmem>>[vector<16xi32>, vector<16xi32>], vector<16xf32>,
        }
        %scan3A_111 = arith.constant 8 : i32
        %mul3A_112 = arith.constant 32 : i32
        %mul3A_113 = arith.muli %add3A_68, %mul3A_112 : i32
        %add3A_114 = arith.addi %add3A, %mul3A_113 : i32
        %mul3A_115 = arith.constant 128 : i32
        %mul3A_116 = arith.muli %add3A_114, %mul3A_115 : i32
        %dma_start3A_117 = arith.constant 1 : i32
        %dma_start3A_118 = arith.constant 0 : i32
        %dma_start3A_119 = arith.constant 0 : i32
        %dma_start3A_120 = tpu.memref_slice %arg6[%dma_start3A_117, %dma_start3A_118, %dma_start3A_119] : memref<2x128x128xf32, #tpu.memory_space<vmem>> -> memref<1x128x128xf32, #tpu.memory_space<vmem>>
        %dma_start3A_121 = tpu.memref_squeeze %dma_start3A_120 : memref<1x128x128xf32, #tpu.memory_space<vmem>> -> memref<128x128xf32, #tpu.memory_space<vmem>>
        %dma_start3A_122 = arith.constant 0 : i32
        %dma_start3A_123 = tpu.memref_slice %arg4[%mul3A_116, %dma_start3A_122] : memref<1000000x128xf32, #tpu.memory_space<hbm>> -> memref<128x128xf32, #tpu.memory_space<hbm>>
        %dma_start3A_124 = arith.constant 0 : i32
        %dma_start3A_125 = tpu.memref_slice %arg4[%mul3A_116, %dma_start3A_124] : memref<1000000x128xf32, #tpu.memory_space<hbm>> -> memref<128x128xf32, #tpu.memory_space<hbm>>
        %dma_start3A_126 = arith.constant 0 : i32
        %dma_start3A_127 = arith.constant 0 : i32
        %dma_start3A_128 = tpu.memref_slice %arg6[%dma_start3A_117, %dma_start3A_126, %dma_start3A_127] : memref<2x128x128xf32, #tpu.memory_space<vmem>> -> memref<1x128x128xf32, #tpu.memory_space<vmem>>
        %dma_start3A_129 = tpu.memref_squeeze %dma_start3A_128 : memref<1x128x128xf32, #tpu.memory_space<vmem>> -> memref<128x128xf32, #tpu.memory_space<vmem>>
        tpu.enqueue_dma source(%dma_start3A_129 : memref<128x128xf32, #tpu.memory_space<vmem>>) target(%dma_start3A_125 : memref<128x128xf32, #tpu.memory_space<hbm>>) target_semaphore(%arg10 : memref<!tpu.dma_semaphore, #tpu.memory_space<semaphore_mem>>)
      } else {
      }
    }
    %scan3A_23 = arith.constant 123 : i32
    %dma_wait3A = arith.constant 0 : i32
    %dma_wait3A_24 = arith.constant 0 : i32
    %dma_wait3A_25 = arith.constant 0 : i32
    %dma_wait3A_26 = tpu.memref_slice %arg6[%dma_wait3A, %dma_wait3A_24, %dma_wait3A_25] : memref<2x128x128xf32, #tpu.memory_space<vmem>> -> memref<1x128x128xf32, #tpu.memory_space<vmem>>
    %dma_wait3A_27 = tpu.memref_squeeze %dma_wait3A_26 : memref<1x128x128xf32, #tpu.memory_space<vmem>> -> memref<128x128xf32, #tpu.memory_space<vmem>>
    %dma_wait3A_28 = arith.constant 0 : i32
    %dma_wait3A_29 = arith.constant 0 : i32
    %dma_wait3A_30 = tpu.memref_slice %arg4[%dma_wait3A_28, %dma_wait3A_29] : memref<1000000x128xf32, #tpu.memory_space<hbm>> -> memref<128x128xf32, #tpu.memory_space<hbm>>
    %dma_wait3A_31 = arith.constant 0 : i32
    %dma_wait3A_32 = arith.constant 0 : i32
    %dma_wait3A_33 = tpu.memref_slice %arg4[%dma_wait3A_31, %dma_wait3A_32] : memref<1000000x128xf32, #tpu.memory_space<hbm>> -> memref<128x128xf32, #tpu.memory_space<hbm>>
    %dma_wait3A_34 = arith.constant 0 : i32
    %dma_wait3A_35 = arith.constant 0 : i32
    %dma_wait3A_36 = tpu.memref_slice %arg6[%dma_wait3A, %dma_wait3A_34, %dma_wait3A_35] : memref<2x128x128xf32, #tpu.memory_space<vmem>> -> memref<1x128x128xf32, #tpu.memory_space<vmem>>
    %dma_wait3A_37 = tpu.memref_squeeze %dma_wait3A_36 : memref<1x128x128xf32, #tpu.memory_space<vmem>> -> memref<128x128xf32, #tpu.memory_space<vmem>>
    tpu.wait_dma2 semaphore(%arg9 : memref<!tpu.dma_semaphore, #tpu.memory_space<semaphore_mem>>) src(%dma_wait3A_37 : memref<128x128xf32, #tpu.memory_space<vmem>>) dst(%dma_wait3A_33 : memref<128x128xf32, #tpu.memory_space<hbm>>)
    %dma_wait3A_38 = arith.constant 1 : i32
    %dma_wait3A_39 = arith.constant 0 : i32
    %dma_wait3A_40 = arith.constant 0 : i32
    %dma_wait3A_41 = tpu.memref_slice %arg6[%dma_wait3A_38, %dma_wait3A_39, %dma_wait3A_40] : memref<2x128x128xf32, #tpu.memory_space<vmem>> -> memref<1x128x128xf32, #tpu.memory_space<vmem>>
    %dma_wait3A_42 = tpu.memref_squeeze %dma_wait3A_41 : memref<1x128x128xf32, #tpu.memory_space<vmem>> -> memref<128x128xf32, #tpu.memory_space<vmem>>
    %dma_wait3A_43 = arith.constant 0 : i32
    %dma_wait3A_44 = arith.constant 0 : i32
    %dma_wait3A_45 = tpu.memref_slice %arg4[%dma_wait3A_43, %dma_wait3A_44] : memref<1000000x128xf32, #tpu.memory_space<hbm>> -> memref<128x128xf32, #tpu.memory_space<hbm>>
    %dma_wait3A_46 = arith.constant 0 : i32
    %dma_wait3A_47 = arith.constant 0 : i32
    %dma_wait3A_48 = tpu.memref_slice %arg4[%dma_wait3A_46, %dma_wait3A_47] : memref<1000000x128xf32, #tpu.memory_space<hbm>> -> memref<128x128xf32, #tpu.memory_space<hbm>>
    %dma_wait3A_49 = arith.constant 0 : i32
    %dma_wait3A_50 = arith.constant 0 : i32
    %dma_wait3A_51 = tpu.memref_slice %arg6[%dma_wait3A_38, %dma_wait3A_49, %dma_wait3A_50] : memref<2x128x128xf32, #tpu.memory_space<vmem>> -> memref<1x128x128xf32, #tpu.memory_space<vmem>>
    %dma_wait3A_52 = tpu.memref_squeeze %dma_wait3A_51 : memref<1x128x128xf32, #tpu.memory_space<vmem>> -> memref<128x128xf32, #tpu.memory_space<vmem>>
    tpu.wait_dma2 semaphore(%arg10 : memref<!tpu.dma_semaphore, #tpu.memory_space<semaphore_mem>>) src(%dma_wait3A_52 : memref<128x128xf32, #tpu.memory_space<vmem>>) dst(%dma_wait3A_48 : memref<128x128xf32, #tpu.memory_space<hbm>>)
    return
  }
}

#map = affine_map<(d0, d1) -> (0, 0)>
#map1 = affine_map<(d0, d1) -> (0)>
#map2 = affine_map<(d0, d1) -> (0, 0, 0)>
module attributes {stable_mosaic.version = 14 : i64} {
  func.func @_lookup(%arg0: i32, %arg1: i32, %arg2: memref<200x4096xi32, #tpu.memory_space<hbm>>, %arg3: memref<1000000x128xf32, #tpu.memory_space<hbm>>, %arg4: memref<12800xf32, #tpu.memory_space<hbm>>, %arg5: memref<200x64x4096xf32, #tpu.memory_space<hbm>>, %arg6: memref<200x128xi32, #tpu.memory_space<vmem>>, %arg7: memref<2x128x128xf32, #tpu.memory_space<vmem>>, %arg8: memref<2x64x128xf32, #tpu.memory_space<vmem>>, %arg9: memref<12800xf32, #tpu.memory_space<vmem>>, %arg10: memref<!tpu.dma_semaphore, #tpu.memory_space<semaphore_mem>>, %arg11: memref<!tpu.dma_semaphore, #tpu.memory_space<semaphore_mem>>, %arg12: memref<!tpu.dma_semaphore, #tpu.memory_space<semaphore_mem>>, %arg13: memref<!tpu.dma_semaphore, #tpu.memory_space<semaphore_mem>>, %arg14: memref<!tpu.dma_semaphore, #tpu.memory_space<semaphore_mem>>) attributes {dimension_semantics = [#tpu.dimension_semantics<core_parallel>, #tpu.dimension_semantics<subcore_parallel>], iteration_bounds = array<i64: 2, 16>, scalar_prefetch = 0 : i64, scratch_operands = 9 : i64, tpu.core_type = #tpu.core_type<sc_vector_subcore>, window_params = [{transform_indices = #map}, {transform_indices = #map}, {transform_indices = #map1}, {transform_indices = #map2}]} {
    %mul3A = arith.constant 2 : i32
    %mul3A_0 = arith.muli %arg1, %mul3A : i32
    %add3A = arith.addi %mul3A_0, %arg0 : i32
    %mul3A_1 = arith.constant 128 : i32
    %mul3A_2 = arith.muli %add3A, %mul3A_1 : i32
    %iota3A = tpu.iota {dimensions = array<i32: 0>} : vector<16xi32>
    tpu.enqueue_dma source(%arg4 : memref<12800xf32, #tpu.memory_space<hbm>>) target(%arg9 : memref<12800xf32, #tpu.memory_space<vmem>>) target_semaphore(%arg10 : memref<!tpu.dma_semaphore, #tpu.memory_space<semaphore_mem>>)
    %dma_start3A = arith.constant 0 : i32
    %dma_start3A_3 = tpu.memref_slice %arg2[%dma_start3A, %mul3A_2] : memref<200x4096xi32, #tpu.memory_space<hbm>> -> memref<200x128xi32, #tpu.memory_space<hbm>>
    %dma_start3A_4 = arith.constant 0 : i32
    %dma_start3A_5 = tpu.memref_slice %arg2[%dma_start3A_4, %mul3A_2] : memref<200x4096xi32, #tpu.memory_space<hbm>> -> memref<200x128xi32, #tpu.memory_space<hbm>>
    tpu.enqueue_dma source(%dma_start3A_5 : memref<200x128xi32, #tpu.memory_space<hbm>>) target(%arg6 : memref<200x128xi32, #tpu.memory_space<vmem>>) target_semaphore(%arg10 : memref<!tpu.dma_semaphore, #tpu.memory_space<semaphore_mem>>)
    tpu.wait_dma2 semaphore(%arg10 : memref<!tpu.dma_semaphore, #tpu.memory_space<semaphore_mem>>) src(%arg4 : memref<12800xf32, #tpu.memory_space<hbm>>) dst(%arg9 : memref<12800xf32, #tpu.memory_space<vmem>>)
    %dma_wait3A = arith.constant 0 : i32
    %dma_wait3A_6 = tpu.memref_slice %arg2[%dma_wait3A, %mul3A_2] : memref<200x4096xi32, #tpu.memory_space<hbm>> -> memref<200x128xi32, #tpu.memory_space<hbm>>
    %dma_wait3A_7 = arith.constant 0 : i32
    %dma_wait3A_8 = tpu.memref_slice %arg2[%dma_wait3A_7, %mul3A_2] : memref<200x4096xi32, #tpu.memory_space<hbm>> -> memref<200x128xi32, #tpu.memory_space<hbm>>
    tpu.wait_dma2 semaphore(%arg10 : memref<!tpu.dma_semaphore, #tpu.memory_space<semaphore_mem>>) src(%dma_wait3A_8 : memref<200x128xi32, #tpu.memory_space<hbm>>) dst(%arg6 : memref<200x128xi32, #tpu.memory_space<vmem>>)
    %add3A_9 = arith.constant 0 : i32
    %add3A_10 = vector.broadcast %add3A_9 : i32 to vector<16xi32>
    %add3A_11 = arith.addi %add3A_10, %iota3A : vector<16xi32>
    %add3A_12 = arith.constant 16 : i32
    %add3A_13 = vector.broadcast %add3A_12 : i32 to vector<16xi32>
    %add3A_14 = arith.addi %add3A_13, %iota3A : vector<16xi32>
    %add3A_15 = arith.constant 32 : i32
    %add3A_16 = vector.broadcast %add3A_15 : i32 to vector<16xi32>
    %add3A_17 = arith.addi %add3A_16, %iota3A : vector<16xi32>
    %add3A_18 = arith.constant 48 : i32
    %add3A_19 = vector.broadcast %add3A_18 : i32 to vector<16xi32>
    %add3A_20 = arith.addi %add3A_19, %iota3A : vector<16xi32>
    %dma_start3A_21 = arith.constant 0 : i32
    %dma_start3A_22 = arith.constant 0 : i32
    %dma_start3A_23 = arith.constant 0 : i32
    %dma_start3A_24 = arith.constant 0 : i32
    %dma_start3A_25 = tpu.memref_slice %arg7[%dma_start3A_22, %dma_start3A_23, %dma_start3A_24] : memref<2x128x128xf32, #tpu.memory_space<vmem>> -> memref<1x128x128xf32, #tpu.memory_space<vmem>>
    %dma_start3A_26 = tpu.memref_squeeze %dma_start3A_25 : memref<1x128x128xf32, #tpu.memory_space<vmem>> -> memref<128x128xf32, #tpu.memory_space<vmem>>
    %dma_start3A_27 = arith.constant 0 : i32
    %dma_start3A_28 = tpu.memref_slice %arg6[%dma_start3A_21, %dma_start3A_27] : memref<200x128xi32, #tpu.memory_space<vmem>> -> memref<1x128xi32, #tpu.memory_space<vmem>>
    %dma_start3A_29 = tpu.memref_squeeze %dma_start3A_28 : memref<1x128xi32, #tpu.memory_space<vmem>> -> memref<128xi32, #tpu.memory_space<vmem>>
    %dma_start3A_30 = arith.constant 0 : i32
    %dma_start3A_31 = arith.constant 0 : i32
    %dma_start3A_32 = tpu.memref_slice %arg3[%dma_start3A_30, %dma_start3A_31] : memref<1000000x128xf32, #tpu.memory_space<hbm>> -> memref<1000000x128xf32, #tpu.memory_space<hbm>>
    tpu.enqueue_indirect_dma source(%dma_start3A_32 : memref<1000000x128xf32, #tpu.memory_space<hbm>>) target(%dma_start3A_26 : memref<128x128xf32, #tpu.memory_space<vmem>>) offsets(%dma_start3A_29 : memref<128xi32, #tpu.memory_space<vmem>>) semaphore(%arg11 : memref<!tpu.dma_semaphore, #tpu.memory_space<semaphore_mem>>)
    %scan3A = arith.constant 0 : i32
    %scan3A_33 = arith.constant 0 : i32
    %scan3A_34 = arith.constant 100 : i32
    %scan3A_35 = arith.addi %scan3A_33, %scan3A_34 : i32
    %scan3A_36 = arith.constant 1 : i32
    scf.for %scan3A_74 = %scan3A_33 to %scan3A_35 step %scan3A_36  : i32 {
      %mul3A_75 = arith.constant 2 : i32
      %mul3A_76 = arith.muli %mul3A_75, %scan3A_74 : i32
      %add3A_77 = arith.constant 0 : i32
      %add3A_78 = arith.addi %mul3A_76, %add3A_77 : i32
      %dma_wait3A_79 = arith.constant 0 : i32
      %dma_wait3A_80 = arith.constant 0 : i32
      %dma_wait3A_81 = arith.constant 0 : i32
      %dma_wait3A_82 = tpu.memref_slice %arg7[%dma_wait3A_79, %dma_wait3A_80, %dma_wait3A_81] : memref<2x128x128xf32, #tpu.memory_space<vmem>> -> memref<1x128x128xf32, #tpu.memory_space<vmem>>
      %dma_wait3A_83 = tpu.memref_squeeze %dma_wait3A_82 : memref<1x128x128xf32, #tpu.memory_space<vmem>> -> memref<128x128xf32, #tpu.memory_space<vmem>>
      %dma_wait3A_84 = arith.constant 0 : i32
      %dma_wait3A_85 = arith.constant 0 : i32
      %dma_wait3A_86 = tpu.memref_slice %arg3[%dma_wait3A_84, %dma_wait3A_85] : memref<1000000x128xf32, #tpu.memory_space<hbm>> -> memref<128x128xf32, #tpu.memory_space<hbm>>
      %dma_wait3A_87 = arith.constant 0 : i32
      %dma_wait3A_88 = arith.constant 0 : i32
      %dma_wait3A_89 = tpu.memref_slice %arg7[%dma_wait3A_79, %dma_wait3A_87, %dma_wait3A_88] : memref<2x128x128xf32, #tpu.memory_space<vmem>> -> memref<1x128x128xf32, #tpu.memory_space<vmem>>
      %dma_wait3A_90 = tpu.memref_squeeze %dma_wait3A_89 : memref<1x128x128xf32, #tpu.memory_space<vmem>> -> memref<128x128xf32, #tpu.memory_space<vmem>>
      %dma_wait3A_91 = arith.constant 0 : i32
      %dma_wait3A_92 = arith.constant 0 : i32
      %dma_wait3A_93 = tpu.memref_slice %arg3[%dma_wait3A_91, %dma_wait3A_92] : memref<1000000x128xf32, #tpu.memory_space<hbm>> -> memref<128x128xf32, #tpu.memory_space<hbm>>
      tpu.wait_dma2 semaphore(%arg11 : memref<!tpu.dma_semaphore, #tpu.memory_space<semaphore_mem>>) src(%dma_wait3A_93 : memref<128x128xf32, #tpu.memory_space<hbm>>) dst(%dma_wait3A_90 : memref<128x128xf32, #tpu.memory_space<vmem>>)
      %add3A_94 = arith.constant 1 : i32
      %add3A_95 = arith.addi %add3A_78, %add3A_94 : i32
      %le3A = arith.constant 199 : i32
      %le3A_96 = arith.cmpi sle, %add3A_95, %le3A : i32
      %convert_element_type3A = arith.extui %le3A_96 : i1 to i32
      %cond3A = arith.constant 0 : i32
      %cond3A_97 = arith.cmpi ne, %convert_element_type3A, %cond3A : i32
      scf.if %cond3A_97 {
        %add3A_222 = arith.constant 1 : i32
        %add3A_223 = arith.addi %add3A_78, %add3A_222 : i32
        %dma_start3A_224 = arith.constant 1 : i32
        %dma_start3A_225 = arith.constant 0 : i32
        %dma_start3A_226 = arith.constant 0 : i32
        %dma_start3A_227 = tpu.memref_slice %arg7[%dma_start3A_224, %dma_start3A_225, %dma_start3A_226] : memref<2x128x128xf32, #tpu.memory_space<vmem>> -> memref<1x128x128xf32, #tpu.memory_space<vmem>>
        %dma_start3A_228 = tpu.memref_squeeze %dma_start3A_227 : memref<1x128x128xf32, #tpu.memory_space<vmem>> -> memref<128x128xf32, #tpu.memory_space<vmem>>
        %dma_start3A_229 = arith.constant 0 : i32
        %dma_start3A_230 = tpu.memref_slice %arg6[%add3A_223, %dma_start3A_229] : memref<200x128xi32, #tpu.memory_space<vmem>> -> memref<1x128xi32, #tpu.memory_space<vmem>>
        %dma_start3A_231 = tpu.memref_squeeze %dma_start3A_230 : memref<1x128xi32, #tpu.memory_space<vmem>> -> memref<128xi32, #tpu.memory_space<vmem>>
        %dma_start3A_232 = arith.constant 0 : i32
        %dma_start3A_233 = arith.constant 0 : i32
        %dma_start3A_234 = tpu.memref_slice %arg3[%dma_start3A_232, %dma_start3A_233] : memref<1000000x128xf32, #tpu.memory_space<hbm>> -> memref<1000000x128xf32, #tpu.memory_space<hbm>>
        tpu.enqueue_indirect_dma source(%dma_start3A_234 : memref<1000000x128xf32, #tpu.memory_space<hbm>>) target(%dma_start3A_228 : memref<128x128xf32, #tpu.memory_space<vmem>>) offsets(%dma_start3A_231 : memref<128xi32, #tpu.memory_space<vmem>>) semaphore(%arg12 : memref<!tpu.dma_semaphore, #tpu.memory_space<semaphore_mem>>)
      } else {
      }
      %ge3A = arith.constant 2 : i32
      %ge3A_98 = arith.cmpi sge, %add3A_78, %ge3A : i32
      %convert_element_type3A_99 = arith.extui %ge3A_98 : i1 to i32
      %cond3A_100 = arith.constant 0 : i32
      %cond3A_101 = arith.cmpi ne, %convert_element_type3A_99, %cond3A_100 : i32
      scf.if %cond3A_101 {
        %dma_wait3A_222 = arith.constant 0 : i32
        %dma_wait3A_223 = arith.constant 0 : i32
        %dma_wait3A_224 = arith.constant 0 : i32
        %dma_wait3A_225 = arith.constant 0 : i32
        %dma_wait3A_226 = tpu.memref_slice %arg8[%dma_wait3A_222, %dma_wait3A_224, %dma_wait3A_225] : memref<2x64x128xf32, #tpu.memory_space<vmem>> -> memref<1x64x128xf32, #tpu.memory_space<vmem>>
        %dma_wait3A_227 = tpu.memref_squeeze %dma_wait3A_226 : memref<1x64x128xf32, #tpu.memory_space<vmem>> -> memref<64x128xf32, #tpu.memory_space<vmem>>
        %dma_wait3A_228 = arith.constant 0 : i32
        %dma_wait3A_229 = arith.constant 0 : i32
        %dma_wait3A_230 = tpu.memref_slice %arg5[%dma_wait3A_223, %dma_wait3A_228, %dma_wait3A_229] : memref<200x64x4096xf32, #tpu.memory_space<hbm>> -> memref<1x64x128xf32, #tpu.memory_space<hbm>>
        %dma_wait3A_231 = tpu.memref_squeeze %dma_wait3A_230 : memref<1x64x128xf32, #tpu.memory_space<hbm>> -> memref<64x128xf32, #tpu.memory_space<hbm>>
        %dma_wait3A_232 = arith.constant 0 : i32
        %dma_wait3A_233 = arith.constant 0 : i32
        %dma_wait3A_234 = tpu.memref_slice %arg5[%dma_wait3A_223, %dma_wait3A_232, %dma_wait3A_233] : memref<200x64x4096xf32, #tpu.memory_space<hbm>> -> memref<1x64x128xf32, #tpu.memory_space<hbm>>
        %dma_wait3A_235 = tpu.memref_squeeze %dma_wait3A_234 : memref<1x64x128xf32, #tpu.memory_space<hbm>> -> memref<64x128xf32, #tpu.memory_space<hbm>>
        %dma_wait3A_236 = arith.constant 0 : i32
        %dma_wait3A_237 = arith.constant 0 : i32
        %dma_wait3A_238 = tpu.memref_slice %arg8[%dma_wait3A_222, %dma_wait3A_236, %dma_wait3A_237] : memref<2x64x128xf32, #tpu.memory_space<vmem>> -> memref<1x64x128xf32, #tpu.memory_space<vmem>>
        %dma_wait3A_239 = tpu.memref_squeeze %dma_wait3A_238 : memref<1x64x128xf32, #tpu.memory_space<vmem>> -> memref<64x128xf32, #tpu.memory_space<vmem>>
        tpu.wait_dma2 semaphore(%arg13 : memref<!tpu.dma_semaphore, #tpu.memory_space<semaphore_mem>>) src(%dma_wait3A_239 : memref<64x128xf32, #tpu.memory_space<vmem>>) dst(%dma_wait3A_235 : memref<64x128xf32, #tpu.memory_space<hbm>>)
      } else {
      }
      %mul3A_102 = arith.constant 64 : i32
      %mul3A_103 = arith.muli %add3A_78, %mul3A_102 : i32
      %add3A_104 = arith.constant 0 : i32
      %add3A_105 = arith.addi %mul3A_103, %add3A_104 : i32
      %get3A = arith.index_cast %add3A_105 : i32 to index
      %get3A_106 = tpu.vector_load %arg9[%get3A] {strides = array<i32>} : memref<12800xf32, #tpu.memory_space<vmem>>, vector<16xf32>,
      %mul3A_107 = arith.constant 64 : i32
      %mul3A_108 = arith.muli %add3A_78, %mul3A_107 : i32
      %add3A_109 = arith.constant 16 : i32
      %add3A_110 = arith.addi %mul3A_108, %add3A_109 : i32
      %get3A_111 = arith.index_cast %add3A_110 : i32 to index
      %get3A_112 = tpu.vector_load %arg9[%get3A_111] {strides = array<i32>} : memref<12800xf32, #tpu.memory_space<vmem>>, vector<16xf32>,
      %mul3A_113 = arith.constant 64 : i32
      %mul3A_114 = arith.muli %add3A_78, %mul3A_113 : i32
      %add3A_115 = arith.constant 32 : i32
      %add3A_116 = arith.addi %mul3A_114, %add3A_115 : i32
      %get3A_117 = arith.index_cast %add3A_116 : i32 to index
      %get3A_118 = tpu.vector_load %arg9[%get3A_117] {strides = array<i32>} : memref<12800xf32, #tpu.memory_space<vmem>>, vector<16xf32>,
      %mul3A_119 = arith.constant 64 : i32
      %mul3A_120 = arith.muli %add3A_78, %mul3A_119 : i32
      %add3A_121 = arith.constant 48 : i32
      %add3A_122 = arith.addi %mul3A_120, %add3A_121 : i32
      %get3A_123 = arith.index_cast %add3A_122 : i32 to index
      %get3A_124 = tpu.vector_load %arg9[%get3A_123] {strides = array<i32>} : memref<12800xf32, #tpu.memory_space<vmem>>, vector<16xf32>,
      %scan3A_125 = arith.constant 0 : i32
      %scan3A_126 = arith.constant 0 : i32
      %scan3A_127 = arith.constant 32 : i32
      %scan3A_128 = arith.addi %scan3A_126, %scan3A_127 : i32
      %scan3A_129 = arith.constant 1 : i32
      scf.for %scan3A_222 = %scan3A_126 to %scan3A_128 step %scan3A_129  : i32 {
        %mul3A_223 = arith.constant 4 : i32
        %mul3A_224 = arith.muli %scan3A_222, %mul3A_223 : i32
        %add3A_225 = arith.constant 0 : i32
        %add3A_226 = arith.addi %mul3A_224, %add3A_225 : i32
        %get3A_227 = arith.constant 0 : i32
        %get3A_228 = arith.index_cast %get3A_227 : i32 to index
        %get3A_229 = arith.index_cast %add3A_226 : i32 to index
        %get3A_230 = arith.constant 0 : index
        %get3A_231 = tpu.vector_load %arg7[%get3A_228, %get3A_229, %get3A_230] {strides = array<i32>} : memref<2x128x128xf32, #tpu.memory_space<vmem>>, vector<16xf32>,
        %add3A_232 = arith.addf %get3A_231, %get3A_106 : vector<16xf32>
        %add3A_233 = arith.constant 0 : i32
        %add3A_234 = arith.addi %mul3A_224, %add3A_233 : i32
        %get3A_235 = arith.constant 0 : i32
        %get3A_236 = arith.index_cast %get3A_235 : i32 to index
        %get3A_237 = arith.index_cast %add3A_234 : i32 to index
        %get3A_238 = arith.constant 16 : index
        %get3A_239 = tpu.vector_load %arg7[%get3A_236, %get3A_237, %get3A_238] {strides = array<i32>} : memref<2x128x128xf32, #tpu.memory_space<vmem>>, vector<16xf32>,
        %add3A_240 = arith.addf %get3A_239, %get3A_112 : vector<16xf32>
        %add3A_241 = arith.constant 0 : i32
        %add3A_242 = arith.addi %mul3A_224, %add3A_241 : i32
        %get3A_243 = arith.constant 0 : i32
        %get3A_244 = arith.index_cast %get3A_243 : i32 to index
        %get3A_245 = arith.index_cast %add3A_242 : i32 to index
        %get3A_246 = arith.constant 32 : index
        %get3A_247 = tpu.vector_load %arg7[%get3A_244, %get3A_245, %get3A_246] {strides = array<i32>} : memref<2x128x128xf32, #tpu.memory_space<vmem>>, vector<16xf32>,
        %add3A_248 = arith.addf %get3A_247, %get3A_118 : vector<16xf32>
        %add3A_249 = arith.constant 0 : i32
        %add3A_250 = arith.addi %mul3A_224, %add3A_249 : i32
        %get3A_251 = arith.constant 0 : i32
        %get3A_252 = arith.index_cast %get3A_251 : i32 to index
        %get3A_253 = arith.index_cast %add3A_250 : i32 to index
        %get3A_254 = arith.constant 48 : index
        %get3A_255 = tpu.vector_load %arg7[%get3A_252, %get3A_253, %get3A_254] {strides = array<i32>} : memref<2x128x128xf32, #tpu.memory_space<vmem>>, vector<16xf32>,
        %add3A_256 = arith.addf %get3A_255, %get3A_124 : vector<16xf32>
        %add3A_257 = arith.constant 1 : i32
        %add3A_258 = arith.addi %mul3A_224, %add3A_257 : i32
        %get3A_259 = arith.constant 0 : i32
        %get3A_260 = arith.index_cast %get3A_259 : i32 to index
        %get3A_261 = arith.index_cast %add3A_258 : i32 to index
        %get3A_262 = arith.constant 0 : index
        %get3A_263 = tpu.vector_load %arg7[%get3A_260, %get3A_261, %get3A_262] {strides = array<i32>} : memref<2x128x128xf32, #tpu.memory_space<vmem>>, vector<16xf32>,
        %add3A_264 = arith.addf %get3A_263, %get3A_106 : vector<16xf32>
        %add3A_265 = arith.constant 1 : i32
        %add3A_266 = arith.addi %mul3A_224, %add3A_265 : i32
        %get3A_267 = arith.constant 0 : i32
        %get3A_268 = arith.index_cast %get3A_267 : i32 to index
        %get3A_269 = arith.index_cast %add3A_266 : i32 to index
        %get3A_270 = arith.constant 16 : index
        %get3A_271 = tpu.vector_load %arg7[%get3A_268, %get3A_269, %get3A_270] {strides = array<i32>} : memref<2x128x128xf32, #tpu.memory_space<vmem>>, vector<16xf32>,
        %add3A_272 = arith.addf %get3A_271, %get3A_112 : vector<16xf32>
        %add3A_273 = arith.constant 1 : i32
        %add3A_274 = arith.addi %mul3A_224, %add3A_273 : i32
        %get3A_275 = arith.constant 0 : i32
        %get3A_276 = arith.index_cast %get3A_275 : i32 to index
        %get3A_277 = arith.index_cast %add3A_274 : i32 to index
        %get3A_278 = arith.constant 32 : index
        %get3A_279 = tpu.vector_load %arg7[%get3A_276, %get3A_277, %get3A_278] {strides = array<i32>} : memref<2x128x128xf32, #tpu.memory_space<vmem>>, vector<16xf32>,
        %add3A_280 = arith.addf %get3A_279, %get3A_118 : vector<16xf32>
        %add3A_281 = arith.constant 1 : i32
        %add3A_282 = arith.addi %mul3A_224, %add3A_281 : i32
        %get3A_283 = arith.constant 0 : i32
        %get3A_284 = arith.index_cast %get3A_283 : i32 to index
        %get3A_285 = arith.index_cast %add3A_282 : i32 to index
        %get3A_286 = arith.constant 48 : index
        %get3A_287 = tpu.vector_load %arg7[%get3A_284, %get3A_285, %get3A_286] {strides = array<i32>} : memref<2x128x128xf32, #tpu.memory_space<vmem>>, vector<16xf32>,
        %add3A_288 = arith.addf %get3A_287, %get3A_124 : vector<16xf32>
        %add3A_289 = arith.constant 2 : i32
        %add3A_290 = arith.addi %mul3A_224, %add3A_289 : i32
        %get3A_291 = arith.constant 0 : i32
        %get3A_292 = arith.index_cast %get3A_291 : i32 to index
        %get3A_293 = arith.index_cast %add3A_290 : i32 to index
        %get3A_294 = arith.constant 0 : index
        %get3A_295 = tpu.vector_load %arg7[%get3A_292, %get3A_293, %get3A_294] {strides = array<i32>} : memref<2x128x128xf32, #tpu.memory_space<vmem>>, vector<16xf32>,
        %add3A_296 = arith.addf %get3A_295, %get3A_106 : vector<16xf32>
        %add3A_297 = arith.constant 2 : i32
        %add3A_298 = arith.addi %mul3A_224, %add3A_297 : i32
        %get3A_299 = arith.constant 0 : i32
        %get3A_300 = arith.index_cast %get3A_299 : i32 to index
        %get3A_301 = arith.index_cast %add3A_298 : i32 to index
        %get3A_302 = arith.constant 16 : index
        %get3A_303 = tpu.vector_load %arg7[%get3A_300, %get3A_301, %get3A_302] {strides = array<i32>} : memref<2x128x128xf32, #tpu.memory_space<vmem>>, vector<16xf32>,
        %add3A_304 = arith.addf %get3A_303, %get3A_112 : vector<16xf32>
        %add3A_305 = arith.constant 2 : i32
        %add3A_306 = arith.addi %mul3A_224, %add3A_305 : i32
        %get3A_307 = arith.constant 0 : i32
        %get3A_308 = arith.index_cast %get3A_307 : i32 to index
        %get3A_309 = arith.index_cast %add3A_306 : i32 to index
        %get3A_310 = arith.constant 32 : index
        %get3A_311 = tpu.vector_load %arg7[%get3A_308, %get3A_309, %get3A_310] {strides = array<i32>} : memref<2x128x128xf32, #tpu.memory_space<vmem>>, vector<16xf32>,
        %add3A_312 = arith.addf %get3A_311, %get3A_118 : vector<16xf32>
        %add3A_313 = arith.constant 2 : i32
        %add3A_314 = arith.addi %mul3A_224, %add3A_313 : i32
        %get3A_315 = arith.constant 0 : i32
        %get3A_316 = arith.index_cast %get3A_315 : i32 to index
        %get3A_317 = arith.index_cast %add3A_314 : i32 to index
        %get3A_318 = arith.constant 48 : index
        %get3A_319 = tpu.vector_load %arg7[%get3A_316, %get3A_317, %get3A_318] {strides = array<i32>} : memref<2x128x128xf32, #tpu.memory_space<vmem>>, vector<16xf32>,
        %add3A_320 = arith.addf %get3A_319, %get3A_124 : vector<16xf32>
        %add3A_321 = arith.constant 3 : i32
        %add3A_322 = arith.addi %mul3A_224, %add3A_321 : i32
        %get3A_323 = arith.constant 0 : i32
        %get3A_324 = arith.index_cast %get3A_323 : i32 to index
        %get3A_325 = arith.index_cast %add3A_322 : i32 to index
        %get3A_326 = arith.constant 0 : index
        %get3A_327 = tpu.vector_load %arg7[%get3A_324, %get3A_325, %get3A_326] {strides = array<i32>} : memref<2x128x128xf32, #tpu.memory_space<vmem>>, vector<16xf32>,
        %add3A_328 = arith.addf %get3A_327, %get3A_106 : vector<16xf32>
        %add3A_329 = arith.constant 3 : i32
        %add3A_330 = arith.addi %mul3A_224, %add3A_329 : i32
        %get3A_331 = arith.constant 0 : i32
        %get3A_332 = arith.index_cast %get3A_331 : i32 to index
        %get3A_333 = arith.index_cast %add3A_330 : i32 to index
        %get3A_334 = arith.constant 16 : index
        %get3A_335 = tpu.vector_load %arg7[%get3A_332, %get3A_333, %get3A_334] {strides = array<i32>} : memref<2x128x128xf32, #tpu.memory_space<vmem>>, vector<16xf32>,
        %add3A_336 = arith.addf %get3A_335, %get3A_112 : vector<16xf32>
        %add3A_337 = arith.constant 3 : i32
        %add3A_338 = arith.addi %mul3A_224, %add3A_337 : i32
        %get3A_339 = arith.constant 0 : i32
        %get3A_340 = arith.index_cast %get3A_339 : i32 to index
        %get3A_341 = arith.index_cast %add3A_338 : i32 to index
        %get3A_342 = arith.constant 32 : index
        %get3A_343 = tpu.vector_load %arg7[%get3A_340, %get3A_341, %get3A_342] {strides = array<i32>} : memref<2x128x128xf32, #tpu.memory_space<vmem>>, vector<16xf32>,
        %add3A_344 = arith.addf %get3A_343, %get3A_118 : vector<16xf32>
        %add3A_345 = arith.constant 3 : i32
        %add3A_346 = arith.addi %mul3A_224, %add3A_345 : i32
        %get3A_347 = arith.constant 0 : i32
        %get3A_348 = arith.index_cast %get3A_347 : i32 to index
        %get3A_349 = arith.index_cast %add3A_346 : i32 to index
        %get3A_350 = arith.constant 48 : index
        %get3A_351 = tpu.vector_load %arg7[%get3A_348, %get3A_349, %get3A_350] {strides = array<i32>} : memref<2x128x128xf32, #tpu.memory_space<vmem>>, vector<16xf32>,
        %add3A_352 = arith.addf %get3A_351, %get3A_124 : vector<16xf32>
        %broadcast_in_dim3A = arith.constant 0 : i32
        %broadcast_in_dim3A_353 = vector.broadcast %broadcast_in_dim3A : i32 to vector<16xi32>
        %add3A_354 = arith.constant 0 : i32
        %add3A_355 = arith.addi %mul3A_224, %add3A_354 : i32
        %add3A_356 = vector.broadcast %add3A_355 : i32 to vector<16xi32>
        %add3A_357 = arith.addi %broadcast_in_dim3A_353, %add3A_356 : vector<16xi32>
        %scatter3A = arith.constant 0 : i32
        %scatter3A_358 = arith.constant 0 : i32
        %scatter3A_359 = arith.constant 0 : i32
        %scatter3A_360 = tpu.memref_slice %arg8[%scatter3A, %scatter3A_358, %scatter3A_359] : memref<2x64x128xf32, #tpu.memory_space<vmem>> -> memref<1x64x128xf32, #tpu.memory_space<vmem>>
        %scatter3A_361 = tpu.memref_squeeze %scatter3A_360 : memref<1x64x128xf32, #tpu.memory_space<vmem>> -> memref<64x128xf32, #tpu.memory_space<vmem>>
        tpu.vector_store_idx %scatter3A_361[%add3A_11, %add3A_357], %add3A_232 : memref<64x128xf32, #tpu.memory_space<vmem>>[vector<16xi32>, vector<16xi32>], vector<16xf32>,
        %scatter3A_362 = arith.constant 0 : i32
        %scatter3A_363 = arith.constant 0 : i32
        %scatter3A_364 = arith.constant 0 : i32
        %scatter3A_365 = tpu.memref_slice %arg8[%scatter3A_362, %scatter3A_363, %scatter3A_364] : memref<2x64x128xf32, #tpu.memory_space<vmem>> -> memref<1x64x128xf32, #tpu.memory_space<vmem>>
        %scatter3A_366 = tpu.memref_squeeze %scatter3A_365 : memref<1x64x128xf32, #tpu.memory_space<vmem>> -> memref<64x128xf32, #tpu.memory_space<vmem>>
        tpu.vector_store_idx %scatter3A_366[%add3A_14, %add3A_357], %add3A_240 : memref<64x128xf32, #tpu.memory_space<vmem>>[vector<16xi32>, vector<16xi32>], vector<16xf32>,
        %scatter3A_367 = arith.constant 0 : i32
        %scatter3A_368 = arith.constant 0 : i32
        %scatter3A_369 = arith.constant 0 : i32
        %scatter3A_370 = tpu.memref_slice %arg8[%scatter3A_367, %scatter3A_368, %scatter3A_369] : memref<2x64x128xf32, #tpu.memory_space<vmem>> -> memref<1x64x128xf32, #tpu.memory_space<vmem>>
        %scatter3A_371 = tpu.memref_squeeze %scatter3A_370 : memref<1x64x128xf32, #tpu.memory_space<vmem>> -> memref<64x128xf32, #tpu.memory_space<vmem>>
        tpu.vector_store_idx %scatter3A_371[%add3A_17, %add3A_357], %add3A_248 : memref<64x128xf32, #tpu.memory_space<vmem>>[vector<16xi32>, vector<16xi32>], vector<16xf32>,
        %scatter3A_372 = arith.constant 0 : i32
        %scatter3A_373 = arith.constant 0 : i32
        %scatter3A_374 = arith.constant 0 : i32
        %scatter3A_375 = tpu.memref_slice %arg8[%scatter3A_372, %scatter3A_373, %scatter3A_374] : memref<2x64x128xf32, #tpu.memory_space<vmem>> -> memref<1x64x128xf32, #tpu.memory_space<vmem>>
        %scatter3A_376 = tpu.memref_squeeze %scatter3A_375 : memref<1x64x128xf32, #tpu.memory_space<vmem>> -> memref<64x128xf32, #tpu.memory_space<vmem>>
        tpu.vector_store_idx %scatter3A_376[%add3A_20, %add3A_357], %add3A_256 : memref<64x128xf32, #tpu.memory_space<vmem>>[vector<16xi32>, vector<16xi32>], vector<16xf32>,
        %broadcast_in_dim3A_377 = arith.constant 0 : i32
        %broadcast_in_dim3A_378 = vector.broadcast %broadcast_in_dim3A_377 : i32 to vector<16xi32>
        %add3A_379 = arith.constant 1 : i32
        %add3A_380 = arith.addi %mul3A_224, %add3A_379 : i32
        %add3A_381 = vector.broadcast %add3A_380 : i32 to vector<16xi32>
        %add3A_382 = arith.addi %broadcast_in_dim3A_378, %add3A_381 : vector<16xi32>
        %scatter3A_383 = arith.constant 0 : i32
        %scatter3A_384 = arith.constant 0 : i32
        %scatter3A_385 = arith.constant 0 : i32
        %scatter3A_386 = tpu.memref_slice %arg8[%scatter3A_383, %scatter3A_384, %scatter3A_385] : memref<2x64x128xf32, #tpu.memory_space<vmem>> -> memref<1x64x128xf32, #tpu.memory_space<vmem>>
        %scatter3A_387 = tpu.memref_squeeze %scatter3A_386 : memref<1x64x128xf32, #tpu.memory_space<vmem>> -> memref<64x128xf32, #tpu.memory_space<vmem>>
        tpu.vector_store_idx %scatter3A_387[%add3A_11, %add3A_382], %add3A_264 : memref<64x128xf32, #tpu.memory_space<vmem>>[vector<16xi32>, vector<16xi32>], vector<16xf32>,
        %scatter3A_388 = arith.constant 0 : i32
        %scatter3A_389 = arith.constant 0 : i32
        %scatter3A_390 = arith.constant 0 : i32
        %scatter3A_391 = tpu.memref_slice %arg8[%scatter3A_388, %scatter3A_389, %scatter3A_390] : memref<2x64x128xf32, #tpu.memory_space<vmem>> -> memref<1x64x128xf32, #tpu.memory_space<vmem>>
        %scatter3A_392 = tpu.memref_squeeze %scatter3A_391 : memref<1x64x128xf32, #tpu.memory_space<vmem>> -> memref<64x128xf32, #tpu.memory_space<vmem>>
        tpu.vector_store_idx %scatter3A_392[%add3A_14, %add3A_382], %add3A_272 : memref<64x128xf32, #tpu.memory_space<vmem>>[vector<16xi32>, vector<16xi32>], vector<16xf32>,
        %scatter3A_393 = arith.constant 0 : i32
        %scatter3A_394 = arith.constant 0 : i32
        %scatter3A_395 = arith.constant 0 : i32
        %scatter3A_396 = tpu.memref_slice %arg8[%scatter3A_393, %scatter3A_394, %scatter3A_395] : memref<2x64x128xf32, #tpu.memory_space<vmem>> -> memref<1x64x128xf32, #tpu.memory_space<vmem>>
        %scatter3A_397 = tpu.memref_squeeze %scatter3A_396 : memref<1x64x128xf32, #tpu.memory_space<vmem>> -> memref<64x128xf32, #tpu.memory_space<vmem>>
        tpu.vector_store_idx %scatter3A_397[%add3A_17, %add3A_382], %add3A_280 : memref<64x128xf32, #tpu.memory_space<vmem>>[vector<16xi32>, vector<16xi32>], vector<16xf32>,
        %scatter3A_398 = arith.constant 0 : i32
        %scatter3A_399 = arith.constant 0 : i32
        %scatter3A_400 = arith.constant 0 : i32
        %scatter3A_401 = tpu.memref_slice %arg8[%scatter3A_398, %scatter3A_399, %scatter3A_400] : memref<2x64x128xf32, #tpu.memory_space<vmem>> -> memref<1x64x128xf32, #tpu.memory_space<vmem>>
        %scatter3A_402 = tpu.memref_squeeze %scatter3A_401 : memref<1x64x128xf32, #tpu.memory_space<vmem>> -> memref<64x128xf32, #tpu.memory_space<vmem>>
        tpu.vector_store_idx %scatter3A_402[%add3A_20, %add3A_382], %add3A_288 : memref<64x128xf32, #tpu.memory_space<vmem>>[vector<16xi32>, vector<16xi32>], vector<16xf32>,
        %broadcast_in_dim3A_403 = arith.constant 0 : i32
        %broadcast_in_dim3A_404 = vector.broadcast %broadcast_in_dim3A_403 : i32 to vector<16xi32>
        %add3A_405 = arith.constant 2 : i32
        %add3A_406 = arith.addi %mul3A_224, %add3A_405 : i32
        %add3A_407 = vector.broadcast %add3A_406 : i32 to vector<16xi32>
        %add3A_408 = arith.addi %broadcast_in_dim3A_404, %add3A_407 : vector<16xi32>
        %scatter3A_409 = arith.constant 0 : i32
        %scatter3A_410 = arith.constant 0 : i32
        %scatter3A_411 = arith.constant 0 : i32
        %scatter3A_412 = tpu.memref_slice %arg8[%scatter3A_409, %scatter3A_410, %scatter3A_411] : memref<2x64x128xf32, #tpu.memory_space<vmem>> -> memref<1x64x128xf32, #tpu.memory_space<vmem>>
        %scatter3A_413 = tpu.memref_squeeze %scatter3A_412 : memref<1x64x128xf32, #tpu.memory_space<vmem>> -> memref<64x128xf32, #tpu.memory_space<vmem>>
        tpu.vector_store_idx %scatter3A_413[%add3A_11, %add3A_408], %add3A_296 : memref<64x128xf32, #tpu.memory_space<vmem>>[vector<16xi32>, vector<16xi32>], vector<16xf32>,
        %scatter3A_414 = arith.constant 0 : i32
        %scatter3A_415 = arith.constant 0 : i32
        %scatter3A_416 = arith.constant 0 : i32
        %scatter3A_417 = tpu.memref_slice %arg8[%scatter3A_414, %scatter3A_415, %scatter3A_416] : memref<2x64x128xf32, #tpu.memory_space<vmem>> -> memref<1x64x128xf32, #tpu.memory_space<vmem>>
        %scatter3A_418 = tpu.memref_squeeze %scatter3A_417 : memref<1x64x128xf32, #tpu.memory_space<vmem>> -> memref<64x128xf32, #tpu.memory_space<vmem>>
        tpu.vector_store_idx %scatter3A_418[%add3A_14, %add3A_408], %add3A_304 : memref<64x128xf32, #tpu.memory_space<vmem>>[vector<16xi32>, vector<16xi32>], vector<16xf32>,
        %scatter3A_419 = arith.constant 0 : i32
        %scatter3A_420 = arith.constant 0 : i32
        %scatter3A_421 = arith.constant 0 : i32
        %scatter3A_422 = tpu.memref_slice %arg8[%scatter3A_419, %scatter3A_420, %scatter3A_421] : memref<2x64x128xf32, #tpu.memory_space<vmem>> -> memref<1x64x128xf32, #tpu.memory_space<vmem>>
        %scatter3A_423 = tpu.memref_squeeze %scatter3A_422 : memref<1x64x128xf32, #tpu.memory_space<vmem>> -> memref<64x128xf32, #tpu.memory_space<vmem>>
        tpu.vector_store_idx %scatter3A_423[%add3A_17, %add3A_408], %add3A_312 : memref<64x128xf32, #tpu.memory_space<vmem>>[vector<16xi32>, vector<16xi32>], vector<16xf32>,
        %scatter3A_424 = arith.constant 0 : i32
        %scatter3A_425 = arith.constant 0 : i32
        %scatter3A_426 = arith.constant 0 : i32
        %scatter3A_427 = tpu.memref_slice %arg8[%scatter3A_424, %scatter3A_425, %scatter3A_426] : memref<2x64x128xf32, #tpu.memory_space<vmem>> -> memref<1x64x128xf32, #tpu.memory_space<vmem>>
        %scatter3A_428 = tpu.memref_squeeze %scatter3A_427 : memref<1x64x128xf32, #tpu.memory_space<vmem>> -> memref<64x128xf32, #tpu.memory_space<vmem>>
        tpu.vector_store_idx %scatter3A_428[%add3A_20, %add3A_408], %add3A_320 : memref<64x128xf32, #tpu.memory_space<vmem>>[vector<16xi32>, vector<16xi32>], vector<16xf32>,
        %broadcast_in_dim3A_429 = arith.constant 0 : i32
        %broadcast_in_dim3A_430 = vector.broadcast %broadcast_in_dim3A_429 : i32 to vector<16xi32>
        %add3A_431 = arith.constant 3 : i32
        %add3A_432 = arith.addi %mul3A_224, %add3A_431 : i32
        %add3A_433 = vector.broadcast %add3A_432 : i32 to vector<16xi32>
        %add3A_434 = arith.addi %broadcast_in_dim3A_430, %add3A_433 : vector<16xi32>
        %scatter3A_435 = arith.constant 0 : i32
        %scatter3A_436 = arith.constant 0 : i32
        %scatter3A_437 = arith.constant 0 : i32
        %scatter3A_438 = tpu.memref_slice %arg8[%scatter3A_435, %scatter3A_436, %scatter3A_437] : memref<2x64x128xf32, #tpu.memory_space<vmem>> -> memref<1x64x128xf32, #tpu.memory_space<vmem>>
        %scatter3A_439 = tpu.memref_squeeze %scatter3A_438 : memref<1x64x128xf32, #tpu.memory_space<vmem>> -> memref<64x128xf32, #tpu.memory_space<vmem>>
        tpu.vector_store_idx %scatter3A_439[%add3A_11, %add3A_434], %add3A_328 : memref<64x128xf32, #tpu.memory_space<vmem>>[vector<16xi32>, vector<16xi32>], vector<16xf32>,
        %scatter3A_440 = arith.constant 0 : i32
        %scatter3A_441 = arith.constant 0 : i32
        %scatter3A_442 = arith.constant 0 : i32
        %scatter3A_443 = tpu.memref_slice %arg8[%scatter3A_440, %scatter3A_441, %scatter3A_442] : memref<2x64x128xf32, #tpu.memory_space<vmem>> -> memref<1x64x128xf32, #tpu.memory_space<vmem>>
        %scatter3A_444 = tpu.memref_squeeze %scatter3A_443 : memref<1x64x128xf32, #tpu.memory_space<vmem>> -> memref<64x128xf32, #tpu.memory_space<vmem>>
        tpu.vector_store_idx %scatter3A_444[%add3A_14, %add3A_434], %add3A_336 : memref<64x128xf32, #tpu.memory_space<vmem>>[vector<16xi32>, vector<16xi32>], vector<16xf32>,
        %scatter3A_445 = arith.constant 0 : i32
        %scatter3A_446 = arith.constant 0 : i32
        %scatter3A_447 = arith.constant 0 : i32
        %scatter3A_448 = tpu.memref_slice %arg8[%scatter3A_445, %scatter3A_446, %scatter3A_447] : memref<2x64x128xf32, #tpu.memory_space<vmem>> -> memref<1x64x128xf32, #tpu.memory_space<vmem>>
        %scatter3A_449 = tpu.memref_squeeze %scatter3A_448 : memref<1x64x128xf32, #tpu.memory_space<vmem>> -> memref<64x128xf32, #tpu.memory_space<vmem>>
        tpu.vector_store_idx %scatter3A_449[%add3A_17, %add3A_434], %add3A_344 : memref<64x128xf32, #tpu.memory_space<vmem>>[vector<16xi32>, vector<16xi32>], vector<16xf32>,
        %scatter3A_450 = arith.constant 0 : i32
        %scatter3A_451 = arith.constant 0 : i32
        %scatter3A_452 = arith.constant 0 : i32
        %scatter3A_453 = tpu.memref_slice %arg8[%scatter3A_450, %scatter3A_451, %scatter3A_452] : memref<2x64x128xf32, #tpu.memory_space<vmem>> -> memref<1x64x128xf32, #tpu.memory_space<vmem>>
        %scatter3A_454 = tpu.memref_squeeze %scatter3A_453 : memref<1x64x128xf32, #tpu.memory_space<vmem>> -> memref<64x128xf32, #tpu.memory_space<vmem>>
        tpu.vector_store_idx %scatter3A_454[%add3A_20, %add3A_434], %add3A_352 : memref<64x128xf32, #tpu.memory_space<vmem>>[vector<16xi32>, vector<16xi32>], vector<16xf32>,
      }
      %scan3A_130 = arith.constant 32 : i32
      %dma_start3A_131 = arith.constant 0 : i32
      %dma_start3A_132 = arith.constant 0 : i32
      %dma_start3A_133 = arith.constant 0 : i32
      %dma_start3A_134 = tpu.memref_slice %arg8[%dma_start3A_131, %dma_start3A_132, %dma_start3A_133] : memref<2x64x128xf32, #tpu.memory_space<vmem>> -> memref<1x64x128xf32, #tpu.memory_space<vmem>>
      %dma_start3A_135 = tpu.memref_squeeze %dma_start3A_134 : memref<1x64x128xf32, #tpu.memory_space<vmem>> -> memref<64x128xf32, #tpu.memory_space<vmem>>
      %dma_start3A_136 = arith.constant 0 : i32
      %dma_start3A_137 = tpu.memref_slice %arg5[%add3A_78, %dma_start3A_136, %mul3A_2] : memref<200x64x4096xf32, #tpu.memory_space<hbm>> -> memref<1x64x128xf32, #tpu.memory_space<hbm>>
      %dma_start3A_138 = tpu.memref_squeeze %dma_start3A_137 : memref<1x64x128xf32, #tpu.memory_space<hbm>> -> memref<64x128xf32, #tpu.memory_space<hbm>>
      %dma_start3A_139 = arith.constant 0 : i32
      %dma_start3A_140 = tpu.memref_slice %arg5[%add3A_78, %dma_start3A_139, %mul3A_2] : memref<200x64x4096xf32, #tpu.memory_space<hbm>> -> memref<1x64x128xf32, #tpu.memory_space<hbm>>
      %dma_start3A_141 = tpu.memref_squeeze %dma_start3A_140 : memref<1x64x128xf32, #tpu.memory_space<hbm>> -> memref<64x128xf32, #tpu.memory_space<hbm>>
      %dma_start3A_142 = arith.constant 0 : i32
      %dma_start3A_143 = arith.constant 0 : i32
      %dma_start3A_144 = tpu.memref_slice %arg8[%dma_start3A_131, %dma_start3A_142, %dma_start3A_143] : memref<2x64x128xf32, #tpu.memory_space<vmem>> -> memref<1x64x128xf32, #tpu.memory_space<vmem>>
      %dma_start3A_145 = tpu.memref_squeeze %dma_start3A_144 : memref<1x64x128xf32, #tpu.memory_space<vmem>> -> memref<64x128xf32, #tpu.memory_space<vmem>>
      tpu.enqueue_dma source(%dma_start3A_145 : memref<64x128xf32, #tpu.memory_space<vmem>>) target(%dma_start3A_141 : memref<64x128xf32, #tpu.memory_space<hbm>>) target_semaphore(%arg13 : memref<!tpu.dma_semaphore, #tpu.memory_space<semaphore_mem>>)
      %mul3A_146 = arith.constant 2 : i32
      %mul3A_147 = arith.muli %mul3A_146, %scan3A_74 : i32
      %add3A_148 = arith.constant 1 : i32
      %add3A_149 = arith.addi %mul3A_147, %add3A_148 : i32
      %dma_wait3A_150 = arith.constant 1 : i32
      %dma_wait3A_151 = arith.constant 0 : i32
      %dma_wait3A_152 = arith.constant 0 : i32
      %dma_wait3A_153 = tpu.memref_slice %arg7[%dma_wait3A_150, %dma_wait3A_151, %dma_wait3A_152] : memref<2x128x128xf32, #tpu.memory_space<vmem>> -> memref<1x128x128xf32, #tpu.memory_space<vmem>>
      %dma_wait3A_154 = tpu.memref_squeeze %dma_wait3A_153 : memref<1x128x128xf32, #tpu.memory_space<vmem>> -> memref<128x128xf32, #tpu.memory_space<vmem>>
      %dma_wait3A_155 = arith.constant 0 : i32
      %dma_wait3A_156 = arith.constant 0 : i32
      %dma_wait3A_157 = tpu.memref_slice %arg3[%dma_wait3A_155, %dma_wait3A_156] : memref<1000000x128xf32, #tpu.memory_space<hbm>> -> memref<128x128xf32, #tpu.memory_space<hbm>>
      %dma_wait3A_158 = arith.constant 0 : i32
      %dma_wait3A_159 = arith.constant 0 : i32
      %dma_wait3A_160 = tpu.memref_slice %arg7[%dma_wait3A_150, %dma_wait3A_158, %dma_wait3A_159] : memref<2x128x128xf32, #tpu.memory_space<vmem>> -> memref<1x128x128xf32, #tpu.memory_space<vmem>>
      %dma_wait3A_161 = tpu.memref_squeeze %dma_wait3A_160 : memref<1x128x128xf32, #tpu.memory_space<vmem>> -> memref<128x128xf32, #tpu.memory_space<vmem>>
      %dma_wait3A_162 = arith.constant 0 : i32
      %dma_wait3A_163 = arith.constant 0 : i32
      %dma_wait3A_164 = tpu.memref_slice %arg3[%dma_wait3A_162, %dma_wait3A_163] : memref<1000000x128xf32, #tpu.memory_space<hbm>> -> memref<128x128xf32, #tpu.memory_space<hbm>>
      tpu.wait_dma2 semaphore(%arg12 : memref<!tpu.dma_semaphore, #tpu.memory_space<semaphore_mem>>) src(%dma_wait3A_164 : memref<128x128xf32, #tpu.memory_space<hbm>>) dst(%dma_wait3A_161 : memref<128x128xf32, #tpu.memory_space<vmem>>)
      %add3A_165 = arith.constant 1 : i32
      %add3A_166 = arith.addi %add3A_149, %add3A_165 : i32
      %le3A_167 = arith.constant 199 : i32
      %le3A_168 = arith.cmpi sle, %add3A_166, %le3A_167 : i32
      %convert_element_type3A_169 = arith.extui %le3A_168 : i1 to i32
      %cond3A_170 = arith.constant 0 : i32
      %cond3A_171 = arith.cmpi ne, %convert_element_type3A_169, %cond3A_170 : i32
      scf.if %cond3A_171 {
        %add3A_222 = arith.constant 1 : i32
        %add3A_223 = arith.addi %add3A_149, %add3A_222 : i32
        %dma_start3A_224 = arith.constant 0 : i32
        %dma_start3A_225 = arith.constant 0 : i32
        %dma_start3A_226 = arith.constant 0 : i32
        %dma_start3A_227 = tpu.memref_slice %arg7[%dma_start3A_224, %dma_start3A_225, %dma_start3A_226] : memref<2x128x128xf32, #tpu.memory_space<vmem>> -> memref<1x128x128xf32, #tpu.memory_space<vmem>>
        %dma_start3A_228 = tpu.memref_squeeze %dma_start3A_227 : memref<1x128x128xf32, #tpu.memory_space<vmem>> -> memref<128x128xf32, #tpu.memory_space<vmem>>
        %dma_start3A_229 = arith.constant 0 : i32
        %dma_start3A_230 = tpu.memref_slice %arg6[%add3A_223, %dma_start3A_229] : memref<200x128xi32, #tpu.memory_space<vmem>> -> memref<1x128xi32, #tpu.memory_space<vmem>>
        %dma_start3A_231 = tpu.memref_squeeze %dma_start3A_230 : memref<1x128xi32, #tpu.memory_space<vmem>> -> memref<128xi32, #tpu.memory_space<vmem>>
        %dma_start3A_232 = arith.constant 0 : i32
        %dma_start3A_233 = arith.constant 0 : i32
        %dma_start3A_234 = tpu.memref_slice %arg3[%dma_start3A_232, %dma_start3A_233] : memref<1000000x128xf32, #tpu.memory_space<hbm>> -> memref<1000000x128xf32, #tpu.memory_space<hbm>>
        tpu.enqueue_indirect_dma source(%dma_start3A_234 : memref<1000000x128xf32, #tpu.memory_space<hbm>>) target(%dma_start3A_228 : memref<128x128xf32, #tpu.memory_space<vmem>>) offsets(%dma_start3A_231 : memref<128xi32, #tpu.memory_space<vmem>>) semaphore(%arg11 : memref<!tpu.dma_semaphore, #tpu.memory_space<semaphore_mem>>)
      } else {
      }
      %ge3A_172 = arith.constant 2 : i32
      %ge3A_173 = arith.cmpi sge, %add3A_149, %ge3A_172 : i32
      %convert_element_type3A_174 = arith.extui %ge3A_173 : i1 to i32
      %cond3A_175 = arith.constant 0 : i32
      %cond3A_176 = arith.cmpi ne, %convert_element_type3A_174, %cond3A_175 : i32
      scf.if %cond3A_176 {
        %dma_wait3A_222 = arith.constant 1 : i32
        %dma_wait3A_223 = arith.constant 0 : i32
        %dma_wait3A_224 = arith.constant 0 : i32
        %dma_wait3A_225 = arith.constant 0 : i32
        %dma_wait3A_226 = tpu.memref_slice %arg8[%dma_wait3A_222, %dma_wait3A_224, %dma_wait3A_225] : memref<2x64x128xf32, #tpu.memory_space<vmem>> -> memref<1x64x128xf32, #tpu.memory_space<vmem>>
        %dma_wait3A_227 = tpu.memref_squeeze %dma_wait3A_226 : memref<1x64x128xf32, #tpu.memory_space<vmem>> -> memref<64x128xf32, #tpu.memory_space<vmem>>
        %dma_wait3A_228 = arith.constant 0 : i32
        %dma_wait3A_229 = arith.constant 0 : i32
        %dma_wait3A_230 = tpu.memref_slice %arg5[%dma_wait3A_223, %dma_wait3A_228, %dma_wait3A_229] : memref<200x64x4096xf32, #tpu.memory_space<hbm>> -> memref<1x64x128xf32, #tpu.memory_space<hbm>>
        %dma_wait3A_231 = tpu.memref_squeeze %dma_wait3A_230 : memref<1x64x128xf32, #tpu.memory_space<hbm>> -> memref<64x128xf32, #tpu.memory_space<hbm>>
        %dma_wait3A_232 = arith.constant 0 : i32
        %dma_wait3A_233 = arith.constant 0 : i32
        %dma_wait3A_234 = tpu.memref_slice %arg5[%dma_wait3A_223, %dma_wait3A_232, %dma_wait3A_233] : memref<200x64x4096xf32, #tpu.memory_space<hbm>> -> memref<1x64x128xf32, #tpu.memory_space<hbm>>
        %dma_wait3A_235 = tpu.memref_squeeze %dma_wait3A_234 : memref<1x64x128xf32, #tpu.memory_space<hbm>> -> memref<64x128xf32, #tpu.memory_space<hbm>>
        %dma_wait3A_236 = arith.constant 0 : i32
        %dma_wait3A_237 = arith.constant 0 : i32
        %dma_wait3A_238 = tpu.memref_slice %arg8[%dma_wait3A_222, %dma_wait3A_236, %dma_wait3A_237] : memref<2x64x128xf32, #tpu.memory_space<vmem>> -> memref<1x64x128xf32, #tpu.memory_space<vmem>>
        %dma_wait3A_239 = tpu.memref_squeeze %dma_wait3A_238 : memref<1x64x128xf32, #tpu.memory_space<vmem>> -> memref<64x128xf32, #tpu.memory_space<vmem>>
        tpu.wait_dma2 semaphore(%arg14 : memref<!tpu.dma_semaphore, #tpu.memory_space<semaphore_mem>>) src(%dma_wait3A_239 : memref<64x128xf32, #tpu.memory_space<vmem>>) dst(%dma_wait3A_235 : memref<64x128xf32, #tpu.memory_space<hbm>>)
      } else {
      }
      %mul3A_177 = arith.constant 64 : i32
      %mul3A_178 = arith.muli %add3A_149, %mul3A_177 : i32
      %add3A_179 = arith.constant 0 : i32
      %add3A_180 = arith.addi %mul3A_178, %add3A_179 : i32
      %get3A_181 = arith.index_cast %add3A_180 : i32 to index
      %get3A_182 = tpu.vector_load %arg9[%get3A_181] {strides = array<i32>} : memref<12800xf32, #tpu.memory_space<vmem>>, vector<16xf32>,
      %mul3A_183 = arith.constant 64 : i32
      %mul3A_184 = arith.muli %add3A_149, %mul3A_183 : i32
      %add3A_185 = arith.constant 16 : i32
      %add3A_186 = arith.addi %mul3A_184, %add3A_185 : i32
      %get3A_187 = arith.index_cast %add3A_186 : i32 to index
      %get3A_188 = tpu.vector_load %arg9[%get3A_187] {strides = array<i32>} : memref<12800xf32, #tpu.memory_space<vmem>>, vector<16xf32>,
      %mul3A_189 = arith.constant 64 : i32
      %mul3A_190 = arith.muli %add3A_149, %mul3A_189 : i32
      %add3A_191 = arith.constant 32 : i32
      %add3A_192 = arith.addi %mul3A_190, %add3A_191 : i32
      %get3A_193 = arith.index_cast %add3A_192 : i32 to index
      %get3A_194 = tpu.vector_load %arg9[%get3A_193] {strides = array<i32>} : memref<12800xf32, #tpu.memory_space<vmem>>, vector<16xf32>,
      %mul3A_195 = arith.constant 64 : i32
      %mul3A_196 = arith.muli %add3A_149, %mul3A_195 : i32
      %add3A_197 = arith.constant 48 : i32
      %add3A_198 = arith.addi %mul3A_196, %add3A_197 : i32
      %get3A_199 = arith.index_cast %add3A_198 : i32 to index
      %get3A_200 = tpu.vector_load %arg9[%get3A_199] {strides = array<i32>} : memref<12800xf32, #tpu.memory_space<vmem>>, vector<16xf32>,
      %scan3A_201 = arith.constant 0 : i32
      %scan3A_202 = arith.constant 0 : i32
      %scan3A_203 = arith.constant 32 : i32
      %scan3A_204 = arith.addi %scan3A_202, %scan3A_203 : i32
      %scan3A_205 = arith.constant 1 : i32
      scf.for %scan3A_222 = %scan3A_202 to %scan3A_204 step %scan3A_205  : i32 {
        %mul3A_223 = arith.constant 4 : i32
        %mul3A_224 = arith.muli %scan3A_222, %mul3A_223 : i32
        %add3A_225 = arith.constant 0 : i32
        %add3A_226 = arith.addi %mul3A_224, %add3A_225 : i32
        %get3A_227 = arith.constant 1 : i32
        %get3A_228 = arith.index_cast %get3A_227 : i32 to index
        %get3A_229 = arith.index_cast %add3A_226 : i32 to index
        %get3A_230 = arith.constant 0 : index
        %get3A_231 = tpu.vector_load %arg7[%get3A_228, %get3A_229, %get3A_230] {strides = array<i32>} : memref<2x128x128xf32, #tpu.memory_space<vmem>>, vector<16xf32>,
        %add3A_232 = arith.addf %get3A_231, %get3A_182 : vector<16xf32>
        %add3A_233 = arith.constant 0 : i32
        %add3A_234 = arith.addi %mul3A_224, %add3A_233 : i32
        %get3A_235 = arith.constant 1 : i32
        %get3A_236 = arith.index_cast %get3A_235 : i32 to index
        %get3A_237 = arith.index_cast %add3A_234 : i32 to index
        %get3A_238 = arith.constant 16 : index
        %get3A_239 = tpu.vector_load %arg7[%get3A_236, %get3A_237, %get3A_238] {strides = array<i32>} : memref<2x128x128xf32, #tpu.memory_space<vmem>>, vector<16xf32>,
        %add3A_240 = arith.addf %get3A_239, %get3A_188 : vector<16xf32>
        %add3A_241 = arith.constant 0 : i32
        %add3A_242 = arith.addi %mul3A_224, %add3A_241 : i32
        %get3A_243 = arith.constant 1 : i32
        %get3A_244 = arith.index_cast %get3A_243 : i32 to index
        %get3A_245 = arith.index_cast %add3A_242 : i32 to index
        %get3A_246 = arith.constant 32 : index
        %get3A_247 = tpu.vector_load %arg7[%get3A_244, %get3A_245, %get3A_246] {strides = array<i32>} : memref<2x128x128xf32, #tpu.memory_space<vmem>>, vector<16xf32>,
        %add3A_248 = arith.addf %get3A_247, %get3A_194 : vector<16xf32>
        %add3A_249 = arith.constant 0 : i32
        %add3A_250 = arith.addi %mul3A_224, %add3A_249 : i32
        %get3A_251 = arith.constant 1 : i32
        %get3A_252 = arith.index_cast %get3A_251 : i32 to index
        %get3A_253 = arith.index_cast %add3A_250 : i32 to index
        %get3A_254 = arith.constant 48 : index
        %get3A_255 = tpu.vector_load %arg7[%get3A_252, %get3A_253, %get3A_254] {strides = array<i32>} : memref<2x128x128xf32, #tpu.memory_space<vmem>>, vector<16xf32>,
        %add3A_256 = arith.addf %get3A_255, %get3A_200 : vector<16xf32>
        %add3A_257 = arith.constant 1 : i32
        %add3A_258 = arith.addi %mul3A_224, %add3A_257 : i32
        %get3A_259 = arith.constant 1 : i32
        %get3A_260 = arith.index_cast %get3A_259 : i32 to index
        %get3A_261 = arith.index_cast %add3A_258 : i32 to index
        %get3A_262 = arith.constant 0 : index
        %get3A_263 = tpu.vector_load %arg7[%get3A_260, %get3A_261, %get3A_262] {strides = array<i32>} : memref<2x128x128xf32, #tpu.memory_space<vmem>>, vector<16xf32>,
        %add3A_264 = arith.addf %get3A_263, %get3A_182 : vector<16xf32>
        %add3A_265 = arith.constant 1 : i32
        %add3A_266 = arith.addi %mul3A_224, %add3A_265 : i32
        %get3A_267 = arith.constant 1 : i32
        %get3A_268 = arith.index_cast %get3A_267 : i32 to index
        %get3A_269 = arith.index_cast %add3A_266 : i32 to index
        %get3A_270 = arith.constant 16 : index
        %get3A_271 = tpu.vector_load %arg7[%get3A_268, %get3A_269, %get3A_270] {strides = array<i32>} : memref<2x128x128xf32, #tpu.memory_space<vmem>>, vector<16xf32>,
        %add3A_272 = arith.addf %get3A_271, %get3A_188 : vector<16xf32>
        %add3A_273 = arith.constant 1 : i32
        %add3A_274 = arith.addi %mul3A_224, %add3A_273 : i32
        %get3A_275 = arith.constant 1 : i32
        %get3A_276 = arith.index_cast %get3A_275 : i32 to index
        %get3A_277 = arith.index_cast %add3A_274 : i32 to index
        %get3A_278 = arith.constant 32 : index
        %get3A_279 = tpu.vector_load %arg7[%get3A_276, %get3A_277, %get3A_278] {strides = array<i32>} : memref<2x128x128xf32, #tpu.memory_space<vmem>>, vector<16xf32>,
        %add3A_280 = arith.addf %get3A_279, %get3A_194 : vector<16xf32>
        %add3A_281 = arith.constant 1 : i32
        %add3A_282 = arith.addi %mul3A_224, %add3A_281 : i32
        %get3A_283 = arith.constant 1 : i32
        %get3A_284 = arith.index_cast %get3A_283 : i32 to index
        %get3A_285 = arith.index_cast %add3A_282 : i32 to index
        %get3A_286 = arith.constant 48 : index
        %get3A_287 = tpu.vector_load %arg7[%get3A_284, %get3A_285, %get3A_286] {strides = array<i32>} : memref<2x128x128xf32, #tpu.memory_space<vmem>>, vector<16xf32>,
        %add3A_288 = arith.addf %get3A_287, %get3A_200 : vector<16xf32>
        %add3A_289 = arith.constant 2 : i32
        %add3A_290 = arith.addi %mul3A_224, %add3A_289 : i32
        %get3A_291 = arith.constant 1 : i32
        %get3A_292 = arith.index_cast %get3A_291 : i32 to index
        %get3A_293 = arith.index_cast %add3A_290 : i32 to index
        %get3A_294 = arith.constant 0 : index
        %get3A_295 = tpu.vector_load %arg7[%get3A_292, %get3A_293, %get3A_294] {strides = array<i32>} : memref<2x128x128xf32, #tpu.memory_space<vmem>>, vector<16xf32>,
        %add3A_296 = arith.addf %get3A_295, %get3A_182 : vector<16xf32>
        %add3A_297 = arith.constant 2 : i32
        %add3A_298 = arith.addi %mul3A_224, %add3A_297 : i32
        %get3A_299 = arith.constant 1 : i32
        %get3A_300 = arith.index_cast %get3A_299 : i32 to index
        %get3A_301 = arith.index_cast %add3A_298 : i32 to index
        %get3A_302 = arith.constant 16 : index
        %get3A_303 = tpu.vector_load %arg7[%get3A_300, %get3A_301, %get3A_302] {strides = array<i32>} : memref<2x128x128xf32, #tpu.memory_space<vmem>>, vector<16xf32>,
        %add3A_304 = arith.addf %get3A_303, %get3A_188 : vector<16xf32>
        %add3A_305 = arith.constant 2 : i32
        %add3A_306 = arith.addi %mul3A_224, %add3A_305 : i32
        %get3A_307 = arith.constant 1 : i32
        %get3A_308 = arith.index_cast %get3A_307 : i32 to index
        %get3A_309 = arith.index_cast %add3A_306 : i32 to index
        %get3A_310 = arith.constant 32 : index
        %get3A_311 = tpu.vector_load %arg7[%get3A_308, %get3A_309, %get3A_310] {strides = array<i32>} : memref<2x128x128xf32, #tpu.memory_space<vmem>>, vector<16xf32>,
        %add3A_312 = arith.addf %get3A_311, %get3A_194 : vector<16xf32>
        %add3A_313 = arith.constant 2 : i32
        %add3A_314 = arith.addi %mul3A_224, %add3A_313 : i32
        %get3A_315 = arith.constant 1 : i32
        %get3A_316 = arith.index_cast %get3A_315 : i32 to index
        %get3A_317 = arith.index_cast %add3A_314 : i32 to index
        %get3A_318 = arith.constant 48 : index
        %get3A_319 = tpu.vector_load %arg7[%get3A_316, %get3A_317, %get3A_318] {strides = array<i32>} : memref<2x128x128xf32, #tpu.memory_space<vmem>>, vector<16xf32>,
        %add3A_320 = arith.addf %get3A_319, %get3A_200 : vector<16xf32>
        %add3A_321 = arith.constant 3 : i32
        %add3A_322 = arith.addi %mul3A_224, %add3A_321 : i32
        %get3A_323 = arith.constant 1 : i32
        %get3A_324 = arith.index_cast %get3A_323 : i32 to index
        %get3A_325 = arith.index_cast %add3A_322 : i32 to index
        %get3A_326 = arith.constant 0 : index
        %get3A_327 = tpu.vector_load %arg7[%get3A_324, %get3A_325, %get3A_326] {strides = array<i32>} : memref<2x128x128xf32, #tpu.memory_space<vmem>>, vector<16xf32>,
        %add3A_328 = arith.addf %get3A_327, %get3A_182 : vector<16xf32>
        %add3A_329 = arith.constant 3 : i32
        %add3A_330 = arith.addi %mul3A_224, %add3A_329 : i32
        %get3A_331 = arith.constant 1 : i32
        %get3A_332 = arith.index_cast %get3A_331 : i32 to index
        %get3A_333 = arith.index_cast %add3A_330 : i32 to index
        %get3A_334 = arith.constant 16 : index
        %get3A_335 = tpu.vector_load %arg7[%get3A_332, %get3A_333, %get3A_334] {strides = array<i32>} : memref<2x128x128xf32, #tpu.memory_space<vmem>>, vector<16xf32>,
        %add3A_336 = arith.addf %get3A_335, %get3A_188 : vector<16xf32>
        %add3A_337 = arith.constant 3 : i32
        %add3A_338 = arith.addi %mul3A_224, %add3A_337 : i32
        %get3A_339 = arith.constant 1 : i32
        %get3A_340 = arith.index_cast %get3A_339 : i32 to index
        %get3A_341 = arith.index_cast %add3A_338 : i32 to index
        %get3A_342 = arith.constant 32 : index
        %get3A_343 = tpu.vector_load %arg7[%get3A_340, %get3A_341, %get3A_342] {strides = array<i32>} : memref<2x128x128xf32, #tpu.memory_space<vmem>>, vector<16xf32>,
        %add3A_344 = arith.addf %get3A_343, %get3A_194 : vector<16xf32>
        %add3A_345 = arith.constant 3 : i32
        %add3A_346 = arith.addi %mul3A_224, %add3A_345 : i32
        %get3A_347 = arith.constant 1 : i32
        %get3A_348 = arith.index_cast %get3A_347 : i32 to index
        %get3A_349 = arith.index_cast %add3A_346 : i32 to index
        %get3A_350 = arith.constant 48 : index
        %get3A_351 = tpu.vector_load %arg7[%get3A_348, %get3A_349, %get3A_350] {strides = array<i32>} : memref<2x128x128xf32, #tpu.memory_space<vmem>>, vector<16xf32>,
        %add3A_352 = arith.addf %get3A_351, %get3A_200 : vector<16xf32>
        %broadcast_in_dim3A = arith.constant 0 : i32
        %broadcast_in_dim3A_353 = vector.broadcast %broadcast_in_dim3A : i32 to vector<16xi32>
        %add3A_354 = arith.constant 0 : i32
        %add3A_355 = arith.addi %mul3A_224, %add3A_354 : i32
        %add3A_356 = vector.broadcast %add3A_355 : i32 to vector<16xi32>
        %add3A_357 = arith.addi %broadcast_in_dim3A_353, %add3A_356 : vector<16xi32>
        %scatter3A = arith.constant 1 : i32
        %scatter3A_358 = arith.constant 0 : i32
        %scatter3A_359 = arith.constant 0 : i32
        %scatter3A_360 = tpu.memref_slice %arg8[%scatter3A, %scatter3A_358, %scatter3A_359] : memref<2x64x128xf32, #tpu.memory_space<vmem>> -> memref<1x64x128xf32, #tpu.memory_space<vmem>>
        %scatter3A_361 = tpu.memref_squeeze %scatter3A_360 : memref<1x64x128xf32, #tpu.memory_space<vmem>> -> memref<64x128xf32, #tpu.memory_space<vmem>>
        tpu.vector_store_idx %scatter3A_361[%add3A_11, %add3A_357], %add3A_232 : memref<64x128xf32, #tpu.memory_space<vmem>>[vector<16xi32>, vector<16xi32>], vector<16xf32>,
        %scatter3A_362 = arith.constant 1 : i32
        %scatter3A_363 = arith.constant 0 : i32
        %scatter3A_364 = arith.constant 0 : i32
        %scatter3A_365 = tpu.memref_slice %arg8[%scatter3A_362, %scatter3A_363, %scatter3A_364] : memref<2x64x128xf32, #tpu.memory_space<vmem>> -> memref<1x64x128xf32, #tpu.memory_space<vmem>>
        %scatter3A_366 = tpu.memref_squeeze %scatter3A_365 : memref<1x64x128xf32, #tpu.memory_space<vmem>> -> memref<64x128xf32, #tpu.memory_space<vmem>>
        tpu.vector_store_idx %scatter3A_366[%add3A_14, %add3A_357], %add3A_240 : memref<64x128xf32, #tpu.memory_space<vmem>>[vector<16xi32>, vector<16xi32>], vector<16xf32>,
        %scatter3A_367 = arith.constant 1 : i32
        %scatter3A_368 = arith.constant 0 : i32
        %scatter3A_369 = arith.constant 0 : i32
        %scatter3A_370 = tpu.memref_slice %arg8[%scatter3A_367, %scatter3A_368, %scatter3A_369] : memref<2x64x128xf32, #tpu.memory_space<vmem>> -> memref<1x64x128xf32, #tpu.memory_space<vmem>>
        %scatter3A_371 = tpu.memref_squeeze %scatter3A_370 : memref<1x64x128xf32, #tpu.memory_space<vmem>> -> memref<64x128xf32, #tpu.memory_space<vmem>>
        tpu.vector_store_idx %scatter3A_371[%add3A_17, %add3A_357], %add3A_248 : memref<64x128xf32, #tpu.memory_space<vmem>>[vector<16xi32>, vector<16xi32>], vector<16xf32>,
        %scatter3A_372 = arith.constant 1 : i32
        %scatter3A_373 = arith.constant 0 : i32
        %scatter3A_374 = arith.constant 0 : i32
        %scatter3A_375 = tpu.memref_slice %arg8[%scatter3A_372, %scatter3A_373, %scatter3A_374] : memref<2x64x128xf32, #tpu.memory_space<vmem>> -> memref<1x64x128xf32, #tpu.memory_space<vmem>>
        %scatter3A_376 = tpu.memref_squeeze %scatter3A_375 : memref<1x64x128xf32, #tpu.memory_space<vmem>> -> memref<64x128xf32, #tpu.memory_space<vmem>>
        tpu.vector_store_idx %scatter3A_376[%add3A_20, %add3A_357], %add3A_256 : memref<64x128xf32, #tpu.memory_space<vmem>>[vector<16xi32>, vector<16xi32>], vector<16xf32>,
        %broadcast_in_dim3A_377 = arith.constant 0 : i32
        %broadcast_in_dim3A_378 = vector.broadcast %broadcast_in_dim3A_377 : i32 to vector<16xi32>
        %add3A_379 = arith.constant 1 : i32
        %add3A_380 = arith.addi %mul3A_224, %add3A_379 : i32
        %add3A_381 = vector.broadcast %add3A_380 : i32 to vector<16xi32>
        %add3A_382 = arith.addi %broadcast_in_dim3A_378, %add3A_381 : vector<16xi32>
        %scatter3A_383 = arith.constant 1 : i32
        %scatter3A_384 = arith.constant 0 : i32
        %scatter3A_385 = arith.constant 0 : i32
        %scatter3A_386 = tpu.memref_slice %arg8[%scatter3A_383, %scatter3A_384, %scatter3A_385] : memref<2x64x128xf32, #tpu.memory_space<vmem>> -> memref<1x64x128xf32, #tpu.memory_space<vmem>>
        %scatter3A_387 = tpu.memref_squeeze %scatter3A_386 : memref<1x64x128xf32, #tpu.memory_space<vmem>> -> memref<64x128xf32, #tpu.memory_space<vmem>>
        tpu.vector_store_idx %scatter3A_387[%add3A_11, %add3A_382], %add3A_264 : memref<64x128xf32, #tpu.memory_space<vmem>>[vector<16xi32>, vector<16xi32>], vector<16xf32>,
        %scatter3A_388 = arith.constant 1 : i32
        %scatter3A_389 = arith.constant 0 : i32
        %scatter3A_390 = arith.constant 0 : i32
        %scatter3A_391 = tpu.memref_slice %arg8[%scatter3A_388, %scatter3A_389, %scatter3A_390] : memref<2x64x128xf32, #tpu.memory_space<vmem>> -> memref<1x64x128xf32, #tpu.memory_space<vmem>>
        %scatter3A_392 = tpu.memref_squeeze %scatter3A_391 : memref<1x64x128xf32, #tpu.memory_space<vmem>> -> memref<64x128xf32, #tpu.memory_space<vmem>>
        tpu.vector_store_idx %scatter3A_392[%add3A_14, %add3A_382], %add3A_272 : memref<64x128xf32, #tpu.memory_space<vmem>>[vector<16xi32>, vector<16xi32>], vector<16xf32>,
        %scatter3A_393 = arith.constant 1 : i32
        %scatter3A_394 = arith.constant 0 : i32
        %scatter3A_395 = arith.constant 0 : i32
        %scatter3A_396 = tpu.memref_slice %arg8[%scatter3A_393, %scatter3A_394, %scatter3A_395] : memref<2x64x128xf32, #tpu.memory_space<vmem>> -> memref<1x64x128xf32, #tpu.memory_space<vmem>>
        %scatter3A_397 = tpu.memref_squeeze %scatter3A_396 : memref<1x64x128xf32, #tpu.memory_space<vmem>> -> memref<64x128xf32, #tpu.memory_space<vmem>>
        tpu.vector_store_idx %scatter3A_397[%add3A_17, %add3A_382], %add3A_280 : memref<64x128xf32, #tpu.memory_space<vmem>>[vector<16xi32>, vector<16xi32>], vector<16xf32>,
        %scatter3A_398 = arith.constant 1 : i32
        %scatter3A_399 = arith.constant 0 : i32
        %scatter3A_400 = arith.constant 0 : i32
        %scatter3A_401 = tpu.memref_slice %arg8[%scatter3A_398, %scatter3A_399, %scatter3A_400] : memref<2x64x128xf32, #tpu.memory_space<vmem>> -> memref<1x64x128xf32, #tpu.memory_space<vmem>>
        %scatter3A_402 = tpu.memref_squeeze %scatter3A_401 : memref<1x64x128xf32, #tpu.memory_space<vmem>> -> memref<64x128xf32, #tpu.memory_space<vmem>>
        tpu.vector_store_idx %scatter3A_402[%add3A_20, %add3A_382], %add3A_288 : memref<64x128xf32, #tpu.memory_space<vmem>>[vector<16xi32>, vector<16xi32>], vector<16xf32>,
        %broadcast_in_dim3A_403 = arith.constant 0 : i32
        %broadcast_in_dim3A_404 = vector.broadcast %broadcast_in_dim3A_403 : i32 to vector<16xi32>
        %add3A_405 = arith.constant 2 : i32
        %add3A_406 = arith.addi %mul3A_224, %add3A_405 : i32
        %add3A_407 = vector.broadcast %add3A_406 : i32 to vector<16xi32>
        %add3A_408 = arith.addi %broadcast_in_dim3A_404, %add3A_407 : vector<16xi32>
        %scatter3A_409 = arith.constant 1 : i32
        %scatter3A_410 = arith.constant 0 : i32
        %scatter3A_411 = arith.constant 0 : i32
        %scatter3A_412 = tpu.memref_slice %arg8[%scatter3A_409, %scatter3A_410, %scatter3A_411] : memref<2x64x128xf32, #tpu.memory_space<vmem>> -> memref<1x64x128xf32, #tpu.memory_space<vmem>>
        %scatter3A_413 = tpu.memref_squeeze %scatter3A_412 : memref<1x64x128xf32, #tpu.memory_space<vmem>> -> memref<64x128xf32, #tpu.memory_space<vmem>>
        tpu.vector_store_idx %scatter3A_413[%add3A_11, %add3A_408], %add3A_296 : memref<64x128xf32, #tpu.memory_space<vmem>>[vector<16xi32>, vector<16xi32>], vector<16xf32>,
        %scatter3A_414 = arith.constant 1 : i32
        %scatter3A_415 = arith.constant 0 : i32
        %scatter3A_416 = arith.constant 0 : i32
        %scatter3A_417 = tpu.memref_slice %arg8[%scatter3A_414, %scatter3A_415, %scatter3A_416] : memref<2x64x128xf32, #tpu.memory_space<vmem>> -> memref<1x64x128xf32, #tpu.memory_space<vmem>>
        %scatter3A_418 = tpu.memref_squeeze %scatter3A_417 : memref<1x64x128xf32, #tpu.memory_space<vmem>> -> memref<64x128xf32, #tpu.memory_space<vmem>>
        tpu.vector_store_idx %scatter3A_418[%add3A_14, %add3A_408], %add3A_304 : memref<64x128xf32, #tpu.memory_space<vmem>>[vector<16xi32>, vector<16xi32>], vector<16xf32>,
        %scatter3A_419 = arith.constant 1 : i32
        %scatter3A_420 = arith.constant 0 : i32
        %scatter3A_421 = arith.constant 0 : i32
        %scatter3A_422 = tpu.memref_slice %arg8[%scatter3A_419, %scatter3A_420, %scatter3A_421] : memref<2x64x128xf32, #tpu.memory_space<vmem>> -> memref<1x64x128xf32, #tpu.memory_space<vmem>>
        %scatter3A_423 = tpu.memref_squeeze %scatter3A_422 : memref<1x64x128xf32, #tpu.memory_space<vmem>> -> memref<64x128xf32, #tpu.memory_space<vmem>>
        tpu.vector_store_idx %scatter3A_423[%add3A_17, %add3A_408], %add3A_312 : memref<64x128xf32, #tpu.memory_space<vmem>>[vector<16xi32>, vector<16xi32>], vector<16xf32>,
        %scatter3A_424 = arith.constant 1 : i32
        %scatter3A_425 = arith.constant 0 : i32
        %scatter3A_426 = arith.constant 0 : i32
        %scatter3A_427 = tpu.memref_slice %arg8[%scatter3A_424, %scatter3A_425, %scatter3A_426] : memref<2x64x128xf32, #tpu.memory_space<vmem>> -> memref<1x64x128xf32, #tpu.memory_space<vmem>>
        %scatter3A_428 = tpu.memref_squeeze %scatter3A_427 : memref<1x64x128xf32, #tpu.memory_space<vmem>> -> memref<64x128xf32, #tpu.memory_space<vmem>>
        tpu.vector_store_idx %scatter3A_428[%add3A_20, %add3A_408], %add3A_320 : memref<64x128xf32, #tpu.memory_space<vmem>>[vector<16xi32>, vector<16xi32>], vector<16xf32>,
        %broadcast_in_dim3A_429 = arith.constant 0 : i32
        %broadcast_in_dim3A_430 = vector.broadcast %broadcast_in_dim3A_429 : i32 to vector<16xi32>
        %add3A_431 = arith.constant 3 : i32
        %add3A_432 = arith.addi %mul3A_224, %add3A_431 : i32
        %add3A_433 = vector.broadcast %add3A_432 : i32 to vector<16xi32>
        %add3A_434 = arith.addi %broadcast_in_dim3A_430, %add3A_433 : vector<16xi32>
        %scatter3A_435 = arith.constant 1 : i32
        %scatter3A_436 = arith.constant 0 : i32
        %scatter3A_437 = arith.constant 0 : i32
        %scatter3A_438 = tpu.memref_slice %arg8[%scatter3A_435, %scatter3A_436, %scatter3A_437] : memref<2x64x128xf32, #tpu.memory_space<vmem>> -> memref<1x64x128xf32, #tpu.memory_space<vmem>>
        %scatter3A_439 = tpu.memref_squeeze %scatter3A_438 : memref<1x64x128xf32, #tpu.memory_space<vmem>> -> memref<64x128xf32, #tpu.memory_space<vmem>>
        tpu.vector_store_idx %scatter3A_439[%add3A_11, %add3A_434], %add3A_328 : memref<64x128xf32, #tpu.memory_space<vmem>>[vector<16xi32>, vector<16xi32>], vector<16xf32>,
        %scatter3A_440 = arith.constant 1 : i32
        %scatter3A_441 = arith.constant 0 : i32
        %scatter3A_442 = arith.constant 0 : i32
        %scatter3A_443 = tpu.memref_slice %arg8[%scatter3A_440, %scatter3A_441, %scatter3A_442] : memref<2x64x128xf32, #tpu.memory_space<vmem>> -> memref<1x64x128xf32, #tpu.memory_space<vmem>>
        %scatter3A_444 = tpu.memref_squeeze %scatter3A_443 : memref<1x64x128xf32, #tpu.memory_space<vmem>> -> memref<64x128xf32, #tpu.memory_space<vmem>>
        tpu.vector_store_idx %scatter3A_444[%add3A_14, %add3A_434], %add3A_336 : memref<64x128xf32, #tpu.memory_space<vmem>>[vector<16xi32>, vector<16xi32>], vector<16xf32>,
        %scatter3A_445 = arith.constant 1 : i32
        %scatter3A_446 = arith.constant 0 : i32
        %scatter3A_447 = arith.constant 0 : i32
        %scatter3A_448 = tpu.memref_slice %arg8[%scatter3A_445, %scatter3A_446, %scatter3A_447] : memref<2x64x128xf32, #tpu.memory_space<vmem>> -> memref<1x64x128xf32, #tpu.memory_space<vmem>>
        %scatter3A_449 = tpu.memref_squeeze %scatter3A_448 : memref<1x64x128xf32, #tpu.memory_space<vmem>> -> memref<64x128xf32, #tpu.memory_space<vmem>>
        tpu.vector_store_idx %scatter3A_449[%add3A_17, %add3A_434], %add3A_344 : memref<64x128xf32, #tpu.memory_space<vmem>>[vector<16xi32>, vector<16xi32>], vector<16xf32>,
        %scatter3A_450 = arith.constant 1 : i32
        %scatter3A_451 = arith.constant 0 : i32
        %scatter3A_452 = arith.constant 0 : i32
        %scatter3A_453 = tpu.memref_slice %arg8[%scatter3A_450, %scatter3A_451, %scatter3A_452] : memref<2x64x128xf32, #tpu.memory_space<vmem>> -> memref<1x64x128xf32, #tpu.memory_space<vmem>>
        %scatter3A_454 = tpu.memref_squeeze %scatter3A_453 : memref<1x64x128xf32, #tpu.memory_space<vmem>> -> memref<64x128xf32, #tpu.memory_space<vmem>>
        tpu.vector_store_idx %scatter3A_454[%add3A_20, %add3A_434], %add3A_352 : memref<64x128xf32, #tpu.memory_space<vmem>>[vector<16xi32>, vector<16xi32>], vector<16xf32>,
      }
      %scan3A_206 = arith.constant 32 : i32
      %dma_start3A_207 = arith.constant 1 : i32
      %dma_start3A_208 = arith.constant 0 : i32
      %dma_start3A_209 = arith.constant 0 : i32
      %dma_start3A_210 = tpu.memref_slice %arg8[%dma_start3A_207, %dma_start3A_208, %dma_start3A_209] : memref<2x64x128xf32, #tpu.memory_space<vmem>> -> memref<1x64x128xf32, #tpu.memory_space<vmem>>
      %dma_start3A_211 = tpu.memref_squeeze %dma_start3A_210 : memref<1x64x128xf32, #tpu.memory_space<vmem>> -> memref<64x128xf32, #tpu.memory_space<vmem>>
      %dma_start3A_212 = arith.constant 0 : i32
      %dma_start3A_213 = tpu.memref_slice %arg5[%add3A_149, %dma_start3A_212, %mul3A_2] : memref<200x64x4096xf32, #tpu.memory_space<hbm>> -> memref<1x64x128xf32, #tpu.memory_space<hbm>>
      %dma_start3A_214 = tpu.memref_squeeze %dma_start3A_213 : memref<1x64x128xf32, #tpu.memory_space<hbm>> -> memref<64x128xf32, #tpu.memory_space<hbm>>
      %dma_start3A_215 = arith.constant 0 : i32
      %dma_start3A_216 = tpu.memref_slice %arg5[%add3A_149, %dma_start3A_215, %mul3A_2] : memref<200x64x4096xf32, #tpu.memory_space<hbm>> -> memref<1x64x128xf32, #tpu.memory_space<hbm>>
      %dma_start3A_217 = tpu.memref_squeeze %dma_start3A_216 : memref<1x64x128xf32, #tpu.memory_space<hbm>> -> memref<64x128xf32, #tpu.memory_space<hbm>>
      %dma_start3A_218 = arith.constant 0 : i32
      %dma_start3A_219 = arith.constant 0 : i32
      %dma_start3A_220 = tpu.memref_slice %arg8[%dma_start3A_207, %dma_start3A_218, %dma_start3A_219] : memref<2x64x128xf32, #tpu.memory_space<vmem>> -> memref<1x64x128xf32, #tpu.memory_space<vmem>>
      %dma_start3A_221 = tpu.memref_squeeze %dma_start3A_220 : memref<1x64x128xf32, #tpu.memory_space<vmem>> -> memref<64x128xf32, #tpu.memory_space<vmem>>
      tpu.enqueue_dma source(%dma_start3A_221 : memref<64x128xf32, #tpu.memory_space<vmem>>) target(%dma_start3A_217 : memref<64x128xf32, #tpu.memory_space<hbm>>) target_semaphore(%arg14 : memref<!tpu.dma_semaphore, #tpu.memory_space<semaphore_mem>>)
    }
    %scan3A_37 = arith.constant 100 : i32
    %dma_wait3A_38 = arith.constant 0 : i32
    %dma_wait3A_39 = arith.constant 0 : i32
    %dma_wait3A_40 = arith.constant 0 : i32
    %dma_wait3A_41 = arith.constant 0 : i32
    %dma_wait3A_42 = tpu.memref_slice %arg8[%dma_wait3A_38, %dma_wait3A_40, %dma_wait3A_41] : memref<2x64x128xf32, #tpu.memory_space<vmem>> -> memref<1x64x128xf32, #tpu.memory_space<vmem>>
    %dma_wait3A_43 = tpu.memref_squeeze %dma_wait3A_42 : memref<1x64x128xf32, #tpu.memory_space<vmem>> -> memref<64x128xf32, #tpu.memory_space<vmem>>
    %dma_wait3A_44 = arith.constant 0 : i32
    %dma_wait3A_45 = arith.constant 0 : i32
    %dma_wait3A_46 = tpu.memref_slice %arg5[%dma_wait3A_39, %dma_wait3A_44, %dma_wait3A_45] : memref<200x64x4096xf32, #tpu.memory_space<hbm>> -> memref<1x64x128xf32, #tpu.memory_space<hbm>>
    %dma_wait3A_47 = tpu.memref_squeeze %dma_wait3A_46 : memref<1x64x128xf32, #tpu.memory_space<hbm>> -> memref<64x128xf32, #tpu.memory_space<hbm>>
    %dma_wait3A_48 = arith.constant 0 : i32
    %dma_wait3A_49 = arith.constant 0 : i32
    %dma_wait3A_50 = tpu.memref_slice %arg5[%dma_wait3A_39, %dma_wait3A_48, %dma_wait3A_49] : memref<200x64x4096xf32, #tpu.memory_space<hbm>> -> memref<1x64x128xf32, #tpu.memory_space<hbm>>
    %dma_wait3A_51 = tpu.memref_squeeze %dma_wait3A_50 : memref<1x64x128xf32, #tpu.memory_space<hbm>> -> memref<64x128xf32, #tpu.memory_space<hbm>>
    %dma_wait3A_52 = arith.constant 0 : i32
    %dma_wait3A_53 = arith.constant 0 : i32
    %dma_wait3A_54 = tpu.memref_slice %arg8[%dma_wait3A_38, %dma_wait3A_52, %dma_wait3A_53] : memref<2x64x128xf32, #tpu.memory_space<vmem>> -> memref<1x64x128xf32, #tpu.memory_space<vmem>>
    %dma_wait3A_55 = tpu.memref_squeeze %dma_wait3A_54 : memref<1x64x128xf32, #tpu.memory_space<vmem>> -> memref<64x128xf32, #tpu.memory_space<vmem>>
    tpu.wait_dma2 semaphore(%arg13 : memref<!tpu.dma_semaphore, #tpu.memory_space<semaphore_mem>>) src(%dma_wait3A_55 : memref<64x128xf32, #tpu.memory_space<vmem>>) dst(%dma_wait3A_51 : memref<64x128xf32, #tpu.memory_space<hbm>>)
    %dma_wait3A_56 = arith.constant 1 : i32
    %dma_wait3A_57 = arith.constant 0 : i32
    %dma_wait3A_58 = arith.constant 0 : i32
    %dma_wait3A_59 = arith.constant 0 : i32
    %dma_wait3A_60 = tpu.memref_slice %arg8[%dma_wait3A_56, %dma_wait3A_58, %dma_wait3A_59] : memref<2x64x128xf32, #tpu.memory_space<vmem>> -> memref<1x64x128xf32, #tpu.memory_space<vmem>>
    %dma_wait3A_61 = tpu.memref_squeeze %dma_wait3A_60 : memref<1x64x128xf32, #tpu.memory_space<vmem>> -> memref<64x128xf32, #tpu.memory_space<vmem>>
    %dma_wait3A_62 = arith.constant 0 : i32
    %dma_wait3A_63 = arith.constant 0 : i32
    %dma_wait3A_64 = tpu.memref_slice %arg5[%dma_wait3A_57, %dma_wait3A_62, %dma_wait3A_63] : memref<200x64x4096xf32, #tpu.memory_space<hbm>> -> memref<1x64x128xf32, #tpu.memory_space<hbm>>
    %dma_wait3A_65 = tpu.memref_squeeze %dma_wait3A_64 : memref<1x64x128xf32, #tpu.memory_space<hbm>> -> memref<64x128xf32, #tpu.memory_space<hbm>>
    %dma_wait3A_66 = arith.constant 0 : i32
    %dma_wait3A_67 = arith.constant 0 : i32
    %dma_wait3A_68 = tpu.memref_slice %arg5[%dma_wait3A_57, %dma_wait3A_66, %dma_wait3A_67] : memref<200x64x4096xf32, #tpu.memory_space<hbm>> -> memref<1x64x128xf32, #tpu.memory_space<hbm>>
    %dma_wait3A_69 = tpu.memref_squeeze %dma_wait3A_68 : memref<1x64x128xf32, #tpu.memory_space<hbm>> -> memref<64x128xf32, #tpu.memory_space<hbm>>
    %dma_wait3A_70 = arith.constant 0 : i32
    %dma_wait3A_71 = arith.constant 0 : i32
    %dma_wait3A_72 = tpu.memref_slice %arg8[%dma_wait3A_56, %dma_wait3A_70, %dma_wait3A_71] : memref<2x64x128xf32, #tpu.memory_space<vmem>> -> memref<1x64x128xf32, #tpu.memory_space<vmem>>
    %dma_wait3A_73 = tpu.memref_squeeze %dma_wait3A_72 : memref<1x64x128xf32, #tpu.memory_space<vmem>> -> memref<64x128xf32, #tpu.memory_space<vmem>>
    tpu.wait_dma2 semaphore(%arg14 : memref<!tpu.dma_semaphore, #tpu.memory_space<semaphore_mem>>) src(%dma_wait3A_73 : memref<64x128xf32, #tpu.memory_space<vmem>>) dst(%dma_wait3A_69 : memref<64x128xf32, #tpu.memory_space<hbm>>)
    return
  }
}

</mosaic_0001>

<sc_bundles>
// kernel: kernel.4.cloned.1.call-start
scs
__scs_entry_jumppad:
0x0: {  	(pc) =	sbr.rel $0x88, $3  }
0x1: {  	(tag) =	ssettag $0x0;
	lr =	simm.s32 $0x1  }
0x2: {  	[smem:$0x3F9E] =	sst lr;
	_ =	strace $0xD0000000  }
0x3: {  	_ = 	snop  }
0x4: {  	_ = 	snop  }
0x5: {  	_ = 	snop  }
0x6: {  	_ = 	snop  }
0x7: {  	_ = 	snop  }
__scs_overlays_trampoline_lowered:
0x8: {  	[smem:$0x3FAD] =	sst s0  }
0x9: {  	[smem:$0x3FAE] =	sst s1  }
0xa: {  	[smem:$0x3FAF] =	sst s2  }
0xb: {  	[smem:$0x3FB0] =	sst s3  }
0xc: {  	[smem:$0x3FB1] =	sst s4  }
0xd: {  	[smem:$0x3FB2] =	sst s5  }
0xe: {  	[smem:$0x3FB3] =	sst s6  }
0xf: {  	[smem:$0x3FB4] =	sst s7  }
0x10: {  	[smem:$0x3FB5] =	sst s8  }
0x11: {  	[smem:$0x3FB6] =	sst s9;
	s0 =	simm.s32 @!p0 $0x0  }
0x12: {  	s1 =	sld [smem:$0x3F9C];
	s0 =	simm.s32 @p0 $0x1  }
0x13: {  	[smem:$0x3FB7] =	sst s0;
	s0 =	simm.s32 @!p1 $0x0  }
0x14: {  	s2 =	sld [smem:$0x3F9B];
	s0 =	simm.s32 @p1 $0x1  }
0x15: {  	[smem:$0x3FB8] =	sst s0;
	s0 =	simm.s32 @!p2 $0x0  }
0x16: {  	s3 =	sld [smem:$0x3FDB];
	s0 =	simm.s32 @p2 $0x1  }
0x17: {  	s4 =	simm.s32 $0x1BF5;
	[smem:$0x3FBA] =	sst s0  }
0x18: {  	s0 =	sld [smem:$0x3F9D];
	_ =	swait.ge [sflag:s4], $0x0  }
0x19: {  	s7 =	sld [smem:$0x3F9E]  }
0x1a: {  	s8 =	sadd.s32 $0xFFFFE003, lr  }
0x1b: {  	s9 =	sadd.s32 $0xFFFFFEF7, lr;
	s5 =	simm.s32 $0xFFFFFFFF;
	p2 =	slt.u32 s8, $0xFFFFF086  }
0x1c: {  	p1 =	slt.u32 s9, $0xF7A;
	s5 =	simm.s32 @!p2 $0x0  }
0x1d: {  	s5 =	simm.s32 @p1 $0x1;
	p0 =	seq.s32 s7, s2  }
0x1e: {  	s7 =	smul.u32 @!p0 $0xF7A, s2;
	p2 =	seq.s32 @!p0 s5, $0x0  }
0x1f: {  	s9 =	smul.u32 $0xF7A, s1;
	s8 =	simm.s32 @!p0 $0x1BF5;
	p2 =	por !p2, p0  }
0x20: {  	[sflag:s8] =	ssyncset.s32 @!p0 $0xFFFFF086;
	s6 =	sadd.s32 @!p0 s3, s7;
	s7 =	simm.s32 @!p0 $0x108  }
0x21: {  	s3 =	sadd.s32 s3, s9;
	s6 =	sadd.s32 @!p0 $0x88, s6;
	s7 =	simm.s32 @p2 $0x1082  }
0x22: {  	[simem:s7], [sflag:s8] =	dma.local @!p0 [hbm:s6], $0xF7A  }
0x23: {  	s9 =	sor.u32 $0xD0000000, s2;
	s6 =	simm.s32 $0x108;
	_ =	swait.ge @!p0 [sflag:s8], $0x0  }
0x24: {  	s3 =	sadd.s32 $0x88, s3;
	s6 =	simm.s32 @!p1 $0x1082;
	[sflag:s4] =	ssyncset.s32 $0xFFFFF086  }
0x25: {  	[simem:s6], [sflag:s4] =	dma.local [hbm:s3], $0xF7A  }
0x26: {  	[smem:$0x3F9E] =	sst s1;
	(tag) =	ssettag s2;
	_ =	strace s9  }
0x27: {  	s1 =	sld [smem:$0x3FAE]  }
0x28: {  	s2 =	sld [smem:$0x3FAF]  }
0x29: {  	s4 =	sld [smem:$0x3FB1]  }
0x2a: {  	p0 =	seq.s32 s5, $0x0;
	s5 =	sld [smem:$0x3FB2]  }
0x2b: {  	s6 =	sld [smem:$0x3FB3]  }
0x2c: {  	s7 =	sld [smem:$0x3FB4]  }
0x2d: {  	s3 =	simm.s32 $0x108;
	s8 =	sld [smem:$0x3FB5]  }
0x2e: {  	s3 =	simm.s32 @!p0 $0x1082;
	s9 =	sld [smem:$0x3FB6]  }
0x2f: {  	lr =	sadd.s32 s0, s3;
	s0 =	sld [smem:$0x3FAD]  }
0x30: {  	s3 =	sld [smem:$0x3FB0]  }
0x31: {  	[smem:$0x3FB9] =	sst s10  }
0x32: {  	s10 =	sld [smem:$0x3FB7];
	_ =	sdelay $0x3  }
0x33: {  	p0 =	seq.s32 s10, $0x1;
	s10 =	sld [smem:$0x3FB9];
	_ =	sdelay $0x3  }
0x34: {  	[smem:$0x3FB9] =	sst s10  }
0x35: {  	s10 =	sld [smem:$0x3FB8];
	_ =	sdelay $0x3  }
0x36: {  	p1 =	seq.s32 s10, $0x1;
	s10 =	sld [smem:$0x3FB9];
	_ =	sdelay $0x3  }
0x37: {  	[smem:$0x3FB9] =	sst s10  }
0x38: {  	s10 =	sld [smem:$0x3FBA]  }
0x39: {  	_ = 	snop;
	(pc) =	sbr.ind lr, $3  }
0x3a: {  	_ = 	snop  }
0x3b: {  	_ = 	snop  }
0x3c: {  	p2 =	seq.s32 s10, $0x1;
	s10 =	sld [smem:$0x3FB9]  }
0x3d: {  	_ =	shalt  }
0x3e: {  	_ =	shalt  }
0x3f: {  	_ =	shalt  }
0x40: {  	_ =	shalt  }
0x41: {  	_ =	shalt  }
0x42: {  	_ =	shalt  }
0x43: {  	_ =	shalt  }
0x44: {  	_ =	shalt  }
0x45: {  	_ =	shalt  }
0x46: {  	_ =	shalt  }
0x47: {  	_ =	shalt  }
0x48: {  	_ =	shalt  }
0x49: {  	_ =	shalt  }
0x4a: {  	_ =	shalt  }
0x4b: {  	_ =	shalt  }
0x4c: {  	_ =	shalt  }
0x4d: {  	_ =	shalt  }
0x4e: {  	_ =	shalt  }
0x4f: {  	_ =	shalt  }
0x50: {  	_ =	shalt  }
0x51: {  	_ =	shalt  }
0x52: {  	_ =	shalt  }
0x53: {  	_ =	shalt  }
0x54: {  	_ =	shalt  }
0x55: {  	_ =	shalt  }
0x56: {  	_ =	shalt  }
0x57: {  	_ =	shalt  }
0x58: {  	_ =	shalt  }
0x59: {  	_ =	shalt  }
0x5a: {  	_ =	shalt  }
0x5b: {  	_ =	shalt  }
0x5c: {  	_ =	shalt  }
0x5d: {  	_ =	shalt  }
0x5e: {  	_ =	shalt  }
0x5f: {  	_ =	shalt  }
0x60: {  	_ =	shalt  }
0x61: {  	_ =	shalt  }
0x62: {  	_ =	shalt  }
0x63: {  	_ =	shalt  }
0x64: {  	_ =	shalt  }
0x65: {  	_ =	shalt  }
0x66: {  	_ =	shalt  }
0x67: {  	_ =	shalt  }
0x68: {  	_ =	shalt  }
0x69: {  	_ =	shalt  }
0x6a: {  	_ =	shalt  }
0x6b: {  	_ =	shalt  }
0x6c: {  	_ =	shalt  }
0x6d: {  	_ =	shalt  }
0x6e: {  	_ =	shalt  }
0x6f: {  	_ =	shalt  }
0x70: {  	_ =	shalt  }
0x71: {  	_ =	shalt  }
0x72: {  	_ =	shalt  }
0x73: {  	_ =	shalt  }
0x74: {  	_ =	shalt  }
0x75: {  	_ =	shalt  }
0x76: {  	_ =	shalt  }
0x77: {  	_ =	shalt  }
0x78: {  	_ =	shalt  }
0x79: {  	_ =	shalt  }
0x7a: {  	_ =	shalt  }
0x7b: {  	_ =	shalt  }
0x7c: {  	_ =	shalt  }
0x7d: {  	_ =	shalt  }
0x7e: {  	_ =	shalt  }
0x7f: {  	_ =	shalt  }
0x80: {  	_ =	shalt  }
0x81: {  	_ =	shalt  }
0x82: {  	_ =	shalt  }
0x83: {  	_ =	shalt  }
0x84: {  	_ =	shalt  }
0x85: {  	_ =	shalt  }
0x86: {  	_ =	shalt  }
0x87: {  	_ =	shalt  }
.Lfunc_end0:
.L_simem_size_0:
called_computation_lowered:
.L_overlay_start_0:
0x88: {  	s2 =	sld [smem:$0x3FD9]  }
0x89: {  	s3 =	sld [smem:$0x3FFE];
	_ =	sdelay $0x1  }
0x8a: {  	s1 =	srdreg.scid  }
0x8b: {  	s0 =	sand.u32 $0x1, s1  }
0x8c: {  	s17 =	sshll.u32 s0, $0xA;
	s2 =	sadd.s32 s3, s2  }
0x8d: {  	s2 =	sadd.s32 s2, s17  }
0x8e: {  	[smem:$0x3FC5] =	sst s2  }
0x8f: {  	_ = 	snop  }
0x90: {  	s2 =	sld [smem:$0x3FC8]  }
0x91: {  	s18 =	sld [smem:$0x3FD0];
	(tm) =	ssettm $0x1  }
0x92: {  	s4 =	sld [smem:$0x3FFB];
	_ =	sdelay $0x3  }
0x93: {  	_ =	strace s4  }
0x94: {  	s4 =	sld [smem:$0x3FFC];
	_ =	sdelay $0x3  }
0x95: {  	_ =	strace s4  }
0x96: {  	s4 =	sld [smem:$0x3FFD];
	_ =	sdelay $0x3  }
0x97: {  	_ =	strace s4  }
0x98: {  	_ =	strace $0x8FFFFFFF  }
0x99: {  	s19 =	sld [smem:$0x3FDB];
	_ =	sdelay $0x1  }
0x9a: {  	s5 =	simm.s32 $_scs_section_size  }
0x9b: {  	s6 =	simm.s32 $_size__tile_overlayer_lowered;
	s7 =	simm.s32 $_tile_overlayer_lowered  }
0x9c: {  	s22 =	simm.s32 $0x1BFF;
	s21 =	sshll.u32 s7, $0x1;
	s4 =	sadd.s32 s5, s19  }
0x9d: {  	s8 =	simm.s32 $0x0;
	s20 =	sshll.u32 s6, $0x1;
	s6 =	sadd.s32 s21, s4  }
0x9e: {  	[timem:s8], [sflag:s22] =	dma.local [hbm:s6], s20  }
0x9f: {  	_ =	swait.ge [sflag:s22], s20  }
0xa0: {  	s5 =	ssub.s32 $0x0, s20;
	[sflag:s22] =	ssyncset.done $0x0  }
0xa1: {  	[sflag:s22] =	ssyncadd.s32 s5;
	_ =	sdelay $0x1  }
0xa2: {  	s23 =	simm.s32 $0x1B8B  }
0xa3: {  	_ =	swait.ge [sflag:s23], $0x1  }
0xa4: {  	[sflag:s23] =	ssyncset.done $0x0  }
0xa5: {  	s25 =	simm.s32 $0x1B8E;
	s24 =	sld [smem:$0x3FFE];
	[sflag:s23] =	ssyncadd.s32 $0xFFFFFFFF  }
0xa6: {  	s26 =	simm.s32 $execute0_lowered;
	[smem:$0x3FD2] =	sst s25  }
0xa7: {  	s6 =	sshll.u32 s26, $0x1;
	_ =	strace $0x80000046;
	[dreg:$0x1] =	wrdreg $0xFFFFFFFF  }
0xa8: {  	s28 =	simm.s32 $_size_execute0_lowered;
	s4 =	sadd.s32 s4, s6;
	[dreg:$0x0] =	wrdreg $0x0  }
0xa9: {  	s6 =	sshll.u32 s28, $0x1;
	[dreg:$0x2] =	wrdreg s4  }
0xaa: {  	[dreg:$0x3] =	wrdreg s6  }
0xab: {  	[dreg:$0x4] =	wrdreg $0xC0  }
0xac: {  	_ =	task [dreg:s8], $0x5FFFF  }
0xad: {  	[dreg:$0x1] =	wrdreg $0xFFFFFFFF  }
0xae: {  	[dreg:$0x0] =	wrdreg $0x60  }
0xaf: {  	[dreg:$0x2] =	wrdreg s2  }
0xb0: {  	[dreg:$0x3] =	wrdreg s18  }
0xb1: {  	[dreg:$0x4] =	wrdreg s24  }
0xb2: {  	[dreg:$0x5] =	wrdreg $0x9  }
0xb3: {  	_ =	task.clear_ibuf [dreg:s8], $0x6FFFF;
	_ =	strace $0x90000046  }
0xb4: {  	s29 =	simm.s32 $0x9;
	_ =	strace $0x80000048  }
0xb5: {  	_ =	swait.ge [sflag:s29], $0x1  }
0xb6: {  	[sflag:s29] =	ssyncadd.s32 $0xFFFFFFFF  }
0xb7: {  	_ =	strace $0x90000048  }
0xb8: {  	_ =	sfence  }
0xb9: {  	s30 =	sld [smem:$0x0];
	_ =	sdelay $0x2  }
0xba: {  	s31 =	sshll.u32 s1, $0xD;
	s1 =	sshrl.u32 s1, $0x2  }
0xbb: {  	s3 =	sand.u32 $0x4000, s31;
	s1 =	sadd.s32 s1, s30  }
0xbc: {  	s0 =	sor.u32 s3, s0;
	s1 =	sshll.u32 s1, $0x11  }
0xbd: {  	s0 =	sor.u32 s1, s0  }
0xbe: {  	s0 =	sadd.s32 $0x8F2B, s0  }
0xbf: {  	[sflag:s0] =	ssyncadd.remote.s32 $0x1  }
0xc0: {  	_ =	sfence.sel $0xFFFF  }
0xc1: {  	[dreg:$0x0] =	wrdreg $0xFFFFFFFF;
	(pc) =	sbr.abs _section_cstart, $3  }
0xc2: {  	[dreg:$0x1] =	wrdreg $0xFFFFFFFF  }
0xc3: {  	_ =	task.clear_ibuf [dreg:s8], $0x2FFFF;
	_ =	strace $0x9FFFFFFF  }
0xc4: {  	(tm) =	ssettm $0x7FFFFFFF  }
0xc5: {  	_ =	shalt  }
tec
execute0_lowered:
.L_overlay_start_1:
0x0: {  	(tag) =	ssettag $0x1  }
0x1: {  	s1 =	rddreg [dreg:$0x0]  }
0x2: {  	s2 =	rddreg [dreg:$0x1]  }
0x3: {  	s7 =	rddreg [dreg:$0x2]  }
0x4: {  	s0 =	rddreg [dreg:$0x3]  }
0x5: {  	s4 =	simm.s32 $0x0;
	s5 =	srdreg.scid;
	s3 =	stileid.u32  }
0x6: {  	s12 =	simm.s32 $0x400;
	s13 =	simm.s32 $0x7A1400;
	s14 =	simm.s32 $0x1  }
0x7: {  	s15 =	simm.s32 $0x4000;
	s16 =	simm.s32 $0x2;
	s17 =	simm.s32 $0x8000  }
0x8: {  	s18 =	simm.s32 $0x3;
	s19 =	simm.s32 $0x4;
	s20 =	simm.s32 $0x0  }
0x9: {  	[smem:$0x7FF] =	sst s4;
	s6 =	sand.u32 $0x1, s5;
	s9 =	sshll.u32 s3, $0x1  }
.Ltmp0:
0xa: {  	s5 =	sadd.s32 $0xA00, s7;
	s7 =	sadd.s32 $0xF42A00, s7;
	(pc) =	sbr.rel .LBB2_1-.Ltmp0, $4  }
0xb: {  	_ =	strace $0x80000047;
	s8 =	ssub.s32 $0x2, s6;
	s6 =	sor.u32 s6, s9  }
0xc: {  	s10 =	sshrl.u32 s8, $0x1;
	s31 =	sshll.u32 s6, $0x7;
	p0 =	sne.s32 s6, $0x0  }
0xd: {  	v0 =	vlaneseq.u32;
	s9 =	sor.u32 $0x40, s6;
	s10 =	ssub.s32 s8, s10;
	s11 =	sshll.u32 @!p0 s3, $0x6  }
0xe: {  	v0 =	vmul.u32 $0x80, v0;
	s8 =	sadd.s32 s1, s31;
	s10 =	smax.u32 s10, $0x1;
	s11 =	sor.u32 @!p0 $0x1C05, s11  }
.LBB2_10:
0xf: {  	s20 =	sadd.s32 $0x1, s20  }
0x10: {  	_ =	swait.ge [sflag:s18], $0x4000;
	p1 =	sne.s32 s20, s10  }
.Ltmp1:
0x11: {  	[sflag:s18] =	ssyncset.done $0x0;
	(pc) =	sbr.rel @!p1 .LBB2_11-.Ltmp1, $4  }
0x12: {  	[sflag:s18] =	ssyncadd.s32 $0xFFFFC000  }
0x13: {  	_ =	swait.ge [sflag:s19], $0x4000  }
0x14: {  	[sflag:s19] =	ssyncset.done $0x0  }
0x15: {  	[sflag:s19] =	ssyncadd.s32 $0xFFFFC000  }
.LBB2_1:
0x16: {  	[hbm:s7], [sflag:s11] =	dma.local @!p0 [hbm:s2], $0x400  }
.Ltmp2:
0x17: {  	s21 =	simm.s32 @!p0 $0x5;
	(pc) =	sbr.rel .LBB2_2-.Ltmp2, $4  }
0x18: {  	_ =	swait.ge @!p0 [sflag:s21], $0x400  }
0x19: {  	[sflag:s21] =	ssyncset.done @!p0 $0x0  }
0x1a: {  	[sflag:s21] =	ssyncadd.s32 @!p0 $0xFFFFFC00;
	s21 =	simm.s32 $0x0  }
0x1b: {  	[tilespmem:s4], [sflag:$0x1] =	stream.strided.gather [hbm4b:s8+s12], $0x2000, s13, s12, $0x38;
	[tilespmem:$0xC000] =	vst v63  }
.LBB2_9:
0x1c: {  	s21 =	sadd.s32 $0x1, s21  }
0x1d: {  	p1 =	sne.s32 s21, $0x7B  }
.Ltmp3:
0x1e: {  	_ = 	snop;
	(pc) =	sbr.rel @!p1 .LBB2_10-.Ltmp3, $1  }
0x1f: {  	_ =	sdelay $0x3  }
.LBB2_2:
0x20: {  	s23 =	sshll.u32 s21, $0x6  }
0x21: {  	s24 =	sor.u32 s6, s23  }
0x22: {  	p1 =	sgt.u32 s24, $0x1E83  }
.Ltmp4:
0x23: {  	_ = 	snop;
	(pc) =	sbr.rel @p1 .LBB2_9-.Ltmp4, $1  }
0x24: {  	_ =	sdelay $0x3  }
0x25: {  	s22 =	sor.u32 $0x20, s24;
	_ =	swait.ge [sflag:s14], $0x2000  }
0x26: {  	p1 =	seq.s32 s21, $0x0;
	p2 =	sgt.u32 s22, $0x1E83;
	[sflag:s14] =	ssyncset.done $0x0  }
0x27: {  	s25 =	sshll.u32 @!p2 s22, $0x7;
	[sflag:s14] =	ssyncadd.s32 $0xFFFFE000;
	s26 =	simm.s32 @!p2 $0x400  }
0x28: {  	s28 =	simm.s32 @!p2 $0x7A1400;
	s29 =	simm.s32 @!p2 $0x2000;
	s25 =	sadd.s32 @!p2 s1, s25  }
0x29: {  	[tilespmem:s29], [sflag:$0x2] =	stream.strided.gather @!p2 [hbm4b:s25+s26], $0x2000, s28, s26, $0x38;
	[tilespmem:$0xC000] =	vst v63  }
0x2a: {  	s25 =	simm.s32 @!p1 $0x3  }
0x2b: {  	s30 =	simm.s32 $0x0;
	_ =	swait.ge @!p1 [sflag:s25], $0x4000  }
0x2c: {  	v1 =	vmov s30;
	[sflag:s25] =	ssyncset.done @!p1 $0x0  }
0x2d: {  	v1 =	vshll.u32 v1, $0x7;
	[sflag:s25] =	ssyncadd.s32 @!p1 $0xFFFFC000;
	s25 =	simm.s32 $0x1000  }
0x2e: {  	v1 =	vor.u32 v0, v1;
	v2 =	vld [tilespmem:s25+$0xFFFFF000];
	_ =	sdelay $0x4  }
0x2f: {  	[tilespmem:v1+s15+$0x0] =	vst.idx.msk $0xffff, v2  }
0x30: {  	v3 =	vor.u32 $0x1, v1;
	v2 =	vld [tilespmem:s25+$0xFFFFF080];
	_ =	sdelay $0x4  }
0x31: {  	[tilespmem:v3+s15+$0x0] =	vst.idx.msk $0xffff, v2  }
0x32: {  	v3 =	vor.u32 $0x2, v1;
	v2 =	vld [tilespmem:s25+$0xFFFFF100];
	_ =	sdelay $0x4  }
0x33: {  	[tilespmem:v3+s15+$0x0] =	vst.idx.msk $0xffff, v2  }
0x34: {  	v3 =	vor.u32 $0x3, v1;
	v2 =	vld [tilespmem:s25+$0xFFFFF180];
	_ =	sdelay $0x4  }
0x35: {  	[tilespmem:v3+s15+$0x0] =	vst.idx.msk $0xffff, v2  }
0x36: {  	v3 =	vor.u32 $0x4, v1;
	v2 =	vld [tilespmem:s25+$0xFFFFF200];
	_ =	sdelay $0x4  }
0x37: {  	[tilespmem:v3+s15+$0x0] =	vst.idx.msk $0xffff, v2  }
0x38: {  	v3 =	vor.u32 $0x5, v1;
	v2 =	vld [tilespmem:s25+$0xFFFFF280];
	_ =	sdelay $0x4  }
0x39: {  	[tilespmem:v3+s15+$0x0] =	vst.idx.msk $0xffff, v2  }
0x3a: {  	v3 =	vor.u32 $0x6, v1;
	v2 =	vld [tilespmem:s25+$0xFFFFF300];
	_ =	sdelay $0x4  }
0x3b: {  	[tilespmem:v3+s15+$0x0] =	vst.idx.msk $0xffff, v2  }
0x3c: {  	v3 =	vor.u32 $0x7, v1;
	v2 =	vld [tilespmem:s25+$0xFFFFF380];
	_ =	sdelay $0x4  }
0x3d: {  	[tilespmem:v3+s15+$0x0] =	vst.idx.msk $0xffff, v2  }
0x3e: {  	v3 =	vor.u32 $0x8, v1;
	v2 =	vld [tilespmem:s25+$0xFFFFF400];
	_ =	sdelay $0x4  }
0x3f: {  	[tilespmem:v3+s15+$0x0] =	vst.idx.msk $0xffff, v2  }
0x40: {  	v3 =	vor.u32 $0x9, v1;
	v2 =	vld [tilespmem:s25+$0xFFFFF480];
	_ =	sdelay $0x4  }
0x41: {  	[tilespmem:v3+s15+$0x0] =	vst.idx.msk $0xffff, v2  }
0x42: {  	v3 =	vor.u32 $0xA, v1;
	v2 =	vld [tilespmem:s25+$0xFFFFF500];
	_ =	sdelay $0x4  }
0x43: {  	[tilespmem:v3+s15+$0x0] =	vst.idx.msk $0xffff, v2  }
0x44: {  	v3 =	vor.u32 $0xB, v1;
	v2 =	vld [tilespmem:s25+$0xFFFFF580];
	_ =	sdelay $0x4  }
0x45: {  	[tilespmem:v3+s15+$0x0] =	vst.idx.msk $0xffff, v2  }
0x46: {  	v3 =	vor.u32 $0xC, v1;
	v2 =	vld [tilespmem:s25+$0xFFFFF600];
	_ =	sdelay $0x4  }
0x47: {  	[tilespmem:v3+s15+$0x0] =	vst.idx.msk $0xffff, v2  }
0x48: {  	v3 =	vor.u32 $0xD, v1;
	v2 =	vld [tilespmem:s25+$0xFFFFF680];
	_ =	sdelay $0x4  }
0x49: {  	[tilespmem:v3+s15+$0x0] =	vst.idx.msk $0xffff, v2  }
0x4a: {  	v3 =	vor.u32 $0xE, v1;
	v2 =	vld [tilespmem:s25+$0xFFFFF700];
	_ =	sdelay $0x4  }
0x4b: {  	[tilespmem:v3+s15+$0x0] =	vst.idx.msk $0xffff, v2  }
0x4c: {  	v3 =	vor.u32 $0xF, v1;
	v2 =	vld [tilespmem:s25+$0xFFFFF780];
	_ =	sdelay $0x4  }
0x4d: {  	[tilespmem:v3+s15+$0x0] =	vst.idx.msk $0xffff, v2  }
0x4e: {  	v3 =	vor.u32 $0x10, v1;
	v2 =	vld [tilespmem:s25+$0xFFFFF800];
	_ =	sdelay $0x4  }
0x4f: {  	[tilespmem:v3+s15+$0x0] =	vst.idx.msk $0xffff, v2  }
0x50: {  	v3 =	vor.u32 $0x11, v1;
	v2 =	vld [tilespmem:s25+$0xFFFFF880];
	_ =	sdelay $0x4  }
0x51: {  	[tilespmem:v3+s15+$0x0] =	vst.idx.msk $0xffff, v2  }
0x52: {  	v3 =	vor.u32 $0x12, v1;
	v2 =	vld [tilespmem:s25+$0xFFFFF900];
	_ =	sdelay $0x4  }
0x53: {  	[tilespmem:v3+s15+$0x0] =	vst.idx.msk $0xffff, v2  }
0x54: {  	v3 =	vor.u32 $0x13, v1;
	v2 =	vld [tilespmem:s25+$0xFFFFF980];
	_ =	sdelay $0x4  }
0x55: {  	[tilespmem:v3+s15+$0x0] =	vst.idx.msk $0xffff, v2  }
0x56: {  	v3 =	vor.u32 $0x14, v1;
	v2 =	vld [tilespmem:s25+$0xFFFFFA00];
	_ =	sdelay $0x4  }
0x57: {  	[tilespmem:v3+s15+$0x0] =	vst.idx.msk $0xffff, v2  }
0x58: {  	v3 =	vor.u32 $0x15, v1;
	v2 =	vld [tilespmem:s25+$0xFFFFFA80];
	_ =	sdelay $0x4  }
0x59: {  	[tilespmem:v3+s15+$0x0] =	vst.idx.msk $0xffff, v2  }
0x5a: {  	v3 =	vor.u32 $0x16, v1;
	v2 =	vld [tilespmem:s25+$0xFFFFFB00];
	_ =	sdelay $0x4  }
0x5b: {  	[tilespmem:v3+s15+$0x0] =	vst.idx.msk $0xffff, v2  }
0x5c: {  	v3 =	vor.u32 $0x17, v1;
	v2 =	vld [tilespmem:s25+$0xFFFFFB80];
	_ =	sdelay $0x4  }
0x5d: {  	[tilespmem:v3+s15+$0x0] =	vst.idx.msk $0xffff, v2  }
0x5e: {  	v3 =	vor.u32 $0x18, v1;
	v2 =	vld [tilespmem:s25+$0xFFFFFC00];
	_ =	sdelay $0x4  }
0x5f: {  	[tilespmem:v3+s15+$0x0] =	vst.idx.msk $0xffff, v2  }
0x60: {  	v3 =	vor.u32 $0x19, v1;
	v2 =	vld [tilespmem:s25+$0xFFFFFC80];
	_ =	sdelay $0x4  }
0x61: {  	[tilespmem:v3+s15+$0x0] =	vst.idx.msk $0xffff, v2  }
0x62: {  	v3 =	vor.u32 $0x1A, v1;
	v2 =	vld [tilespmem:s25+$0xFFFFFD00];
	_ =	sdelay $0x4  }
0x63: {  	[tilespmem:v3+s15+$0x0] =	vst.idx.msk $0xffff, v2  }
0x64: {  	v3 =	vor.u32 $0x1B, v1;
	v2 =	vld [tilespmem:s25+$0xFFFFFD80];
	_ =	sdelay $0x4  }
0x65: {  	[tilespmem:v3+s15+$0x0] =	vst.idx.msk $0xffff, v2  }
0x66: {  	v3 =	vor.u32 $0x1C, v1;
	v2 =	vld [tilespmem:s25+$0xFFFFFE00];
	_ =	sdelay $0x4  }
0x67: {  	[tilespmem:v3+s15+$0x0] =	vst.idx.msk $0xffff, v2  }
0x68: {  	v3 =	vor.u32 $0x1D, v1;
	v2 =	vld [tilespmem:s25+$0xFFFFFE80];
	_ =	sdelay $0x4  }
0x69: {  	[tilespmem:v3+s15+$0x0] =	vst.idx.msk $0xffff, v2  }
0x6a: {  	v3 =	vor.u32 $0x1E, v1;
	v2 =	vld [tilespmem:s25+$0xFFFFFF00];
	_ =	sdelay $0x4  }
0x6b: {  	[tilespmem:v3+s15+$0x0] =	vst.idx.msk $0xffff, v2  }
0x6c: {  	v3 =	vor.u32 $0x1F, v1;
	v2 =	vld [tilespmem:s25+$0xFFFFFF80];
	_ =	sdelay $0x4  }
0x6d: {  	[tilespmem:v3+s15+$0x0] =	vst.idx.msk $0xffff, v2  }
0x6e: {  	v3 =	vor.u32 $0x20, v1;
	v2 =	vld [tilespmem:s25+$0x0];
	_ =	sdelay $0x4  }
0x6f: {  	[tilespmem:v3+s15+$0x0] =	vst.idx.msk $0xffff, v2  }
0x70: {  	v3 =	vor.u32 $0x21, v1;
	v2 =	vld [tilespmem:s25+$0x80];
	_ =	sdelay $0x4  }
0x71: {  	[tilespmem:v3+s15+$0x0] =	vst.idx.msk $0xffff, v2  }
0x72: {  	v3 =	vor.u32 $0x22, v1;
	v2 =	vld [tilespmem:s25+$0x100];
	_ =	sdelay $0x4  }
0x73: {  	[tilespmem:v3+s15+$0x0] =	vst.idx.msk $0xffff, v2  }
0x74: {  	v3 =	vor.u32 $0x23, v1;
	v2 =	vld [tilespmem:s25+$0x180];
	_ =	sdelay $0x4  }
0x75: {  	[tilespmem:v3+s15+$0x0] =	vst.idx.msk $0xffff, v2  }
0x76: {  	v3 =	vor.u32 $0x24, v1;
	v2 =	vld [tilespmem:s25+$0x200];
	_ =	sdelay $0x4  }
0x77: {  	[tilespmem:v3+s15+$0x0] =	vst.idx.msk $0xffff, v2  }
0x78: {  	v3 =	vor.u32 $0x25, v1;
	v2 =	vld [tilespmem:s25+$0x280];
	_ =	sdelay $0x4  }
0x79: {  	[tilespmem:v3+s15+$0x0] =	vst.idx.msk $0xffff, v2  }
0x7a: {  	v3 =	vor.u32 $0x26, v1;
	v2 =	vld [tilespmem:s25+$0x300];
	_ =	sdelay $0x4  }
0x7b: {  	[tilespmem:v3+s15+$0x0] =	vst.idx.msk $0xffff, v2  }
0x7c: {  	v3 =	vor.u32 $0x27, v1;
	v2 =	vld [tilespmem:s25+$0x380];
	_ =	sdelay $0x4  }
0x7d: {  	[tilespmem:v3+s15+$0x0] =	vst.idx.msk $0xffff, v2  }
0x7e: {  	v3 =	vor.u32 $0x28, v1;
	v2 =	vld [tilespmem:s25+$0x400];
	_ =	sdelay $0x4  }
0x7f: {  	[tilespmem:v3+s15+$0x0] =	vst.idx.msk $0xffff, v2  }
0x80: {  	v3 =	vor.u32 $0x29, v1;
	v2 =	vld [tilespmem:s25+$0x480];
	_ =	sdelay $0x4  }
0x81: {  	[tilespmem:v3+s15+$0x0] =	vst.idx.msk $0xffff, v2  }
0x82: {  	v3 =	vor.u32 $0x2A, v1;
	v2 =	vld [tilespmem:s25+$0x500];
	_ =	sdelay $0x4  }
0x83: {  	[tilespmem:v3+s15+$0x0] =	vst.idx.msk $0xffff, v2  }
0x84: {  	v3 =	vor.u32 $0x2B, v1;
	v2 =	vld [tilespmem:s25+$0x580];
	_ =	sdelay $0x4  }
0x85: {  	[tilespmem:v3+s15+$0x0] =	vst.idx.msk $0xffff, v2  }
0x86: {  	v3 =	vor.u32 $0x2C, v1;
	v2 =	vld [tilespmem:s25+$0x600];
	_ =	sdelay $0x4  }
0x87: {  	[tilespmem:v3+s15+$0x0] =	vst.idx.msk $0xffff, v2  }
0x88: {  	v3 =	vor.u32 $0x2D, v1;
	v2 =	vld [tilespmem:s25+$0x680];
	_ =	sdelay $0x4  }
0x89: {  	[tilespmem:v3+s15+$0x0] =	vst.idx.msk $0xffff, v2  }
0x8a: {  	v3 =	vor.u32 $0x2E, v1;
	v2 =	vld [tilespmem:s25+$0x700];
	_ =	sdelay $0x4  }
0x8b: {  	[tilespmem:v3+s15+$0x0] =	vst.idx.msk $0xffff, v2  }
0x8c: {  	v3 =	vor.u32 $0x2F, v1;
	v2 =	vld [tilespmem:s25+$0x780];
	_ =	sdelay $0x4  }
0x8d: {  	[tilespmem:v3+s15+$0x0] =	vst.idx.msk $0xffff, v2  }
0x8e: {  	v3 =	vor.u32 $0x30, v1;
	v2 =	vld [tilespmem:s25+$0x800];
	_ =	sdelay $0x4  }
0x8f: {  	[tilespmem:v3+s15+$0x0] =	vst.idx.msk $0xffff, v2  }
0x90: {  	v3 =	vor.u32 $0x31, v1;
	v2 =	vld [tilespmem:s25+$0x880];
	_ =	sdelay $0x4  }
0x91: {  	[tilespmem:v3+s15+$0x0] =	vst.idx.msk $0xffff, v2  }
0x92: {  	v3 =	vor.u32 $0x32, v1;
	v2 =	vld [tilespmem:s25+$0x900];
	_ =	sdelay $0x4  }
0x93: {  	[tilespmem:v3+s15+$0x0] =	vst.idx.msk $0xffff, v2  }
0x94: {  	v3 =	vor.u32 $0x33, v1;
	v2 =	vld [tilespmem:s25+$0x980];
	_ =	sdelay $0x4  }
0x95: {  	[tilespmem:v3+s15+$0x0] =	vst.idx.msk $0xffff, v2  }
0x96: {  	v3 =	vor.u32 $0x34, v1;
	v2 =	vld [tilespmem:s25+$0xA00];
	_ =	sdelay $0x4  }
0x97: {  	[tilespmem:v3+s15+$0x0] =	vst.idx.msk $0xffff, v2  }
0x98: {  	v3 =	vor.u32 $0x35, v1;
	v2 =	vld [tilespmem:s25+$0xA80];
	_ =	sdelay $0x4  }
0x99: {  	[tilespmem:v3+s15+$0x0] =	vst.idx.msk $0xffff, v2  }
0x9a: {  	v3 =	vor.u32 $0x36, v1;
	v2 =	vld [tilespmem:s25+$0xB00];
	_ =	sdelay $0x4  }
0x9b: {  	[tilespmem:v3+s15+$0x0] =	vst.idx.msk $0xffff, v2  }
0x9c: {  	v3 =	vor.u32 $0x37, v1;
	v2 =	vld [tilespmem:s25+$0xB80];
	_ =	sdelay $0x4  }
0x9d: {  	[tilespmem:v3+s15+$0x0] =	vst.idx.msk $0xffff, v2  }
0x9e: {  	v3 =	vor.u32 $0x38, v1;
	v2 =	vld [tilespmem:s25+$0xC00];
	_ =	sdelay $0x4  }
0x9f: {  	[tilespmem:v3+s15+$0x0] =	vst.idx.msk $0xffff, v2  }
0xa0: {  	v3 =	vor.u32 $0x39, v1;
	v2 =	vld [tilespmem:s25+$0xC80];
	_ =	sdelay $0x4  }
0xa1: {  	[tilespmem:v3+s15+$0x0] =	vst.idx.msk $0xffff, v2  }
0xa2: {  	v3 =	vor.u32 $0x3A, v1;
	v2 =	vld [tilespmem:s25+$0xD00];
	_ =	sdelay $0x4  }
0xa3: {  	[tilespmem:v3+s15+$0x0] =	vst.idx.msk $0xffff, v2  }
0xa4: {  	v3 =	vor.u32 $0x3B, v1;
	v2 =	vld [tilespmem:s25+$0xD80];
	_ =	sdelay $0x4  }
0xa5: {  	[tilespmem:v3+s15+$0x0] =	vst.idx.msk $0xffff, v2  }
0xa6: {  	v3 =	vor.u32 $0x3C, v1;
	v2 =	vld [tilespmem:s25+$0xE00];
	_ =	sdelay $0x4  }
0xa7: {  	[tilespmem:v3+s15+$0x0] =	vst.idx.msk $0xffff, v2  }
0xa8: {  	v3 =	vor.u32 $0x3D, v1;
	v2 =	vld [tilespmem:s25+$0xE80];
	_ =	sdelay $0x4  }
0xa9: {  	[tilespmem:v3+s15+$0x0] =	vst.idx.msk $0xffff, v2  }
0xaa: {  	v3 =	vor.u32 $0x3E, v1;
	v2 =	vld [tilespmem:s25+$0xF00];
	_ =	sdelay $0x4  }
0xab: {  	[tilespmem:v3+s15+$0x0] =	vst.idx.msk $0xffff, v2  }
0xac: {  	v1 =	vor.u32 $0x3F, v1;
	v2 =	vld [tilespmem:s25+$0xF80];
	_ =	sdelay $0x2  }
0xad: {  	s31 =	simm.s32 $0x10  }
0xae: {  	s26 =	simm.s32 $0x20;
	v3 =	vmov s31  }
.LBB2_4:
0xaf: {  	p3 =	sne.s32 s26, $0x70;
	v3 =	vshll.u32 v3, $0x7;
	[tilespmem:v1+s15+$0x0] =	vst.idx.msk $0xffff, v2;
	s25 =	sadd.s32 $0x10, s25  }
0xb0: {  	v2 =	vld [tilespmem:s25+$0xFFFFF000];
	v1 =	vor.u32 v0, v3;
	_ =	sdelay $0x4  }
0xb1: {  	[tilespmem:v1+s15+$0x0] =	vst.idx.msk $0xffff, v2  }
0xb2: {  	v3 =	vor.u32 $0x1, v1;
	v2 =	vld [tilespmem:s25+$0xFFFFF080];
	_ =	sdelay $0x4  }
0xb3: {  	[tilespmem:v3+s15+$0x0] =	vst.idx.msk $0xffff, v2  }
0xb4: {  	v3 =	vor.u32 $0x2, v1;
	v2 =	vld [tilespmem:s25+$0xFFFFF100];
	_ =	sdelay $0x4  }
0xb5: {  	[tilespmem:v3+s15+$0x0] =	vst.idx.msk $0xffff, v2  }
0xb6: {  	v3 =	vor.u32 $0x3, v1;
	v2 =	vld [tilespmem:s25+$0xFFFFF180];
	_ =	sdelay $0x4  }
0xb7: {  	[tilespmem:v3+s15+$0x0] =	vst.idx.msk $0xffff, v2  }
0xb8: {  	v3 =	vor.u32 $0x4, v1;
	v2 =	vld [tilespmem:s25+$0xFFFFF200];
	_ =	sdelay $0x4  }
0xb9: {  	[tilespmem:v3+s15+$0x0] =	vst.idx.msk $0xffff, v2  }
0xba: {  	v3 =	vor.u32 $0x5, v1;
	v2 =	vld [tilespmem:s25+$0xFFFFF280];
	_ =	sdelay $0x4  }
0xbb: {  	[tilespmem:v3+s15+$0x0] =	vst.idx.msk $0xffff, v2  }
0xbc: {  	v3 =	vor.u32 $0x6, v1;
	v2 =	vld [tilespmem:s25+$0xFFFFF300];
	_ =	sdelay $0x4  }
0xbd: {  	[tilespmem:v3+s15+$0x0] =	vst.idx.msk $0xffff, v2  }
0xbe: {  	v3 =	vor.u32 $0x7, v1;
	v2 =	vld [tilespmem:s25+$0xFFFFF380];
	_ =	sdelay $0x4  }
0xbf: {  	[tilespmem:v3+s15+$0x0] =	vst.idx.msk $0xffff, v2  }
0xc0: {  	v3 =	vor.u32 $0x8, v1;
	v2 =	vld [tilespmem:s25+$0xFFFFF400];
	_ =	sdelay $0x4  }
0xc1: {  	[tilespmem:v3+s15+$0x0] =	vst.idx.msk $0xffff, v2  }
0xc2: {  	v3 =	vor.u32 $0x9, v1;
	v2 =	vld [tilespmem:s25+$0xFFFFF480];
	_ =	sdelay $0x4  }
0xc3: {  	[tilespmem:v3+s15+$0x0] =	vst.idx.msk $0xffff, v2  }
0xc4: {  	v3 =	vor.u32 $0xA, v1;
	v2 =	vld [tilespmem:s25+$0xFFFFF500];
	_ =	sdelay $0x4  }
0xc5: {  	[tilespmem:v3+s15+$0x0] =	vst.idx.msk $0xffff, v2  }
0xc6: {  	v3 =	vor.u32 $0xB, v1;
	v2 =	vld [tilespmem:s25+$0xFFFFF580];
	_ =	sdelay $0x4  }
0xc7: {  	[tilespmem:v3+s15+$0x0] =	vst.idx.msk $0xffff, v2  }
0xc8: {  	v3 =	vor.u32 $0xC, v1;
	v2 =	vld [tilespmem:s25+$0xFFFFF600];
	_ =	sdelay $0x4  }
0xc9: {  	[tilespmem:v3+s15+$0x0] =	vst.idx.msk $0xffff, v2  }
0xca: {  	v3 =	vor.u32 $0xD, v1;
	v2 =	vld [tilespmem:s25+$0xFFFFF680];
	_ =	sdelay $0x4  }
0xcb: {  	[tilespmem:v3+s15+$0x0] =	vst.idx.msk $0xffff, v2  }
0xcc: {  	v3 =	vor.u32 $0xE, v1;
	v2 =	vld [tilespmem:s25+$0xFFFFF700];
	_ =	sdelay $0x4  }
0xcd: {  	[tilespmem:v3+s15+$0x0] =	vst.idx.msk $0xffff, v2  }
0xce: {  	v3 =	vor.u32 $0xF, v1;
	v2 =	vld [tilespmem:s25+$0xFFFFF780];
	_ =	sdelay $0x4  }
0xcf: {  	[tilespmem:v3+s15+$0x0] =	vst.idx.msk $0xffff, v2  }
0xd0: {  	v3 =	vor.u32 $0x10, v1;
	v2 =	vld [tilespmem:s25+$0xFFFFF800];
	_ =	sdelay $0x4  }
0xd1: {  	[tilespmem:v3+s15+$0x0] =	vst.idx.msk $0xffff, v2  }
0xd2: {  	v3 =	vor.u32 $0x11, v1;
	v2 =	vld [tilespmem:s25+$0xFFFFF880];
	_ =	sdelay $0x4  }
0xd3: {  	[tilespmem:v3+s15+$0x0] =	vst.idx.msk $0xffff, v2  }
0xd4: {  	v3 =	vor.u32 $0x12, v1;
	v2 =	vld [tilespmem:s25+$0xFFFFF900];
	_ =	sdelay $0x4  }
0xd5: {  	[tilespmem:v3+s15+$0x0] =	vst.idx.msk $0xffff, v2  }
0xd6: {  	v3 =	vor.u32 $0x13, v1;
	v2 =	vld [tilespmem:s25+$0xFFFFF980];
	_ =	sdelay $0x4  }
0xd7: {  	[tilespmem:v3+s15+$0x0] =	vst.idx.msk $0xffff, v2  }
0xd8: {  	v3 =	vor.u32 $0x14, v1;
	v2 =	vld [tilespmem:s25+$0xFFFFFA00];
	_ =	sdelay $0x4  }
0xd9: {  	[tilespmem:v3+s15+$0x0] =	vst.idx.msk $0xffff, v2  }
0xda: {  	v3 =	vor.u32 $0x15, v1;
	v2 =	vld [tilespmem:s25+$0xFFFFFA80];
	_ =	sdelay $0x4  }
0xdb: {  	[tilespmem:v3+s15+$0x0] =	vst.idx.msk $0xffff, v2  }
0xdc: {  	v3 =	vor.u32 $0x16, v1;
	v2 =	vld [tilespmem:s25+$0xFFFFFB00];
	_ =	sdelay $0x4  }
0xdd: {  	[tilespmem:v3+s15+$0x0] =	vst.idx.msk $0xffff, v2  }
0xde: {  	v3 =	vor.u32 $0x17, v1;
	v2 =	vld [tilespmem:s25+$0xFFFFFB80];
	_ =	sdelay $0x4  }
0xdf: {  	[tilespmem:v3+s15+$0x0] =	vst.idx.msk $0xffff, v2  }
0xe0: {  	v3 =	vor.u32 $0x18, v1;
	v2 =	vld [tilespmem:s25+$0xFFFFFC00];
	_ =	sdelay $0x4  }
0xe1: {  	[tilespmem:v3+s15+$0x0] =	vst.idx.msk $0xffff, v2  }
0xe2: {  	v3 =	vor.u32 $0x19, v1;
	v2 =	vld [tilespmem:s25+$0xFFFFFC80];
	_ =	sdelay $0x4  }
0xe3: {  	[tilespmem:v3+s15+$0x0] =	vst.idx.msk $0xffff, v2  }
0xe4: {  	v3 =	vor.u32 $0x1A, v1;
	v2 =	vld [tilespmem:s25+$0xFFFFFD00];
	_ =	sdelay $0x4  }
0xe5: {  	[tilespmem:v3+s15+$0x0] =	vst.idx.msk $0xffff, v2  }
0xe6: {  	v3 =	vor.u32 $0x1B, v1;
	v2 =	vld [tilespmem:s25+$0xFFFFFD80];
	_ =	sdelay $0x4  }
0xe7: {  	[tilespmem:v3+s15+$0x0] =	vst.idx.msk $0xffff, v2  }
0xe8: {  	v3 =	vor.u32 $0x1C, v1;
	v2 =	vld [tilespmem:s25+$0xFFFFFE00];
	_ =	sdelay $0x4  }
0xe9: {  	[tilespmem:v3+s15+$0x0] =	vst.idx.msk $0xffff, v2  }
0xea: {  	v3 =	vor.u32 $0x1D, v1;
	v2 =	vld [tilespmem:s25+$0xFFFFFE80];
	_ =	sdelay $0x4  }
0xeb: {  	[tilespmem:v3+s15+$0x0] =	vst.idx.msk $0xffff, v2  }
0xec: {  	v3 =	vor.u32 $0x1E, v1;
	v2 =	vld [tilespmem:s25+$0xFFFFFF00];
	_ =	sdelay $0x4  }
0xed: {  	[tilespmem:v3+s15+$0x0] =	vst.idx.msk $0xffff, v2  }
0xee: {  	v3 =	vor.u32 $0x1F, v1;
	v2 =	vld [tilespmem:s25+$0xFFFFFF80];
	_ =	sdelay $0x4  }
0xef: {  	[tilespmem:v3+s15+$0x0] =	vst.idx.msk $0xffff, v2  }
0xf0: {  	v3 =	vor.u32 $0x20, v1;
	v2 =	vld [tilespmem:s25+$0x0];
	_ =	sdelay $0x4  }
0xf1: {  	[tilespmem:v3+s15+$0x0] =	vst.idx.msk $0xffff, v2  }
0xf2: {  	v3 =	vor.u32 $0x21, v1;
	v2 =	vld [tilespmem:s25+$0x80];
	_ =	sdelay $0x4  }
0xf3: {  	[tilespmem:v3+s15+$0x0] =	vst.idx.msk $0xffff, v2  }
0xf4: {  	v3 =	vor.u32 $0x22, v1;
	v2 =	vld [tilespmem:s25+$0x100];
	_ =	sdelay $0x4  }
0xf5: {  	[tilespmem:v3+s15+$0x0] =	vst.idx.msk $0xffff, v2  }
0xf6: {  	v3 =	vor.u32 $0x23, v1;
	v2 =	vld [tilespmem:s25+$0x180];
	_ =	sdelay $0x4  }
0xf7: {  	[tilespmem:v3+s15+$0x0] =	vst.idx.msk $0xffff, v2  }
0xf8: {  	v3 =	vor.u32 $0x24, v1;
	v2 =	vld [tilespmem:s25+$0x200];
	_ =	sdelay $0x4  }
0xf9: {  	[tilespmem:v3+s15+$0x0] =	vst.idx.msk $0xffff, v2  }
0xfa: {  	v3 =	vor.u32 $0x25, v1;
	v2 =	vld [tilespmem:s25+$0x280];
	_ =	sdelay $0x4  }
0xfb: {  	[tilespmem:v3+s15+$0x0] =	vst.idx.msk $0xffff, v2  }
0xfc: {  	v3 =	vor.u32 $0x26, v1;
	v2 =	vld [tilespmem:s25+$0x300];
	_ =	sdelay $0x4  }
0xfd: {  	[tilespmem:v3+s15+$0x0] =	vst.idx.msk $0xffff, v2  }
0xfe: {  	v3 =	vor.u32 $0x27, v1;
	v2 =	vld [tilespmem:s25+$0x380];
	_ =	sdelay $0x4  }
0xff: {  	[tilespmem:v3+s15+$0x0] =	vst.idx.msk $0xffff, v2  }
0x100: {  	v3 =	vor.u32 $0x28, v1;
	v2 =	vld [tilespmem:s25+$0x400];
	_ =	sdelay $0x4  }
0x101: {  	[tilespmem:v3+s15+$0x0] =	vst.idx.msk $0xffff, v2  }
0x102: {  	v3 =	vor.u32 $0x29, v1;
	v2 =	vld [tilespmem:s25+$0x480];
	_ =	sdelay $0x4  }
0x103: {  	[tilespmem:v3+s15+$0x0] =	vst.idx.msk $0xffff, v2  }
0x104: {  	v3 =	vor.u32 $0x2A, v1;
	v2 =	vld [tilespmem:s25+$0x500];
	_ =	sdelay $0x4  }
0x105: {  	[tilespmem:v3+s15+$0x0] =	vst.idx.msk $0xffff, v2  }
0x106: {  	v3 =	vor.u32 $0x2B, v1;
	v2 =	vld [tilespmem:s25+$0x580];
	_ =	sdelay $0x4  }
0x107: {  	[tilespmem:v3+s15+$0x0] =	vst.idx.msk $0xffff, v2  }
0x108: {  	v3 =	vor.u32 $0x2C, v1;
	v2 =	vld [tilespmem:s25+$0x600];
	_ =	sdelay $0x4  }
0x109: {  	[tilespmem:v3+s15+$0x0] =	vst.idx.msk $0xffff, v2  }
0x10a: {  	v3 =	vor.u32 $0x2D, v1;
	v2 =	vld [tilespmem:s25+$0x680];
	_ =	sdelay $0x4  }
0x10b: {  	[tilespmem:v3+s15+$0x0] =	vst.idx.msk $0xffff, v2  }
0x10c: {  	v3 =	vor.u32 $0x2E, v1;
	v2 =	vld [tilespmem:s25+$0x700];
	_ =	sdelay $0x4  }
0x10d: {  	[tilespmem:v3+s15+$0x0] =	vst.idx.msk $0xffff, v2  }
0x10e: {  	v3 =	vor.u32 $0x2F, v1;
	v2 =	vld [tilespmem:s25+$0x780];
	_ =	sdelay $0x4  }
0x10f: {  	[tilespmem:v3+s15+$0x0] =	vst.idx.msk $0xffff, v2  }
0x110: {  	v3 =	vor.u32 $0x30, v1;
	v2 =	vld [tilespmem:s25+$0x800];
	_ =	sdelay $0x4  }
0x111: {  	[tilespmem:v3+s15+$0x0] =	vst.idx.msk $0xffff, v2  }
0x112: {  	v3 =	vor.u32 $0x31, v1;
	v2 =	vld [tilespmem:s25+$0x880];
	_ =	sdelay $0x4  }
0x113: {  	[tilespmem:v3+s15+$0x0] =	vst.idx.msk $0xffff, v2  }
0x114: {  	v3 =	vor.u32 $0x32, v1;
	v2 =	vld [tilespmem:s25+$0x900];
	_ =	sdelay $0x4  }
0x115: {  	[tilespmem:v3+s15+$0x0] =	vst.idx.msk $0xffff, v2  }
0x116: {  	v3 =	vor.u32 $0x33, v1;
	v2 =	vld [tilespmem:s25+$0x980];
	_ =	sdelay $0x4  }
0x117: {  	[tilespmem:v3+s15+$0x0] =	vst.idx.msk $0xffff, v2  }
0x118: {  	v3 =	vor.u32 $0x34, v1;
	v2 =	vld [tilespmem:s25+$0xA00];
	_ =	sdelay $0x4  }
0x119: {  	[tilespmem:v3+s15+$0x0] =	vst.idx.msk $0xffff, v2  }
0x11a: {  	v3 =	vor.u32 $0x35, v1;
	v2 =	vld [tilespmem:s25+$0xA80];
	_ =	sdelay $0x4  }
0x11b: {  	[tilespmem:v3+s15+$0x0] =	vst.idx.msk $0xffff, v2  }
0x11c: {  	v3 =	vor.u32 $0x36, v1;
	v2 =	vld [tilespmem:s25+$0xB00];
	_ =	sdelay $0x4  }
0x11d: {  	[tilespmem:v3+s15+$0x0] =	vst.idx.msk $0xffff, v2  }
0x11e: {  	v3 =	vor.u32 $0x37, v1;
	v2 =	vld [tilespmem:s25+$0xB80];
	_ =	sdelay $0x4  }
0x11f: {  	[tilespmem:v3+s15+$0x0] =	vst.idx.msk $0xffff, v2  }
0x120: {  	v3 =	vor.u32 $0x38, v1;
	v2 =	vld [tilespmem:s25+$0xC00];
	_ =	sdelay $0x4  }
0x121: {  	[tilespmem:v3+s15+$0x0] =	vst.idx.msk $0xffff, v2  }
0x122: {  	v3 =	vor.u32 $0x39, v1;
	v2 =	vld [tilespmem:s25+$0xC80];
	_ =	sdelay $0x4  }
0x123: {  	[tilespmem:v3+s15+$0x0] =	vst.idx.msk $0xffff, v2  }
0x124: {  	v3 =	vor.u32 $0x3A, v1;
	v2 =	vld [tilespmem:s25+$0xD00];
	_ =	sdelay $0x4  }
0x125: {  	[tilespmem:v3+s15+$0x0] =	vst.idx.msk $0xffff, v2  }
0x126: {  	v3 =	vor.u32 $0x3B, v1;
	v2 =	vld [tilespmem:s25+$0xD80];
	_ =	sdelay $0x4  }
0x127: {  	[tilespmem:v3+s15+$0x0] =	vst.idx.msk $0xffff, v2  }
0x128: {  	v3 =	vor.u32 $0x3C, v1;
	v2 =	vld [tilespmem:s25+$0xE00];
	_ =	sdelay $0x4  }
0x129: {  	[tilespmem:v3+s15+$0x0] =	vst.idx.msk $0xffff, v2  }
0x12a: {  	v3 =	vor.u32 $0x3D, v1;
	v2 =	vld [tilespmem:s25+$0xE80];
	_ =	sdelay $0x4  }
0x12b: {  	[tilespmem:v3+s15+$0x0] =	vst.idx.msk $0xffff, v2  }
0x12c: {  	v3 =	vor.u32 $0x3E, v1;
	v2 =	vld [tilespmem:s25+$0xF00];
	_ =	sdelay $0x4  }
0x12d: {  	[tilespmem:v3+s15+$0x0] =	vst.idx.msk $0xffff, v2  }
.Ltmp5:
0x12e: {  	v1 =	vor.u32 $0x3F, v1;
	v2 =	vld [tilespmem:s25+$0xF80];
	(pc) =	sbr.rel @p3 .LBB2_4-.Ltmp5, $2  }
0x12f: {  	_ =	sdelay $0x2  }
0x130: {  	v3 =	vmov s26;
	s26 =	sadd.s32 $0x10, s26  }
0x131: {  	_ =	sdelay $0x3  }
0x132: {  	v3 =	vshll.u32 v3, $0x7;
	[tilespmem:v1+s15+$0x0] =	vst.idx.msk $0xffff, v2;
	s25 =	sadd.s32 $0x10, s25  }
0x133: {  	v2 =	vld [tilespmem:s25+$0xFFFFF000];
	v1 =	vor.u32 v0, v3;
	_ =	sdelay $0x4  }
0x134: {  	[tilespmem:v1+s15+$0x0] =	vst.idx.msk $0xffff, v2  }
0x135: {  	v3 =	vor.u32 $0x1, v1;
	v2 =	vld [tilespmem:s25+$0xFFFFF080];
	_ =	sdelay $0x4  }
0x136: {  	[tilespmem:v3+s15+$0x0] =	vst.idx.msk $0xffff, v2  }
0x137: {  	v3 =	vor.u32 $0x2, v1;
	v2 =	vld [tilespmem:s25+$0xFFFFF100];
	_ =	sdelay $0x4  }
0x138: {  	[tilespmem:v3+s15+$0x0] =	vst.idx.msk $0xffff, v2  }
0x139: {  	v3 =	vor.u32 $0x3, v1;
	v2 =	vld [tilespmem:s25+$0xFFFFF180];
	_ =	sdelay $0x4  }
0x13a: {  	[tilespmem:v3+s15+$0x0] =	vst.idx.msk $0xffff, v2  }
0x13b: {  	v3 =	vor.u32 $0x4, v1;
	v2 =	vld [tilespmem:s25+$0xFFFFF200];
	_ =	sdelay $0x4  }
0x13c: {  	[tilespmem:v3+s15+$0x0] =	vst.idx.msk $0xffff, v2  }
0x13d: {  	v3 =	vor.u32 $0x5, v1;
	v2 =	vld [tilespmem:s25+$0xFFFFF280];
	_ =	sdelay $0x4  }
0x13e: {  	[tilespmem:v3+s15+$0x0] =	vst.idx.msk $0xffff, v2  }
0x13f: {  	v3 =	vor.u32 $0x6, v1;
	v2 =	vld [tilespmem:s25+$0xFFFFF300];
	_ =	sdelay $0x4  }
0x140: {  	[tilespmem:v3+s15+$0x0] =	vst.idx.msk $0xffff, v2  }
0x141: {  	v3 =	vor.u32 $0x7, v1;
	v2 =	vld [tilespmem:s25+$0xFFFFF380];
	_ =	sdelay $0x4  }
0x142: {  	[tilespmem:v3+s15+$0x0] =	vst.idx.msk $0xffff, v2  }
0x143: {  	v3 =	vor.u32 $0x8, v1;
	v2 =	vld [tilespmem:s25+$0xFFFFF400];
	_ =	sdelay $0x4  }
0x144: {  	[tilespmem:v3+s15+$0x0] =	vst.idx.msk $0xffff, v2  }
0x145: {  	v3 =	vor.u32 $0x9, v1;
	v2 =	vld [tilespmem:s25+$0xFFFFF480];
	_ =	sdelay $0x4  }
0x146: {  	[tilespmem:v3+s15+$0x0] =	vst.idx.msk $0xffff, v2  }
0x147: {  	v3 =	vor.u32 $0xA, v1;
	v2 =	vld [tilespmem:s25+$0xFFFFF500];
	_ =	sdelay $0x4  }
0x148: {  	[tilespmem:v3+s15+$0x0] =	vst.idx.msk $0xffff, v2  }
0x149: {  	v3 =	vor.u32 $0xB, v1;
	v2 =	vld [tilespmem:s25+$0xFFFFF580];
	_ =	sdelay $0x4  }
0x14a: {  	[tilespmem:v3+s15+$0x0] =	vst.idx.msk $0xffff, v2  }
0x14b: {  	v3 =	vor.u32 $0xC, v1;
	v2 =	vld [tilespmem:s25+$0xFFFFF600];
	_ =	sdelay $0x4  }
0x14c: {  	[tilespmem:v3+s15+$0x0] =	vst.idx.msk $0xffff, v2  }
0x14d: {  	v3 =	vor.u32 $0xD, v1;
	v2 =	vld [tilespmem:s25+$0xFFFFF680];
	_ =	sdelay $0x4  }
0x14e: {  	[tilespmem:v3+s15+$0x0] =	vst.idx.msk $0xffff, v2  }
0x14f: {  	v3 =	vor.u32 $0xE, v1;
	v2 =	vld [tilespmem:s25+$0xFFFFF700];
	_ =	sdelay $0x4  }
0x150: {  	[tilespmem:v3+s15+$0x0] =	vst.idx.msk $0xffff, v2  }
0x151: {  	v3 =	vor.u32 $0xF, v1;
	v2 =	vld [tilespmem:s25+$0xFFFFF780];
	_ =	sdelay $0x4  }
0x152: {  	[tilespmem:v3+s15+$0x0] =	vst.idx.msk $0xffff, v2  }
0x153: {  	v3 =	vor.u32 $0x10, v1;
	v2 =	vld [tilespmem:s25+$0xFFFFF800];
	_ =	sdelay $0x4  }
0x154: {  	[tilespmem:v3+s15+$0x0] =	vst.idx.msk $0xffff, v2  }
0x155: {  	v3 =	vor.u32 $0x11, v1;
	v2 =	vld [tilespmem:s25+$0xFFFFF880];
	_ =	sdelay $0x4  }
0x156: {  	[tilespmem:v3+s15+$0x0] =	vst.idx.msk $0xffff, v2  }
0x157: {  	v3 =	vor.u32 $0x12, v1;
	v2 =	vld [tilespmem:s25+$0xFFFFF900];
	_ =	sdelay $0x4  }
0x158: {  	[tilespmem:v3+s15+$0x0] =	vst.idx.msk $0xffff, v2  }
0x159: {  	v3 =	vor.u32 $0x13, v1;
	v2 =	vld [tilespmem:s25+$0xFFFFF980];
	_ =	sdelay $0x4  }
0x15a: {  	[tilespmem:v3+s15+$0x0] =	vst.idx.msk $0xffff, v2  }
0x15b: {  	v3 =	vor.u32 $0x14, v1;
	v2 =	vld [tilespmem:s25+$0xFFFFFA00];
	_ =	sdelay $0x4  }
0x15c: {  	[tilespmem:v3+s15+$0x0] =	vst.idx.msk $0xffff, v2  }
0x15d: {  	v3 =	vor.u32 $0x15, v1;
	v2 =	vld [tilespmem:s25+$0xFFFFFA80];
	_ =	sdelay $0x4  }
0x15e: {  	[tilespmem:v3+s15+$0x0] =	vst.idx.msk $0xffff, v2  }
0x15f: {  	v3 =	vor.u32 $0x16, v1;
	v2 =	vld [tilespmem:s25+$0xFFFFFB00];
	_ =	sdelay $0x4  }
0x160: {  	[tilespmem:v3+s15+$0x0] =	vst.idx.msk $0xffff, v2  }
0x161: {  	v3 =	vor.u32 $0x17, v1;
	v2 =	vld [tilespmem:s25+$0xFFFFFB80];
	_ =	sdelay $0x4  }
0x162: {  	[tilespmem:v3+s15+$0x0] =	vst.idx.msk $0xffff, v2  }
0x163: {  	v3 =	vor.u32 $0x18, v1;
	v2 =	vld [tilespmem:s25+$0xFFFFFC00];
	_ =	sdelay $0x4  }
0x164: {  	[tilespmem:v3+s15+$0x0] =	vst.idx.msk $0xffff, v2  }
0x165: {  	v3 =	vor.u32 $0x19, v1;
	v2 =	vld [tilespmem:s25+$0xFFFFFC80];
	_ =	sdelay $0x4  }
0x166: {  	[tilespmem:v3+s15+$0x0] =	vst.idx.msk $0xffff, v2  }
0x167: {  	v3 =	vor.u32 $0x1A, v1;
	v2 =	vld [tilespmem:s25+$0xFFFFFD00];
	_ =	sdelay $0x4  }
0x168: {  	[tilespmem:v3+s15+$0x0] =	vst.idx.msk $0xffff, v2  }
0x169: {  	v3 =	vor.u32 $0x1B, v1;
	v2 =	vld [tilespmem:s25+$0xFFFFFD80];
	_ =	sdelay $0x4  }
0x16a: {  	[tilespmem:v3+s15+$0x0] =	vst.idx.msk $0xffff, v2  }
0x16b: {  	v3 =	vor.u32 $0x1C, v1;
	v2 =	vld [tilespmem:s25+$0xFFFFFE00];
	_ =	sdelay $0x4  }
0x16c: {  	[tilespmem:v3+s15+$0x0] =	vst.idx.msk $0xffff, v2  }
0x16d: {  	v3 =	vor.u32 $0x1D, v1;
	v2 =	vld [tilespmem:s25+$0xFFFFFE80];
	_ =	sdelay $0x4  }
0x16e: {  	[tilespmem:v3+s15+$0x0] =	vst.idx.msk $0xffff, v2  }
0x16f: {  	v3 =	vor.u32 $0x1E, v1;
	v2 =	vld [tilespmem:s25+$0xFFFFFF00];
	_ =	sdelay $0x4  }
0x170: {  	[tilespmem:v3+s15+$0x0] =	vst.idx.msk $0xffff, v2  }
0x171: {  	v3 =	vor.u32 $0x1F, v1;
	v2 =	vld [tilespmem:s25+$0xFFFFFF80];
	_ =	sdelay $0x4  }
0x172: {  	[tilespmem:v3+s15+$0x0] =	vst.idx.msk $0xffff, v2  }
0x173: {  	v3 =	vor.u32 $0x20, v1;
	v2 =	vld [tilespmem:s25+$0x0];
	_ =	sdelay $0x4  }
0x174: {  	[tilespmem:v3+s15+$0x0] =	vst.idx.msk $0xffff, v2  }
0x175: {  	v3 =	vor.u32 $0x21, v1;
	v2 =	vld [tilespmem:s25+$0x80];
	_ =	sdelay $0x4  }
0x176: {  	[tilespmem:v3+s15+$0x0] =	vst.idx.msk $0xffff, v2  }
0x177: {  	v3 =	vor.u32 $0x22, v1;
	v2 =	vld [tilespmem:s25+$0x100];
	_ =	sdelay $0x4  }
0x178: {  	[tilespmem:v3+s15+$0x0] =	vst.idx.msk $0xffff, v2  }
0x179: {  	v3 =	vor.u32 $0x23, v1;
	v2 =	vld [tilespmem:s25+$0x180];
	_ =	sdelay $0x4  }
0x17a: {  	[tilespmem:v3+s15+$0x0] =	vst.idx.msk $0xffff, v2  }
0x17b: {  	v3 =	vor.u32 $0x24, v1;
	v2 =	vld [tilespmem:s25+$0x200];
	_ =	sdelay $0x4  }
0x17c: {  	[tilespmem:v3+s15+$0x0] =	vst.idx.msk $0xffff, v2  }
0x17d: {  	v3 =	vor.u32 $0x25, v1;
	v2 =	vld [tilespmem:s25+$0x280];
	_ =	sdelay $0x4  }
0x17e: {  	[tilespmem:v3+s15+$0x0] =	vst.idx.msk $0xffff, v2  }
0x17f: {  	v3 =	vor.u32 $0x26, v1;
	v2 =	vld [tilespmem:s25+$0x300];
	_ =	sdelay $0x4  }
0x180: {  	[tilespmem:v3+s15+$0x0] =	vst.idx.msk $0xffff, v2  }
0x181: {  	v3 =	vor.u32 $0x27, v1;
	v2 =	vld [tilespmem:s25+$0x380];
	_ =	sdelay $0x4  }
0x182: {  	[tilespmem:v3+s15+$0x0] =	vst.idx.msk $0xffff, v2  }
0x183: {  	v3 =	vor.u32 $0x28, v1;
	v2 =	vld [tilespmem:s25+$0x400];
	_ =	sdelay $0x4  }
0x184: {  	[tilespmem:v3+s15+$0x0] =	vst.idx.msk $0xffff, v2  }
0x185: {  	v3 =	vor.u32 $0x29, v1;
	v2 =	vld [tilespmem:s25+$0x480];
	_ =	sdelay $0x4  }
0x186: {  	[tilespmem:v3+s15+$0x0] =	vst.idx.msk $0xffff, v2  }
0x187: {  	v3 =	vor.u32 $0x2A, v1;
	v2 =	vld [tilespmem:s25+$0x500];
	_ =	sdelay $0x4  }
0x188: {  	[tilespmem:v3+s15+$0x0] =	vst.idx.msk $0xffff, v2  }
0x189: {  	v3 =	vor.u32 $0x2B, v1;
	v2 =	vld [tilespmem:s25+$0x580];
	_ =	sdelay $0x4  }
0x18a: {  	[tilespmem:v3+s15+$0x0] =	vst.idx.msk $0xffff, v2  }
0x18b: {  	v3 =	vor.u32 $0x2C, v1;
	v2 =	vld [tilespmem:s25+$0x600];
	_ =	sdelay $0x4  }
0x18c: {  	[tilespmem:v3+s15+$0x0] =	vst.idx.msk $0xffff, v2  }
0x18d: {  	v3 =	vor.u32 $0x2D, v1;
	v2 =	vld [tilespmem:s25+$0x680];
	_ =	sdelay $0x4  }
0x18e: {  	[tilespmem:v3+s15+$0x0] =	vst.idx.msk $0xffff, v2  }
0x18f: {  	v3 =	vor.u32 $0x2E, v1;
	v2 =	vld [tilespmem:s25+$0x700];
	_ =	sdelay $0x4  }
0x190: {  	[tilespmem:v3+s15+$0x0] =	vst.idx.msk $0xffff, v2  }
0x191: {  	v3 =	vor.u32 $0x2F, v1;
	v2 =	vld [tilespmem:s25+$0x780];
	_ =	sdelay $0x4  }
0x192: {  	[tilespmem:v3+s15+$0x0] =	vst.idx.msk $0xffff, v2  }
0x193: {  	v3 =	vor.u32 $0x30, v1;
	v2 =	vld [tilespmem:s25+$0x800];
	_ =	sdelay $0x4  }
0x194: {  	[tilespmem:v3+s15+$0x0] =	vst.idx.msk $0xffff, v2  }
0x195: {  	v3 =	vor.u32 $0x31, v1;
	v2 =	vld [tilespmem:s25+$0x880];
	_ =	sdelay $0x4  }
0x196: {  	[tilespmem:v3+s15+$0x0] =	vst.idx.msk $0xffff, v2  }
0x197: {  	v3 =	vor.u32 $0x32, v1;
	v2 =	vld [tilespmem:s25+$0x900];
	_ =	sdelay $0x4  }
0x198: {  	[tilespmem:v3+s15+$0x0] =	vst.idx.msk $0xffff, v2  }
0x199: {  	v3 =	vor.u32 $0x33, v1;
	v2 =	vld [tilespmem:s25+$0x980];
	_ =	sdelay $0x4  }
0x19a: {  	[tilespmem:v3+s15+$0x0] =	vst.idx.msk $0xffff, v2  }
0x19b: {  	v3 =	vor.u32 $0x34, v1;
	v2 =	vld [tilespmem:s25+$0xA00];
	_ =	sdelay $0x4  }
0x19c: {  	[tilespmem:v3+s15+$0x0] =	vst.idx.msk $0xffff, v2  }
0x19d: {  	v3 =	vor.u32 $0x35, v1;
	v2 =	vld [tilespmem:s25+$0xA80];
	_ =	sdelay $0x4  }
0x19e: {  	[tilespmem:v3+s15+$0x0] =	vst.idx.msk $0xffff, v2  }
0x19f: {  	v3 =	vor.u32 $0x36, v1;
	v2 =	vld [tilespmem:s25+$0xB00];
	_ =	sdelay $0x4  }
0x1a0: {  	[tilespmem:v3+s15+$0x0] =	vst.idx.msk $0xffff, v2  }
0x1a1: {  	v3 =	vor.u32 $0x37, v1;
	v2 =	vld [tilespmem:s25+$0xB80];
	_ =	sdelay $0x4  }
0x1a2: {  	[tilespmem:v3+s15+$0x0] =	vst.idx.msk $0xffff, v2  }
0x1a3: {  	v3 =	vor.u32 $0x38, v1;
	v2 =	vld [tilespmem:s25+$0xC00];
	_ =	sdelay $0x4  }
0x1a4: {  	[tilespmem:v3+s15+$0x0] =	vst.idx.msk $0xffff, v2  }
0x1a5: {  	v3 =	vor.u32 $0x39, v1;
	v2 =	vld [tilespmem:s25+$0xC80];
	_ =	sdelay $0x4  }
0x1a6: {  	[tilespmem:v3+s15+$0x0] =	vst.idx.msk $0xffff, v2  }
0x1a7: {  	v3 =	vor.u32 $0x3A, v1;
	v2 =	vld [tilespmem:s25+$0xD00];
	_ =	sdelay $0x4  }
0x1a8: {  	[tilespmem:v3+s15+$0x0] =	vst.idx.msk $0xffff, v2  }
0x1a9: {  	v3 =	vor.u32 $0x3B, v1;
	v2 =	vld [tilespmem:s25+$0xD80];
	_ =	sdelay $0x4  }
0x1aa: {  	[tilespmem:v3+s15+$0x0] =	vst.idx.msk $0xffff, v2  }
0x1ab: {  	v3 =	vor.u32 $0x3C, v1;
	v2 =	vld [tilespmem:s25+$0xE00];
	_ =	sdelay $0x4  }
0x1ac: {  	[tilespmem:v3+s15+$0x0] =	vst.idx.msk $0xffff, v2  }
0x1ad: {  	v3 =	vor.u32 $0x3D, v1;
	v2 =	vld [tilespmem:s25+$0xE80];
	_ =	sdelay $0x4  }
0x1ae: {  	[tilespmem:v3+s15+$0x0] =	vst.idx.msk $0xffff, v2  }
0x1af: {  	v3 =	vor.u32 $0x3E, v1;
	v2 =	vld [tilespmem:s25+$0xF00];
	_ =	sdelay $0x4  }
0x1b0: {  	[tilespmem:v3+s15+$0x0] =	vst.idx.msk $0xffff, v2  }
0x1b1: {  	v1 =	vor.u32 $0x3F, v1;
	v2 =	vld [tilespmem:s25+$0xF80];
	_ =	sdelay $0x1  }
.Ltmp6:
0x1b2: {  	_ = 	snop;
	(pc) =	sbr.rel @p2 .LBB2_9-.Ltmp6, $4  }
0x1b3: {  	_ = 	snop  }
0x1b4: {  	s24 =	sshll.u32 s24, $0xB  }
0x1b5: {  	s24 =	sadd.s32 s5, s24;
	[tilespmem:v1+s15+$0x0] =	vst.idx.msk $0xffff, v2  }
0x1b6: {  	[hbm4b:s24+s4] =	stream.linear.scatter [tilespmem:s15], [sflag:$0x3], $0x4000, $0x38;
	[tilespmem:$0xC000] =	vst v63  }
0x1b7: {  	s23 =	sadd.s32 s9, s23;
	_ =	swait.ge [sflag:s16], $0x2000  }
0x1b8: {  	p2 =	sgt.u32 s23, $0x1E83;
	[sflag:s16] =	ssyncset.done $0x0  }
0x1b9: {  	s23 =	sshll.u32 @!p2 s23, $0x7;
	[sflag:s16] =	ssyncadd.s32 $0xFFFFE000;
	s24 =	simm.s32 @!p2 $0x400  }
0x1ba: {  	s25 =	simm.s32 @!p2 $0x7A1400;
	s26 =	simm.s32 @!p2 $0x0;
	s23 =	sadd.s32 @!p2 s1, s23  }
0x1bb: {  	[tilespmem:s26], [sflag:$0x1] =	stream.strided.gather @!p2 [hbm4b:s23+s24], $0x2000, s25, s24, $0x38;
	[tilespmem:$0xC000] =	vst v63  }
0x1bc: {  	s23 =	simm.s32 @!p1 $0x4  }
0x1bd: {  	s30 =	simm.s32 $0x0;
	_ =	swait.ge @!p1 [sflag:s23], $0x4000  }
0x1be: {  	v1 =	vmov s30;
	[sflag:s23] =	ssyncset.done @!p1 $0x0  }
0x1bf: {  	v1 =	vshll.u32 v1, $0x7;
	[sflag:s23] =	ssyncadd.s32 @!p1 $0xFFFFC000;
	s23 =	simm.s32 $0x3F80  }
0x1c0: {  	v1 =	vor.u32 v0, v1;
	v2 =	vld [tilespmem:s23+$0xFFFFE080];
	_ =	sdelay $0x4  }
0x1c1: {  	[tilespmem:v1+s17+$0x0] =	vst.idx.msk $0xffff, v2  }
0x1c2: {  	v3 =	vor.u32 $0x1, v1;
	v2 =	vld [tilespmem:s23+$0xFFFFE100];
	_ =	sdelay $0x4  }
0x1c3: {  	[tilespmem:v3+s17+$0x0] =	vst.idx.msk $0xffff, v2  }
0x1c4: {  	v3 =	vor.u32 $0x2, v1;
	v2 =	vld [tilespmem:s23+$0xFFFFE180];
	_ =	sdelay $0x4  }
0x1c5: {  	[tilespmem:v3+s17+$0x0] =	vst.idx.msk $0xffff, v2  }
0x1c6: {  	v3 =	vor.u32 $0x3, v1;
	v2 =	vld [tilespmem:s23+$0xFFFFE200];
	_ =	sdelay $0x4  }
0x1c7: {  	[tilespmem:v3+s17+$0x0] =	vst.idx.msk $0xffff, v2  }
0x1c8: {  	v3 =	vor.u32 $0x4, v1;
	v2 =	vld [tilespmem:s23+$0xFFFFE280];
	_ =	sdelay $0x4  }
0x1c9: {  	[tilespmem:v3+s17+$0x0] =	vst.idx.msk $0xffff, v2  }
0x1ca: {  	v3 =	vor.u32 $0x5, v1;
	v2 =	vld [tilespmem:s23+$0xFFFFE300];
	_ =	sdelay $0x4  }
0x1cb: {  	[tilespmem:v3+s17+$0x0] =	vst.idx.msk $0xffff, v2  }
0x1cc: {  	v3 =	vor.u32 $0x6, v1;
	v2 =	vld [tilespmem:s23+$0xFFFFE380];
	_ =	sdelay $0x4  }
0x1cd: {  	[tilespmem:v3+s17+$0x0] =	vst.idx.msk $0xffff, v2  }
0x1ce: {  	v3 =	vor.u32 $0x7, v1;
	v2 =	vld [tilespmem:s23+$0xFFFFE400];
	_ =	sdelay $0x4  }
0x1cf: {  	[tilespmem:v3+s17+$0x0] =	vst.idx.msk $0xffff, v2  }
0x1d0: {  	v3 =	vor.u32 $0x8, v1;
	v2 =	vld [tilespmem:s23+$0xFFFFE480];
	_ =	sdelay $0x4  }
0x1d1: {  	[tilespmem:v3+s17+$0x0] =	vst.idx.msk $0xffff, v2  }
0x1d2: {  	v3 =	vor.u32 $0x9, v1;
	v2 =	vld [tilespmem:s23+$0xFFFFE500];
	_ =	sdelay $0x4  }
0x1d3: {  	[tilespmem:v3+s17+$0x0] =	vst.idx.msk $0xffff, v2  }
0x1d4: {  	v3 =	vor.u32 $0xA, v1;
	v2 =	vld [tilespmem:s23+$0xFFFFE580];
	_ =	sdelay $0x4  }
0x1d5: {  	[tilespmem:v3+s17+$0x0] =	vst.idx.msk $0xffff, v2  }
0x1d6: {  	v3 =	vor.u32 $0xB, v1;
	v2 =	vld [tilespmem:s23+$0xFFFFE600];
	_ =	sdelay $0x4  }
0x1d7: {  	[tilespmem:v3+s17+$0x0] =	vst.idx.msk $0xffff, v2  }
0x1d8: {  	v3 =	vor.u32 $0xC, v1;
	v2 =	vld [tilespmem:s23+$0xFFFFE680];
	_ =	sdelay $0x4  }
0x1d9: {  	[tilespmem:v3+s17+$0x0] =	vst.idx.msk $0xffff, v2  }
0x1da: {  	v3 =	vor.u32 $0xD, v1;
	v2 =	vld [tilespmem:s23+$0xFFFFE700];
	_ =	sdelay $0x4  }
0x1db: {  	[tilespmem:v3+s17+$0x0] =	vst.idx.msk $0xffff, v2  }
0x1dc: {  	v3 =	vor.u32 $0xE, v1;
	v2 =	vld [tilespmem:s23+$0xFFFFE780];
	_ =	sdelay $0x4  }
0x1dd: {  	[tilespmem:v3+s17+$0x0] =	vst.idx.msk $0xffff, v2  }
0x1de: {  	v3 =	vor.u32 $0xF, v1;
	v2 =	vld [tilespmem:s23+$0xFFFFE800];
	_ =	sdelay $0x4  }
0x1df: {  	[tilespmem:v3+s17+$0x0] =	vst.idx.msk $0xffff, v2  }
0x1e0: {  	v3 =	vor.u32 $0x10, v1;
	v2 =	vld [tilespmem:s23+$0xFFFFE880];
	_ =	sdelay $0x4  }
0x1e1: {  	[tilespmem:v3+s17+$0x0] =	vst.idx.msk $0xffff, v2  }
0x1e2: {  	v3 =	vor.u32 $0x11, v1;
	v2 =	vld [tilespmem:s23+$0xFFFFE900];
	_ =	sdelay $0x4  }
0x1e3: {  	[tilespmem:v3+s17+$0x0] =	vst.idx.msk $0xffff, v2  }
0x1e4: {  	v3 =	vor.u32 $0x12, v1;
	v2 =	vld [tilespmem:s23+$0xFFFFE980];
	_ =	sdelay $0x4  }
0x1e5: {  	[tilespmem:v3+s17+$0x0] =	vst.idx.msk $0xffff, v2  }
0x1e6: {  	v3 =	vor.u32 $0x13, v1;
	v2 =	vld [tilespmem:s23+$0xFFFFEA00];
	_ =	sdelay $0x4  }
0x1e7: {  	[tilespmem:v3+s17+$0x0] =	vst.idx.msk $0xffff, v2  }
0x1e8: {  	v3 =	vor.u32 $0x14, v1;
	v2 =	vld [tilespmem:s23+$0xFFFFEA80];
	_ =	sdelay $0x4  }
0x1e9: {  	[tilespmem:v3+s17+$0x0] =	vst.idx.msk $0xffff, v2  }
0x1ea: {  	v3 =	vor.u32 $0x15, v1;
	v2 =	vld [tilespmem:s23+$0xFFFFEB00];
	_ =	sdelay $0x4  }
0x1eb: {  	[tilespmem:v3+s17+$0x0] =	vst.idx.msk $0xffff, v2  }
0x1ec: {  	v3 =	vor.u32 $0x16, v1;
	v2 =	vld [tilespmem:s23+$0xFFFFEB80];
	_ =	sdelay $0x4  }
0x1ed: {  	[tilespmem:v3+s17+$0x0] =	vst.idx.msk $0xffff, v2  }
0x1ee: {  	v3 =	vor.u32 $0x17, v1;
	v2 =	vld [tilespmem:s23+$0xFFFFEC00];
	_ =	sdelay $0x4  }
0x1ef: {  	[tilespmem:v3+s17+$0x0] =	vst.idx.msk $0xffff, v2  }
0x1f0: {  	v3 =	vor.u32 $0x18, v1;
	v2 =	vld [tilespmem:s23+$0xFFFFEC80];
	_ =	sdelay $0x4  }
0x1f1: {  	[tilespmem:v3+s17+$0x0] =	vst.idx.msk $0xffff, v2  }
0x1f2: {  	v3 =	vor.u32 $0x19, v1;
	v2 =	vld [tilespmem:s23+$0xFFFFED00];
	_ =	sdelay $0x4  }
0x1f3: {  	[tilespmem:v3+s17+$0x0] =	vst.idx.msk $0xffff, v2  }
0x1f4: {  	v3 =	vor.u32 $0x1A, v1;
	v2 =	vld [tilespmem:s23+$0xFFFFED80];
	_ =	sdelay $0x4  }
0x1f5: {  	[tilespmem:v3+s17+$0x0] =	vst.idx.msk $0xffff, v2  }
0x1f6: {  	v3 =	vor.u32 $0x1B, v1;
	v2 =	vld [tilespmem:s23+$0xFFFFEE00];
	_ =	sdelay $0x4  }
0x1f7: {  	[tilespmem:v3+s17+$0x0] =	vst.idx.msk $0xffff, v2  }
0x1f8: {  	v3 =	vor.u32 $0x1C, v1;
	v2 =	vld [tilespmem:s23+$0xFFFFEE80];
	_ =	sdelay $0x4  }
0x1f9: {  	[tilespmem:v3+s17+$0x0] =	vst.idx.msk $0xffff, v2  }
0x1fa: {  	v3 =	vor.u32 $0x1D, v1;
	v2 =	vld [tilespmem:s23+$0xFFFFEF00];
	_ =	sdelay $0x4  }
0x1fb: {  	[tilespmem:v3+s17+$0x0] =	vst.idx.msk $0xffff, v2  }
0x1fc: {  	v3 =	vor.u32 $0x1E, v1;
	v2 =	vld [tilespmem:s23+$0xFFFFEF80];
	_ =	sdelay $0x4  }
0x1fd: {  	[tilespmem:v3+s17+$0x0] =	vst.idx.msk $0xffff, v2  }
0x1fe: {  	v3 =	vor.u32 $0x1F, v1;
	v2 =	vld [tilespmem:s23+$0xFFFFF000];
	_ =	sdelay $0x4  }
0x1ff: {  	[tilespmem:v3+s17+$0x0] =	vst.idx.msk $0xffff, v2  }
0x200: {  	v3 =	vor.u32 $0x20, v1;
	v2 =	vld [tilespmem:s23+$0xFFFFF080];
	_ =	sdelay $0x4  }
0x201: {  	[tilespmem:v3+s17+$0x0] =	vst.idx.msk $0xffff, v2  }
0x202: {  	v3 =	vor.u32 $0x21, v1;
	v2 =	vld [tilespmem:s23+$0xFFFFF100];
	_ =	sdelay $0x4  }
0x203: {  	[tilespmem:v3+s17+$0x0] =	vst.idx.msk $0xffff, v2  }
0x204: {  	v3 =	vor.u32 $0x22, v1;
	v2 =	vld [tilespmem:s23+$0xFFFFF180];
	_ =	sdelay $0x4  }
0x205: {  	[tilespmem:v3+s17+$0x0] =	vst.idx.msk $0xffff, v2  }
0x206: {  	v3 =	vor.u32 $0x23, v1;
	v2 =	vld [tilespmem:s23+$0xFFFFF200];
	_ =	sdelay $0x4  }
0x207: {  	[tilespmem:v3+s17+$0x0] =	vst.idx.msk $0xffff, v2  }
0x208: {  	v3 =	vor.u32 $0x24, v1;
	v2 =	vld [tilespmem:s23+$0xFFFFF280];
	_ =	sdelay $0x4  }
0x209: {  	[tilespmem:v3+s17+$0x0] =	vst.idx.msk $0xffff, v2  }
0x20a: {  	v3 =	vor.u32 $0x25, v1;
	v2 =	vld [tilespmem:s23+$0xFFFFF300];
	_ =	sdelay $0x4  }
0x20b: {  	[tilespmem:v3+s17+$0x0] =	vst.idx.msk $0xffff, v2  }
0x20c: {  	v3 =	vor.u32 $0x26, v1;
	v2 =	vld [tilespmem:s23+$0xFFFFF380];
	_ =	sdelay $0x4  }
0x20d: {  	[tilespmem:v3+s17+$0x0] =	vst.idx.msk $0xffff, v2  }
0x20e: {  	v3 =	vor.u32 $0x27, v1;
	v2 =	vld [tilespmem:s23+$0xFFFFF400];
	_ =	sdelay $0x4  }
0x20f: {  	[tilespmem:v3+s17+$0x0] =	vst.idx.msk $0xffff, v2  }
0x210: {  	v3 =	vor.u32 $0x28, v1;
	v2 =	vld [tilespmem:s23+$0xFFFFF480];
	_ =	sdelay $0x4  }
0x211: {  	[tilespmem:v3+s17+$0x0] =	vst.idx.msk $0xffff, v2  }
0x212: {  	v3 =	vor.u32 $0x29, v1;
	v2 =	vld [tilespmem:s23+$0xFFFFF500];
	_ =	sdelay $0x4  }
0x213: {  	[tilespmem:v3+s17+$0x0] =	vst.idx.msk $0xffff, v2  }
0x214: {  	v3 =	vor.u32 $0x2A, v1;
	v2 =	vld [tilespmem:s23+$0xFFFFF580];
	_ =	sdelay $0x4  }
0x215: {  	[tilespmem:v3+s17+$0x0] =	vst.idx.msk $0xffff, v2  }
0x216: {  	v3 =	vor.u32 $0x2B, v1;
	v2 =	vld [tilespmem:s23+$0xFFFFF600];
	_ =	sdelay $0x4  }
0x217: {  	[tilespmem:v3+s17+$0x0] =	vst.idx.msk $0xffff, v2  }
0x218: {  	v3 =	vor.u32 $0x2C, v1;
	v2 =	vld [tilespmem:s23+$0xFFFFF680];
	_ =	sdelay $0x4  }
0x219: {  	[tilespmem:v3+s17+$0x0] =	vst.idx.msk $0xffff, v2  }
0x21a: {  	v3 =	vor.u32 $0x2D, v1;
	v2 =	vld [tilespmem:s23+$0xFFFFF700];
	_ =	sdelay $0x4  }
0x21b: {  	[tilespmem:v3+s17+$0x0] =	vst.idx.msk $0xffff, v2  }
0x21c: {  	v3 =	vor.u32 $0x2E, v1;
	v2 =	vld [tilespmem:s23+$0xFFFFF780];
	_ =	sdelay $0x4  }
0x21d: {  	[tilespmem:v3+s17+$0x0] =	vst.idx.msk $0xffff, v2  }
0x21e: {  	v3 =	vor.u32 $0x2F, v1;
	v2 =	vld [tilespmem:s23+$0xFFFFF800];
	_ =	sdelay $0x4  }
0x21f: {  	[tilespmem:v3+s17+$0x0] =	vst.idx.msk $0xffff, v2  }
0x220: {  	v3 =	vor.u32 $0x30, v1;
	v2 =	vld [tilespmem:s23+$0xFFFFF880];
	_ =	sdelay $0x4  }
0x221: {  	[tilespmem:v3+s17+$0x0] =	vst.idx.msk $0xffff, v2  }
0x222: {  	v3 =	vor.u32 $0x31, v1;
	v2 =	vld [tilespmem:s23+$0xFFFFF900];
	_ =	sdelay $0x4  }
0x223: {  	[tilespmem:v3+s17+$0x0] =	vst.idx.msk $0xffff, v2  }
0x224: {  	v3 =	vor.u32 $0x32, v1;
	v2 =	vld [tilespmem:s23+$0xFFFFF980];
	_ =	sdelay $0x4  }
0x225: {  	[tilespmem:v3+s17+$0x0] =	vst.idx.msk $0xffff, v2  }
0x226: {  	v3 =	vor.u32 $0x33, v1;
	v2 =	vld [tilespmem:s23+$0xFFFFFA00];
	_ =	sdelay $0x4  }
0x227: {  	[tilespmem:v3+s17+$0x0] =	vst.idx.msk $0xffff, v2  }
0x228: {  	v3 =	vor.u32 $0x34, v1;
	v2 =	vld [tilespmem:s23+$0xFFFFFA80];
	_ =	sdelay $0x4  }
0x229: {  	[tilespmem:v3+s17+$0x0] =	vst.idx.msk $0xffff, v2  }
0x22a: {  	v3 =	vor.u32 $0x35, v1;
	v2 =	vld [tilespmem:s23+$0xFFFFFB00];
	_ =	sdelay $0x4  }
0x22b: {  	[tilespmem:v3+s17+$0x0] =	vst.idx.msk $0xffff, v2  }
0x22c: {  	v3 =	vor.u32 $0x36, v1;
	v2 =	vld [tilespmem:s23+$0xFFFFFB80];
	_ =	sdelay $0x4  }
0x22d: {  	[tilespmem:v3+s17+$0x0] =	vst.idx.msk $0xffff, v2  }
0x22e: {  	v3 =	vor.u32 $0x37, v1;
	v2 =	vld [tilespmem:s23+$0xFFFFFC00];
	_ =	sdelay $0x4  }
0x22f: {  	[tilespmem:v3+s17+$0x0] =	vst.idx.msk $0xffff, v2  }
0x230: {  	v3 =	vor.u32 $0x38, v1;
	v2 =	vld [tilespmem:s23+$0xFFFFFC80];
	_ =	sdelay $0x4  }
0x231: {  	[tilespmem:v3+s17+$0x0] =	vst.idx.msk $0xffff, v2  }
0x232: {  	v3 =	vor.u32 $0x39, v1;
	v2 =	vld [tilespmem:s23+$0xFFFFFD00];
	_ =	sdelay $0x4  }
0x233: {  	[tilespmem:v3+s17+$0x0] =	vst.idx.msk $0xffff, v2  }
0x234: {  	v3 =	vor.u32 $0x3A, v1;
	v2 =	vld [tilespmem:s23+$0xFFFFFD80];
	_ =	sdelay $0x4  }
0x235: {  	[tilespmem:v3+s17+$0x0] =	vst.idx.msk $0xffff, v2  }
0x236: {  	v3 =	vor.u32 $0x3B, v1;
	v2 =	vld [tilespmem:s23+$0xFFFFFE00];
	_ =	sdelay $0x4  }
0x237: {  	[tilespmem:v3+s17+$0x0] =	vst.idx.msk $0xffff, v2  }
0x238: {  	v3 =	vor.u32 $0x3C, v1;
	v2 =	vld [tilespmem:s23+$0xFFFFFE80];
	_ =	sdelay $0x4  }
0x239: {  	[tilespmem:v3+s17+$0x0] =	vst.idx.msk $0xffff, v2  }
0x23a: {  	v3 =	vor.u32 $0x3D, v1;
	v2 =	vld [tilespmem:s23+$0xFFFFFF00];
	_ =	sdelay $0x4  }
0x23b: {  	[tilespmem:v3+s17+$0x0] =	vst.idx.msk $0xffff, v2  }
0x23c: {  	v3 =	vor.u32 $0x3E, v1;
	v2 =	vld [tilespmem:s23+$0xFFFFFF80];
	_ =	sdelay $0x4  }
0x23d: {  	[tilespmem:v3+s17+$0x0] =	vst.idx.msk $0xffff, v2  }
0x23e: {  	v1 =	vor.u32 $0x3F, v1;
	v2 =	vld [tilespmem:s23+$0x0];
	_ =	sdelay $0x2  }
0x23f: {  	s31 =	simm.s32 $0x10  }
0x240: {  	s24 =	simm.s32 $0x20;
	v3 =	vmov s31  }
.LBB2_7:
0x241: {  	p1 =	sne.s32 s24, $0x70;
	v3 =	vshll.u32 v3, $0x7;
	[tilespmem:v1+s17+$0x0] =	vst.idx.msk $0xffff, v2;
	s23 =	sadd.s32 $0x10, s23  }
0x242: {  	v2 =	vld [tilespmem:s23+$0xFFFFE080];
	v1 =	vor.u32 v0, v3;
	_ =	sdelay $0x4  }
0x243: {  	[tilespmem:v1+s17+$0x0] =	vst.idx.msk $0xffff, v2  }
0x244: {  	v3 =	vor.u32 $0x1, v1;
	v2 =	vld [tilespmem:s23+$0xFFFFE100];
	_ =	sdelay $0x4  }
0x245: {  	[tilespmem:v3+s17+$0x0] =	vst.idx.msk $0xffff, v2  }
0x246: {  	v3 =	vor.u32 $0x2, v1;
	v2 =	vld [tilespmem:s23+$0xFFFFE180];
	_ =	sdelay $0x4  }
0x247: {  	[tilespmem:v3+s17+$0x0] =	vst.idx.msk $0xffff, v2  }
0x248: {  	v3 =	vor.u32 $0x3, v1;
	v2 =	vld [tilespmem:s23+$0xFFFFE200];
	_ =	sdelay $0x4  }
0x249: {  	[tilespmem:v3+s17+$0x0] =	vst.idx.msk $0xffff, v2  }
0x24a: {  	v3 =	vor.u32 $0x4, v1;
	v2 =	vld [tilespmem:s23+$0xFFFFE280];
	_ =	sdelay $0x4  }
0x24b: {  	[tilespmem:v3+s17+$0x0] =	vst.idx.msk $0xffff, v2  }
0x24c: {  	v3 =	vor.u32 $0x5, v1;
	v2 =	vld [tilespmem:s23+$0xFFFFE300];
	_ =	sdelay $0x4  }
0x24d: {  	[tilespmem:v3+s17+$0x0] =	vst.idx.msk $0xffff, v2  }
0x24e: {  	v3 =	vor.u32 $0x6, v1;
	v2 =	vld [tilespmem:s23+$0xFFFFE380];
	_ =	sdelay $0x4  }
0x24f: {  	[tilespmem:v3+s17+$0x0] =	vst.idx.msk $0xffff, v2  }
0x250: {  	v3 =	vor.u32 $0x7, v1;
	v2 =	vld [tilespmem:s23+$0xFFFFE400];
	_ =	sdelay $0x4  }
0x251: {  	[tilespmem:v3+s17+$0x0] =	vst.idx.msk $0xffff, v2  }
0x252: {  	v3 =	vor.u32 $0x8, v1;
	v2 =	vld [tilespmem:s23+$0xFFFFE480];
	_ =	sdelay $0x4  }
0x253: {  	[tilespmem:v3+s17+$0x0] =	vst.idx.msk $0xffff, v2  }
0x254: {  	v3 =	vor.u32 $0x9, v1;
	v2 =	vld [tilespmem:s23+$0xFFFFE500];
	_ =	sdelay $0x4  }
0x255: {  	[tilespmem:v3+s17+$0x0] =	vst.idx.msk $0xffff, v2  }
0x256: {  	v3 =	vor.u32 $0xA, v1;
	v2 =	vld [tilespmem:s23+$0xFFFFE580];
	_ =	sdelay $0x4  }
0x257: {  	[tilespmem:v3+s17+$0x0] =	vst.idx.msk $0xffff, v2  }
0x258: {  	v3 =	vor.u32 $0xB, v1;
	v2 =	vld [tilespmem:s23+$0xFFFFE600];
	_ =	sdelay $0x4  }
0x259: {  	[tilespmem:v3+s17+$0x0] =	vst.idx.msk $0xffff, v2  }
0x25a: {  	v3 =	vor.u32 $0xC, v1;
	v2 =	vld [tilespmem:s23+$0xFFFFE680];
	_ =	sdelay $0x4  }
0x25b: {  	[tilespmem:v3+s17+$0x0] =	vst.idx.msk $0xffff, v2  }
0x25c: {  	v3 =	vor.u32 $0xD, v1;
	v2 =	vld [tilespmem:s23+$0xFFFFE700];
	_ =	sdelay $0x4  }
0x25d: {  	[tilespmem:v3+s17+$0x0] =	vst.idx.msk $0xffff, v2  }
0x25e: {  	v3 =	vor.u32 $0xE, v1;
	v2 =	vld [tilespmem:s23+$0xFFFFE780];
	_ =	sdelay $0x4  }
0x25f: {  	[tilespmem:v3+s17+$0x0] =	vst.idx.msk $0xffff, v2  }
0x260: {  	v3 =	vor.u32 $0xF, v1;
	v2 =	vld [tilespmem:s23+$0xFFFFE800];
	_ =	sdelay $0x4  }
0x261: {  	[tilespmem:v3+s17+$0x0] =	vst.idx.msk $0xffff, v2  }
0x262: {  	v3 =	vor.u32 $0x10, v1;
	v2 =	vld [tilespmem:s23+$0xFFFFE880];
	_ =	sdelay $0x4  }
0x263: {  	[tilespmem:v3+s17+$0x0] =	vst.idx.msk $0xffff, v2  }
0x264: {  	v3 =	vor.u32 $0x11, v1;
	v2 =	vld [tilespmem:s23+$0xFFFFE900];
	_ =	sdelay $0x4  }
0x265: {  	[tilespmem:v3+s17+$0x0] =	vst.idx.msk $0xffff, v2  }
0x266: {  	v3 =	vor.u32 $0x12, v1;
	v2 =	vld [tilespmem:s23+$0xFFFFE980];
	_ =	sdelay $0x4  }
0x267: {  	[tilespmem:v3+s17+$0x0] =	vst.idx.msk $0xffff, v2  }
0x268: {  	v3 =	vor.u32 $0x13, v1;
	v2 =	vld [tilespmem:s23+$0xFFFFEA00];
	_ =	sdelay $0x4  }
0x269: {  	[tilespmem:v3+s17+$0x0] =	vst.idx.msk $0xffff, v2  }
0x26a: {  	v3 =	vor.u32 $0x14, v1;
	v2 =	vld [tilespmem:s23+$0xFFFFEA80];
	_ =	sdelay $0x4  }
0x26b: {  	[tilespmem:v3+s17+$0x0] =	vst.idx.msk $0xffff, v2  }
0x26c: {  	v3 =	vor.u32 $0x15, v1;
	v2 =	vld [tilespmem:s23+$0xFFFFEB00];
	_ =	sdelay $0x4  }
0x26d: {  	[tilespmem:v3+s17+$0x0] =	vst.idx.msk $0xffff, v2  }
0x26e: {  	v3 =	vor.u32 $0x16, v1;
	v2 =	vld [tilespmem:s23+$0xFFFFEB80];
	_ =	sdelay $0x4  }
0x26f: {  	[tilespmem:v3+s17+$0x0] =	vst.idx.msk $0xffff, v2  }
0x270: {  	v3 =	vor.u32 $0x17, v1;
	v2 =	vld [tilespmem:s23+$0xFFFFEC00];
	_ =	sdelay $0x4  }
0x271: {  	[tilespmem:v3+s17+$0x0] =	vst.idx.msk $0xffff, v2  }
0x272: {  	v3 =	vor.u32 $0x18, v1;
	v2 =	vld [tilespmem:s23+$0xFFFFEC80];
	_ =	sdelay $0x4  }
0x273: {  	[tilespmem:v3+s17+$0x0] =	vst.idx.msk $0xffff, v2  }
0x274: {  	v3 =	vor.u32 $0x19, v1;
	v2 =	vld [tilespmem:s23+$0xFFFFED00];
	_ =	sdelay $0x4  }
0x275: {  	[tilespmem:v3+s17+$0x0] =	vst.idx.msk $0xffff, v2  }
0x276: {  	v3 =	vor.u32 $0x1A, v1;
	v2 =	vld [tilespmem:s23+$0xFFFFED80];
	_ =	sdelay $0x4  }
0x277: {  	[tilespmem:v3+s17+$0x0] =	vst.idx.msk $0xffff, v2  }
0x278: {  	v3 =	vor.u32 $0x1B, v1;
	v2 =	vld [tilespmem:s23+$0xFFFFEE00];
	_ =	sdelay $0x4  }
0x279: {  	[tilespmem:v3+s17+$0x0] =	vst.idx.msk $0xffff, v2  }
0x27a: {  	v3 =	vor.u32 $0x1C, v1;
	v2 =	vld [tilespmem:s23+$0xFFFFEE80];
	_ =	sdelay $0x4  }
0x27b: {  	[tilespmem:v3+s17+$0x0] =	vst.idx.msk $0xffff, v2  }
0x27c: {  	v3 =	vor.u32 $0x1D, v1;
	v2 =	vld [tilespmem:s23+$0xFFFFEF00];
	_ =	sdelay $0x4  }
0x27d: {  	[tilespmem:v3+s17+$0x0] =	vst.idx.msk $0xffff, v2  }
0x27e: {  	v3 =	vor.u32 $0x1E, v1;
	v2 =	vld [tilespmem:s23+$0xFFFFEF80];
	_ =	sdelay $0x4  }
0x27f: {  	[tilespmem:v3+s17+$0x0] =	vst.idx.msk $0xffff, v2  }
0x280: {  	v3 =	vor.u32 $0x1F, v1;
	v2 =	vld [tilespmem:s23+$0xFFFFF000];
	_ =	sdelay $0x4  }
0x281: {  	[tilespmem:v3+s17+$0x0] =	vst.idx.msk $0xffff, v2  }
0x282: {  	v3 =	vor.u32 $0x20, v1;
	v2 =	vld [tilespmem:s23+$0xFFFFF080];
	_ =	sdelay $0x4  }
0x283: {  	[tilespmem:v3+s17+$0x0] =	vst.idx.msk $0xffff, v2  }
0x284: {  	v3 =	vor.u32 $0x21, v1;
	v2 =	vld [tilespmem:s23+$0xFFFFF100];
	_ =	sdelay $0x4  }
0x285: {  	[tilespmem:v3+s17+$0x0] =	vst.idx.msk $0xffff, v2  }
0x286: {  	v3 =	vor.u32 $0x22, v1;
	v2 =	vld [tilespmem:s23+$0xFFFFF180];
	_ =	sdelay $0x4  }
0x287: {  	[tilespmem:v3+s17+$0x0] =	vst.idx.msk $0xffff, v2  }
0x288: {  	v3 =	vor.u32 $0x23, v1;
	v2 =	vld [tilespmem:s23+$0xFFFFF200];
	_ =	sdelay $0x4  }
0x289: {  	[tilespmem:v3+s17+$0x0] =	vst.idx.msk $0xffff, v2  }
0x28a: {  	v3 =	vor.u32 $0x24, v1;
	v2 =	vld [tilespmem:s23+$0xFFFFF280];
	_ =	sdelay $0x4  }
0x28b: {  	[tilespmem:v3+s17+$0x0] =	vst.idx.msk $0xffff, v2  }
0x28c: {  	v3 =	vor.u32 $0x25, v1;
	v2 =	vld [tilespmem:s23+$0xFFFFF300];
	_ =	sdelay $0x4  }
0x28d: {  	[tilespmem:v3+s17+$0x0] =	vst.idx.msk $0xffff, v2  }
0x28e: {  	v3 =	vor.u32 $0x26, v1;
	v2 =	vld [tilespmem:s23+$0xFFFFF380];
	_ =	sdelay $0x4  }
0x28f: {  	[tilespmem:v3+s17+$0x0] =	vst.idx.msk $0xffff, v2  }
0x290: {  	v3 =	vor.u32 $0x27, v1;
	v2 =	vld [tilespmem:s23+$0xFFFFF400];
	_ =	sdelay $0x4  }
0x291: {  	[tilespmem:v3+s17+$0x0] =	vst.idx.msk $0xffff, v2  }
0x292: {  	v3 =	vor.u32 $0x28, v1;
	v2 =	vld [tilespmem:s23+$0xFFFFF480];
	_ =	sdelay $0x4  }
0x293: {  	[tilespmem:v3+s17+$0x0] =	vst.idx.msk $0xffff, v2  }
0x294: {  	v3 =	vor.u32 $0x29, v1;
	v2 =	vld [tilespmem:s23+$0xFFFFF500];
	_ =	sdelay $0x4  }
0x295: {  	[tilespmem:v3+s17+$0x0] =	vst.idx.msk $0xffff, v2  }
0x296: {  	v3 =	vor.u32 $0x2A, v1;
	v2 =	vld [tilespmem:s23+$0xFFFFF580];
	_ =	sdelay $0x4  }
0x297: {  	[tilespmem:v3+s17+$0x0] =	vst.idx.msk $0xffff, v2  }
0x298: {  	v3 =	vor.u32 $0x2B, v1;
	v2 =	vld [tilespmem:s23+$0xFFFFF600];
	_ =	sdelay $0x4  }
0x299: {  	[tilespmem:v3+s17+$0x0] =	vst.idx.msk $0xffff, v2  }
0x29a: {  	v3 =	vor.u32 $0x2C, v1;
	v2 =	vld [tilespmem:s23+$0xFFFFF680];
	_ =	sdelay $0x4  }
0x29b: {  	[tilespmem:v3+s17+$0x0] =	vst.idx.msk $0xffff, v2  }
0x29c: {  	v3 =	vor.u32 $0x2D, v1;
	v2 =	vld [tilespmem:s23+$0xFFFFF700];
	_ =	sdelay $0x4  }
0x29d: {  	[tilespmem:v3+s17+$0x0] =	vst.idx.msk $0xffff, v2  }
0x29e: {  	v3 =	vor.u32 $0x2E, v1;
	v2 =	vld [tilespmem:s23+$0xFFFFF780];
	_ =	sdelay $0x4  }
0x29f: {  	[tilespmem:v3+s17+$0x0] =	vst.idx.msk $0xffff, v2  }
0x2a0: {  	v3 =	vor.u32 $0x2F, v1;
	v2 =	vld [tilespmem:s23+$0xFFFFF800];
	_ =	sdelay $0x4  }
0x2a1: {  	[tilespmem:v3+s17+$0x0] =	vst.idx.msk $0xffff, v2  }
0x2a2: {  	v3 =	vor.u32 $0x30, v1;
	v2 =	vld [tilespmem:s23+$0xFFFFF880];
	_ =	sdelay $0x4  }
0x2a3: {  	[tilespmem:v3+s17+$0x0] =	vst.idx.msk $0xffff, v2  }
0x2a4: {  	v3 =	vor.u32 $0x31, v1;
	v2 =	vld [tilespmem:s23+$0xFFFFF900];
	_ =	sdelay $0x4  }
0x2a5: {  	[tilespmem:v3+s17+$0x0] =	vst.idx.msk $0xffff, v2  }
0x2a6: {  	v3 =	vor.u32 $0x32, v1;
	v2 =	vld [tilespmem:s23+$0xFFFFF980];
	_ =	sdelay $0x4  }
0x2a7: {  	[tilespmem:v3+s17+$0x0] =	vst.idx.msk $0xffff, v2  }
0x2a8: {  	v3 =	vor.u32 $0x33, v1;
	v2 =	vld [tilespmem:s23+$0xFFFFFA00];
	_ =	sdelay $0x4  }
0x2a9: {  	[tilespmem:v3+s17+$0x0] =	vst.idx.msk $0xffff, v2  }
0x2aa: {  	v3 =	vor.u32 $0x34, v1;
	v2 =	vld [tilespmem:s23+$0xFFFFFA80];
	_ =	sdelay $0x4  }
0x2ab: {  	[tilespmem:v3+s17+$0x0] =	vst.idx.msk $0xffff, v2  }
0x2ac: {  	v3 =	vor.u32 $0x35, v1;
	v2 =	vld [tilespmem:s23+$0xFFFFFB00];
	_ =	sdelay $0x4  }
0x2ad: {  	[tilespmem:v3+s17+$0x0] =	vst.idx.msk $0xffff, v2  }
0x2ae: {  	v3 =	vor.u32 $0x36, v1;
	v2 =	vld [tilespmem:s23+$0xFFFFFB80];
	_ =	sdelay $0x4  }
0x2af: {  	[tilespmem:v3+s17+$0x0] =	vst.idx.msk $0xffff, v2  }
0x2b0: {  	v3 =	vor.u32 $0x37, v1;
	v2 =	vld [tilespmem:s23+$0xFFFFFC00];
	_ =	sdelay $0x4  }
0x2b1: {  	[tilespmem:v3+s17+$0x0] =	vst.idx.msk $0xffff, v2  }
0x2b2: {  	v3 =	vor.u32 $0x38, v1;
	v2 =	vld [tilespmem:s23+$0xFFFFFC80];
	_ =	sdelay $0x4  }
0x2b3: {  	[tilespmem:v3+s17+$0x0] =	vst.idx.msk $0xffff, v2  }
0x2b4: {  	v3 =	vor.u32 $0x39, v1;
	v2 =	vld [tilespmem:s23+$0xFFFFFD00];
	_ =	sdelay $0x4  }
0x2b5: {  	[tilespmem:v3+s17+$0x0] =	vst.idx.msk $0xffff, v2  }
0x2b6: {  	v3 =	vor.u32 $0x3A, v1;
	v2 =	vld [tilespmem:s23+$0xFFFFFD80];
	_ =	sdelay $0x4  }
0x2b7: {  	[tilespmem:v3+s17+$0x0] =	vst.idx.msk $0xffff, v2  }
0x2b8: {  	v3 =	vor.u32 $0x3B, v1;
	v2 =	vld [tilespmem:s23+$0xFFFFFE00];
	_ =	sdelay $0x4  }
0x2b9: {  	[tilespmem:v3+s17+$0x0] =	vst.idx.msk $0xffff, v2  }
0x2ba: {  	v3 =	vor.u32 $0x3C, v1;
	v2 =	vld [tilespmem:s23+$0xFFFFFE80];
	_ =	sdelay $0x4  }
0x2bb: {  	[tilespmem:v3+s17+$0x0] =	vst.idx.msk $0xffff, v2  }
0x2bc: {  	v3 =	vor.u32 $0x3D, v1;
	v2 =	vld [tilespmem:s23+$0xFFFFFF00];
	_ =	sdelay $0x4  }
0x2bd: {  	[tilespmem:v3+s17+$0x0] =	vst.idx.msk $0xffff, v2  }
0x2be: {  	v3 =	vor.u32 $0x3E, v1;
	v2 =	vld [tilespmem:s23+$0xFFFFFF80];
	_ =	sdelay $0x4  }
0x2bf: {  	[tilespmem:v3+s17+$0x0] =	vst.idx.msk $0xffff, v2  }
.Ltmp7:
0x2c0: {  	v1 =	vor.u32 $0x3F, v1;
	v2 =	vld [tilespmem:s23+$0x0];
	(pc) =	sbr.rel @p1 .LBB2_7-.Ltmp7, $2  }
0x2c1: {  	_ =	sdelay $0x2  }
0x2c2: {  	v3 =	vmov s24;
	s24 =	sadd.s32 $0x10, s24  }
0x2c3: {  	_ =	sdelay $0x3  }
0x2c4: {  	v3 =	vshll.u32 v3, $0x7;
	[tilespmem:v1+s17+$0x0] =	vst.idx.msk $0xffff, v2;
	s23 =	sadd.s32 $0x10, s23  }
0x2c5: {  	v2 =	vld [tilespmem:s23+$0xFFFFE080];
	v1 =	vor.u32 v0, v3;
	_ =	sdelay $0x4  }
0x2c6: {  	[tilespmem:v1+s17+$0x0] =	vst.idx.msk $0xffff, v2  }
0x2c7: {  	v3 =	vor.u32 $0x1, v1;
	v2 =	vld [tilespmem:s23+$0xFFFFE100];
	_ =	sdelay $0x4  }
0x2c8: {  	[tilespmem:v3+s17+$0x0] =	vst.idx.msk $0xffff, v2  }
0x2c9: {  	v3 =	vor.u32 $0x2, v1;
	v2 =	vld [tilespmem:s23+$0xFFFFE180];
	_ =	sdelay $0x4  }
0x2ca: {  	[tilespmem:v3+s17+$0x0] =	vst.idx.msk $0xffff, v2  }
0x2cb: {  	v3 =	vor.u32 $0x3, v1;
	v2 =	vld [tilespmem:s23+$0xFFFFE200];
	_ =	sdelay $0x4  }
0x2cc: {  	[tilespmem:v3+s17+$0x0] =	vst.idx.msk $0xffff, v2  }
0x2cd: {  	v3 =	vor.u32 $0x4, v1;
	v2 =	vld [tilespmem:s23+$0xFFFFE280];
	_ =	sdelay $0x4  }
0x2ce: {  	[tilespmem:v3+s17+$0x0] =	vst.idx.msk $0xffff, v2  }
0x2cf: {  	v3 =	vor.u32 $0x5, v1;
	v2 =	vld [tilespmem:s23+$0xFFFFE300];
	_ =	sdelay $0x4  }
0x2d0: {  	[tilespmem:v3+s17+$0x0] =	vst.idx.msk $0xffff, v2  }
0x2d1: {  	v3 =	vor.u32 $0x6, v1;
	v2 =	vld [tilespmem:s23+$0xFFFFE380];
	_ =	sdelay $0x4  }
0x2d2: {  	[tilespmem:v3+s17+$0x0] =	vst.idx.msk $0xffff, v2  }
0x2d3: {  	v3 =	vor.u32 $0x7, v1;
	v2 =	vld [tilespmem:s23+$0xFFFFE400];
	_ =	sdelay $0x4  }
0x2d4: {  	[tilespmem:v3+s17+$0x0] =	vst.idx.msk $0xffff, v2  }
0x2d5: {  	v3 =	vor.u32 $0x8, v1;
	v2 =	vld [tilespmem:s23+$0xFFFFE480];
	_ =	sdelay $0x4  }
0x2d6: {  	[tilespmem:v3+s17+$0x0] =	vst.idx.msk $0xffff, v2  }
0x2d7: {  	v3 =	vor.u32 $0x9, v1;
	v2 =	vld [tilespmem:s23+$0xFFFFE500];
	_ =	sdelay $0x4  }
0x2d8: {  	[tilespmem:v3+s17+$0x0] =	vst.idx.msk $0xffff, v2  }
0x2d9: {  	v3 =	vor.u32 $0xA, v1;
	v2 =	vld [tilespmem:s23+$0xFFFFE580];
	_ =	sdelay $0x4  }
0x2da: {  	[tilespmem:v3+s17+$0x0] =	vst.idx.msk $0xffff, v2  }
0x2db: {  	v3 =	vor.u32 $0xB, v1;
	v2 =	vld [tilespmem:s23+$0xFFFFE600];
	_ =	sdelay $0x4  }
0x2dc: {  	[tilespmem:v3+s17+$0x0] =	vst.idx.msk $0xffff, v2  }
0x2dd: {  	v3 =	vor.u32 $0xC, v1;
	v2 =	vld [tilespmem:s23+$0xFFFFE680];
	_ =	sdelay $0x4  }
0x2de: {  	[tilespmem:v3+s17+$0x0] =	vst.idx.msk $0xffff, v2  }
0x2df: {  	v3 =	vor.u32 $0xD, v1;
	v2 =	vld [tilespmem:s23+$0xFFFFE700];
	_ =	sdelay $0x4  }
0x2e0: {  	[tilespmem:v3+s17+$0x0] =	vst.idx.msk $0xffff, v2  }
0x2e1: {  	v3 =	vor.u32 $0xE, v1;
	v2 =	vld [tilespmem:s23+$0xFFFFE780];
	_ =	sdelay $0x4  }
0x2e2: {  	[tilespmem:v3+s17+$0x0] =	vst.idx.msk $0xffff, v2  }
0x2e3: {  	v3 =	vor.u32 $0xF, v1;
	v2 =	vld [tilespmem:s23+$0xFFFFE800];
	_ =	sdelay $0x4  }
0x2e4: {  	[tilespmem:v3+s17+$0x0] =	vst.idx.msk $0xffff, v2  }
0x2e5: {  	v3 =	vor.u32 $0x10, v1;
	v2 =	vld [tilespmem:s23+$0xFFFFE880];
	_ =	sdelay $0x4  }
0x2e6: {  	[tilespmem:v3+s17+$0x0] =	vst.idx.msk $0xffff, v2  }
0x2e7: {  	v3 =	vor.u32 $0x11, v1;
	v2 =	vld [tilespmem:s23+$0xFFFFE900];
	_ =	sdelay $0x4  }
0x2e8: {  	[tilespmem:v3+s17+$0x0] =	vst.idx.msk $0xffff, v2  }
0x2e9: {  	v3 =	vor.u32 $0x12, v1;
	v2 =	vld [tilespmem:s23+$0xFFFFE980];
	_ =	sdelay $0x4  }
0x2ea: {  	[tilespmem:v3+s17+$0x0] =	vst.idx.msk $0xffff, v2  }
0x2eb: {  	v3 =	vor.u32 $0x13, v1;
	v2 =	vld [tilespmem:s23+$0xFFFFEA00];
	_ =	sdelay $0x4  }
0x2ec: {  	[tilespmem:v3+s17+$0x0] =	vst.idx.msk $0xffff, v2  }
0x2ed: {  	v3 =	vor.u32 $0x14, v1;
	v2 =	vld [tilespmem:s23+$0xFFFFEA80];
	_ =	sdelay $0x4  }
0x2ee: {  	[tilespmem:v3+s17+$0x0] =	vst.idx.msk $0xffff, v2  }
0x2ef: {  	v3 =	vor.u32 $0x15, v1;
	v2 =	vld [tilespmem:s23+$0xFFFFEB00];
	_ =	sdelay $0x4  }
0x2f0: {  	[tilespmem:v3+s17+$0x0] =	vst.idx.msk $0xffff, v2  }
0x2f1: {  	v3 =	vor.u32 $0x16, v1;
	v2 =	vld [tilespmem:s23+$0xFFFFEB80];
	_ =	sdelay $0x4  }
0x2f2: {  	[tilespmem:v3+s17+$0x0] =	vst.idx.msk $0xffff, v2  }
0x2f3: {  	v3 =	vor.u32 $0x17, v1;
	v2 =	vld [tilespmem:s23+$0xFFFFEC00];
	_ =	sdelay $0x4  }
0x2f4: {  	[tilespmem:v3+s17+$0x0] =	vst.idx.msk $0xffff, v2  }
0x2f5: {  	v3 =	vor.u32 $0x18, v1;
	v2 =	vld [tilespmem:s23+$0xFFFFEC80];
	_ =	sdelay $0x4  }
0x2f6: {  	[tilespmem:v3+s17+$0x0] =	vst.idx.msk $0xffff, v2  }
0x2f7: {  	v3 =	vor.u32 $0x19, v1;
	v2 =	vld [tilespmem:s23+$0xFFFFED00];
	_ =	sdelay $0x4  }
0x2f8: {  	[tilespmem:v3+s17+$0x0] =	vst.idx.msk $0xffff, v2  }
0x2f9: {  	v3 =	vor.u32 $0x1A, v1;
	v2 =	vld [tilespmem:s23+$0xFFFFED80];
	_ =	sdelay $0x4  }
0x2fa: {  	[tilespmem:v3+s17+$0x0] =	vst.idx.msk $0xffff, v2  }
0x2fb: {  	v3 =	vor.u32 $0x1B, v1;
	v2 =	vld [tilespmem:s23+$0xFFFFEE00];
	_ =	sdelay $0x4  }
0x2fc: {  	[tilespmem:v3+s17+$0x0] =	vst.idx.msk $0xffff, v2  }
0x2fd: {  	v3 =	vor.u32 $0x1C, v1;
	v2 =	vld [tilespmem:s23+$0xFFFFEE80];
	_ =	sdelay $0x4  }
0x2fe: {  	[tilespmem:v3+s17+$0x0] =	vst.idx.msk $0xffff, v2  }
0x2ff: {  	v3 =	vor.u32 $0x1D, v1;
	v2 =	vld [tilespmem:s23+$0xFFFFEF00];
	_ =	sdelay $0x4  }
0x300: {  	[tilespmem:v3+s17+$0x0] =	vst.idx.msk $0xffff, v2  }
0x301: {  	v3 =	vor.u32 $0x1E, v1;
	v2 =	vld [tilespmem:s23+$0xFFFFEF80];
	_ =	sdelay $0x4  }
0x302: {  	[tilespmem:v3+s17+$0x0] =	vst.idx.msk $0xffff, v2  }
0x303: {  	v3 =	vor.u32 $0x1F, v1;
	v2 =	vld [tilespmem:s23+$0xFFFFF000];
	_ =	sdelay $0x4  }
0x304: {  	[tilespmem:v3+s17+$0x0] =	vst.idx.msk $0xffff, v2  }
0x305: {  	v3 =	vor.u32 $0x20, v1;
	v2 =	vld [tilespmem:s23+$0xFFFFF080];
	_ =	sdelay $0x4  }
0x306: {  	[tilespmem:v3+s17+$0x0] =	vst.idx.msk $0xffff, v2  }
0x307: {  	v3 =	vor.u32 $0x21, v1;
	v2 =	vld [tilespmem:s23+$0xFFFFF100];
	_ =	sdelay $0x4  }
0x308: {  	[tilespmem:v3+s17+$0x0] =	vst.idx.msk $0xffff, v2  }
0x309: {  	v3 =	vor.u32 $0x22, v1;
	v2 =	vld [tilespmem:s23+$0xFFFFF180];
	_ =	sdelay $0x4  }
0x30a: {  	[tilespmem:v3+s17+$0x0] =	vst.idx.msk $0xffff, v2  }
0x30b: {  	v3 =	vor.u32 $0x23, v1;
	v2 =	vld [tilespmem:s23+$0xFFFFF200];
	_ =	sdelay $0x4  }
0x30c: {  	[tilespmem:v3+s17+$0x0] =	vst.idx.msk $0xffff, v2  }
0x30d: {  	v3 =	vor.u32 $0x24, v1;
	v2 =	vld [tilespmem:s23+$0xFFFFF280];
	_ =	sdelay $0x4  }
0x30e: {  	[tilespmem:v3+s17+$0x0] =	vst.idx.msk $0xffff, v2  }
0x30f: {  	v3 =	vor.u32 $0x25, v1;
	v2 =	vld [tilespmem:s23+$0xFFFFF300];
	_ =	sdelay $0x4  }
0x310: {  	[tilespmem:v3+s17+$0x0] =	vst.idx.msk $0xffff, v2  }
0x311: {  	v3 =	vor.u32 $0x26, v1;
	v2 =	vld [tilespmem:s23+$0xFFFFF380];
	_ =	sdelay $0x4  }
0x312: {  	[tilespmem:v3+s17+$0x0] =	vst.idx.msk $0xffff, v2  }
0x313: {  	v3 =	vor.u32 $0x27, v1;
	v2 =	vld [tilespmem:s23+$0xFFFFF400];
	_ =	sdelay $0x4  }
0x314: {  	[tilespmem:v3+s17+$0x0] =	vst.idx.msk $0xffff, v2  }
0x315: {  	v3 =	vor.u32 $0x28, v1;
	v2 =	vld [tilespmem:s23+$0xFFFFF480];
	_ =	sdelay $0x4  }
0x316: {  	[tilespmem:v3+s17+$0x0] =	vst.idx.msk $0xffff, v2  }
0x317: {  	v3 =	vor.u32 $0x29, v1;
	v2 =	vld [tilespmem:s23+$0xFFFFF500];
	_ =	sdelay $0x4  }
0x318: {  	[tilespmem:v3+s17+$0x0] =	vst.idx.msk $0xffff, v2  }
0x319: {  	v3 =	vor.u32 $0x2A, v1;
	v2 =	vld [tilespmem:s23+$0xFFFFF580];
	_ =	sdelay $0x4  }
0x31a: {  	[tilespmem:v3+s17+$0x0] =	vst.idx.msk $0xffff, v2  }
0x31b: {  	v3 =	vor.u32 $0x2B, v1;
	v2 =	vld [tilespmem:s23+$0xFFFFF600];
	_ =	sdelay $0x4  }
0x31c: {  	[tilespmem:v3+s17+$0x0] =	vst.idx.msk $0xffff, v2  }
0x31d: {  	v3 =	vor.u32 $0x2C, v1;
	v2 =	vld [tilespmem:s23+$0xFFFFF680];
	_ =	sdelay $0x4  }
0x31e: {  	[tilespmem:v3+s17+$0x0] =	vst.idx.msk $0xffff, v2  }
0x31f: {  	v3 =	vor.u32 $0x2D, v1;
	v2 =	vld [tilespmem:s23+$0xFFFFF700];
	_ =	sdelay $0x4  }
0x320: {  	[tilespmem:v3+s17+$0x0] =	vst.idx.msk $0xffff, v2  }
0x321: {  	v3 =	vor.u32 $0x2E, v1;
	v2 =	vld [tilespmem:s23+$0xFFFFF780];
	_ =	sdelay $0x4  }
0x322: {  	[tilespmem:v3+s17+$0x0] =	vst.idx.msk $0xffff, v2  }
0x323: {  	v3 =	vor.u32 $0x2F, v1;
	v2 =	vld [tilespmem:s23+$0xFFFFF800];
	_ =	sdelay $0x4  }
0x324: {  	[tilespmem:v3+s17+$0x0] =	vst.idx.msk $0xffff, v2  }
0x325: {  	v3 =	vor.u32 $0x30, v1;
	v2 =	vld [tilespmem:s23+$0xFFFFF880];
	_ =	sdelay $0x4  }
0x326: {  	[tilespmem:v3+s17+$0x0] =	vst.idx.msk $0xffff, v2  }
0x327: {  	v3 =	vor.u32 $0x31, v1;
	v2 =	vld [tilespmem:s23+$0xFFFFF900];
	_ =	sdelay $0x4  }
0x328: {  	[tilespmem:v3+s17+$0x0] =	vst.idx.msk $0xffff, v2  }
0x329: {  	v3 =	vor.u32 $0x32, v1;
	v2 =	vld [tilespmem:s23+$0xFFFFF980];
	_ =	sdelay $0x4  }
0x32a: {  	[tilespmem:v3+s17+$0x0] =	vst.idx.msk $0xffff, v2  }
0x32b: {  	v3 =	vor.u32 $0x33, v1;
	v2 =	vld [tilespmem:s23+$0xFFFFFA00];
	_ =	sdelay $0x4  }
0x32c: {  	[tilespmem:v3+s17+$0x0] =	vst.idx.msk $0xffff, v2  }
0x32d: {  	v3 =	vor.u32 $0x34, v1;
	v2 =	vld [tilespmem:s23+$0xFFFFFA80];
	_ =	sdelay $0x4  }
0x32e: {  	[tilespmem:v3+s17+$0x0] =	vst.idx.msk $0xffff, v2  }
0x32f: {  	v3 =	vor.u32 $0x35, v1;
	v2 =	vld [tilespmem:s23+$0xFFFFFB00];
	_ =	sdelay $0x4  }
0x330: {  	[tilespmem:v3+s17+$0x0] =	vst.idx.msk $0xffff, v2  }
0x331: {  	v3 =	vor.u32 $0x36, v1;
	v2 =	vld [tilespmem:s23+$0xFFFFFB80];
	_ =	sdelay $0x4  }
0x332: {  	[tilespmem:v3+s17+$0x0] =	vst.idx.msk $0xffff, v2  }
0x333: {  	v3 =	vor.u32 $0x37, v1;
	v2 =	vld [tilespmem:s23+$0xFFFFFC00];
	_ =	sdelay $0x4  }
0x334: {  	[tilespmem:v3+s17+$0x0] =	vst.idx.msk $0xffff, v2  }
0x335: {  	v3 =	vor.u32 $0x38, v1;
	v2 =	vld [tilespmem:s23+$0xFFFFFC80];
	_ =	sdelay $0x4  }
0x336: {  	[tilespmem:v3+s17+$0x0] =	vst.idx.msk $0xffff, v2  }
0x337: {  	v3 =	vor.u32 $0x39, v1;
	v2 =	vld [tilespmem:s23+$0xFFFFFD00];
	_ =	sdelay $0x4  }
0x338: {  	[tilespmem:v3+s17+$0x0] =	vst.idx.msk $0xffff, v2  }
0x339: {  	v3 =	vor.u32 $0x3A, v1;
	v2 =	vld [tilespmem:s23+$0xFFFFFD80];
	_ =	sdelay $0x4  }
0x33a: {  	[tilespmem:v3+s17+$0x0] =	vst.idx.msk $0xffff, v2  }
0x33b: {  	v3 =	vor.u32 $0x3B, v1;
	v2 =	vld [tilespmem:s23+$0xFFFFFE00];
	_ =	sdelay $0x4  }
0x33c: {  	[tilespmem:v3+s17+$0x0] =	vst.idx.msk $0xffff, v2  }
0x33d: {  	v3 =	vor.u32 $0x3C, v1;
	v2 =	vld [tilespmem:s23+$0xFFFFFE80];
	_ =	sdelay $0x4  }
0x33e: {  	[tilespmem:v3+s17+$0x0] =	vst.idx.msk $0xffff, v2  }
0x33f: {  	v3 =	vor.u32 $0x3D, v1;
	v2 =	vld [tilespmem:s23+$0xFFFFFF00];
	_ =	sdelay $0x4  }
0x340: {  	[tilespmem:v3+s17+$0x0] =	vst.idx.msk $0xffff, v2  }
0x341: {  	v3 =	vor.u32 $0x3E, v1;
	v2 =	vld [tilespmem:s23+$0xFFFFFF80];
	_ =	sdelay $0x4  }
0x342: {  	[tilespmem:v3+s17+$0x0] =	vst.idx.msk $0xffff, v2  }
0x343: {  	v1 =	vor.u32 $0x3F, v1;
	v2 =	vld [tilespmem:s23+$0x0];
	_ =	sdelay $0x1  }
.Ltmp8:
0x344: {  	_ = 	snop;
	(pc) =	sbr.rel .LBB2_9-.Ltmp8, $4  }
0x345: {  	_ = 	snop  }
0x346: {  	s22 =	sshll.u32 s22, $0xB  }
0x347: {  	s22 =	sadd.s32 s5, s22;
	[tilespmem:v1+s17+$0x0] =	vst.idx.msk $0xffff, v2  }
0x348: {  	[hbm4b:s22+s4] =	stream.linear.scatter [tilespmem:s17], [sflag:$0x4], $0x4000, $0x38;
	[tilespmem:$0xC000] =	vst v63  }
.LBB2_11:
0x349: {  	_ =	sfence.sel $0x180000  }
0x34a: {  	[bflag:$0x0] =	sbarrier.arrive $0xFFFF  }
0x34b: {  	p0 =	sne.s32 s3, $0x0;
	_ =	strace $0x90000047  }
0x34c: {  	s0 =	sadd.s32 @!p0 $0x100000, s0;
	[bflag:$0x2] =	sbarrier.arrive $0xFFFF  }
0x34d: {  	[sflag:s0] =	ssyncadd.tile.s32 @!p0 $0x1;
	_ =	shalt  }
.Lfunc_end2:
_tile_overlayer_lowered:
.L_overlay_start_2:
0x34e: {  	(tag) =	ssettag $0x2  }
0x34f: {  	s0 =	rddreg [dreg:$0x0];
	s2 =	stileid.u32  }
0x350: {  	s1 =	rddreg [dreg:$0x1];
	p0 =	sne.s32 s2, $0x0  }
0x351: {  	s3 =	rddreg [dreg:$0x2];
	[bflag:$0x3] =	sbarrier.arrive $0xFFFF;
	s2 =	simm.s32 @!p0 $0x1C05  }
0x352: {  	[timem:s3], [sflag:s2] =	dma.local @!p0 [hbm:s0], s1  }
0x353: {  	s0 =	simm.s32 @!p0 $0x5  }
0x354: {  	_ =	swait.ge @!p0 [sflag:s0], s1  }
0x355: {  	s1 =	ssub.s32 @!p0 $0x0, s1;
	[sflag:s0] =	ssyncset.done @!p0 $0x0  }
0x356: {  	[sflag:s0] =	ssyncadd.s32 @!p0 s1  }
0x357: {  	[bflag:$0x3] =	sbarrier.arrive $0xFFFF  }
0x358: {  	_ =	shalt  }

// kernel: kernel.7.cloned.1.call-start
scs
__scs_entry_jumppad:
0x0: {  	(pc) =	sbr.rel $0x88, $3  }
0x1: {  	(tag) =	ssettag $0x0;
	lr =	simm.s32 $0x1  }
0x2: {  	[smem:$0x3F9E] =	sst lr;
	_ =	strace $0xD0000000  }
0x3: {  	_ = 	snop  }
0x4: {  	_ = 	snop  }
0x5: {  	_ = 	snop  }
0x6: {  	_ = 	snop  }
0x7: {  	_ = 	snop  }
__scs_overlays_trampoline_lowered:
0x8: {  	[smem:$0x3FAD] =	sst s0  }
0x9: {  	[smem:$0x3FAE] =	sst s1  }
0xa: {  	[smem:$0x3FAF] =	sst s2  }
0xb: {  	[smem:$0x3FB0] =	sst s3  }
0xc: {  	[smem:$0x3FB1] =	sst s4  }
0xd: {  	[smem:$0x3FB2] =	sst s5  }
0xe: {  	[smem:$0x3FB3] =	sst s6  }
0xf: {  	[smem:$0x3FB4] =	sst s7  }
0x10: {  	[smem:$0x3FB5] =	sst s8  }
0x11: {  	[smem:$0x3FB6] =	sst s9;
	s0 =	simm.s32 @!p0 $0x0  }
0x12: {  	s1 =	sld [smem:$0x3F9C];
	s0 =	simm.s32 @p0 $0x1  }
0x13: {  	[smem:$0x3FB7] =	sst s0;
	s0 =	simm.s32 @!p1 $0x0  }
0x14: {  	s2 =	sld [smem:$0x3F9B];
	s0 =	simm.s32 @p1 $0x1  }
0x15: {  	[smem:$0x3FB8] =	sst s0;
	s0 =	simm.s32 @!p2 $0x0  }
0x16: {  	s3 =	sld [smem:$0x3FDB];
	s0 =	simm.s32 @p2 $0x1  }
0x17: {  	s4 =	simm.s32 $0x1BF5;
	[smem:$0x3FBA] =	sst s0  }
0x18: {  	s0 =	sld [smem:$0x3F9D];
	_ =	swait.ge [sflag:s4], $0x0  }
0x19: {  	s7 =	sld [smem:$0x3F9E]  }
0x1a: {  	s8 =	sadd.s32 $0xFFFFE003, lr  }
0x1b: {  	s9 =	sadd.s32 $0xFFFFFEF7, lr;
	s5 =	simm.s32 $0xFFFFFFFF;
	p2 =	slt.u32 s8, $0xFFFFF086  }
0x1c: {  	p1 =	slt.u32 s9, $0xF7A;
	s5 =	simm.s32 @!p2 $0x0  }
0x1d: {  	s5 =	simm.s32 @p1 $0x1;
	p0 =	seq.s32 s7, s2  }
0x1e: {  	s7 =	smul.u32 @!p0 $0xF7A, s2;
	p2 =	seq.s32 @!p0 s5, $0x0  }
0x1f: {  	s9 =	smul.u32 $0xF7A, s1;
	s8 =	simm.s32 @!p0 $0x1BF5;
	p2 =	por !p2, p0  }
0x20: {  	[sflag:s8] =	ssyncset.s32 @!p0 $0xFFFFF086;
	s6 =	sadd.s32 @!p0 s3, s7;
	s7 =	simm.s32 @!p0 $0x108  }
0x21: {  	s3 =	sadd.s32 s3, s9;
	s6 =	sadd.s32 @!p0 $0x88, s6;
	s7 =	simm.s32 @p2 $0x1082  }
0x22: {  	[simem:s7], [sflag:s8] =	dma.local @!p0 [hbm:s6], $0xF7A  }
0x23: {  	s9 =	sor.u32 $0xD0000000, s2;
	s6 =	simm.s32 $0x108;
	_ =	swait.ge @!p0 [sflag:s8], $0x0  }
0x24: {  	s3 =	sadd.s32 $0x88, s3;
	s6 =	simm.s32 @!p1 $0x1082;
	[sflag:s4] =	ssyncset.s32 $0xFFFFF086  }
0x25: {  	[simem:s6], [sflag:s4] =	dma.local [hbm:s3], $0xF7A  }
0x26: {  	[smem:$0x3F9E] =	sst s1;
	(tag) =	ssettag s2;
	_ =	strace s9  }
0x27: {  	s1 =	sld [smem:$0x3FAE]  }
0x28: {  	s2 =	sld [smem:$0x3FAF]  }
0x29: {  	s4 =	sld [smem:$0x3FB1]  }
0x2a: {  	p0 =	seq.s32 s5, $0x0;
	s5 =	sld [smem:$0x3FB2]  }
0x2b: {  	s6 =	sld [smem:$0x3FB3]  }
0x2c: {  	s7 =	sld [smem:$0x3FB4]  }
0x2d: {  	s3 =	simm.s32 $0x108;
	s8 =	sld [smem:$0x3FB5]  }
0x2e: {  	s3 =	simm.s32 @!p0 $0x1082;
	s9 =	sld [smem:$0x3FB6]  }
0x2f: {  	lr =	sadd.s32 s0, s3;
	s0 =	sld [smem:$0x3FAD]  }
0x30: {  	s3 =	sld [smem:$0x3FB0]  }
0x31: {  	[smem:$0x3FB9] =	sst s10  }
0x32: {  	s10 =	sld [smem:$0x3FB7];
	_ =	sdelay $0x3  }
0x33: {  	p0 =	seq.s32 s10, $0x1;
	s10 =	sld [smem:$0x3FB9];
	_ =	sdelay $0x3  }
0x34: {  	[smem:$0x3FB9] =	sst s10  }
0x35: {  	s10 =	sld [smem:$0x3FB8];
	_ =	sdelay $0x3  }
0x36: {  	p1 =	seq.s32 s10, $0x1;
	s10 =	sld [smem:$0x3FB9];
	_ =	sdelay $0x3  }
0x37: {  	[smem:$0x3FB9] =	sst s10  }
0x38: {  	s10 =	sld [smem:$0x3FBA]  }
0x39: {  	_ = 	snop;
	(pc) =	sbr.ind lr, $3  }
0x3a: {  	_ = 	snop  }
0x3b: {  	_ = 	snop  }
0x3c: {  	p2 =	seq.s32 s10, $0x1;
	s10 =	sld [smem:$0x3FB9]  }
0x3d: {  	_ =	shalt  }
0x3e: {  	_ =	shalt  }
0x3f: {  	_ =	shalt  }
0x40: {  	_ =	shalt  }
0x41: {  	_ =	shalt  }
0x42: {  	_ =	shalt  }
0x43: {  	_ =	shalt  }
0x44: {  	_ =	shalt  }
0x45: {  	_ =	shalt  }
0x46: {  	_ =	shalt  }
0x47: {  	_ =	shalt  }
0x48: {  	_ =	shalt  }
0x49: {  	_ =	shalt  }
0x4a: {  	_ =	shalt  }
0x4b: {  	_ =	shalt  }
0x4c: {  	_ =	shalt  }
0x4d: {  	_ =	shalt  }
0x4e: {  	_ =	shalt  }
0x4f: {  	_ =	shalt  }
0x50: {  	_ =	shalt  }
0x51: {  	_ =	shalt  }
0x52: {  	_ =	shalt  }
0x53: {  	_ =	shalt  }
0x54: {  	_ =	shalt  }
0x55: {  	_ =	shalt  }
0x56: {  	_ =	shalt  }
0x57: {  	_ =	shalt  }
0x58: {  	_ =	shalt  }
0x59: {  	_ =	shalt  }
0x5a: {  	_ =	shalt  }
0x5b: {  	_ =	shalt  }
0x5c: {  	_ =	shalt  }
0x5d: {  	_ =	shalt  }
0x5e: {  	_ =	shalt  }
0x5f: {  	_ =	shalt  }
0x60: {  	_ =	shalt  }
0x61: {  	_ =	shalt  }
0x62: {  	_ =	shalt  }
0x63: {  	_ =	shalt  }
0x64: {  	_ =	shalt  }
0x65: {  	_ =	shalt  }
0x66: {  	_ =	shalt  }
0x67: {  	_ =	shalt  }
0x68: {  	_ =	shalt  }
0x69: {  	_ =	shalt  }
0x6a: {  	_ =	shalt  }
0x6b: {  	_ =	shalt  }
0x6c: {  	_ =	shalt  }
0x6d: {  	_ =	shalt  }
0x6e: {  	_ =	shalt  }
0x6f: {  	_ =	shalt  }
0x70: {  	_ =	shalt  }
0x71: {  	_ =	shalt  }
0x72: {  	_ =	shalt  }
0x73: {  	_ =	shalt  }
0x74: {  	_ =	shalt  }
0x75: {  	_ =	shalt  }
0x76: {  	_ =	shalt  }
0x77: {  	_ =	shalt  }
0x78: {  	_ =	shalt  }
0x79: {  	_ =	shalt  }
0x7a: {  	_ =	shalt  }
0x7b: {  	_ =	shalt  }
0x7c: {  	_ =	shalt  }
0x7d: {  	_ =	shalt  }
0x7e: {  	_ =	shalt  }
0x7f: {  	_ =	shalt  }
0x80: {  	_ =	shalt  }
0x81: {  	_ =	shalt  }
0x82: {  	_ =	shalt  }
0x83: {  	_ =	shalt  }
0x84: {  	_ =	shalt  }
0x85: {  	_ =	shalt  }
0x86: {  	_ =	shalt  }
0x87: {  	_ =	shalt  }
.Lfunc_end0:
.L_simem_size_0:
called_computation.1_lowered:
.L_overlay_start_0:
0x88: {  	s2 =	sld [smem:$0x3FD9]  }
0x89: {  	s3 =	sld [smem:$0x3FFE];
	_ =	sdelay $0x1  }
0x8a: {  	s1 =	srdreg.scid  }
0x8b: {  	s0 =	sand.u32 $0x1, s1  }
0x8c: {  	s17 =	sshll.u32 s0, $0xA;
	s2 =	sadd.s32 s3, s2  }
0x8d: {  	s2 =	sadd.s32 s2, s17  }
0x8e: {  	[smem:$0x3FC5] =	sst s2  }
0x8f: {  	_ = 	snop  }
0x90: {  	s2 =	sld [smem:$0x3FC9]  }
0x91: {  	s18 =	sld [smem:$0x3FD0];
	(tm) =	ssettm $0x1  }
0x92: {  	s4 =	sld [smem:$0x3FFB];
	_ =	sdelay $0x3  }
0x93: {  	_ =	strace s4  }
0x94: {  	s4 =	sld [smem:$0x3FFC];
	_ =	sdelay $0x3  }
0x95: {  	_ =	strace s4  }
0x96: {  	s4 =	sld [smem:$0x3FFD];
	_ =	sdelay $0x3  }
0x97: {  	_ =	strace s4  }
0x98: {  	_ =	strace $0x8FFFFFFF  }
0x99: {  	s19 =	sld [smem:$0x3FDB];
	_ =	sdelay $0x1  }
0x9a: {  	s5 =	simm.s32 $_scs_section_size  }
0x9b: {  	s6 =	simm.s32 $_size__tile_overlayer_lowered;
	s7 =	simm.s32 $_tile_overlayer_lowered  }
0x9c: {  	s22 =	simm.s32 $0x1BFF;
	s21 =	sshll.u32 s7, $0x1;
	s4 =	sadd.s32 s5, s19  }
0x9d: {  	s8 =	simm.s32 $0x0;
	s20 =	sshll.u32 s6, $0x1;
	s6 =	sadd.s32 s21, s4  }
0x9e: {  	[timem:s8], [sflag:s22] =	dma.local [hbm:s6], s20  }
0x9f: {  	_ =	swait.ge [sflag:s22], s20  }
0xa0: {  	s5 =	ssub.s32 $0x0, s20;
	[sflag:s22] =	ssyncset.done $0x0  }
0xa1: {  	[sflag:s22] =	ssyncadd.s32 s5;
	_ =	sdelay $0x1  }
0xa2: {  	s23 =	simm.s32 $0x1B8B  }
0xa3: {  	_ =	swait.ge [sflag:s23], $0x1  }
0xa4: {  	[sflag:s23] =	ssyncset.done $0x0  }
0xa5: {  	s25 =	simm.s32 $0x1B8E;
	s24 =	sld [smem:$0x3FFE];
	[sflag:s23] =	ssyncadd.s32 $0xFFFFFFFF  }
0xa6: {  	s26 =	simm.s32 $execute0_lowered;
	[smem:$0x3FD2] =	sst s25  }
0xa7: {  	s6 =	sshll.u32 s26, $0x1;
	_ =	strace $0x80000049;
	[dreg:$0x1] =	wrdreg $0xFFFFFFFF  }
0xa8: {  	s28 =	simm.s32 $_size_execute0_lowered;
	s4 =	sadd.s32 s4, s6;
	[dreg:$0x0] =	wrdreg $0x0  }
0xa9: {  	s6 =	sshll.u32 s28, $0x1;
	[dreg:$0x2] =	wrdreg s4  }
0xaa: {  	[dreg:$0x3] =	wrdreg s6  }
0xab: {  	[dreg:$0x4] =	wrdreg $0xC0  }
0xac: {  	_ =	task [dreg:s8], $0x5FFFF  }
0xad: {  	[dreg:$0x1] =	wrdreg $0xFFFFFFFF  }
0xae: {  	[dreg:$0x0] =	wrdreg $0x60  }
0xaf: {  	[dreg:$0x2] =	wrdreg s2  }
0xb0: {  	[dreg:$0x3] =	wrdreg s24  }
0xb1: {  	[dreg:$0x4] =	wrdreg s18  }
0xb2: {  	[dreg:$0x5] =	wrdreg $0x9  }
0xb3: {  	_ =	task.clear_ibuf [dreg:s8], $0x6FFFF;
	_ =	strace $0x90000049  }
0xb4: {  	s29 =	simm.s32 $0x9;
	_ =	strace $0x8000004B  }
0xb5: {  	_ =	swait.ge [sflag:s29], $0x1  }
0xb6: {  	[sflag:s29] =	ssyncadd.s32 $0xFFFFFFFF  }
0xb7: {  	_ =	strace $0x9000004B  }
0xb8: {  	_ =	sfence  }
0xb9: {  	s30 =	sld [smem:$0x0];
	_ =	sdelay $0x2  }
0xba: {  	s31 =	sshll.u32 s1, $0xD;
	s1 =	sshrl.u32 s1, $0x2  }
0xbb: {  	s3 =	sand.u32 $0x4000, s31;
	s1 =	sadd.s32 s1, s30  }
0xbc: {  	s0 =	sor.u32 s3, s0;
	s1 =	sshll.u32 s1, $0x11  }
0xbd: {  	s0 =	sor.u32 s1, s0  }
0xbe: {  	s0 =	sadd.s32 $0x8F2B, s0  }
0xbf: {  	[sflag:s0] =	ssyncadd.remote.s32 $0x1  }
0xc0: {  	_ =	sfence.sel $0xFFFF  }
0xc1: {  	[dreg:$0x0] =	wrdreg $0xFFFFFFFF;
	(pc) =	sbr.abs _section_cstart, $3  }
0xc2: {  	[dreg:$0x1] =	wrdreg $0xFFFFFFFF  }
0xc3: {  	_ =	task.clear_ibuf [dreg:s8], $0x2FFFF;
	_ =	strace $0x9FFFFFFF  }
0xc4: {  	(tm) =	ssettm $0x7FFFFFFF  }
0xc5: {  	_ =	shalt  }
tec
execute0_lowered:
.L_overlay_start_1:
0x0: {  	(tag) =	ssettag $0x1  }
0x1: {  	s7 =	rddreg [dreg:$0x0]  }
0x2: {  	s6 =	rddreg [dreg:$0x1]  }
0x3: {  	s2 =	rddreg [dreg:$0x2]  }
0x4: {  	s0 =	rddreg [dreg:$0x3];
	s4 =	srdreg.scid  }
0x5: {  	s3 =	simm.s32 $0x0;
	s1 =	stileid.u32;
	s11 =	simm.s32 $0x8000  }
0x6: {  	s12 =	simm.s32 $0x1;
	s13 =	simm.s32 $0x80;
	s14 =	simm.s32 $0x6400  }
0x7: {  	s15 =	simm.s32 $0x2;
	s16 =	simm.s32 $0xA400;
	s17 =	simm.s32 $0xE400  }
0x8: {  	s18 =	simm.s32 $0x3;
	s19 =	simm.s32 $0x10400;
	s20 =	simm.s32 $0x4  }
0x9: {  	s21 =	simm.s32 $0x5;
	s22 =	simm.s32 $0x0;
	s4 =	sand.u32 $0x1, s4  }
0xa: {  	[smem:$0x7FF] =	sst s3;
	s5 =	sshll.u32 s1, $0xB;
	s8 =	sshll.u32 s4, $0xA  }
0xb: {  	v0 =	vlaneseq.u32;
	_ =	strace $0x8000004A;
	s9 =	ssub.s32 $0x2, s4;
	s4 =	sor.u32 s8, s5  }
0xc: {  	v0 =	vmul.u32 $0x80, v0;
	s5 =	sadd.s32 $0xA00, s6;
	s31 =	sshrl.u32 s9, $0x1;
	s6 =	sadd.s32 $0xF42E00, s6  }
0xd: {  	s10 =	sshrl.u32 s4, $0x3;
	s8 =	ssub.s32 s9, s31;
	s9 =	simm.s32 $0x12400  }
0xe: {  	v1 =	vor.u32 $0x800, v0;
	v2 =	vor.u32 $0x1000, v0;
	v3 =	vor.u32 $0x1800, v0;
	s7 =	sadd.s32 s7, s10;
	s8 =	smax.u32 s8, $0x1;
	s10 =	simm.s32 $0x400  }
.LBB2_1:
0xf: {  	[tilespmem:s9], [sflag:$0x1] =	stream.linear.gather [hbm4b:s6+s3], $0x3200, $0x38;
	[tilespmem:$0x15600] =	vst v63  }
0x10: {  	_ = 	snop  }
0x11: {  	[tilespmem:s3], [sflag:$0x1] =	stream.strided.gather [hbm4b:s7+s10], $0x6400, s11, s10, $0x38;
	[tilespmem:$0x15600] =	vst v63  }
0x12: {  	_ =	swait.ge [sflag:s12], $0x3200  }
0x13: {  	[sflag:s12] =	ssyncset.done $0x0  }
0x14: {  	[sflag:s12] =	ssyncadd.s32 $0xFFFFCE00  }
0x15: {  	_ =	swait.ge [sflag:s12], $0x6400  }
0x16: {  	[sflag:s12] =	ssyncset.done $0x0  }
0x17: {  	s23 =	simm.s32 $0x0;
	[sflag:s12] =	ssyncadd.s32 $0xFFFF9C00  }
0x18: {  	[tilespmem:s14], [sflag:$0x2] =	stream.indirect.gather [hbm4b:s5+s13], $0x80, s3, s13, $0xb8;
	[tilespmem:$0x15600] =	vst v63  }
.LBB2_2:
0x19: {  	_ =	swait.ge [sflag:s15], $0x4000;
	s24 =	sshllo.u32 s23, $0x1  }
0x1a: {  	[sflag:s15] =	ssyncset.done $0x0;
	s25 =	sshll.u32 s24, $0x7  }
0x1b: {  	p0 =	seq.s32 s23, $0x0;
	[sflag:s15] =	ssyncadd.s32 $0xFFFFC000;
	s25 =	sand.u32 $0x3FFFFF80, s25  }
0x1c: {  	[tilespmem:s16], [sflag:$0x3] =	stream.indirect.gather [hbm4b:s5+s13], $0x80, s25, s13, $0xb8;
	[tilespmem:$0x15600] =	vst v63  }
0x1d: {  	s25 =	simm.s32 @!p0 $0x4  }
0x1e: {  	_ =	swait.ge @!p0 [sflag:s25], $0x2000  }
0x1f: {  	s26 =	sshll.u32 s23, $0x7;
	[sflag:s25] =	ssyncset.done @!p0 $0x0  }
0x20: {  	s26 =	sand.u32 $0x3FFFFF80, s26;
	[sflag:s25] =	ssyncadd.s32 @!p0 $0xFFFFE000  }
0x21: {  	v4 =	vld [tilespmem:s26+$0x12400]  }
0x22: {  	v5 =	vld [tilespmem:s26+$0x12410]  }
0x23: {  	v6 =	vld [tilespmem:s26+$0x12420]  }
0x24: {  	s25 =	simm.s32 $0x6500;
	v7 =	vld [tilespmem:s26+$0x12430]  }
0x25: {  	v9 =	vld [tilespmem:s25+$0xB0]  }
0x26: {  	v8 =	vld [tilespmem:s25+$0xA0]  }
0x27: {  	v10 =	vld [tilespmem:s25+$0x90]  }
0x28: {  	v11 =	vld [tilespmem:s25+$0x80]  }
0x29: {  	v12 =	vld [tilespmem:s25+$0x30]  }
0x2a: {  	s28 =	simm.s32 $0x0;
	v13 =	vld [tilespmem:s25+$0x20]  }
0x2b: {  	v16 =	vmov s28;
	v14 =	vld [tilespmem:s25+$0x10]  }
0x2c: {  	v16 =	vand.u32 $0x7C, v16;
	v15 =	vld [tilespmem:s25+$0x0]  }
0x2d: {  	v16 =	vbroadcast v16, $0x0;
	v18 =	vld [tilespmem:s25+$0xFFFFFF00]  }
0x2e: {  	s29 =	simm.s32 $0x1;
	v19 =	vld [tilespmem:s25+$0xFFFFFF10]  }
0x2f: {  	v22 =	vmov s29;
	v21 =	vor.u32 v0, v16;
	v20 =	vld [tilespmem:s25+$0xFFFFFF20]  }
0x30: {  	v22 =	vand.u32 $0x7D, v22;
	v24 =	vor.u32 v1, v16;
	v23 =	vld [tilespmem:s25+$0xFFFFFF30]  }
0x31: {  	v22 =	vbroadcast v22, $0x0;
	v26 =	vor.u32 v2, v16;
	v25 =	vld [tilespmem:s25+$0xFFFFFF80]  }
0x32: {  	s30 =	simm.s32 $0x2;
	v16 =	vor.u32 v3, v16;
	v27 =	vld [tilespmem:s25+$0xFFFFFF90];
	v18 =	vadd.f32 v18, v4  }
0x33: {  	v30 =	vmov s30;
	v29 =	vor.u32 v0, v22;
	v28 =	vld [tilespmem:s25+$0xFFFFFFA0];
	v19 =	vadd.f32 v19, v5  }
0x34: {  	v48 =	vand.u32 $0x7E, v30;
	v47 =	vor.u32 v1, v22;
	v17 =	vld [tilespmem:s25+$0xFFFFFFB0];
	v20 =	vadd.f32 v20, v6;
	[tilespmem:v21+s17+$0x0] =	vst.idx.msk $0xffff, v18  }
0x35: {  	v49 =	vor.u32 v2, v22;
	v23 =	vadd.f32 v23, v7;
	v21 =	vbroadcast v48, $0x0;
	[tilespmem:v24+s17+$0x0] =	vst.idx.msk $0xffff, v19  }
0x36: {  	s31 =	simm.s32 $0x3;
	v51 =	vor.u32 v3, v22;
	v50 =	vadd.f32 v25, v4;
	[tilespmem:v26+s17+$0x0] =	vst.idx.msk $0xffff, v20  }
0x37: {  	v54 =	vmov s31;
	v52 =	vadd.f32 v27, v5;
	v53 =	vor.u32 v0, v21;
	[tilespmem:v16+s17+$0x0] =	vst.idx.msk $0xffff, v23  }
0x38: {  	v55 =	vadd.f32 v28, v6;
	v56 =	vor.u32 v1, v21;
	v23 =	vand.u32 $0x7F, v54;
	[tilespmem:v29+s17+$0x0] =	vst.idx.msk $0xffff, v50  }
0x39: {  	v17 =	vadd.f32 v17, v7;
	v57 =	vor.u32 v2, v21;
	v58 =	vbroadcast v23, $0x0;
	[tilespmem:v47+s17+$0x0] =	vst.idx.msk $0xffff, v52  }
0x3a: {  	v15 =	vadd.f32 v15, v4;
	v59 =	vor.u32 v3, v21;
	[tilespmem:v49+s17+$0x0] =	vst.idx.msk $0xffff, v55  }
0x3b: {  	v14 =	vadd.f32 v14, v5;
	v60 =	vor.u32 v0, v58;
	[tilespmem:v51+s17+$0x0] =	vst.idx.msk $0xffff, v17  }
0x3c: {  	v13 =	vadd.f32 v13, v6;
	v61 =	vor.u32 v1, v58;
	[tilespmem:v53+s17+$0x0] =	vst.idx.msk $0xffff, v15  }
0x3d: {  	v12 =	vadd.f32 v12, v7;
	v62 =	vor.u32 v2, v58;
	[tilespmem:v56+s17+$0x0] =	vst.idx.msk $0xffff, v14  }
0x3e: {  	v11 =	vadd.f32 v11, v4;
	v10 =	vadd.f32 v10, v5;
	[tilespmem:v57+s17+$0x0] =	vst.idx.msk $0xffff, v13  }
0x3f: {  	v63 =	vadd.f32 v8, v6;
	v8 =	vor.u32 v3, v58;
	[tilespmem:v59+s17+$0x0] =	vst.idx.msk $0xffff, v12  }
0x40: {  	[tilespmem:v60+s17+$0x0] =	vst.idx.msk $0xffff, v11  }
0x41: {  	[tilespmem:v61+s17+$0x0] =	vst.idx.msk $0xffff, v10  }
0x42: {  	s26 =	simm.s32 $0x4;
	v9 =	vadd.f32 v9, v7;
	[tilespmem:v62+s17+$0x0] =	vst.idx.msk $0xffff, v63  }
.LBB2_3:
0x43: {  	p0 =	sne.s32 s26, $0x7C  }
0x44: {  	[tilespmem:v8+s17+$0x0] =	vst.idx.msk $0xffff, v9;
	s25 =	sadd.s32 $0x200, s25;
	s28 =	smov.u32 s26;
	s26 =	sadd.s32 $0x4, s26  }
0x45: {  	v9 =	vld [tilespmem:s25+$0xB0]  }
0x46: {  	v10 =	vld [tilespmem:s25+$0xA0]  }
0x47: {  	v11 =	vld [tilespmem:s25+$0x90]  }
0x48: {  	v8 =	vld [tilespmem:s25+$0x80]  }
0x49: {  	v12 =	vld [tilespmem:s25+$0x30]  }
0x4a: {  	v13 =	vld [tilespmem:s25+$0x20]  }
0x4b: {  	v14 =	vld [tilespmem:s25+$0x10]  }
0x4c: {  	v16 =	vmov s28;
	v15 =	vld [tilespmem:s25+$0x0]  }
0x4d: {  	v16 =	vand.u32 $0x7C, v16;
	v17 =	vld [tilespmem:s25+$0xFFFFFFB0]  }
0x4e: {  	v16 =	vbroadcast v16, $0x0;
	v18 =	vld [tilespmem:s25+$0xFFFFFF00]  }
0x4f: {  	s29 =	sadd.s32 $0x1, s28;
	v19 =	vld [tilespmem:s25+$0xFFFFFF10]  }
0x50: {  	v22 =	vmov s29;
	v21 =	vor.u32 v0, v16;
	v20 =	vld [tilespmem:s25+$0xFFFFFF20]  }
0x51: {  	v22 =	vand.u32 $0x7D, v22;
	v24 =	vor.u32 v1, v16;
	v23 =	vld [tilespmem:s25+$0xFFFFFF30]  }
0x52: {  	v22 =	vbroadcast v22, $0x0;
	v26 =	vor.u32 v2, v16;
	v25 =	vld [tilespmem:s25+$0xFFFFFF80]  }
0x53: {  	s29 =	sadd.s32 $0x2, s28;
	v16 =	vor.u32 v3, v16;
	v18 =	vadd.f32 v18, v4;
	v27 =	vld [tilespmem:s25+$0xFFFFFF90]  }
0x54: {  	v30 =	vmov s29;
	v29 =	vor.u32 v0, v22;
	v19 =	vadd.f32 v19, v5;
	v28 =	vld [tilespmem:s25+$0xFFFFFFA0]  }
0x55: {  	v20 =	vadd.f32 v20, v6;
	[tilespmem:v21+s17+$0x0] =	vst.idx.msk $0xffff, v18;
	v18 =	vor.u32 v1, v22;
	v21 =	vand.u32 $0x7E, v30  }
0x56: {  	v23 =	vadd.f32 v23, v7;
	[tilespmem:v24+s17+$0x0] =	vst.idx.msk $0xffff, v19;
	v19 =	vor.u32 v2, v22;
	v21 =	vbroadcast v21, $0x0  }
0x57: {  	s28 =	sadd.s32 $0x3, s28;
	v24 =	vadd.f32 v25, v4;
	[tilespmem:v26+s17+$0x0] =	vst.idx.msk $0xffff, v20;
	v20 =	vor.u32 v3, v22  }
0x58: {  	v22 =	vadd.f32 v27, v5;
	[tilespmem:v16+s17+$0x0] =	vst.idx.msk $0xffff, v23;
	v16 =	vor.u32 v0, v21;
	v23 =	vmov s28  }
0x59: {  	v25 =	vadd.f32 v28, v6;
	[tilespmem:v29+s17+$0x0] =	vst.idx.msk $0xffff, v24;
	v24 =	vor.u32 v1, v21;
	v23 =	vand.u32 $0x7F, v23  }
0x5a: {  	v17 =	vadd.f32 v17, v7;
	[tilespmem:v18+s17+$0x0] =	vst.idx.msk $0xffff, v22;
	v18 =	vor.u32 v2, v21;
	v22 =	vbroadcast v23, $0x0  }
0x5b: {  	v15 =	vadd.f32 v15, v4;
	[tilespmem:v19+s17+$0x0] =	vst.idx.msk $0xffff, v25;
	v19 =	vor.u32 v3, v21  }
0x5c: {  	v14 =	vadd.f32 v14, v5;
	[tilespmem:v20+s17+$0x0] =	vst.idx.msk $0xffff, v17;
	v17 =	vor.u32 v0, v22  }
0x5d: {  	v13 =	vadd.f32 v13, v6;
	[tilespmem:v16+s17+$0x0] =	vst.idx.msk $0xffff, v15;
	v15 =	vor.u32 v1, v22  }
0x5e: {  	v12 =	vadd.f32 v12, v7;
	[tilespmem:v24+s17+$0x0] =	vst.idx.msk $0xffff, v14;
	v14 =	vor.u32 v2, v22  }
.Ltmp0:
0x5f: {  	v16 =	vadd.f32 v8, v4;
	v8 =	vor.u32 v3, v22;
	[tilespmem:v18+s17+$0x0] =	vst.idx.msk $0xffff, v13;
	(pc) =	sbr.rel @p0 .LBB2_3-.Ltmp0, $4  }
0x60: {  	v11 =	vadd.f32 v11, v5;
	[tilespmem:v19+s17+$0x0] =	vst.idx.msk $0xffff, v12  }
0x61: {  	v10 =	vadd.f32 v10, v6;
	[tilespmem:v17+s17+$0x0] =	vst.idx.msk $0xffff, v16  }
0x62: {  	v9 =	vadd.f32 v9, v7;
	[tilespmem:v15+s17+$0x0] =	vst.idx.msk $0xffff, v11  }
0x63: {  	[tilespmem:v14+s17+$0x0] =	vst.idx.msk $0xffff, v10  }
0x64: {  	_ = 	snop  }
0x65: {  	s25 =	sshll.u32 s23, $0x13  }
0x66: {  	s25 =	sor.u32 s4, s25  }
0x67: {  	s25 =	sshrl.u32 s25, $0x3  }
0x68: {  	[tilespmem:v8+s17+$0x0] =	vst.idx.msk $0xffff, v9;
	p0 =	seq.s32 s23, $0x63;
	s25 =	sadd.s32 s2, s25  }
0x69: {  	[hbm4b:s25+s10] =	stream.strided.scatter [tilespmem:s17], [sflag:$0x4], $0x2000, s11, s10, $0x38;
	[tilespmem:$0x15600] =	vst v63  }
0x6a: {  	p1 =	seq.s32 @!p0 s23, $0x0;
	s25 =	sshll.u32 @!p0 s23, $0x8;
	_ =	swait.ge [sflag:s18], $0x4000  }
0x6b: {  	s26 =	simm.s32 @!p0 $0x80;
	s25 =	sand.u32 @!p0 $0x3FFFFF00, s25;
	[sflag:s18] =	ssyncset.done $0x0  }
0x6c: {  	s28 =	simm.s32 @!p0 $0x6400;
	s25 =	sadd.s32 @!p0 $0x100, s25;
	[sflag:s18] =	ssyncadd.s32 $0xFFFFC000  }
0x6d: {  	[tilespmem:s28], [sflag:$0x2] =	stream.indirect.gather @!p0 [hbm4b:s5+s26], $0x80, s25, s26, $0xb8;
	[tilespmem:$0x15600] =	vst v63  }
0x6e: {  	p0 =	por p0, !p1  }
0x6f: {  	_ =	swait.ge @p0 [sflag:s21], $0x2000  }
0x70: {  	[sflag:s21] =	ssyncset.done @p0 $0x0  }
0x71: {  	s30 =	sshll.u32 s24, $0x6;
	[sflag:s21] =	ssyncadd.s32 @p0 $0xFFFFE000  }
0x72: {  	s31 =	sor.u32 $0x50, s30;
	v7 =	vld [tilespmem:s30+$0x12400]  }
0x73: {  	s28 =	sor.u32 $0x60, s30;
	v5 =	vld [tilespmem:s31+$0x12400]  }
0x74: {  	s25 =	sor.u32 $0x70, s30;
	v6 =	vld [tilespmem:s28+$0x12400]  }
0x75: {  	s26 =	simm.s32 $0x0;
	v4 =	vld [tilespmem:s25+$0x12400]  }
0x76: {  	v8 =	vld [tilespmem:s26+$0xA520]  }
0x77: {  	v14 =	vld [tilespmem:s26+$0xA500]  }
0x78: {  	v15 =	vld [tilespmem:s26+$0xA510]  }
0x79: {  	s29 =	simm.s32 $0x0;
	v19 =	vld [tilespmem:s26+$0xA490]  }
0x7a: {  	v10 =	vmov s29;
	v16 =	vld [tilespmem:s26+$0xA430]  }
0x7b: {  	v10 =	vand.u32 $0x7C, v10;
	s25 =	simm.s32 $0x3;
	s30 =	simm.s32 $0x1;
	v20 =	vld [tilespmem:s26+$0xA420]  }
0x7c: {  	v10 =	vbroadcast v10, $0x0;
	v21 =	vld [tilespmem:s26+$0xA410];
	v11 =	vmov s25;
	v12 =	vmov s30  }
0x7d: {  	v23 =	vld [tilespmem:s26+$0xA480];
	v28 =	vand.u32 $0x7F, v11;
	v11 =	vand.u32 $0x7D, v12  }
0x7e: {  	v33 =	vor.u32 v0, v10;
	v13 =	vor.u32 v1, v10;
	v25 =	vld [tilespmem:s26+$0xA400];
	s31 =	simm.s32 $0x2;
	v29 =	vbroadcast v11, $0x0  }
0x7f: {  	v34 =	vld [tilespmem:s26+$0xA530];
	v27 =	vmov s31;
	v12 =	vor.u32 v3, v10;
	v11 =	vor.u32 v2, v10  }
0x80: {  	v9 =	vld [tilespmem:s26+$0xA4B0];
	v18 =	vadd.f32 v16, v4;
	v17 =	vor.u32 v1, v29;
	v24 =	vadd.f32 v20, v6  }
0x81: {  	v26 =	vld [tilespmem:s26+$0xA580];
	v14 =	vadd.f32 v14, v7;
	v22 =	vor.u32 v0, v29;
	v30 =	vadd.f32 v21, v5  }
0x82: {  	v32 =	vld [tilespmem:s26+$0xA4A0];
	v15 =	vadd.f32 v15, v5;
	v21 =	vor.u32 v2, v29;
	v20 =	vand.u32 $0x7E, v27  }
0x83: {  	v10 =	vld [tilespmem:s26+$0xA5B0];
	v35 =	vadd.f32 v25, v7;
	v27 =	vadd.f32 v23, v7;
	v31 =	vbroadcast v20, $0x0  }
0x84: {  	v16 =	vld [tilespmem:s26+$0xA5A0];
	v23 =	vor.u32 v3, v29;
	v29 =	vadd.f32 v19, v5;
	v19 =	vadd.f32 v34, v4  }
0x85: {  	v25 =	vld [tilespmem:s26+$0xA590];
	s26 =	simm.s32 $0x800;
	v20 =	vadd.f32 v8, v6;
	v8 =	vbroadcast v28, $0x0;
	[tilespmem:v33+s19+$0x0] =	vst.idx.msk $0xffff, v35;
	v28 =	vor.u32 v0, v31  }
.LBB2_5:
0x86: {  	p0 =	sne.s32 s26, $0xF800  }
0x87: {  	[tilespmem:v13+s19+$0x0] =	vst.idx.msk $0xffff, v30;
	v13 =	vor.u32 v1, v31;
	v30 =	vor.u32 v2, v31;
	s25 =	sadd.s32 $0x4, s25;
	s28 =	smov.u32 s26;
	s26 =	sadd.s32 $0x800, s26  }
0x88: {  	v33 =	vmov s25;
	v26 =	vadd.f32 v26, v7;
	[tilespmem:v11+s19+$0x0] =	vst.idx.msk $0xffff, v24;
	v11 =	vor.u32 v3, v31  }
0x89: {  	v24 =	vand.u32 $0x7F, v33;
	[tilespmem:v12+s19+$0x0] =	vst.idx.msk $0xffff, v18  }
0x8a: {  	v12 =	vbroadcast v24, $0x0;
	v18 =	vadd.f32 v32, v6;
	v24 =	vadd.f32 v25, v5;
	[tilespmem:v22+s19+$0x0] =	vst.idx.msk $0xffff, v27  }
0x8b: {  	v9 =	vadd.f32 v9, v4;
	[tilespmem:v17+s19+$0x0] =	vst.idx.msk $0xffff, v29  }
0x8c: {  	[tilespmem:v21+s19+$0x0] =	vst.idx.msk $0xffff, v18  }
0x8d: {  	v16 =	vadd.f32 v16, v6;
	[tilespmem:v23+s19+$0x0] =	vst.idx.msk $0xffff, v9;
	v9 =	vor.u32 v0, v8  }
0x8e: {  	v10 =	vadd.f32 v10, v4;
	s29 =	sadd.s32 $0xFFFFFFFD, s25;
	[tilespmem:v28+s19+$0x0] =	vst.idx.msk $0xffff, v14;
	v14 =	vor.u32 v1, v8  }
0x8f: {  	v17 =	vmov s29;
	[tilespmem:v13+s19+$0x0] =	vst.idx.msk $0xffff, v15;
	v15 =	vor.u32 v2, v8  }
0x90: {  	s28 =	sshra.s32 s28, $0x2;
	v13 =	vand.u32 $0x7C, v17;
	v17 =	vor.u32 v3, v8;
	v8 =	vmov v12;
	[tilespmem:v30+s19+$0x0] =	vst.idx.msk $0xffff, v20  }
0x91: {  	v12 =	vbroadcast v13, $0x0;
	[tilespmem:v11+s19+$0x0] =	vst.idx.msk $0xffff, v19  }
0x92: {  	[tilespmem:v9+s19+$0x0] =	vst.idx.msk $0xffff, v26  }
0x93: {  	v28 =	vor.u32 v0, v12;
	[tilespmem:v14+s19+$0x0] =	vst.idx.msk $0xffff, v24  }
0x94: {  	v13 =	vor.u32 v1, v12;
	[tilespmem:v15+s19+$0x0] =	vst.idx.msk $0xffff, v16  }
0x95: {  	v11 =	vor.u32 v2, v12;
	[tilespmem:v17+s19+$0x0] =	vst.idx.msk $0xffff, v10  }
0x96: {  	v12 =	vor.u32 v3, v12;
	v19 =	vld [tilespmem:s28+$0xA520]  }
0x97: {  	v10 =	vld [tilespmem:s28+$0xA500]  }
0x98: {  	v15 =	vld [tilespmem:s28+$0xA510]  }
0x99: {  	v9 =	vld [tilespmem:s28+$0xA4B0]  }
0x9a: {  	v20 =	vld [tilespmem:s28+$0xA490]  }
0x9b: {  	s29 =	sadd.s32 $0xFFFFFFFE, s25;
	v14 =	vld [tilespmem:s28+$0xA430]  }
0x9c: {  	v17 =	vmov s29;
	v16 =	vld [tilespmem:s28+$0xA420]  }
0x9d: {  	v17 =	vand.u32 $0x7D, v17;
	v21 =	vld [tilespmem:s28+$0xA410]  }
0x9e: {  	v23 =	vbroadcast v17, $0x0;
	v25 =	vld [tilespmem:s28+$0xA480]  }
0x9f: {  	s29 =	sadd.s32 $0xFFFFFFFF, s25;
	v27 =	vld [tilespmem:s28+$0xA400]  }
0xa0: {  	v29 =	vmov s29;
	v17 =	vor.u32 v1, v23;
	v18 =	vadd.f32 v14, v4;
	v33 =	vld [tilespmem:s28+$0xA530]  }
0xa1: {  	v22 =	vor.u32 v0, v23;
	v14 =	vadd.f32 v10, v7;
	v24 =	vadd.f32 v16, v6;
	v10 =	vld [tilespmem:s28+$0xA5B0]  }
.Ltmp1:
0xa2: {  	v15 =	vadd.f32 v15, v5;
	v30 =	vadd.f32 v21, v5;
	v16 =	vld [tilespmem:s28+$0xA5A0];
	v21 =	vor.u32 v2, v23;
	(pc) =	sbr.rel @p0 .LBB2_5-.Ltmp1, $4  }
0xa3: {  	v29 =	vand.u32 $0x7E, v29;
	v23 =	vor.u32 v3, v23;
	v26 =	vld [tilespmem:s28+$0xA580]  }
0xa4: {  	v31 =	vbroadcast v29, $0x0;
	v34 =	vadd.f32 v27, v7;
	v27 =	vadd.f32 v25, v7;
	v25 =	vld [tilespmem:s28+$0xA590]  }
0xa5: {  	v29 =	vadd.f32 v20, v5;
	v20 =	vadd.f32 v19, v6;
	v32 =	vld [tilespmem:s28+$0xA4A0]  }
0xa6: {  	v19 =	vadd.f32 v33, v4;
	[tilespmem:v28+s19+$0x0] =	vst.idx.msk $0xffff, v34;
	v28 =	vor.u32 v0, v31  }
0xa7: {  	_ =	sdelay $0x3  }
0xa8: {  	[tilespmem:v13+s19+$0x0] =	vst.idx.msk $0xffff, v30  }
0xa9: {  	[tilespmem:v11+s19+$0x0] =	vst.idx.msk $0xffff, v24  }
0xaa: {  	[tilespmem:v12+s19+$0x0] =	vst.idx.msk $0xffff, v18  }
0xab: {  	v55 =	vor.u32 v1, v31;
	v56 =	vadd.f32 v32, v6;
	[tilespmem:v22+s19+$0x0] =	vst.idx.msk $0xffff, v27  }
0xac: {  	v57 =	vor.u32 v2, v31;
	v9 =	vadd.f32 v9, v4;
	[tilespmem:v17+s19+$0x0] =	vst.idx.msk $0xffff, v29  }
0xad: {  	v58 =	vor.u32 v3, v31;
	[tilespmem:v21+s19+$0x0] =	vst.idx.msk $0xffff, v56  }
0xae: {  	v59 =	vor.u32 v0, v8;
	[tilespmem:v23+s19+$0x0] =	vst.idx.msk $0xffff, v9  }
0xaf: {  	v60 =	vor.u32 v1, v8;
	[tilespmem:v28+s19+$0x0] =	vst.idx.msk $0xffff, v14  }
0xb0: {  	v61 =	vor.u32 v2, v8;
	[tilespmem:v55+s19+$0x0] =	vst.idx.msk $0xffff, v15  }
0xb1: {  	v62 =	vor.u32 v3, v8;
	s23 =	sadd.s32 $0x1, s23;
	v7 =	vadd.f32 v26, v7;
	[tilespmem:v57+s19+$0x0] =	vst.idx.msk $0xffff, v20  }
0xb2: {  	p0 =	sne.s32 s23, $0x64;
	v5 =	vadd.f32 v25, v5;
	[tilespmem:v58+s19+$0x0] =	vst.idx.msk $0xffff, v19  }
.Ltmp2:
0xb3: {  	v63 =	vadd.f32 v16, v6;
	s24 =	sshll.u32 s24, $0x12;
	[tilespmem:v59+s19+$0x0] =	vst.idx.msk $0xffff, v7;
	(pc) =	sbr.rel @p0 .LBB2_2-.Ltmp2, $4  }
0xb4: {  	v4 =	vadd.f32 v10, v4;
	s24 =	sor.u32 s4, s24;
	[tilespmem:v60+s19+$0x0] =	vst.idx.msk $0xffff, v5  }
0xb5: {  	s24 =	sshrl.u32 s24, $0x3;
	[tilespmem:v61+s19+$0x0] =	vst.idx.msk $0xffff, v63  }
0xb6: {  	s24 =	sadd.s32 s2, s24;
	[tilespmem:v62+s19+$0x0] =	vst.idx.msk $0xffff, v4  }
0xb7: {  	[hbm4b:s24+s10] =	stream.strided.scatter [tilespmem:s19], [sflag:$0x5], $0x2000, s11, s10, $0x38;
	[tilespmem:$0x15600] =	vst v63  }
0xb8: {  	s22 =	sadd.s32 $0x1, s22  }
0xb9: {  	_ =	swait.ge [sflag:s20], $0x2000;
	p0 =	sne.s32 s22, s8  }
.Ltmp3:
0xba: {  	[sflag:s20] =	ssyncset.done $0x0;
	(pc) =	sbr.rel @p0 .LBB2_1-.Ltmp3, $4  }
0xbb: {  	[sflag:s20] =	ssyncadd.s32 $0xFFFFE000  }
0xbc: {  	_ =	swait.ge [sflag:s21], $0x2000  }
0xbd: {  	[sflag:s21] =	ssyncset.done $0x0  }
0xbe: {  	[sflag:s21] =	ssyncadd.s32 $0xFFFFE000  }
0xbf: {  	_ =	sfence.sel $0x180000  }
0xc0: {  	[bflag:$0x0] =	sbarrier.arrive $0xFFFF  }
0xc1: {  	p0 =	sne.s32 s1, $0x0;
	_ =	strace $0x9000004A  }
0xc2: {  	s0 =	sadd.s32 @!p0 $0x100000, s0;
	[bflag:$0x2] =	sbarrier.arrive $0xFFFF  }
0xc3: {  	[sflag:s0] =	ssyncadd.tile.s32 @!p0 $0x1;
	_ =	shalt  }
.Lfunc_end2:
_tile_overlayer_lowered:
.L_overlay_start_2:
0xc4: {  	(tag) =	ssettag $0x2  }
0xc5: {  	s0 =	rddreg [dreg:$0x0];
	s2 =	stileid.u32  }
0xc6: {  	s1 =	rddreg [dreg:$0x1];
	p0 =	sne.s32 s2, $0x0  }
0xc7: {  	s3 =	rddreg [dreg:$0x2];
	[bflag:$0x3] =	sbarrier.arrive $0xFFFF;
	s2 =	simm.s32 @!p0 $0x1C06  }
0xc8: {  	[timem:s3], [sflag:s2] =	dma.local @!p0 [hbm:s0], s1  }
0xc9: {  	s0 =	simm.s32 @!p0 $0x6  }
0xca: {  	_ =	swait.ge @!p0 [sflag:s0], s1  }
0xcb: {  	s1 =	ssub.s32 @!p0 $0x0, s1;
	[sflag:s0] =	ssyncset.done @!p0 $0x0  }
0xcc: {  	[sflag:s0] =	ssyncadd.s32 @!p0 s1  }
0xcd: {  	[bflag:$0x3] =	sbarrier.arrive $0xFFFF  }
0xce: {  	_ =	shalt  }

</sc_bundles>
